<compile_context>
chip_gen: v7x
topology: tpu7x:2x2x1
jax: 0.10.2.dev20260603
libtpu: 0.0.44.dev20260713+nightly
codegen_flags: <defaults>
</compile_context>

<pallas_src>
import functools

import jax
import jax.numpy as jnp
from jax import lax
from jax.experimental import pallas as pl
from jax.experimental.pallas import tpu as pltpu
from jax.experimental.pallas import tpu_sc as plsc

K = 10
NUM_LEVELS = 2 ** K
BASE_SLICE = 2.0 ** (-K)
INV_SLICE = float(2.0 ** K)
N = 4194304

NUM_CORES = 2
NUM_SUBCORES = 16
NW = NUM_CORES * NUM_SUBCORES
PER_WORKER = N // NW
CHUNK = 16384
NCHUNK = PER_WORKER // CHUNK
NBUF = 4
LANES = 16
GROUPS = CHUNK // LANES
UNROLL = 16


def _quantize16(v):
    y = jnp.minimum(jnp.maximum(v * INV_SLICE, jnp.float32(0.0)),
                    jnp.float32(NUM_LEVELS - 1))
    return y.astype(jnp.int32).astype(jnp.float32) * jnp.float32(BASE_SLICE)


def _quantize_chunk(buf):
    def body(i, carry):
        base = i * (LANES * UNROLL)
        for j in range(UNROLL):
            sl = pl.ds(base + j * LANES, LANES)
            buf[sl] = _quantize16(buf[sl])
        return carry
    lax.fori_loop(0, GROUPS // UNROLL, body, 0)


@functools.partial(
    pl.kernel,
    mesh=plsc.VectorSubcoreMesh(core_axis_name="c", subcore_axis_name="s"),
    out_type=jax.ShapeDtypeStruct((N,), jnp.float32),
    scratch_types=(
        [pltpu.VMEM((CHUNK,), jnp.float32)] * NBUF
        + [pltpu.SemaphoreType.DMA] * (2 * NBUF)
    ),
)
def _sc_encode(x_hbm, out_hbm, *scratch):
    wid = lax.axis_index("s") * NUM_CORES + lax.axis_index("c")
    base = wid * PER_WORKER
    bufs = scratch[:NBUF]
    in_sems = scratch[NBUF:2 * NBUF]
    out_sems = scratch[2 * NBUF:]
    in_copies = [None] * NBUF
    out_copies = [None] * NBUF

    for k in range(min(NBUF - 1, NCHUNK)):
        in_copies[k] = pltpu.async_copy(
            x_hbm.at[pl.ds(base + k * CHUNK, CHUNK)], bufs[k], in_sems[k])
    for k in range(NCHUNK):
        cur = k % NBUF
        in_copies[cur].wait()
        _quantize_chunk(bufs[cur])
        out_copies[cur] = pltpu.async_copy(
            bufs[cur], out_hbm.at[pl.ds(base + k * CHUNK, CHUNK)],
            out_sems[cur])
        pre = k + NBUF - 1
        if pre < NCHUNK:
            pb = pre % NBUF
            if out_copies[pb] is not None:
                out_copies[pb].wait()
            in_copies[pb] = pltpu.async_copy(
                x_hbm.at[pl.ds(base + pre * CHUNK, CHUNK)],
                bufs[pb], in_sems[pb])
    for b in range(NBUF):
        if out_copies[b] is not None and b != (NCHUNK - 1) % NBUF:
            out_copies[b].wait()
    out_copies[(NCHUNK - 1) % NBUF].wait()


def kernel(x):
    return _sc_encode(x)

# --- scband reference (transcript-rebuilt; emitter-appended) ---
"""Pipeline reference for scband-encoder-exact1-d-5342939316844 (READ-ONLY COPY).

The authoritative reference and input builder live on the scoring server;
editing this copy changes nothing except your own understanding.
"""

import jax, jax.numpy as jnp
import numpy as np

K = 10
NUM_LEVELS = 2 ** K
BASE_SLICE = 2.0 ** (-K)
N = 4194304


def setup_inputs(seed: int = 0) -> dict:
    key = jax.random.key(seed)
    x = jax.random.uniform(key, (N,), dtype=jnp.float32)
    return {"x": x}


def reference(x):
    # indices = clamp(floor(x / base_slice), 0, num_levels - 1)
    indices = jnp.clip((x / BASE_SLICE).astype(jnp.int64), 0, NUM_LEVELS - 1)
    # binary_positions[i] = i * base_slice ; gather per element
    binary_positions = jnp.arange(NUM_LEVELS, dtype=jnp.float32) * jnp.float32(BASE_SLICE)
    encoded_x = jnp.take(binary_positions, indices, axis=0)
    return encoded_x

if __name__ == "__main__":
    import jax
    _d = setup_inputs()
    print(jax.jit(kernel)(*tuple(_d.values())))

</pallas_src>

<mosaic_0001>
#map = affine_map<(d0, d1) -> (0)>
module attributes {stable_mosaic.version = 14 : i64} {
  func.func @_sc_encode(%arg0: i32, %arg1: i32, %arg2: memref<4194304xf32, #tpu.memory_space<hbm>>, %arg3: memref<4194304xf32, #tpu.memory_space<hbm>>, %arg4: memref<16384xf32, #tpu.memory_space<vmem>>, %arg5: memref<16384xf32, #tpu.memory_space<vmem>>, %arg6: memref<16384xf32, #tpu.memory_space<vmem>>, %arg7: memref<16384xf32, #tpu.memory_space<vmem>>, %arg8: memref<!tpu.dma_semaphore, #tpu.memory_space<semaphore_mem>>, %arg9: memref<!tpu.dma_semaphore, #tpu.memory_space<semaphore_mem>>, %arg10: memref<!tpu.dma_semaphore, #tpu.memory_space<semaphore_mem>>, %arg11: memref<!tpu.dma_semaphore, #tpu.memory_space<semaphore_mem>>, %arg12: memref<!tpu.dma_semaphore, #tpu.memory_space<semaphore_mem>>, %arg13: memref<!tpu.dma_semaphore, #tpu.memory_space<semaphore_mem>>, %arg14: memref<!tpu.dma_semaphore, #tpu.memory_space<semaphore_mem>>, %arg15: memref<!tpu.dma_semaphore, #tpu.memory_space<semaphore_mem>>) attributes {dimension_semantics = [#tpu.dimension_semantics<core_parallel>, #tpu.dimension_semantics<subcore_parallel>], iteration_bounds = array<i64: 2, 16>, scalar_prefetch = 0 : i64, scratch_operands = 12 : i64, tpu.core_type = #tpu.core_type<sc_vector_subcore>, window_params = [{transform_indices = #map}, {transform_indices = #map}]} {
    %mul3A = arith.constant 2 : i32
    %mul3A_0 = arith.muli %arg1, %mul3A : i32
    %add3A = arith.addi %mul3A_0, %arg0 : i32
    %mul3A_1 = arith.constant 131072 : i32
    %mul3A_2 = arith.muli %add3A, %mul3A_1 : i32
    %add3A_3 = arith.constant 0 : i32
    %add3A_4 = arith.addi %mul3A_2, %add3A_3 : i32
    %dma_start3A = tpu.memref_slice %arg2[%add3A_4] : memref<4194304xf32, #tpu.memory_space<hbm>> -> memref<16384xf32, #tpu.memory_space<hbm>>
    %dma_start3A_5 = tpu.memref_slice %arg2[%add3A_4] : memref<4194304xf32, #tpu.memory_space<hbm>> -> memref<16384xf32, #tpu.memory_space<hbm>>
    tpu.enqueue_dma source(%dma_start3A_5 : memref<16384xf32, #tpu.memory_space<hbm>>) target(%arg4 : memref<16384xf32, #tpu.memory_space<vmem>>) target_semaphore(%arg8 : memref<!tpu.dma_semaphore, #tpu.memory_space<semaphore_mem>>)
    %add3A_6 = arith.constant 16384 : i32
    %add3A_7 = arith.addi %mul3A_2, %add3A_6 : i32
    %dma_start3A_8 = tpu.memref_slice %arg2[%add3A_7] : memref<4194304xf32, #tpu.memory_space<hbm>> -> memref<16384xf32, #tpu.memory_space<hbm>>
    %dma_start3A_9 = tpu.memref_slice %arg2[%add3A_7] : memref<4194304xf32, #tpu.memory_space<hbm>> -> memref<16384xf32, #tpu.memory_space<hbm>>
    tpu.enqueue_dma source(%dma_start3A_9 : memref<16384xf32, #tpu.memory_space<hbm>>) target(%arg5 : memref<16384xf32, #tpu.memory_space<vmem>>) target_semaphore(%arg9 : memref<!tpu.dma_semaphore, #tpu.memory_space<semaphore_mem>>)
    %add3A_10 = arith.constant 32768 : i32
    %add3A_11 = arith.addi %mul3A_2, %add3A_10 : i32
    %dma_start3A_12 = tpu.memref_slice %arg2[%add3A_11] : memref<4194304xf32, #tpu.memory_space<hbm>> -> memref<16384xf32, #tpu.memory_space<hbm>>
    %dma_start3A_13 = tpu.memref_slice %arg2[%add3A_11] : memref<4194304xf32, #tpu.memory_space<hbm>> -> memref<16384xf32, #tpu.memory_space<hbm>>
    tpu.enqueue_dma source(%dma_start3A_13 : memref<16384xf32, #tpu.memory_space<hbm>>) target(%arg6 : memref<16384xf32, #tpu.memory_space<vmem>>) target_semaphore(%arg10 : memref<!tpu.dma_semaphore, #tpu.memory_space<semaphore_mem>>)
    %dma_wait3A = tpu.memref_slice %arg2[%add3A_4] : memref<4194304xf32, #tpu.memory_space<hbm>> -> memref<16384xf32, #tpu.memory_space<hbm>>
    %dma_wait3A_14 = tpu.memref_slice %arg2[%add3A_4] : memref<4194304xf32, #tpu.memory_space<hbm>> -> memref<16384xf32, #tpu.memory_space<hbm>>
    tpu.wait_dma2 semaphore(%arg8 : memref<!tpu.dma_semaphore, #tpu.memory_space<semaphore_mem>>) src(%dma_wait3A_14 : memref<16384xf32, #tpu.memory_space<hbm>>) dst(%arg4 : memref<16384xf32, #tpu.memory_space<vmem>>)
    %scan3A = arith.constant 0 : i32
    %scan3A_15 = arith.constant 0 : i32
    %scan3A_16 = arith.constant 64 : i32
    %scan3A_17 = arith.addi %scan3A_15, %scan3A_16 : i32
    %scan3A_18 = arith.constant 1 : i32
    scf.for %scan3A_144 = %scan3A_15 to %scan3A_17 step %scan3A_18  : i32 {
      %mul3A_145 = arith.constant 256 : i32
      %mul3A_146 = arith.muli %scan3A_144, %mul3A_145 : i32
      %add3A_147 = arith.constant 0 : i32
      %add3A_148 = arith.addi %mul3A_146, %add3A_147 : i32
      %get3A = arith.index_cast %add3A_148 : i32 to index
      %get3A_149 = tpu.vector_load %arg4[%get3A] {strides = array<i32>} : memref<16384xf32, #tpu.memory_space<vmem>>, vector<16xf32>,
      %get3A_150 = vector.shape_cast %get3A_149 : vector<16xf32> to vector<16xf32>
      %mul3A_151 = arith.constant 1.024000e+03 : f32
      %mul3A_152 = vector.broadcast %mul3A_151 : f32 to vector<16xf32>
      %mul3A_153 = arith.mulf %get3A_150, %mul3A_152 : vector<16xf32>
      %max3A = arith.constant 0.000000e+00 : f32
      %max3A_154 = vector.broadcast %max3A : f32 to vector<16xf32>
      %max3A_155 = arith.maximumf %mul3A_153, %max3A_154 : vector<16xf32>
      %min3A = arith.constant 1.023000e+03 : f32
      %min3A_156 = vector.broadcast %min3A : f32 to vector<16xf32>
      %min3A_157 = arith.minimumf %max3A_155, %min3A_156 : vector<16xf32>
      %convert_element_type3A = arith.fptosi %min3A_157 : vector<16xf32> to vector<16xi32>
      %convert_element_type3A_158 = arith.sitofp %convert_element_type3A : vector<16xi32> to vector<16xf32>
      %mul3A_159 = arith.constant 9.765625E-4 : f32
      %mul3A_160 = vector.broadcast %mul3A_159 : f32 to vector<16xf32>
      %mul3A_161 = arith.mulf %convert_element_type3A_158, %mul3A_160 : vector<16xf32>
      %swap3A = arith.index_cast %add3A_148 : i32 to index
      %swap3A_162 = tpu.vector_load %arg4[%swap3A] {strides = array<i32>} : memref<16384xf32, #tpu.memory_space<vmem>>, vector<16xf32>,
      %swap3A_163 = vector.shape_cast %swap3A_162 : vector<16xf32> to vector<16xf32>
      %swap3A_164 = vector.shape_cast %mul3A_161 : vector<16xf32> to vector<16xf32>
      tpu.vector_store %arg4[%swap3A], %swap3A_164 {strides = array<i32>} : memref<16384xf32, #tpu.memory_space<vmem>>, vector<16xf32>,
      %add3A_165 = arith.constant 16 : i32
      %add3A_166 = arith.addi %mul3A_146, %add3A_165 : i32
      %get3A_167 = arith.index_cast %add3A_166 : i32 to index
      %get3A_168 = tpu.vector_load %arg4[%get3A_167] {strides = array<i32>} : memref<16384xf32, #tpu.memory_space<vmem>>, vector<16xf32>,
      %get3A_169 = vector.shape_cast %get3A_168 : vector<16xf32> to vector<16xf32>
      %mul3A_170 = arith.constant 1.024000e+03 : f32
      %mul3A_171 = vector.broadcast %mul3A_170 : f32 to vector<16xf32>
      %mul3A_172 = arith.mulf %get3A_169, %mul3A_171 : vector<16xf32>
      %max3A_173 = arith.constant 0.000000e+00 : f32
      %max3A_174 = vector.broadcast %max3A_173 : f32 to vector<16xf32>
      %max3A_175 = arith.maximumf %mul3A_172, %max3A_174 : vector<16xf32>
      %min3A_176 = arith.constant 1.023000e+03 : f32
      %min3A_177 = vector.broadcast %min3A_176 : f32 to vector<16xf32>
      %min3A_178 = arith.minimumf %max3A_175, %min3A_177 : vector<16xf32>
      %convert_element_type3A_179 = arith.fptosi %min3A_178 : vector<16xf32> to vector<16xi32>
      %convert_element_type3A_180 = arith.sitofp %convert_element_type3A_179 : vector<16xi32> to vector<16xf32>
      %mul3A_181 = arith.constant 9.765625E-4 : f32
      %mul3A_182 = vector.broadcast %mul3A_181 : f32 to vector<16xf32>
      %mul3A_183 = arith.mulf %convert_element_type3A_180, %mul3A_182 : vector<16xf32>
      %swap3A_184 = arith.index_cast %add3A_166 : i32 to index
      %swap3A_185 = tpu.vector_load %arg4[%swap3A_184] {strides = array<i32>} : memref<16384xf32, #tpu.memory_space<vmem>>, vector<16xf32>,
      %swap3A_186 = vector.shape_cast %swap3A_185 : vector<16xf32> to vector<16xf32>
      %swap3A_187 = vector.shape_cast %mul3A_183 : vector<16xf32> to vector<16xf32>
      tpu.vector_store %arg4[%swap3A_184], %swap3A_187 {strides = array<i32>} : memref<16384xf32, #tpu.memory_space<vmem>>, vector<16xf32>,
      %add3A_188 = arith.constant 32 : i32
      %add3A_189 = arith.addi %mul3A_146, %add3A_188 : i32
      %get3A_190 = arith.index_cast %add3A_189 : i32 to index
      %get3A_191 = tpu.vector_load %arg4[%get3A_190] {strides = array<i32>} : memref<16384xf32, #tpu.memory_space<vmem>>, vector<16xf32>,
      %get3A_192 = vector.shape_cast %get3A_191 : vector<16xf32> to vector<16xf32>
      %mul3A_193 = arith.constant 1.024000e+03 : f32
      %mul3A_194 = vector.broadcast %mul3A_193 : f32 to vector<16xf32>
      %mul3A_195 = arith.mulf %get3A_192, %mul3A_194 : vector<16xf32>
      %max3A_196 = arith.constant 0.000000e+00 : f32
      %max3A_197 = vector.broadcast %max3A_196 : f32 to vector<16xf32>
      %max3A_198 = arith.maximumf %mul3A_195, %max3A_197 : vector<16xf32>
      %min3A_199 = arith.constant 1.023000e+03 : f32
      %min3A_200 = vector.broadcast %min3A_199 : f32 to vector<16xf32>
      %min3A_201 = arith.minimumf %max3A_198, %min3A_200 : vector<16xf32>
      %convert_element_type3A_202 = arith.fptosi %min3A_201 : vector<16xf32> to vector<16xi32>
      %convert_element_type3A_203 = arith.sitofp %convert_element_type3A_202 : vector<16xi32> to vector<16xf32>
      %mul3A_204 = arith.constant 9.765625E-4 : f32
      %mul3A_205 = vector.broadcast %mul3A_204 : f32 to vector<16xf32>
      %mul3A_206 = arith.mulf %convert_element_type3A_203, %mul3A_205 : vector<16xf32>
      %swap3A_207 = arith.index_cast %add3A_189 : i32 to index
      %swap3A_208 = tpu.vector_load %arg4[%swap3A_207] {strides = array<i32>} : memref<16384xf32, #tpu.memory_space<vmem>>, vector<16xf32>,
      %swap3A_209 = vector.shape_cast %swap3A_208 : vector<16xf32> to vector<16xf32>
      %swap3A_210 = vector.shape_cast %mul3A_206 : vector<16xf32> to vector<16xf32>
      tpu.vector_store %arg4[%swap3A_207], %swap3A_210 {strides = array<i32>} : memref<16384xf32, #tpu.memory_space<vmem>>, vector<16xf32>,
      %add3A_211 = arith.constant 48 : i32
      %add3A_212 = arith.addi %mul3A_146, %add3A_211 : i32
      %get3A_213 = arith.index_cast %add3A_212 : i32 to index
      %get3A_214 = tpu.vector_load %arg4[%get3A_213] {strides = array<i32>} : memref<16384xf32, #tpu.memory_space<vmem>>, vector<16xf32>,
      %get3A_215 = vector.shape_cast %get3A_214 : vector<16xf32> to vector<16xf32>
      %mul3A_216 = arith.constant 1.024000e+03 : f32
      %mul3A_217 = vector.broadcast %mul3A_216 : f32 to vector<16xf32>
      %mul3A_218 = arith.mulf %get3A_215, %mul3A_217 : vector<16xf32>
      %max3A_219 = arith.constant 0.000000e+00 : f32
      %max3A_220 = vector.broadcast %max3A_219 : f32 to vector<16xf32>
      %max3A_221 = arith.maximumf %mul3A_218, %max3A_220 : vector<16xf32>
      %min3A_222 = arith.constant 1.023000e+03 : f32
      %min3A_223 = vector.broadcast %min3A_222 : f32 to vector<16xf32>
      %min3A_224 = arith.minimumf %max3A_221, %min3A_223 : vector<16xf32>
      %convert_element_type3A_225 = arith.fptosi %min3A_224 : vector<16xf32> to vector<16xi32>
      %convert_element_type3A_226 = arith.sitofp %convert_element_type3A_225 : vector<16xi32> to vector<16xf32>
      %mul3A_227 = arith.constant 9.765625E-4 : f32
      %mul3A_228 = vector.broadcast %mul3A_227 : f32 to vector<16xf32>
      %mul3A_229 = arith.mulf %convert_element_type3A_226, %mul3A_228 : vector<16xf32>
      %swap3A_230 = arith.index_cast %add3A_212 : i32 to index
      %swap3A_231 = tpu.vector_load %arg4[%swap3A_230] {strides = array<i32>} : memref<16384xf32, #tpu.memory_space<vmem>>, vector<16xf32>,
      %swap3A_232 = vector.shape_cast %swap3A_231 : vector<16xf32> to vector<16xf32>
      %swap3A_233 = vector.shape_cast %mul3A_229 : vector<16xf32> to vector<16xf32>
      tpu.vector_store %arg4[%swap3A_230], %swap3A_233 {strides = array<i32>} : memref<16384xf32, #tpu.memory_space<vmem>>, vector<16xf32>,
      %add3A_234 = arith.constant 64 : i32
      %add3A_235 = arith.addi %mul3A_146, %add3A_234 : i32
      %get3A_236 = arith.index_cast %add3A_235 : i32 to index
      %get3A_237 = tpu.vector_load %arg4[%get3A_236] {strides = array<i32>} : memref<16384xf32, #tpu.memory_space<vmem>>, vector<16xf32>,
      %get3A_238 = vector.shape_cast %get3A_237 : vector<16xf32> to vector<16xf32>
      %mul3A_239 = arith.constant 1.024000e+03 : f32
      %mul3A_240 = vector.broadcast %mul3A_239 : f32 to vector<16xf32>
      %mul3A_241 = arith.mulf %get3A_238, %mul3A_240 : vector<16xf32>
      %max3A_242 = arith.constant 0.000000e+00 : f32
      %max3A_243 = vector.broadcast %max3A_242 : f32 to vector<16xf32>
      %max3A_244 = arith.maximumf %mul3A_241, %max3A_243 : vector<16xf32>
      %min3A_245 = arith.constant 1.023000e+03 : f32
      %min3A_246 = vector.broadcast %min3A_245 : f32 to vector<16xf32>
      %min3A_247 = arith.minimumf %max3A_244, %min3A_246 : vector<16xf32>
      %convert_element_type3A_248 = arith.fptosi %min3A_247 : vector<16xf32> to vector<16xi32>
      %convert_element_type3A_249 = arith.sitofp %convert_element_type3A_248 : vector<16xi32> to vector<16xf32>
      %mul3A_250 = arith.constant 9.765625E-4 : f32
      %mul3A_251 = vector.broadcast %mul3A_250 : f32 to vector<16xf32>
      %mul3A_252 = arith.mulf %convert_element_type3A_249, %mul3A_251 : vector<16xf32>
      %swap3A_253 = arith.index_cast %add3A_235 : i32 to index
      %swap3A_254 = tpu.vector_load %arg4[%swap3A_253] {strides = array<i32>} : memref<16384xf32, #tpu.memory_space<vmem>>, vector<16xf32>,
      %swap3A_255 = vector.shape_cast %swap3A_254 : vector<16xf32> to vector<16xf32>
      %swap3A_256 = vector.shape_cast %mul3A_252 : vector<16xf32> to vector<16xf32>
      tpu.vector_store %arg4[%swap3A_253], %swap3A_256 {strides = array<i32>} : memref<16384xf32, #tpu.memory_space<vmem>>, vector<16xf32>,
      %add3A_257 = arith.constant 80 : i32
      %add3A_258 = arith.addi %mul3A_146, %add3A_257 : i32
      %get3A_259 = arith.index_cast %add3A_258 : i32 to index
      %get3A_260 = tpu.vector_load %arg4[%get3A_259] {strides = array<i32>} : memref<16384xf32, #tpu.memory_space<vmem>>, vector<16xf32>,
      %get3A_261 = vector.shape_cast %get3A_260 : vector<16xf32> to vector<16xf32>
      %mul3A_262 = arith.constant 1.024000e+03 : f32
      %mul3A_263 = vector.broadcast %mul3A_262 : f32 to vector<16xf32>
      %mul3A_264 = arith.mulf %get3A_261, %mul3A_263 : vector<16xf32>
      %max3A_265 = arith.constant 0.000000e+00 : f32
      %max3A_266 = vector.broadcast %max3A_265 : f32 to vector<16xf32>
      %max3A_267 = arith.maximumf %mul3A_264, %max3A_266 : vector<16xf32>
      %min3A_268 = arith.constant 1.023000e+03 : f32
      %min3A_269 = vector.broadcast %min3A_268 : f32 to vector<16xf32>
      %min3A_270 = arith.minimumf %max3A_267, %min3A_269 : vector<16xf32>
      %convert_element_type3A_271 = arith.fptosi %min3A_270 : vector<16xf32> to vector<16xi32>
      %convert_element_type3A_272 = arith.sitofp %convert_element_type3A_271 : vector<16xi32> to vector<16xf32>
      %mul3A_273 = arith.constant 9.765625E-4 : f32
      %mul3A_274 = vector.broadcast %mul3A_273 : f32 to vector<16xf32>
      %mul3A_275 = arith.mulf %convert_element_type3A_272, %mul3A_274 : vector<16xf32>
      %swap3A_276 = arith.index_cast %add3A_258 : i32 to index
      %swap3A_277 = tpu.vector_load %arg4[%swap3A_276] {strides = array<i32>} : memref<16384xf32, #tpu.memory_space<vmem>>, vector<16xf32>,
      %swap3A_278 = vector.shape_cast %swap3A_277 : vector<16xf32> to vector<16xf32>
      %swap3A_279 = vector.shape_cast %mul3A_275 : vector<16xf32> to vector<16xf32>
      tpu.vector_store %arg4[%swap3A_276], %swap3A_279 {strides = array<i32>} : memref<16384xf32, #tpu.memory_space<vmem>>, vector<16xf32>,
      %add3A_280 = arith.constant 96 : i32
      %add3A_281 = arith.addi %mul3A_146, %add3A_280 : i32
      %get3A_282 = arith.index_cast %add3A_281 : i32 to index
      %get3A_283 = tpu.vector_load %arg4[%get3A_282] {strides = array<i32>} : memref<16384xf32, #tpu.memory_space<vmem>>, vector<16xf32>,
      %get3A_284 = vector.shape_cast %get3A_283 : vector<16xf32> to vector<16xf32>
      %mul3A_285 = arith.constant 1.024000e+03 : f32
      %mul3A_286 = vector.broadcast %mul3A_285 : f32 to vector<16xf32>
      %mul3A_287 = arith.mulf %get3A_284, %mul3A_286 : vector<16xf32>
      %max3A_288 = arith.constant 0.000000e+00 : f32
      %max3A_289 = vector.broadcast %max3A_288 : f32 to vector<16xf32>
      %max3A_290 = arith.maximumf %mul3A_287, %max3A_289 : vector<16xf32>
      %min3A_291 = arith.constant 1.023000e+03 : f32
      %min3A_292 = vector.broadcast %min3A_291 : f32 to vector<16xf32>
      %min3A_293 = arith.minimumf %max3A_290, %min3A_292 : vector<16xf32>
      %convert_element_type3A_294 = arith.fptosi %min3A_293 : vector<16xf32> to vector<16xi32>
      %convert_element_type3A_295 = arith.sitofp %convert_element_type3A_294 : vector<16xi32> to vector<16xf32>
      %mul3A_296 = arith.constant 9.765625E-4 : f32
      %mul3A_297 = vector.broadcast %mul3A_296 : f32 to vector<16xf32>
      %mul3A_298 = arith.mulf %convert_element_type3A_295, %mul3A_297 : vector<16xf32>
      %swap3A_299 = arith.index_cast %add3A_281 : i32 to index
      %swap3A_300 = tpu.vector_load %arg4[%swap3A_299] {strides = array<i32>} : memref<16384xf32, #tpu.memory_space<vmem>>, vector<16xf32>,
      %swap3A_301 = vector.shape_cast %swap3A_300 : vector<16xf32> to vector<16xf32>
      %swap3A_302 = vector.shape_cast %mul3A_298 : vector<16xf32> to vector<16xf32>
      tpu.vector_store %arg4[%swap3A_299], %swap3A_302 {strides = array<i32>} : memref<16384xf32, #tpu.memory_space<vmem>>, vector<16xf32>,
      %add3A_303 = arith.constant 112 : i32
      %add3A_304 = arith.addi %mul3A_146, %add3A_303 : i32
      %get3A_305 = arith.index_cast %add3A_304 : i32 to index
      %get3A_306 = tpu.vector_load %arg4[%get3A_305] {strides = array<i32>} : memref<16384xf32, #tpu.memory_space<vmem>>, vector<16xf32>,
      %get3A_307 = vector.shape_cast %get3A_306 : vector<16xf32> to vector<16xf32>
      %mul3A_308 = arith.constant 1.024000e+03 : f32
      %mul3A_309 = vector.broadcast %mul3A_308 : f32 to vector<16xf32>
      %mul3A_310 = arith.mulf %get3A_307, %mul3A_309 : vector<16xf32>
      %max3A_311 = arith.constant 0.000000e+00 : f32
      %max3A_312 = vector.broadcast %max3A_311 : f32 to vector<16xf32>
      %max3A_313 = arith.maximumf %mul3A_310, %max3A_312 : vector<16xf32>
      %min3A_314 = arith.constant 1.023000e+03 : f32
      %min3A_315 = vector.broadcast %min3A_314 : f32 to vector<16xf32>
      %min3A_316 = arith.minimumf %max3A_313, %min3A_315 : vector<16xf32>
      %convert_element_type3A_317 = arith.fptosi %min3A_316 : vector<16xf32> to vector<16xi32>
      %convert_element_type3A_318 = arith.sitofp %convert_element_type3A_317 : vector<16xi32> to vector<16xf32>
      %mul3A_319 = arith.constant 9.765625E-4 : f32
      %mul3A_320 = vector.broadcast %mul3A_319 : f32 to vector<16xf32>
      %mul3A_321 = arith.mulf %convert_element_type3A_318, %mul3A_320 : vector<16xf32>
      %swap3A_322 = arith.index_cast %add3A_304 : i32 to index
      %swap3A_323 = tpu.vector_load %arg4[%swap3A_322] {strides = array<i32>} : memref<16384xf32, #tpu.memory_space<vmem>>, vector<16xf32>,
      %swap3A_324 = vector.shape_cast %swap3A_323 : vector<16xf32> to vector<16xf32>
      %swap3A_325 = vector.shape_cast %mul3A_321 : vector<16xf32> to vector<16xf32>
      tpu.vector_store %arg4[%swap3A_322], %swap3A_325 {strides = array<i32>} : memref<16384xf32, #tpu.memory_space<vmem>>, vector<16xf32>,
      %add3A_326 = arith.constant 128 : i32
      %add3A_327 = arith.addi %mul3A_146, %add3A_326 : i32
      %get3A_328 = arith.index_cast %add3A_327 : i32 to index
      %get3A_329 = tpu.vector_load %arg4[%get3A_328] {strides = array<i32>} : memref<16384xf32, #tpu.memory_space<vmem>>, vector<16xf32>,
      %get3A_330 = vector.shape_cast %get3A_329 : vector<16xf32> to vector<16xf32>
      %mul3A_331 = arith.constant 1.024000e+03 : f32
      %mul3A_332 = vector.broadcast %mul3A_331 : f32 to vector<16xf32>
      %mul3A_333 = arith.mulf %get3A_330, %mul3A_332 : vector<16xf32>
      %max3A_334 = arith.constant 0.000000e+00 : f32
      %max3A_335 = vector.broadcast %max3A_334 : f32 to vector<16xf32>
      %max3A_336 = arith.maximumf %mul3A_333, %max3A_335 : vector<16xf32>
      %min3A_337 = arith.constant 1.023000e+03 : f32
      %min3A_338 = vector.broadcast %min3A_337 : f32 to vector<16xf32>
      %min3A_339 = arith.minimumf %max3A_336, %min3A_338 : vector<16xf32>
      %convert_element_type3A_340 = arith.fptosi %min3A_339 : vector<16xf32> to vector<16xi32>
      %convert_element_type3A_341 = arith.sitofp %convert_element_type3A_340 : vector<16xi32> to vector<16xf32>
      %mul3A_342 = arith.constant 9.765625E-4 : f32
      %mul3A_343 = vector.broadcast %mul3A_342 : f32 to vector<16xf32>
      %mul3A_344 = arith.mulf %convert_element_type3A_341, %mul3A_343 : vector<16xf32>
      %swap3A_345 = arith.index_cast %add3A_327 : i32 to index
      %swap3A_346 = tpu.vector_load %arg4[%swap3A_345] {strides = array<i32>} : memref<16384xf32, #tpu.memory_space<vmem>>, vector<16xf32>,
      %swap3A_347 = vector.shape_cast %swap3A_346 : vector<16xf32> to vector<16xf32>
      %swap3A_348 = vector.shape_cast %mul3A_344 : vector<16xf32> to vector<16xf32>
      tpu.vector_store %arg4[%swap3A_345], %swap3A_348 {strides = array<i32>} : memref<16384xf32, #tpu.memory_space<vmem>>, vector<16xf32>,
      %add3A_349 = arith.constant 144 : i32
      %add3A_350 = arith.addi %mul3A_146, %add3A_349 : i32
      %get3A_351 = arith.index_cast %add3A_350 : i32 to index
      %get3A_352 = tpu.vector_load %arg4[%get3A_351] {strides = array<i32>} : memref<16384xf32, #tpu.memory_space<vmem>>, vector<16xf32>,
      %get3A_353 = vector.shape_cast %get3A_352 : vector<16xf32> to vector<16xf32>
      %mul3A_354 = arith.constant 1.024000e+03 : f32
      %mul3A_355 = vector.broadcast %mul3A_354 : f32 to vector<16xf32>
      %mul3A_356 = arith.mulf %get3A_353, %mul3A_355 : vector<16xf32>
      %max3A_357 = arith.constant 0.000000e+00 : f32
      %max3A_358 = vector.broadcast %max3A_357 : f32 to vector<16xf32>
      %max3A_359 = arith.maximumf %mul3A_356, %max3A_358 : vector<16xf32>
      %min3A_360 = arith.constant 1.023000e+03 : f32
      %min3A_361 = vector.broadcast %min3A_360 : f32 to vector<16xf32>
      %min3A_362 = arith.minimumf %max3A_359, %min3A_361 : vector<16xf32>
      %convert_element_type3A_363 = arith.fptosi %min3A_362 : vector<16xf32> to vector<16xi32>
      %convert_element_type3A_364 = arith.sitofp %convert_element_type3A_363 : vector<16xi32> to vector<16xf32>
      %mul3A_365 = arith.constant 9.765625E-4 : f32
      %mul3A_366 = vector.broadcast %mul3A_365 : f32 to vector<16xf32>
      %mul3A_367 = arith.mulf %convert_element_type3A_364, %mul3A_366 : vector<16xf32>
      %swap3A_368 = arith.index_cast %add3A_350 : i32 to index
      %swap3A_369 = tpu.vector_load %arg4[%swap3A_368] {strides = array<i32>} : memref<16384xf32, #tpu.memory_space<vmem>>, vector<16xf32>,
      %swap3A_370 = vector.shape_cast %swap3A_369 : vector<16xf32> to vector<16xf32>
      %swap3A_371 = vector.shape_cast %mul3A_367 : vector<16xf32> to vector<16xf32>
      tpu.vector_store %arg4[%swap3A_368], %swap3A_371 {strides = array<i32>} : memref<16384xf32, #tpu.memory_space<vmem>>, vector<16xf32>,
      %add3A_372 = arith.constant 160 : i32
      %add3A_373 = arith.addi %mul3A_146, %add3A_372 : i32
      %get3A_374 = arith.index_cast %add3A_373 : i32 to index
      %get3A_375 = tpu.vector_load %arg4[%get3A_374] {strides = array<i32>} : memref<16384xf32, #tpu.memory_space<vmem>>, vector<16xf32>,
      %get3A_376 = vector.shape_cast %get3A_375 : vector<16xf32> to vector<16xf32>
      %mul3A_377 = arith.constant 1.024000e+03 : f32
      %mul3A_378 = vector.broadcast %mul3A_377 : f32 to vector<16xf32>
      %mul3A_379 = arith.mulf %get3A_376, %mul3A_378 : vector<16xf32>
      %max3A_380 = arith.constant 0.000000e+00 : f32
      %max3A_381 = vector.broadcast %max3A_380 : f32 to vector<16xf32>
      %max3A_382 = arith.maximumf %mul3A_379, %max3A_381 : vector<16xf32>
      %min3A_383 = arith.constant 1.023000e+03 : f32
      %min3A_384 = vector.broadcast %min3A_383 : f32 to vector<16xf32>
      %min3A_385 = arith.minimumf %max3A_382, %min3A_384 : vector<16xf32>
      %convert_element_type3A_386 = arith.fptosi %min3A_385 : vector<16xf32> to vector<16xi32>
      %convert_element_type3A_387 = arith.sitofp %convert_element_type3A_386 : vector<16xi32> to vector<16xf32>
      %mul3A_388 = arith.constant 9.765625E-4 : f32
      %mul3A_389 = vector.broadcast %mul3A_388 : f32 to vector<16xf32>
      %mul3A_390 = arith.mulf %convert_element_type3A_387, %mul3A_389 : vector<16xf32>
      %swap3A_391 = arith.index_cast %add3A_373 : i32 to index
      %swap3A_392 = tpu.vector_load %arg4[%swap3A_391] {strides = array<i32>} : memref<16384xf32, #tpu.memory_space<vmem>>, vector<16xf32>,
      %swap3A_393 = vector.shape_cast %swap3A_392 : vector<16xf32> to vector<16xf32>
      %swap3A_394 = vector.shape_cast %mul3A_390 : vector<16xf32> to vector<16xf32>
      tpu.vector_store %arg4[%swap3A_391], %swap3A_394 {strides = array<i32>} : memref<16384xf32, #tpu.memory_space<vmem>>, vector<16xf32>,
      %add3A_395 = arith.constant 176 : i32
      %add3A_396 = arith.addi %mul3A_146, %add3A_395 : i32
      %get3A_397 = arith.index_cast %add3A_396 : i32 to index
      %get3A_398 = tpu.vector_load %arg4[%get3A_397] {strides = array<i32>} : memref<16384xf32, #tpu.memory_space<vmem>>, vector<16xf32>,
      %get3A_399 = vector.shape_cast %get3A_398 : vector<16xf32> to vector<16xf32>
      %mul3A_400 = arith.constant 1.024000e+03 : f32
      %mul3A_401 = vector.broadcast %mul3A_400 : f32 to vector<16xf32>
      %mul3A_402 = arith.mulf %get3A_399, %mul3A_401 : vector<16xf32>
      %max3A_403 = arith.constant 0.000000e+00 : f32
      %max3A_404 = vector.broadcast %max3A_403 : f32 to vector<16xf32>
      %max3A_405 = arith.maximumf %mul3A_402, %max3A_404 : vector<16xf32>
      %min3A_406 = arith.constant 1.023000e+03 : f32
      %min3A_407 = vector.broadcast %min3A_406 : f32 to vector<16xf32>
      %min3A_408 = arith.minimumf %max3A_405, %min3A_407 : vector<16xf32>
      %convert_element_type3A_409 = arith.fptosi %min3A_408 : vector<16xf32> to vector<16xi32>
      %convert_element_type3A_410 = arith.sitofp %convert_element_type3A_409 : vector<16xi32> to vector<16xf32>
      %mul3A_411 = arith.constant 9.765625E-4 : f32
      %mul3A_412 = vector.broadcast %mul3A_411 : f32 to vector<16xf32>
      %mul3A_413 = arith.mulf %convert_element_type3A_410, %mul3A_412 : vector<16xf32>
      %swap3A_414 = arith.index_cast %add3A_396 : i32 to index
      %swap3A_415 = tpu.vector_load %arg4[%swap3A_414] {strides = array<i32>} : memref<16384xf32, #tpu.memory_space<vmem>>, vector<16xf32>,
      %swap3A_416 = vector.shape_cast %swap3A_415 : vector<16xf32> to vector<16xf32>
      %swap3A_417 = vector.shape_cast %mul3A_413 : vector<16xf32> to vector<16xf32>
      tpu.vector_store %arg4[%swap3A_414], %swap3A_417 {strides = array<i32>} : memref<16384xf32, #tpu.memory_space<vmem>>, vector<16xf32>,
      %add3A_418 = arith.constant 192 : i32
      %add3A_419 = arith.addi %mul3A_146, %add3A_418 : i32
      %get3A_420 = arith.index_cast %add3A_419 : i32 to index
      %get3A_421 = tpu.vector_load %arg4[%get3A_420] {strides = array<i32>} : memref<16384xf32, #tpu.memory_space<vmem>>, vector<16xf32>,
      %get3A_422 = vector.shape_cast %get3A_421 : vector<16xf32> to vector<16xf32>
      %mul3A_423 = arith.constant 1.024000e+03 : f32
      %mul3A_424 = vector.broadcast %mul3A_423 : f32 to vector<16xf32>
      %mul3A_425 = arith.mulf %get3A_422, %mul3A_424 : vector<16xf32>
      %max3A_426 = arith.constant 0.000000e+00 : f32
      %max3A_427 = vector.broadcast %max3A_426 : f32 to vector<16xf32>
      %max3A_428 = arith.maximumf %mul3A_425, %max3A_427 : vector<16xf32>
      %min3A_429 = arith.constant 1.023000e+03 : f32
      %min3A_430 = vector.broadcast %min3A_429 : f32 to vector<16xf32>
      %min3A_431 = arith.minimumf %max3A_428, %min3A_430 : vector<16xf32>
      %convert_element_type3A_432 = arith.fptosi %min3A_431 : vector<16xf32> to vector<16xi32>
      %convert_element_type3A_433 = arith.sitofp %convert_element_type3A_432 : vector<16xi32> to vector<16xf32>
      %mul3A_434 = arith.constant 9.765625E-4 : f32
      %mul3A_435 = vector.broadcast %mul3A_434 : f32 to vector<16xf32>
      %mul3A_436 = arith.mulf %convert_element_type3A_433, %mul3A_435 : vector<16xf32>
      %swap3A_437 = arith.index_cast %add3A_419 : i32 to index
      %swap3A_438 = tpu.vector_load %arg4[%swap3A_437] {strides = array<i32>} : memref<16384xf32, #tpu.memory_space<vmem>>, vector<16xf32>,
      %swap3A_439 = vector.shape_cast %swap3A_438 : vector<16xf32> to vector<16xf32>
      %swap3A_440 = vector.shape_cast %mul3A_436 : vector<16xf32> to vector<16xf32>
      tpu.vector_store %arg4[%swap3A_437], %swap3A_440 {strides = array<i32>} : memref<16384xf32, #tpu.memory_space<vmem>>, vector<16xf32>,
      %add3A_441 = arith.constant 208 : i32
      %add3A_442 = arith.addi %mul3A_146, %add3A_441 : i32
      %get3A_443 = arith.index_cast %add3A_442 : i32 to index
      %get3A_444 = tpu.vector_load %arg4[%get3A_443] {strides = array<i32>} : memref<16384xf32, #tpu.memory_space<vmem>>, vector<16xf32>,
      %get3A_445 = vector.shape_cast %get3A_444 : vector<16xf32> to vector<16xf32>
      %mul3A_446 = arith.constant 1.024000e+03 : f32
      %mul3A_447 = vector.broadcast %mul3A_446 : f32 to vector<16xf32>
      %mul3A_448 = arith.mulf %get3A_445, %mul3A_447 : vector<16xf32>
      %max3A_449 = arith.constant 0.000000e+00 : f32
      %max3A_450 = vector.broadcast %max3A_449 : f32 to vector<16xf32>
      %max3A_451 = arith.maximumf %mul3A_448, %max3A_450 : vector<16xf32>
      %min3A_452 = arith.constant 1.023000e+03 : f32
      %min3A_453 = vector.broadcast %min3A_452 : f32 to vector<16xf32>
      %min3A_454 = arith.minimumf %max3A_451, %min3A_453 : vector<16xf32>
      %convert_element_type3A_455 = arith.fptosi %min3A_454 : vector<16xf32> to vector<16xi32>
      %convert_element_type3A_456 = arith.sitofp %convert_element_type3A_455 : vector<16xi32> to vector<16xf32>
      %mul3A_457 = arith.constant 9.765625E-4 : f32
      %mul3A_458 = vector.broadcast %mul3A_457 : f32 to vector<16xf32>
      %mul3A_459 = arith.mulf %convert_element_type3A_456, %mul3A_458 : vector<16xf32>
      %swap3A_460 = arith.index_cast %add3A_442 : i32 to index
      %swap3A_461 = tpu.vector_load %arg4[%swap3A_460] {strides = array<i32>} : memref<16384xf32, #tpu.memory_space<vmem>>, vector<16xf32>,
      %swap3A_462 = vector.shape_cast %swap3A_461 : vector<16xf32> to vector<16xf32>
      %swap3A_463 = vector.shape_cast %mul3A_459 : vector<16xf32> to vector<16xf32>
      tpu.vector_store %arg4[%swap3A_460], %swap3A_463 {strides = array<i32>} : memref<16384xf32, #tpu.memory_space<vmem>>, vector<16xf32>,
      %add3A_464 = arith.constant 224 : i32
      %add3A_465 = arith.addi %mul3A_146, %add3A_464 : i32
      %get3A_466 = arith.index_cast %add3A_465 : i32 to index
      %get3A_467 = tpu.vector_load %arg4[%get3A_466] {strides = array<i32>} : memref<16384xf32, #tpu.memory_space<vmem>>, vector<16xf32>,
      %get3A_468 = vector.shape_cast %get3A_467 : vector<16xf32> to vector<16xf32>
      %mul3A_469 = arith.constant 1.024000e+03 : f32
      %mul3A_470 = vector.broadcast %mul3A_469 : f32 to vector<16xf32>
      %mul3A_471 = arith.mulf %get3A_468, %mul3A_470 : vector<16xf32>
      %max3A_472 = arith.constant 0.000000e+00 : f32
      %max3A_473 = vector.broadcast %max3A_472 : f32 to vector<16xf32>
      %max3A_474 = arith.maximumf %mul3A_471, %max3A_473 : vector<16xf32>
      %min3A_475 = arith.constant 1.023000e+03 : f32
      %min3A_476 = vector.broadcast %min3A_475 : f32 to vector<16xf32>
      %min3A_477 = arith.minimumf %max3A_474, %min3A_476 : vector<16xf32>
      %convert_element_type3A_478 = arith.fptosi %min3A_477 : vector<16xf32> to vector<16xi32>
      %convert_element_type3A_479 = arith.sitofp %convert_element_type3A_478 : vector<16xi32> to vector<16xf32>
      %mul3A_480 = arith.constant 9.765625E-4 : f32
      %mul3A_481 = vector.broadcast %mul3A_480 : f32 to vector<16xf32>
      %mul3A_482 = arith.mulf %convert_element_type3A_479, %mul3A_481 : vector<16xf32>
      %swap3A_483 = arith.index_cast %add3A_465 : i32 to index
      %swap3A_484 = tpu.vector_load %arg4[%swap3A_483] {strides = array<i32>} : memref<16384xf32, #tpu.memory_space<vmem>>, vector<16xf32>,
      %swap3A_485 = vector.shape_cast %swap3A_484 : vector<16xf32> to vector<16xf32>
      %swap3A_486 = vector.shape_cast %mul3A_482 : vector<16xf32> to vector<16xf32>
      tpu.vector_store %arg4[%swap3A_483], %swap3A_486 {strides = array<i32>} : memref<16384xf32, #tpu.memory_space<vmem>>, vector<16xf32>,
      %add3A_487 = arith.constant 240 : i32
      %add3A_488 = arith.addi %mul3A_146, %add3A_487 : i32
      %get3A_489 = arith.index_cast %add3A_488 : i32 to index
      %get3A_490 = tpu.vector_load %arg4[%get3A_489] {strides = array<i32>} : memref<16384xf32, #tpu.memory_space<vmem>>, vector<16xf32>,
      %get3A_491 = vector.shape_cast %get3A_490 : vector<16xf32> to vector<16xf32>
      %mul3A_492 = arith.constant 1.024000e+03 : f32
      %mul3A_493 = vector.broadcast %mul3A_492 : f32 to vector<16xf32>
      %mul3A_494 = arith.mulf %get3A_491, %mul3A_493 : vector<16xf32>
      %max3A_495 = arith.constant 0.000000e+00 : f32
      %max3A_496 = vector.broadcast %max3A_495 : f32 to vector<16xf32>
      %max3A_497 = arith.maximumf %mul3A_494, %max3A_496 : vector<16xf32>
      %min3A_498 = arith.constant 1.023000e+03 : f32
      %min3A_499 = vector.broadcast %min3A_498 : f32 to vector<16xf32>
      %min3A_500 = arith.minimumf %max3A_497, %min3A_499 : vector<16xf32>
      %convert_element_type3A_501 = arith.fptosi %min3A_500 : vector<16xf32> to vector<16xi32>
      %convert_element_type3A_502 = arith.sitofp %convert_element_type3A_501 : vector<16xi32> to vector<16xf32>
      %mul3A_503 = arith.constant 9.765625E-4 : f32
      %mul3A_504 = vector.broadcast %mul3A_503 : f32 to vector<16xf32>
      %mul3A_505 = arith.mulf %convert_element_type3A_502, %mul3A_504 : vector<16xf32>
      %swap3A_506 = arith.index_cast %add3A_488 : i32 to index
      %swap3A_507 = tpu.vector_load %arg4[%swap3A_506] {strides = array<i32>} : memref<16384xf32, #tpu.memory_space<vmem>>, vector<16xf32>,
      %swap3A_508 = vector.shape_cast %swap3A_507 : vector<16xf32> to vector<16xf32>
      %swap3A_509 = vector.shape_cast %mul3A_505 : vector<16xf32> to vector<16xf32>
      tpu.vector_store %arg4[%swap3A_506], %swap3A_509 {strides = array<i32>} : memref<16384xf32, #tpu.memory_space<vmem>>, vector<16xf32>,
    }
    %scan3A_19 = arith.constant 64 : i32
    %add3A_20 = arith.constant 0 : i32
    %add3A_21 = arith.addi %mul3A_2, %add3A_20 : i32
    %dma_start3A_22 = tpu.memref_slice %arg3[%add3A_21] : memref<4194304xf32, #tpu.memory_space<hbm>> -> memref<16384xf32, #tpu.memory_space<hbm>>
    %dma_start3A_23 = tpu.memref_slice %arg3[%add3A_21] : memref<4194304xf32, #tpu.memory_space<hbm>> -> memref<16384xf32, #tpu.memory_space<hbm>>
    tpu.enqueue_dma source(%arg4 : memref<16384xf32, #tpu.memory_space<vmem>>) target(%dma_start3A_23 : memref<16384xf32, #tpu.memory_space<hbm>>) target_semaphore(%arg12 : memref<!tpu.dma_semaphore, #tpu.memory_space<semaphore_mem>>)
    %add3A_24 = arith.constant 49152 : i32
    %add3A_25 = arith.addi %mul3A_2, %add3A_24 : i32
    %dma_start3A_26 = tpu.memref_slice %arg2[%add3A_25] : memref<4194304xf32, #tpu.memory_space<hbm>> -> memref<16384xf32, #tpu.memory_space<hbm>>
    %dma_start3A_27 = tpu.memref_slice %arg2[%add3A_25] : memref<4194304xf32, #tpu.memory_space<hbm>> -> memref<16384xf32, #tpu.memory_space<hbm>>
    tpu.enqueue_dma source(%dma_start3A_27 : memref<16384xf32, #tpu.memory_space<hbm>>) target(%arg7 : memref<16384xf32, #tpu.memory_space<vmem>>) target_semaphore(%arg11 : memref<!tpu.dma_semaphore, #tpu.memory_space<semaphore_mem>>)
    %dma_wait3A_28 = tpu.memref_slice %arg2[%add3A_7] : memref<4194304xf32, #tpu.memory_space<hbm>> -> memref<16384xf32, #tpu.memory_space<hbm>>
    %dma_wait3A_29 = tpu.memref_slice %arg2[%add3A_7] : memref<4194304xf32, #tpu.memory_space<hbm>> -> memref<16384xf32, #tpu.memory_space<hbm>>
    tpu.wait_dma2 semaphore(%arg9 : memref<!tpu.dma_semaphore, #tpu.memory_space<semaphore_mem>>) src(%dma_wait3A_29 : memref<16384xf32, #tpu.memory_space<hbm>>) dst(%arg5 : memref<16384xf32, #tpu.memory_space<vmem>>)
    %scan3A_30 = arith.constant 0 : i32
    %scan3A_31 = arith.constant 0 : i32
    %scan3A_32 = arith.constant 64 : i32
    %scan3A_33 = arith.addi %scan3A_31, %scan3A_32 : i32
    %scan3A_34 = arith.constant 1 : i32
    scf.for %scan3A_144 = %scan3A_31 to %scan3A_33 step %scan3A_34  : i32 {
      %mul3A_145 = arith.constant 256 : i32
      %mul3A_146 = arith.muli %scan3A_144, %mul3A_145 : i32
      %add3A_147 = arith.constant 0 : i32
      %add3A_148 = arith.addi %mul3A_146, %add3A_147 : i32
      %get3A = arith.index_cast %add3A_148 : i32 to index
      %get3A_149 = tpu.vector_load %arg5[%get3A] {strides = array<i32>} : memref<16384xf32, #tpu.memory_space<vmem>>, vector<16xf32>,
      %get3A_150 = vector.shape_cast %get3A_149 : vector<16xf32> to vector<16xf32>
      %mul3A_151 = arith.constant 1.024000e+03 : f32
      %mul3A_152 = vector.broadcast %mul3A_151 : f32 to vector<16xf32>
      %mul3A_153 = arith.mulf %get3A_150, %mul3A_152 : vector<16xf32>
      %max3A = arith.constant 0.000000e+00 : f32
      %max3A_154 = vector.broadcast %max3A : f32 to vector<16xf32>
      %max3A_155 = arith.maximumf %mul3A_153, %max3A_154 : vector<16xf32>
      %min3A = arith.constant 1.023000e+03 : f32
      %min3A_156 = vector.broadcast %min3A : f32 to vector<16xf32>
      %min3A_157 = arith.minimumf %max3A_155, %min3A_156 : vector<16xf32>
      %convert_element_type3A = arith.fptosi %min3A_157 : vector<16xf32> to vector<16xi32>
      %convert_element_type3A_158 = arith.sitofp %convert_element_type3A : vector<16xi32> to vector<16xf32>
      %mul3A_159 = arith.constant 9.765625E-4 : f32
      %mul3A_160 = vector.broadcast %mul3A_159 : f32 to vector<16xf32>
      %mul3A_161 = arith.mulf %convert_element_type3A_158, %mul3A_160 : vector<16xf32>
      %swap3A = arith.index_cast %add3A_148 : i32 to index
      %swap3A_162 = tpu.vector_load %arg5[%swap3A] {strides = array<i32>} : memref<16384xf32, #tpu.memory_space<vmem>>, vector<16xf32>,
      %swap3A_163 = vector.shape_cast %swap3A_162 : vector<16xf32> to vector<16xf32>
      %swap3A_164 = vector.shape_cast %mul3A_161 : vector<16xf32> to vector<16xf32>
      tpu.vector_store %arg5[%swap3A], %swap3A_164 {strides = array<i32>} : memref<16384xf32, #tpu.memory_space<vmem>>, vector<16xf32>,
      %add3A_165 = arith.constant 16 : i32
      %add3A_166 = arith.addi %mul3A_146, %add3A_165 : i32
      %get3A_167 = arith.index_cast %add3A_166 : i32 to index
      %get3A_168 = tpu.vector_load %arg5[%get3A_167] {strides = array<i32>} : memref<16384xf32, #tpu.memory_space<vmem>>, vector<16xf32>,
      %get3A_169 = vector.shape_cast %get3A_168 : vector<16xf32> to vector<16xf32>
      %mul3A_170 = arith.constant 1.024000e+03 : f32
      %mul3A_171 = vector.broadcast %mul3A_170 : f32 to vector<16xf32>
      %mul3A_172 = arith.mulf %get3A_169, %mul3A_171 : vector<16xf32>
      %max3A_173 = arith.constant 0.000000e+00 : f32
      %max3A_174 = vector.broadcast %max3A_173 : f32 to vector<16xf32>
      %max3A_175 = arith.maximumf %mul3A_172, %max3A_174 : vector<16xf32>
      %min3A_176 = arith.constant 1.023000e+03 : f32
      %min3A_177 = vector.broadcast %min3A_176 : f32 to vector<16xf32>
      %min3A_178 = arith.minimumf %max3A_175, %min3A_177 : vector<16xf32>
      %convert_element_type3A_179 = arith.fptosi %min3A_178 : vector<16xf32> to vector<16xi32>
      %convert_element_type3A_180 = arith.sitofp %convert_element_type3A_179 : vector<16xi32> to vector<16xf32>
      %mul3A_181 = arith.constant 9.765625E-4 : f32
      %mul3A_182 = vector.broadcast %mul3A_181 : f32 to vector<16xf32>
      %mul3A_183 = arith.mulf %convert_element_type3A_180, %mul3A_182 : vector<16xf32>
      %swap3A_184 = arith.index_cast %add3A_166 : i32 to index
      %swap3A_185 = tpu.vector_load %arg5[%swap3A_184] {strides = array<i32>} : memref<16384xf32, #tpu.memory_space<vmem>>, vector<16xf32>,
      %swap3A_186 = vector.shape_cast %swap3A_185 : vector<16xf32> to vector<16xf32>
      %swap3A_187 = vector.shape_cast %mul3A_183 : vector<16xf32> to vector<16xf32>
      tpu.vector_store %arg5[%swap3A_184], %swap3A_187 {strides = array<i32>} : memref<16384xf32, #tpu.memory_space<vmem>>, vector<16xf32>,
      %add3A_188 = arith.constant 32 : i32
      %add3A_189 = arith.addi %mul3A_146, %add3A_188 : i32
      %get3A_190 = arith.index_cast %add3A_189 : i32 to index
      %get3A_191 = tpu.vector_load %arg5[%get3A_190] {strides = array<i32>} : memref<16384xf32, #tpu.memory_space<vmem>>, vector<16xf32>,
      %get3A_192 = vector.shape_cast %get3A_191 : vector<16xf32> to vector<16xf32>
      %mul3A_193 = arith.constant 1.024000e+03 : f32
      %mul3A_194 = vector.broadcast %mul3A_193 : f32 to vector<16xf32>
      %mul3A_195 = arith.mulf %get3A_192, %mul3A_194 : vector<16xf32>
      %max3A_196 = arith.constant 0.000000e+00 : f32
      %max3A_197 = vector.broadcast %max3A_196 : f32 to vector<16xf32>
      %max3A_198 = arith.maximumf %mul3A_195, %max3A_197 : vector<16xf32>
      %min3A_199 = arith.constant 1.023000e+03 : f32
      %min3A_200 = vector.broadcast %min3A_199 : f32 to vector<16xf32>
      %min3A_201 = arith.minimumf %max3A_198, %min3A_200 : vector<16xf32>
      %convert_element_type3A_202 = arith.fptosi %min3A_201 : vector<16xf32> to vector<16xi32>
      %convert_element_type3A_203 = arith.sitofp %convert_element_type3A_202 : vector<16xi32> to vector<16xf32>
      %mul3A_204 = arith.constant 9.765625E-4 : f32
      %mul3A_205 = vector.broadcast %mul3A_204 : f32 to vector<16xf32>
      %mul3A_206 = arith.mulf %convert_element_type3A_203, %mul3A_205 : vector<16xf32>
      %swap3A_207 = arith.index_cast %add3A_189 : i32 to index
      %swap3A_208 = tpu.vector_load %arg5[%swap3A_207] {strides = array<i32>} : memref<16384xf32, #tpu.memory_space<vmem>>, vector<16xf32>,
      %swap3A_209 = vector.shape_cast %swap3A_208 : vector<16xf32> to vector<16xf32>
      %swap3A_210 = vector.shape_cast %mul3A_206 : vector<16xf32> to vector<16xf32>
      tpu.vector_store %arg5[%swap3A_207], %swap3A_210 {strides = array<i32>} : memref<16384xf32, #tpu.memory_space<vmem>>, vector<16xf32>,
      %add3A_211 = arith.constant 48 : i32
      %add3A_212 = arith.addi %mul3A_146, %add3A_211 : i32
      %get3A_213 = arith.index_cast %add3A_212 : i32 to index
      %get3A_214 = tpu.vector_load %arg5[%get3A_213] {strides = array<i32>} : memref<16384xf32, #tpu.memory_space<vmem>>, vector<16xf32>,
      %get3A_215 = vector.shape_cast %get3A_214 : vector<16xf32> to vector<16xf32>
      %mul3A_216 = arith.constant 1.024000e+03 : f32
      %mul3A_217 = vector.broadcast %mul3A_216 : f32 to vector<16xf32>
      %mul3A_218 = arith.mulf %get3A_215, %mul3A_217 : vector<16xf32>
      %max3A_219 = arith.constant 0.000000e+00 : f32
      %max3A_220 = vector.broadcast %max3A_219 : f32 to vector<16xf32>
      %max3A_221 = arith.maximumf %mul3A_218, %max3A_220 : vector<16xf32>
      %min3A_222 = arith.constant 1.023000e+03 : f32
      %min3A_223 = vector.broadcast %min3A_222 : f32 to vector<16xf32>
      %min3A_224 = arith.minimumf %max3A_221, %min3A_223 : vector<16xf32>
      %convert_element_type3A_225 = arith.fptosi %min3A_224 : vector<16xf32> to vector<16xi32>
      %convert_element_type3A_226 = arith.sitofp %convert_element_type3A_225 : vector<16xi32> to vector<16xf32>
      %mul3A_227 = arith.constant 9.765625E-4 : f32
      %mul3A_228 = vector.broadcast %mul3A_227 : f32 to vector<16xf32>
      %mul3A_229 = arith.mulf %convert_element_type3A_226, %mul3A_228 : vector<16xf32>
      %swap3A_230 = arith.index_cast %add3A_212 : i32 to index
      %swap3A_231 = tpu.vector_load %arg5[%swap3A_230] {strides = array<i32>} : memref<16384xf32, #tpu.memory_space<vmem>>, vector<16xf32>,
      %swap3A_232 = vector.shape_cast %swap3A_231 : vector<16xf32> to vector<16xf32>
      %swap3A_233 = vector.shape_cast %mul3A_229 : vector<16xf32> to vector<16xf32>
      tpu.vector_store %arg5[%swap3A_230], %swap3A_233 {strides = array<i32>} : memref<16384xf32, #tpu.memory_space<vmem>>, vector<16xf32>,
      %add3A_234 = arith.constant 64 : i32
      %add3A_235 = arith.addi %mul3A_146, %add3A_234 : i32
      %get3A_236 = arith.index_cast %add3A_235 : i32 to index
      %get3A_237 = tpu.vector_load %arg5[%get3A_236] {strides = array<i32>} : memref<16384xf32, #tpu.memory_space<vmem>>, vector<16xf32>,
      %get3A_238 = vector.shape_cast %get3A_237 : vector<16xf32> to vector<16xf32>
      %mul3A_239 = arith.constant 1.024000e+03 : f32
      %mul3A_240 = vector.broadcast %mul3A_239 : f32 to vector<16xf32>
      %mul3A_241 = arith.mulf %get3A_238, %mul3A_240 : vector<16xf32>
      %max3A_242 = arith.constant 0.000000e+00 : f32
      %max3A_243 = vector.broadcast %max3A_242 : f32 to vector<16xf32>
      %max3A_244 = arith.maximumf %mul3A_241, %max3A_243 : vector<16xf32>
      %min3A_245 = arith.constant 1.023000e+03 : f32
      %min3A_246 = vector.broadcast %min3A_245 : f32 to vector<16xf32>
      %min3A_247 = arith.minimumf %max3A_244, %min3A_246 : vector<16xf32>
      %convert_element_type3A_248 = arith.fptosi %min3A_247 : vector<16xf32> to vector<16xi32>
      %convert_element_type3A_249 = arith.sitofp %convert_element_type3A_248 : vector<16xi32> to vector<16xf32>
      %mul3A_250 = arith.constant 9.765625E-4 : f32
      %mul3A_251 = vector.broadcast %mul3A_250 : f32 to vector<16xf32>
      %mul3A_252 = arith.mulf %convert_element_type3A_249, %mul3A_251 : vector<16xf32>
      %swap3A_253 = arith.index_cast %add3A_235 : i32 to index
      %swap3A_254 = tpu.vector_load %arg5[%swap3A_253] {strides = array<i32>} : memref<16384xf32, #tpu.memory_space<vmem>>, vector<16xf32>,
      %swap3A_255 = vector.shape_cast %swap3A_254 : vector<16xf32> to vector<16xf32>
      %swap3A_256 = vector.shape_cast %mul3A_252 : vector<16xf32> to vector<16xf32>
      tpu.vector_store %arg5[%swap3A_253], %swap3A_256 {strides = array<i32>} : memref<16384xf32, #tpu.memory_space<vmem>>, vector<16xf32>,
      %add3A_257 = arith.constant 80 : i32
      %add3A_258 = arith.addi %mul3A_146, %add3A_257 : i32
      %get3A_259 = arith.index_cast %add3A_258 : i32 to index
      %get3A_260 = tpu.vector_load %arg5[%get3A_259] {strides = array<i32>} : memref<16384xf32, #tpu.memory_space<vmem>>, vector<16xf32>,
      %get3A_261 = vector.shape_cast %get3A_260 : vector<16xf32> to vector<16xf32>
      %mul3A_262 = arith.constant 1.024000e+03 : f32
      %mul3A_263 = vector.broadcast %mul3A_262 : f32 to vector<16xf32>
      %mul3A_264 = arith.mulf %get3A_261, %mul3A_263 : vector<16xf32>
      %max3A_265 = arith.constant 0.000000e+00 : f32
      %max3A_266 = vector.broadcast %max3A_265 : f32 to vector<16xf32>
      %max3A_267 = arith.maximumf %mul3A_264, %max3A_266 : vector<16xf32>
      %min3A_268 = arith.constant 1.023000e+03 : f32
      %min3A_269 = vector.broadcast %min3A_268 : f32 to vector<16xf32>
      %min3A_270 = arith.minimumf %max3A_267, %min3A_269 : vector<16xf32>
      %convert_element_type3A_271 = arith.fptosi %min3A_270 : vector<16xf32> to vector<16xi32>
      %convert_element_type3A_272 = arith.sitofp %convert_element_type3A_271 : vector<16xi32> to vector<16xf32>
      %mul3A_273 = arith.constant 9.765625E-4 : f32
      %mul3A_274 = vector.broadcast %mul3A_273 : f32 to vector<16xf32>
      %mul3A_275 = arith.mulf %convert_element_type3A_272, %mul3A_274 : vector<16xf32>
      %swap3A_276 = arith.index_cast %add3A_258 : i32 to index
      %swap3A_277 = tpu.vector_load %arg5[%swap3A_276] {strides = array<i32>} : memref<16384xf32, #tpu.memory_space<vmem>>, vector<16xf32>,
      %swap3A_278 = vector.shape_cast %swap3A_277 : vector<16xf32> to vector<16xf32>
      %swap3A_279 = vector.shape_cast %mul3A_275 : vector<16xf32> to vector<16xf32>
      tpu.vector_store %arg5[%swap3A_276], %swap3A_279 {strides = array<i32>} : memref<16384xf32, #tpu.memory_space<vmem>>, vector<16xf32>,
      %add3A_280 = arith.constant 96 : i32
      %add3A_281 = arith.addi %mul3A_146, %add3A_280 : i32
      %get3A_282 = arith.index_cast %add3A_281 : i32 to index
      %get3A_283 = tpu.vector_load %arg5[%get3A_282] {strides = array<i32>} : memref<16384xf32, #tpu.memory_space<vmem>>, vector<16xf32>,
      %get3A_284 = vector.shape_cast %get3A_283 : vector<16xf32> to vector<16xf32>
      %mul3A_285 = arith.constant 1.024000e+03 : f32
      %mul3A_286 = vector.broadcast %mul3A_285 : f32 to vector<16xf32>
      %mul3A_287 = arith.mulf %get3A_284, %mul3A_286 : vector<16xf32>
      %max3A_288 = arith.constant 0.000000e+00 : f32
      %max3A_289 = vector.broadcast %max3A_288 : f32 to vector<16xf32>
      %max3A_290 = arith.maximumf %mul3A_287, %max3A_289 : vector<16xf32>
      %min3A_291 = arith.constant 1.023000e+03 : f32
      %min3A_292 = vector.broadcast %min3A_291 : f32 to vector<16xf32>
      %min3A_293 = arith.minimumf %max3A_290, %min3A_292 : vector<16xf32>
      %convert_element_type3A_294 = arith.fptosi %min3A_293 : vector<16xf32> to vector<16xi32>
      %convert_element_type3A_295 = arith.sitofp %convert_element_type3A_294 : vector<16xi32> to vector<16xf32>
      %mul3A_296 = arith.constant 9.765625E-4 : f32
      %mul3A_297 = vector.broadcast %mul3A_296 : f32 to vector<16xf32>
      %mul3A_298 = arith.mulf %convert_element_type3A_295, %mul3A_297 : vector<16xf32>
      %swap3A_299 = arith.index_cast %add3A_281 : i32 to index
      %swap3A_300 = tpu.vector_load %arg5[%swap3A_299] {strides = array<i32>} : memref<16384xf32, #tpu.memory_space<vmem>>, vector<16xf32>,
      %swap3A_301 = vector.shape_cast %swap3A_300 : vector<16xf32> to vector<16xf32>
      %swap3A_302 = vector.shape_cast %mul3A_298 : vector<16xf32> to vector<16xf32>
      tpu.vector_store %arg5[%swap3A_299], %swap3A_302 {strides = array<i32>} : memref<16384xf32, #tpu.memory_space<vmem>>, vector<16xf32>,
      %add3A_303 = arith.constant 112 : i32
      %add3A_304 = arith.addi %mul3A_146, %add3A_303 : i32
      %get3A_305 = arith.index_cast %add3A_304 : i32 to index
      %get3A_306 = tpu.vector_load %arg5[%get3A_305] {strides = array<i32>} : memref<16384xf32, #tpu.memory_space<vmem>>, vector<16xf32>,
      %get3A_307 = vector.shape_cast %get3A_306 : vector<16xf32> to vector<16xf32>
      %mul3A_308 = arith.constant 1.024000e+03 : f32
      %mul3A_309 = vector.broadcast %mul3A_308 : f32 to vector<16xf32>
      %mul3A_310 = arith.mulf %get3A_307, %mul3A_309 : vector<16xf32>
      %max3A_311 = arith.constant 0.000000e+00 : f32
      %max3A_312 = vector.broadcast %max3A_311 : f32 to vector<16xf32>
      %max3A_313 = arith.maximumf %mul3A_310, %max3A_312 : vector<16xf32>
      %min3A_314 = arith.constant 1.023000e+03 : f32
      %min3A_315 = vector.broadcast %min3A_314 : f32 to vector<16xf32>
      %min3A_316 = arith.minimumf %max3A_313, %min3A_315 : vector<16xf32>
      %convert_element_type3A_317 = arith.fptosi %min3A_316 : vector<16xf32> to vector<16xi32>
      %convert_element_type3A_318 = arith.sitofp %convert_element_type3A_317 : vector<16xi32> to vector<16xf32>
      %mul3A_319 = arith.constant 9.765625E-4 : f32
      %mul3A_320 = vector.broadcast %mul3A_319 : f32 to vector<16xf32>
      %mul3A_321 = arith.mulf %convert_element_type3A_318, %mul3A_320 : vector<16xf32>
      %swap3A_322 = arith.index_cast %add3A_304 : i32 to index
      %swap3A_323 = tpu.vector_load %arg5[%swap3A_322] {strides = array<i32>} : memref<16384xf32, #tpu.memory_space<vmem>>, vector<16xf32>,
      %swap3A_324 = vector.shape_cast %swap3A_323 : vector<16xf32> to vector<16xf32>
      %swap3A_325 = vector.shape_cast %mul3A_321 : vector<16xf32> to vector<16xf32>
      tpu.vector_store %arg5[%swap3A_322], %swap3A_325 {strides = array<i32>} : memref<16384xf32, #tpu.memory_space<vmem>>, vector<16xf32>,
      %add3A_326 = arith.constant 128 : i32
      %add3A_327 = arith.addi %mul3A_146, %add3A_326 : i32
      %get3A_328 = arith.index_cast %add3A_327 : i32 to index
      %get3A_329 = tpu.vector_load %arg5[%get3A_328] {strides = array<i32>} : memref<16384xf32, #tpu.memory_space<vmem>>, vector<16xf32>,
      %get3A_330 = vector.shape_cast %get3A_329 : vector<16xf32> to vector<16xf32>
      %mul3A_331 = arith.constant 1.024000e+03 : f32
      %mul3A_332 = vector.broadcast %mul3A_331 : f32 to vector<16xf32>
      %mul3A_333 = arith.mulf %get3A_330, %mul3A_332 : vector<16xf32>
      %max3A_334 = arith.constant 0.000000e+00 : f32
      %max3A_335 = vector.broadcast %max3A_334 : f32 to vector<16xf32>
      %max3A_336 = arith.maximumf %mul3A_333, %max3A_335 : vector<16xf32>
      %min3A_337 = arith.constant 1.023000e+03 : f32
      %min3A_338 = vector.broadcast %min3A_337 : f32 to vector<16xf32>
      %min3A_339 = arith.minimumf %max3A_336, %min3A_338 : vector<16xf32>
      %convert_element_type3A_340 = arith.fptosi %min3A_339 : vector<16xf32> to vector<16xi32>
      %convert_element_type3A_341 = arith.sitofp %convert_element_type3A_340 : vector<16xi32> to vector<16xf32>
      %mul3A_342 = arith.constant 9.765625E-4 : f32
      %mul3A_343 = vector.broadcast %mul3A_342 : f32 to vector<16xf32>
      %mul3A_344 = arith.mulf %convert_element_type3A_341, %mul3A_343 : vector<16xf32>
      %swap3A_345 = arith.index_cast %add3A_327 : i32 to index
      %swap3A_346 = tpu.vector_load %arg5[%swap3A_345] {strides = array<i32>} : memref<16384xf32, #tpu.memory_space<vmem>>, vector<16xf32>,
      %swap3A_347 = vector.shape_cast %swap3A_346 : vector<16xf32> to vector<16xf32>
      %swap3A_348 = vector.shape_cast %mul3A_344 : vector<16xf32> to vector<16xf32>
      tpu.vector_store %arg5[%swap3A_345], %swap3A_348 {strides = array<i32>} : memref<16384xf32, #tpu.memory_space<vmem>>, vector<16xf32>,
      %add3A_349 = arith.constant 144 : i32
      %add3A_350 = arith.addi %mul3A_146, %add3A_349 : i32
      %get3A_351 = arith.index_cast %add3A_350 : i32 to index
      %get3A_352 = tpu.vector_load %arg5[%get3A_351] {strides = array<i32>} : memref<16384xf32, #tpu.memory_space<vmem>>, vector<16xf32>,
      %get3A_353 = vector.shape_cast %get3A_352 : vector<16xf32> to vector<16xf32>
      %mul3A_354 = arith.constant 1.024000e+03 : f32
      %mul3A_355 = vector.broadcast %mul3A_354 : f32 to vector<16xf32>
      %mul3A_356 = arith.mulf %get3A_353, %mul3A_355 : vector<16xf32>
      %max3A_357 = arith.constant 0.000000e+00 : f32
      %max3A_358 = vector.broadcast %max3A_357 : f32 to vector<16xf32>
      %max3A_359 = arith.maximumf %mul3A_356, %max3A_358 : vector<16xf32>
      %min3A_360 = arith.constant 1.023000e+03 : f32
      %min3A_361 = vector.broadcast %min3A_360 : f32 to vector<16xf32>
      %min3A_362 = arith.minimumf %max3A_359, %min3A_361 : vector<16xf32>
      %convert_element_type3A_363 = arith.fptosi %min3A_362 : vector<16xf32> to vector<16xi32>
      %convert_element_type3A_364 = arith.sitofp %convert_element_type3A_363 : vector<16xi32> to vector<16xf32>
      %mul3A_365 = arith.constant 9.765625E-4 : f32
      %mul3A_366 = vector.broadcast %mul3A_365 : f32 to vector<16xf32>
      %mul3A_367 = arith.mulf %convert_element_type3A_364, %mul3A_366 : vector<16xf32>
      %swap3A_368 = arith.index_cast %add3A_350 : i32 to index
      %swap3A_369 = tpu.vector_load %arg5[%swap3A_368] {strides = array<i32>} : memref<16384xf32, #tpu.memory_space<vmem>>, vector<16xf32>,
      %swap3A_370 = vector.shape_cast %swap3A_369 : vector<16xf32> to vector<16xf32>
      %swap3A_371 = vector.shape_cast %mul3A_367 : vector<16xf32> to vector<16xf32>
      tpu.vector_store %arg5[%swap3A_368], %swap3A_371 {strides = array<i32>} : memref<16384xf32, #tpu.memory_space<vmem>>, vector<16xf32>,
      %add3A_372 = arith.constant 160 : i32
      %add3A_373 = arith.addi %mul3A_146, %add3A_372 : i32
      %get3A_374 = arith.index_cast %add3A_373 : i32 to index
      %get3A_375 = tpu.vector_load %arg5[%get3A_374] {strides = array<i32>} : memref<16384xf32, #tpu.memory_space<vmem>>, vector<16xf32>,
      %get3A_376 = vector.shape_cast %get3A_375 : vector<16xf32> to vector<16xf32>
      %mul3A_377 = arith.constant 1.024000e+03 : f32
      %mul3A_378 = vector.broadcast %mul3A_377 : f32 to vector<16xf32>
      %mul3A_379 = arith.mulf %get3A_376, %mul3A_378 : vector<16xf32>
      %max3A_380 = arith.constant 0.000000e+00 : f32
      %max3A_381 = vector.broadcast %max3A_380 : f32 to vector<16xf32>
      %max3A_382 = arith.maximumf %mul3A_379, %max3A_381 : vector<16xf32>
      %min3A_383 = arith.constant 1.023000e+03 : f32
      %min3A_384 = vector.broadcast %min3A_383 : f32 to vector<16xf32>
      %min3A_385 = arith.minimumf %max3A_382, %min3A_384 : vector<16xf32>
      %convert_element_type3A_386 = arith.fptosi %min3A_385 : vector<16xf32> to vector<16xi32>
      %convert_element_type3A_387 = arith.sitofp %convert_element_type3A_386 : vector<16xi32> to vector<16xf32>
      %mul3A_388 = arith.constant 9.765625E-4 : f32
      %mul3A_389 = vector.broadcast %mul3A_388 : f32 to vector<16xf32>
      %mul3A_390 = arith.mulf %convert_element_type3A_387, %mul3A_389 : vector<16xf32>
      %swap3A_391 = arith.index_cast %add3A_373 : i32 to index
      %swap3A_392 = tpu.vector_load %arg5[%swap3A_391] {strides = array<i32>} : memref<16384xf32, #tpu.memory_space<vmem>>, vector<16xf32>,
      %swap3A_393 = vector.shape_cast %swap3A_392 : vector<16xf32> to vector<16xf32>
      %swap3A_394 = vector.shape_cast %mul3A_390 : vector<16xf32> to vector<16xf32>
      tpu.vector_store %arg5[%swap3A_391], %swap3A_394 {strides = array<i32>} : memref<16384xf32, #tpu.memory_space<vmem>>, vector<16xf32>,
      %add3A_395 = arith.constant 176 : i32
      %add3A_396 = arith.addi %mul3A_146, %add3A_395 : i32
      %get3A_397 = arith.index_cast %add3A_396 : i32 to index
      %get3A_398 = tpu.vector_load %arg5[%get3A_397] {strides = array<i32>} : memref<16384xf32, #tpu.memory_space<vmem>>, vector<16xf32>,
      %get3A_399 = vector.shape_cast %get3A_398 : vector<16xf32> to vector<16xf32>
      %mul3A_400 = arith.constant 1.024000e+03 : f32
      %mul3A_401 = vector.broadcast %mul3A_400 : f32 to vector<16xf32>
      %mul3A_402 = arith.mulf %get3A_399, %mul3A_401 : vector<16xf32>
      %max3A_403 = arith.constant 0.000000e+00 : f32
      %max3A_404 = vector.broadcast %max3A_403 : f32 to vector<16xf32>
      %max3A_405 = arith.maximumf %mul3A_402, %max3A_404 : vector<16xf32>
      %min3A_406 = arith.constant 1.023000e+03 : f32
      %min3A_407 = vector.broadcast %min3A_406 : f32 to vector<16xf32>
      %min3A_408 = arith.minimumf %max3A_405, %min3A_407 : vector<16xf32>
      %convert_element_type3A_409 = arith.fptosi %min3A_408 : vector<16xf32> to vector<16xi32>
      %convert_element_type3A_410 = arith.sitofp %convert_element_type3A_409 : vector<16xi32> to vector<16xf32>
      %mul3A_411 = arith.constant 9.765625E-4 : f32
      %mul3A_412 = vector.broadcast %mul3A_411 : f32 to vector<16xf32>
      %mul3A_413 = arith.mulf %convert_element_type3A_410, %mul3A_412 : vector<16xf32>
      %swap3A_414 = arith.index_cast %add3A_396 : i32 to index
      %swap3A_415 = tpu.vector_load %arg5[%swap3A_414] {strides = array<i32>} : memref<16384xf32, #tpu.memory_space<vmem>>, vector<16xf32>,
      %swap3A_416 = vector.shape_cast %swap3A_415 : vector<16xf32> to vector<16xf32>
      %swap3A_417 = vector.shape_cast %mul3A_413 : vector<16xf32> to vector<16xf32>
      tpu.vector_store %arg5[%swap3A_414], %swap3A_417 {strides = array<i32>} : memref<16384xf32, #tpu.memory_space<vmem>>, vector<16xf32>,
      %add3A_418 = arith.constant 192 : i32
      %add3A_419 = arith.addi %mul3A_146, %add3A_418 : i32
      %get3A_420 = arith.index_cast %add3A_419 : i32 to index
      %get3A_421 = tpu.vector_load %arg5[%get3A_420] {strides = array<i32>} : memref<16384xf32, #tpu.memory_space<vmem>>, vector<16xf32>,
      %get3A_422 = vector.shape_cast %get3A_421 : vector<16xf32> to vector<16xf32>
      %mul3A_423 = arith.constant 1.024000e+03 : f32
      %mul3A_424 = vector.broadcast %mul3A_423 : f32 to vector<16xf32>
      %mul3A_425 = arith.mulf %get3A_422, %mul3A_424 : vector<16xf32>
      %max3A_426 = arith.constant 0.000000e+00 : f32
      %max3A_427 = vector.broadcast %max3A_426 : f32 to vector<16xf32>
      %max3A_428 = arith.maximumf %mul3A_425, %max3A_427 : vector<16xf32>
      %min3A_429 = arith.constant 1.023000e+03 : f32
      %min3A_430 = vector.broadcast %min3A_429 : f32 to vector<16xf32>
      %min3A_431 = arith.minimumf %max3A_428, %min3A_430 : vector<16xf32>
      %convert_element_type3A_432 = arith.fptosi %min3A_431 : vector<16xf32> to vector<16xi32>
      %convert_element_type3A_433 = arith.sitofp %convert_element_type3A_432 : vector<16xi32> to vector<16xf32>
      %mul3A_434 = arith.constant 9.765625E-4 : f32
      %mul3A_435 = vector.broadcast %mul3A_434 : f32 to vector<16xf32>
      %mul3A_436 = arith.mulf %convert_element_type3A_433, %mul3A_435 : vector<16xf32>
      %swap3A_437 = arith.index_cast %add3A_419 : i32 to index
      %swap3A_438 = tpu.vector_load %arg5[%swap3A_437] {strides = array<i32>} : memref<16384xf32, #tpu.memory_space<vmem>>, vector<16xf32>,
      %swap3A_439 = vector.shape_cast %swap3A_438 : vector<16xf32> to vector<16xf32>
      %swap3A_440 = vector.shape_cast %mul3A_436 : vector<16xf32> to vector<16xf32>
      tpu.vector_store %arg5[%swap3A_437], %swap3A_440 {strides = array<i32>} : memref<16384xf32, #tpu.memory_space<vmem>>, vector<16xf32>,
      %add3A_441 = arith.constant 208 : i32
      %add3A_442 = arith.addi %mul3A_146, %add3A_441 : i32
      %get3A_443 = arith.index_cast %add3A_442 : i32 to index
      %get3A_444 = tpu.vector_load %arg5[%get3A_443] {strides = array<i32>} : memref<16384xf32, #tpu.memory_space<vmem>>, vector<16xf32>,
      %get3A_445 = vector.shape_cast %get3A_444 : vector<16xf32> to vector<16xf32>
      %mul3A_446 = arith.constant 1.024000e+03 : f32
      %mul3A_447 = vector.broadcast %mul3A_446 : f32 to vector<16xf32>
      %mul3A_448 = arith.mulf %get3A_445, %mul3A_447 : vector<16xf32>
      %max3A_449 = arith.constant 0.000000e+00 : f32
      %max3A_450 = vector.broadcast %max3A_449 : f32 to vector<16xf32>
      %max3A_451 = arith.maximumf %mul3A_448, %max3A_450 : vector<16xf32>
      %min3A_452 = arith.constant 1.023000e+03 : f32
      %min3A_453 = vector.broadcast %min3A_452 : f32 to vector<16xf32>
      %min3A_454 = arith.minimumf %max3A_451, %min3A_453 : vector<16xf32>
      %convert_element_type3A_455 = arith.fptosi %min3A_454 : vector<16xf32> to vector<16xi32>
      %convert_element_type3A_456 = arith.sitofp %convert_element_type3A_455 : vector<16xi32> to vector<16xf32>
      %mul3A_457 = arith.constant 9.765625E-4 : f32
      %mul3A_458 = vector.broadcast %mul3A_457 : f32 to vector<16xf32>
      %mul3A_459 = arith.mulf %convert_element_type3A_456, %mul3A_458 : vector<16xf32>
      %swap3A_460 = arith.index_cast %add3A_442 : i32 to index
      %swap3A_461 = tpu.vector_load %arg5[%swap3A_460] {strides = array<i32>} : memref<16384xf32, #tpu.memory_space<vmem>>, vector<16xf32>,
      %swap3A_462 = vector.shape_cast %swap3A_461 : vector<16xf32> to vector<16xf32>
      %swap3A_463 = vector.shape_cast %mul3A_459 : vector<16xf32> to vector<16xf32>
      tpu.vector_store %arg5[%swap3A_460], %swap3A_463 {strides = array<i32>} : memref<16384xf32, #tpu.memory_space<vmem>>, vector<16xf32>,
      %add3A_464 = arith.constant 224 : i32
      %add3A_465 = arith.addi %mul3A_146, %add3A_464 : i32
      %get3A_466 = arith.index_cast %add3A_465 : i32 to index
      %get3A_467 = tpu.vector_load %arg5[%get3A_466] {strides = array<i32>} : memref<16384xf32, #tpu.memory_space<vmem>>, vector<16xf32>,
      %get3A_468 = vector.shape_cast %get3A_467 : vector<16xf32> to vector<16xf32>
      %mul3A_469 = arith.constant 1.024000e+03 : f32
      %mul3A_470 = vector.broadcast %mul3A_469 : f32 to vector<16xf32>
      %mul3A_471 = arith.mulf %get3A_468, %mul3A_470 : vector<16xf32>
      %max3A_472 = arith.constant 0.000000e+00 : f32
      %max3A_473 = vector.broadcast %max3A_472 : f32 to vector<16xf32>
      %max3A_474 = arith.maximumf %mul3A_471, %max3A_473 : vector<16xf32>
      %min3A_475 = arith.constant 1.023000e+03 : f32
      %min3A_476 = vector.broadcast %min3A_475 : f32 to vector<16xf32>
      %min3A_477 = arith.minimumf %max3A_474, %min3A_476 : vector<16xf32>
      %convert_element_type3A_478 = arith.fptosi %min3A_477 : vector<16xf32> to vector<16xi32>
      %convert_element_type3A_479 = arith.sitofp %convert_element_type3A_478 : vector<16xi32> to vector<16xf32>
      %mul3A_480 = arith.constant 9.765625E-4 : f32
      %mul3A_481 = vector.broadcast %mul3A_480 : f32 to vector<16xf32>
      %mul3A_482 = arith.mulf %convert_element_type3A_479, %mul3A_481 : vector<16xf32>
      %swap3A_483 = arith.index_cast %add3A_465 : i32 to index
      %swap3A_484 = tpu.vector_load %arg5[%swap3A_483] {strides = array<i32>} : memref<16384xf32, #tpu.memory_space<vmem>>, vector<16xf32>,
      %swap3A_485 = vector.shape_cast %swap3A_484 : vector<16xf32> to vector<16xf32>
      %swap3A_486 = vector.shape_cast %mul3A_482 : vector<16xf32> to vector<16xf32>
      tpu.vector_store %arg5[%swap3A_483], %swap3A_486 {strides = array<i32>} : memref<16384xf32, #tpu.memory_space<vmem>>, vector<16xf32>,
      %add3A_487 = arith.constant 240 : i32
      %add3A_488 = arith.addi %mul3A_146, %add3A_487 : i32
      %get3A_489 = arith.index_cast %add3A_488 : i32 to index
      %get3A_490 = tpu.vector_load %arg5[%get3A_489] {strides = array<i32>} : memref<16384xf32, #tpu.memory_space<vmem>>, vector<16xf32>,
      %get3A_491 = vector.shape_cast %get3A_490 : vector<16xf32> to vector<16xf32>
      %mul3A_492 = arith.constant 1.024000e+03 : f32
      %mul3A_493 = vector.broadcast %mul3A_492 : f32 to vector<16xf32>
      %mul3A_494 = arith.mulf %get3A_491, %mul3A_493 : vector<16xf32>
      %max3A_495 = arith.constant 0.000000e+00 : f32
      %max3A_496 = vector.broadcast %max3A_495 : f32 to vector<16xf32>
      %max3A_497 = arith.maximumf %mul3A_494, %max3A_496 : vector<16xf32>
      %min3A_498 = arith.constant 1.023000e+03 : f32
      %min3A_499 = vector.broadcast %min3A_498 : f32 to vector<16xf32>
      %min3A_500 = arith.minimumf %max3A_497, %min3A_499 : vector<16xf32>
      %convert_element_type3A_501 = arith.fptosi %min3A_500 : vector<16xf32> to vector<16xi32>
      %convert_element_type3A_502 = arith.sitofp %convert_element_type3A_501 : vector<16xi32> to vector<16xf32>
      %mul3A_503 = arith.constant 9.765625E-4 : f32
      %mul3A_504 = vector.broadcast %mul3A_503 : f32 to vector<16xf32>
      %mul3A_505 = arith.mulf %convert_element_type3A_502, %mul3A_504 : vector<16xf32>
      %swap3A_506 = arith.index_cast %add3A_488 : i32 to index
      %swap3A_507 = tpu.vector_load %arg5[%swap3A_506] {strides = array<i32>} : memref<16384xf32, #tpu.memory_space<vmem>>, vector<16xf32>,
      %swap3A_508 = vector.shape_cast %swap3A_507 : vector<16xf32> to vector<16xf32>
      %swap3A_509 = vector.shape_cast %mul3A_505 : vector<16xf32> to vector<16xf32>
      tpu.vector_store %arg5[%swap3A_506], %swap3A_509 {strides = array<i32>} : memref<16384xf32, #tpu.memory_space<vmem>>, vector<16xf32>,
    }
    %scan3A_35 = arith.constant 64 : i32
    %add3A_36 = arith.constant 16384 : i32
    %add3A_37 = arith.addi %mul3A_2, %add3A_36 : i32
    %dma_start3A_38 = tpu.memref_slice %arg3[%add3A_37] : memref<4194304xf32, #tpu.memory_space<hbm>> -> memref<16384xf32, #tpu.memory_space<hbm>>
    %dma_start3A_39 = tpu.memref_slice %arg3[%add3A_37] : memref<4194304xf32, #tpu.memory_space<hbm>> -> memref<16384xf32, #tpu.memory_space<hbm>>
    tpu.enqueue_dma source(%arg5 : memref<16384xf32, #tpu.memory_space<vmem>>) target(%dma_start3A_39 : memref<16384xf32, #tpu.memory_space<hbm>>) target_semaphore(%arg13 : memref<!tpu.dma_semaphore, #tpu.memory_space<semaphore_mem>>)
    %dma_wait3A_40 = tpu.memref_slice %arg3[%add3A_21] : memref<4194304xf32, #tpu.memory_space<hbm>> -> memref<16384xf32, #tpu.memory_space<hbm>>
    %dma_wait3A_41 = tpu.memref_slice %arg3[%add3A_21] : memref<4194304xf32, #tpu.memory_space<hbm>> -> memref<16384xf32, #tpu.memory_space<hbm>>
    tpu.wait_dma2 semaphore(%arg12 : memref<!tpu.dma_semaphore, #tpu.memory_space<semaphore_mem>>) src(%arg4 : memref<16384xf32, #tpu.memory_space<vmem>>) dst(%dma_wait3A_41 : memref<16384xf32, #tpu.memory_space<hbm>>)
    %add3A_42 = arith.constant 65536 : i32
    %add3A_43 = arith.addi %mul3A_2, %add3A_42 : i32
    %dma_start3A_44 = tpu.memref_slice %arg2[%add3A_43] : memref<4194304xf32, #tpu.memory_space<hbm>> -> memref<16384xf32, #tpu.memory_space<hbm>>
    %dma_start3A_45 = tpu.memref_slice %arg2[%add3A_43] : memref<4194304xf32, #tpu.memory_space<hbm>> -> memref<16384xf32, #tpu.memory_space<hbm>>
    tpu.enqueue_dma source(%dma_start3A_45 : memref<16384xf32, #tpu.memory_space<hbm>>) target(%arg4 : memref<16384xf32, #tpu.memory_space<vmem>>) target_semaphore(%arg8 : memref<!tpu.dma_semaphore, #tpu.memory_space<semaphore_mem>>)
    %dma_wait3A_46 = tpu.memref_slice %arg2[%add3A_11] : memref<4194304xf32, #tpu.memory_space<hbm>> -> memref<16384xf32, #tpu.memory_space<hbm>>
    %dma_wait3A_47 = tpu.memref_slice %arg2[%add3A_11] : memref<4194304xf32, #tpu.memory_space<hbm>> -> memref<16384xf32, #tpu.memory_space<hbm>>
    tpu.wait_dma2 semaphore(%arg10 : memref<!tpu.dma_semaphore, #tpu.memory_space<semaphore_mem>>) src(%dma_wait3A_47 : memref<16384xf32, #tpu.memory_space<hbm>>) dst(%arg6 : memref<16384xf32, #tpu.memory_space<vmem>>)
    %scan3A_48 = arith.constant 0 : i32
    %scan3A_49 = arith.constant 0 : i32
    %scan3A_50 = arith.constant 64 : i32
    %scan3A_51 = arith.addi %scan3A_49, %scan3A_50 : i32
    %scan3A_52 = arith.constant 1 : i32
    scf.for %scan3A_144 = %scan3A_49 to %scan3A_51 step %scan3A_52  : i32 {
      %mul3A_145 = arith.constant 256 : i32
      %mul3A_146 = arith.muli %scan3A_144, %mul3A_145 : i32
      %add3A_147 = arith.constant 0 : i32
      %add3A_148 = arith.addi %mul3A_146, %add3A_147 : i32
      %get3A = arith.index_cast %add3A_148 : i32 to index
      %get3A_149 = tpu.vector_load %arg6[%get3A] {strides = array<i32>} : memref<16384xf32, #tpu.memory_space<vmem>>, vector<16xf32>,
      %get3A_150 = vector.shape_cast %get3A_149 : vector<16xf32> to vector<16xf32>
      %mul3A_151 = arith.constant 1.024000e+03 : f32
      %mul3A_152 = vector.broadcast %mul3A_151 : f32 to vector<16xf32>
      %mul3A_153 = arith.mulf %get3A_150, %mul3A_152 : vector<16xf32>
      %max3A = arith.constant 0.000000e+00 : f32
      %max3A_154 = vector.broadcast %max3A : f32 to vector<16xf32>
      %max3A_155 = arith.maximumf %mul3A_153, %max3A_154 : vector<16xf32>
      %min3A = arith.constant 1.023000e+03 : f32
      %min3A_156 = vector.broadcast %min3A : f32 to vector<16xf32>
      %min3A_157 = arith.minimumf %max3A_155, %min3A_156 : vector<16xf32>
      %convert_element_type3A = arith.fptosi %min3A_157 : vector<16xf32> to vector<16xi32>
      %convert_element_type3A_158 = arith.sitofp %convert_element_type3A : vector<16xi32> to vector<16xf32>
      %mul3A_159 = arith.constant 9.765625E-4 : f32
      %mul3A_160 = vector.broadcast %mul3A_159 : f32 to vector<16xf32>
      %mul3A_161 = arith.mulf %convert_element_type3A_158, %mul3A_160 : vector<16xf32>
      %swap3A = arith.index_cast %add3A_148 : i32 to index
      %swap3A_162 = tpu.vector_load %arg6[%swap3A] {strides = array<i32>} : memref<16384xf32, #tpu.memory_space<vmem>>, vector<16xf32>,
      %swap3A_163 = vector.shape_cast %swap3A_162 : vector<16xf32> to vector<16xf32>
      %swap3A_164 = vector.shape_cast %mul3A_161 : vector<16xf32> to vector<16xf32>
      tpu.vector_store %arg6[%swap3A], %swap3A_164 {strides = array<i32>} : memref<16384xf32, #tpu.memory_space<vmem>>, vector<16xf32>,
      %add3A_165 = arith.constant 16 : i32
      %add3A_166 = arith.addi %mul3A_146, %add3A_165 : i32
      %get3A_167 = arith.index_cast %add3A_166 : i32 to index
      %get3A_168 = tpu.vector_load %arg6[%get3A_167] {strides = array<i32>} : memref<16384xf32, #tpu.memory_space<vmem>>, vector<16xf32>,
      %get3A_169 = vector.shape_cast %get3A_168 : vector<16xf32> to vector<16xf32>
      %mul3A_170 = arith.constant 1.024000e+03 : f32
      %mul3A_171 = vector.broadcast %mul3A_170 : f32 to vector<16xf32>
      %mul3A_172 = arith.mulf %get3A_169, %mul3A_171 : vector<16xf32>
      %max3A_173 = arith.constant 0.000000e+00 : f32
      %max3A_174 = vector.broadcast %max3A_173 : f32 to vector<16xf32>
      %max3A_175 = arith.maximumf %mul3A_172, %max3A_174 : vector<16xf32>
      %min3A_176 = arith.constant 1.023000e+03 : f32
      %min3A_177 = vector.broadcast %min3A_176 : f32 to vector<16xf32>
      %min3A_178 = arith.minimumf %max3A_175, %min3A_177 : vector<16xf32>
      %convert_element_type3A_179 = arith.fptosi %min3A_178 : vector<16xf32> to vector<16xi32>
      %convert_element_type3A_180 = arith.sitofp %convert_element_type3A_179 : vector<16xi32> to vector<16xf32>
      %mul3A_181 = arith.constant 9.765625E-4 : f32
      %mul3A_182 = vector.broadcast %mul3A_181 : f32 to vector<16xf32>
      %mul3A_183 = arith.mulf %convert_element_type3A_180, %mul3A_182 : vector<16xf32>
      %swap3A_184 = arith.index_cast %add3A_166 : i32 to index
      %swap3A_185 = tpu.vector_load %arg6[%swap3A_184] {strides = array<i32>} : memref<16384xf32, #tpu.memory_space<vmem>>, vector<16xf32>,
      %swap3A_186 = vector.shape_cast %swap3A_185 : vector<16xf32> to vector<16xf32>
      %swap3A_187 = vector.shape_cast %mul3A_183 : vector<16xf32> to vector<16xf32>
      tpu.vector_store %arg6[%swap3A_184], %swap3A_187 {strides = array<i32>} : memref<16384xf32, #tpu.memory_space<vmem>>, vector<16xf32>,
      %add3A_188 = arith.constant 32 : i32
      %add3A_189 = arith.addi %mul3A_146, %add3A_188 : i32
      %get3A_190 = arith.index_cast %add3A_189 : i32 to index
      %get3A_191 = tpu.vector_load %arg6[%get3A_190] {strides = array<i32>} : memref<16384xf32, #tpu.memory_space<vmem>>, vector<16xf32>,
      %get3A_192 = vector.shape_cast %get3A_191 : vector<16xf32> to vector<16xf32>
      %mul3A_193 = arith.constant 1.024000e+03 : f32
      %mul3A_194 = vector.broadcast %mul3A_193 : f32 to vector<16xf32>
      %mul3A_195 = arith.mulf %get3A_192, %mul3A_194 : vector<16xf32>
      %max3A_196 = arith.constant 0.000000e+00 : f32
      %max3A_197 = vector.broadcast %max3A_196 : f32 to vector<16xf32>
      %max3A_198 = arith.maximumf %mul3A_195, %max3A_197 : vector<16xf32>
      %min3A_199 = arith.constant 1.023000e+03 : f32
      %min3A_200 = vector.broadcast %min3A_199 : f32 to vector<16xf32>
      %min3A_201 = arith.minimumf %max3A_198, %min3A_200 : vector<16xf32>
      %convert_element_type3A_202 = arith.fptosi %min3A_201 : vector<16xf32> to vector<16xi32>
      %convert_element_type3A_203 = arith.sitofp %convert_element_type3A_202 : vector<16xi32> to vector<16xf32>
      %mul3A_204 = arith.constant 9.765625E-4 : f32
      %mul3A_205 = vector.broadcast %mul3A_204 : f32 to vector<16xf32>
      %mul3A_206 = arith.mulf %convert_element_type3A_203, %mul3A_205 : vector<16xf32>
      %swap3A_207 = arith.index_cast %add3A_189 : i32 to index
      %swap3A_208 = tpu.vector_load %arg6[%swap3A_207] {strides = array<i32>} : memref<16384xf32, #tpu.memory_space<vmem>>, vector<16xf32>,
      %swap3A_209 = vector.shape_cast %swap3A_208 : vector<16xf32> to vector<16xf32>
      %swap3A_210 = vector.shape_cast %mul3A_206 : vector<16xf32> to vector<16xf32>
      tpu.vector_store %arg6[%swap3A_207], %swap3A_210 {strides = array<i32>} : memref<16384xf32, #tpu.memory_space<vmem>>, vector<16xf32>,
      %add3A_211 = arith.constant 48 : i32
      %add3A_212 = arith.addi %mul3A_146, %add3A_211 : i32
      %get3A_213 = arith.index_cast %add3A_212 : i32 to index
      %get3A_214 = tpu.vector_load %arg6[%get3A_213] {strides = array<i32>} : memref<16384xf32, #tpu.memory_space<vmem>>, vector<16xf32>,
      %get3A_215 = vector.shape_cast %get3A_214 : vector<16xf32> to vector<16xf32>
      %mul3A_216 = arith.constant 1.024000e+03 : f32
      %mul3A_217 = vector.broadcast %mul3A_216 : f32 to vector<16xf32>
      %mul3A_218 = arith.mulf %get3A_215, %mul3A_217 : vector<16xf32>
      %max3A_219 = arith.constant 0.000000e+00 : f32
      %max3A_220 = vector.broadcast %max3A_219 : f32 to vector<16xf32>
      %max3A_221 = arith.maximumf %mul3A_218, %max3A_220 : vector<16xf32>
      %min3A_222 = arith.constant 1.023000e+03 : f32
      %min3A_223 = vector.broadcast %min3A_222 : f32 to vector<16xf32>
      %min3A_224 = arith.minimumf %max3A_221, %min3A_223 : vector<16xf32>
      %convert_element_type3A_225 = arith.fptosi %min3A_224 : vector<16xf32> to vector<16xi32>
      %convert_element_type3A_226 = arith.sitofp %convert_element_type3A_225 : vector<16xi32> to vector<16xf32>
      %mul3A_227 = arith.constant 9.765625E-4 : f32
      %mul3A_228 = vector.broadcast %mul3A_227 : f32 to vector<16xf32>
      %mul3A_229 = arith.mulf %convert_element_type3A_226, %mul3A_228 : vector<16xf32>
      %swap3A_230 = arith.index_cast %add3A_212 : i32 to index
      %swap3A_231 = tpu.vector_load %arg6[%swap3A_230] {strides = array<i32>} : memref<16384xf32, #tpu.memory_space<vmem>>, vector<16xf32>,
      %swap3A_232 = vector.shape_cast %swap3A_231 : vector<16xf32> to vector<16xf32>
      %swap3A_233 = vector.shape_cast %mul3A_229 : vector<16xf32> to vector<16xf32>
      tpu.vector_store %arg6[%swap3A_230], %swap3A_233 {strides = array<i32>} : memref<16384xf32, #tpu.memory_space<vmem>>, vector<16xf32>,
      %add3A_234 = arith.constant 64 : i32
      %add3A_235 = arith.addi %mul3A_146, %add3A_234 : i32
      %get3A_236 = arith.index_cast %add3A_235 : i32 to index
      %get3A_237 = tpu.vector_load %arg6[%get3A_236] {strides = array<i32>} : memref<16384xf32, #tpu.memory_space<vmem>>, vector<16xf32>,
      %get3A_238 = vector.shape_cast %get3A_237 : vector<16xf32> to vector<16xf32>
      %mul3A_239 = arith.constant 1.024000e+03 : f32
      %mul3A_240 = vector.broadcast %mul3A_239 : f32 to vector<16xf32>
      %mul3A_241 = arith.mulf %get3A_238, %mul3A_240 : vector<16xf32>
      %max3A_242 = arith.constant 0.000000e+00 : f32
      %max3A_243 = vector.broadcast %max3A_242 : f32 to vector<16xf32>
      %max3A_244 = arith.maximumf %mul3A_241, %max3A_243 : vector<16xf32>
      %min3A_245 = arith.constant 1.023000e+03 : f32
      %min3A_246 = vector.broadcast %min3A_245 : f32 to vector<16xf32>
      %min3A_247 = arith.minimumf %max3A_244, %min3A_246 : vector<16xf32>
      %convert_element_type3A_248 = arith.fptosi %min3A_247 : vector<16xf32> to vector<16xi32>
      %convert_element_type3A_249 = arith.sitofp %convert_element_type3A_248 : vector<16xi32> to vector<16xf32>
      %mul3A_250 = arith.constant 9.765625E-4 : f32
      %mul3A_251 = vector.broadcast %mul3A_250 : f32 to vector<16xf32>
      %mul3A_252 = arith.mulf %convert_element_type3A_249, %mul3A_251 : vector<16xf32>
      %swap3A_253 = arith.index_cast %add3A_235 : i32 to index
      %swap3A_254 = tpu.vector_load %arg6[%swap3A_253] {strides = array<i32>} : memref<16384xf32, #tpu.memory_space<vmem>>, vector<16xf32>,
      %swap3A_255 = vector.shape_cast %swap3A_254 : vector<16xf32> to vector<16xf32>
      %swap3A_256 = vector.shape_cast %mul3A_252 : vector<16xf32> to vector<16xf32>
      tpu.vector_store %arg6[%swap3A_253], %swap3A_256 {strides = array<i32>} : memref<16384xf32, #tpu.memory_space<vmem>>, vector<16xf32>,
      %add3A_257 = arith.constant 80 : i32
      %add3A_258 = arith.addi %mul3A_146, %add3A_257 : i32
      %get3A_259 = arith.index_cast %add3A_258 : i32 to index
      %get3A_260 = tpu.vector_load %arg6[%get3A_259] {strides = array<i32>} : memref<16384xf32, #tpu.memory_space<vmem>>, vector<16xf32>,
      %get3A_261 = vector.shape_cast %get3A_260 : vector<16xf32> to vector<16xf32>
      %mul3A_262 = arith.constant 1.024000e+03 : f32
      %mul3A_263 = vector.broadcast %mul3A_262 : f32 to vector<16xf32>
      %mul3A_264 = arith.mulf %get3A_261, %mul3A_263 : vector<16xf32>
      %max3A_265 = arith.constant 0.000000e+00 : f32
      %max3A_266 = vector.broadcast %max3A_265 : f32 to vector<16xf32>
      %max3A_267 = arith.maximumf %mul3A_264, %max3A_266 : vector<16xf32>
      %min3A_268 = arith.constant 1.023000e+03 : f32
      %min3A_269 = vector.broadcast %min3A_268 : f32 to vector<16xf32>
      %min3A_270 = arith.minimumf %max3A_267, %min3A_269 : vector<16xf32>
      %convert_element_type3A_271 = arith.fptosi %min3A_270 : vector<16xf32> to vector<16xi32>
      %convert_element_type3A_272 = arith.sitofp %convert_element_type3A_271 : vector<16xi32> to vector<16xf32>
      %mul3A_273 = arith.constant 9.765625E-4 : f32
      %mul3A_274 = vector.broadcast %mul3A_273 : f32 to vector<16xf32>
      %mul3A_275 = arith.mulf %convert_element_type3A_272, %mul3A_274 : vector<16xf32>
      %swap3A_276 = arith.index_cast %add3A_258 : i32 to index
      %swap3A_277 = tpu.vector_load %arg6[%swap3A_276] {strides = array<i32>} : memref<16384xf32, #tpu.memory_space<vmem>>, vector<16xf32>,
      %swap3A_278 = vector.shape_cast %swap3A_277 : vector<16xf32> to vector<16xf32>
      %swap3A_279 = vector.shape_cast %mul3A_275 : vector<16xf32> to vector<16xf32>
      tpu.vector_store %arg6[%swap3A_276], %swap3A_279 {strides = array<i32>} : memref<16384xf32, #tpu.memory_space<vmem>>, vector<16xf32>,
      %add3A_280 = arith.constant 96 : i32
      %add3A_281 = arith.addi %mul3A_146, %add3A_280 : i32
      %get3A_282 = arith.index_cast %add3A_281 : i32 to index
      %get3A_283 = tpu.vector_load %arg6[%get3A_282] {strides = array<i32>} : memref<16384xf32, #tpu.memory_space<vmem>>, vector<16xf32>,
      %get3A_284 = vector.shape_cast %get3A_283 : vector<16xf32> to vector<16xf32>
      %mul3A_285 = arith.constant 1.024000e+03 : f32
      %mul3A_286 = vector.broadcast %mul3A_285 : f32 to vector<16xf32>
      %mul3A_287 = arith.mulf %get3A_284, %mul3A_286 : vector<16xf32>
      %max3A_288 = arith.constant 0.000000e+00 : f32
      %max3A_289 = vector.broadcast %max3A_288 : f32 to vector<16xf32>
      %max3A_290 = arith.maximumf %mul3A_287, %max3A_289 : vector<16xf32>
      %min3A_291 = arith.constant 1.023000e+03 : f32
      %min3A_292 = vector.broadcast %min3A_291 : f32 to vector<16xf32>
      %min3A_293 = arith.minimumf %max3A_290, %min3A_292 : vector<16xf32>
      %convert_element_type3A_294 = arith.fptosi %min3A_293 : vector<16xf32> to vector<16xi32>
      %convert_element_type3A_295 = arith.sitofp %convert_element_type3A_294 : vector<16xi32> to vector<16xf32>
      %mul3A_296 = arith.constant 9.765625E-4 : f32
      %mul3A_297 = vector.broadcast %mul3A_296 : f32 to vector<16xf32>
      %mul3A_298 = arith.mulf %convert_element_type3A_295, %mul3A_297 : vector<16xf32>
      %swap3A_299 = arith.index_cast %add3A_281 : i32 to index
      %swap3A_300 = tpu.vector_load %arg6[%swap3A_299] {strides = array<i32>} : memref<16384xf32, #tpu.memory_space<vmem>>, vector<16xf32>,
      %swap3A_301 = vector.shape_cast %swap3A_300 : vector<16xf32> to vector<16xf32>
      %swap3A_302 = vector.shape_cast %mul3A_298 : vector<16xf32> to vector<16xf32>
      tpu.vector_store %arg6[%swap3A_299], %swap3A_302 {strides = array<i32>} : memref<16384xf32, #tpu.memory_space<vmem>>, vector<16xf32>,
      %add3A_303 = arith.constant 112 : i32
      %add3A_304 = arith.addi %mul3A_146, %add3A_303 : i32
      %get3A_305 = arith.index_cast %add3A_304 : i32 to index
      %get3A_306 = tpu.vector_load %arg6[%get3A_305] {strides = array<i32>} : memref<16384xf32, #tpu.memory_space<vmem>>, vector<16xf32>,
      %get3A_307 = vector.shape_cast %get3A_306 : vector<16xf32> to vector<16xf32>
      %mul3A_308 = arith.constant 1.024000e+03 : f32
      %mul3A_309 = vector.broadcast %mul3A_308 : f32 to vector<16xf32>
      %mul3A_310 = arith.mulf %get3A_307, %mul3A_309 : vector<16xf32>
      %max3A_311 = arith.constant 0.000000e+00 : f32
      %max3A_312 = vector.broadcast %max3A_311 : f32 to vector<16xf32>
      %max3A_313 = arith.maximumf %mul3A_310, %max3A_312 : vector<16xf32>
      %min3A_314 = arith.constant 1.023000e+03 : f32
      %min3A_315 = vector.broadcast %min3A_314 : f32 to vector<16xf32>
      %min3A_316 = arith.minimumf %max3A_313, %min3A_315 : vector<16xf32>
      %convert_element_type3A_317 = arith.fptosi %min3A_316 : vector<16xf32> to vector<16xi32>
      %convert_element_type3A_318 = arith.sitofp %convert_element_type3A_317 : vector<16xi32> to vector<16xf32>
      %mul3A_319 = arith.constant 9.765625E-4 : f32
      %mul3A_320 = vector.broadcast %mul3A_319 : f32 to vector<16xf32>
      %mul3A_321 = arith.mulf %convert_element_type3A_318, %mul3A_320 : vector<16xf32>
      %swap3A_322 = arith.index_cast %add3A_304 : i32 to index
      %swap3A_323 = tpu.vector_load %arg6[%swap3A_322] {strides = array<i32>} : memref<16384xf32, #tpu.memory_space<vmem>>, vector<16xf32>,
      %swap3A_324 = vector.shape_cast %swap3A_323 : vector<16xf32> to vector<16xf32>
      %swap3A_325 = vector.shape_cast %mul3A_321 : vector<16xf32> to vector<16xf32>
      tpu.vector_store %arg6[%swap3A_322], %swap3A_325 {strides = array<i32>} : memref<16384xf32, #tpu.memory_space<vmem>>, vector<16xf32>,
      %add3A_326 = arith.constant 128 : i32
      %add3A_327 = arith.addi %mul3A_146, %add3A_326 : i32
      %get3A_328 = arith.index_cast %add3A_327 : i32 to index
      %get3A_329 = tpu.vector_load %arg6[%get3A_328] {strides = array<i32>} : memref<16384xf32, #tpu.memory_space<vmem>>, vector<16xf32>,
      %get3A_330 = vector.shape_cast %get3A_329 : vector<16xf32> to vector<16xf32>
      %mul3A_331 = arith.constant 1.024000e+03 : f32
      %mul3A_332 = vector.broadcast %mul3A_331 : f32 to vector<16xf32>
      %mul3A_333 = arith.mulf %get3A_330, %mul3A_332 : vector<16xf32>
      %max3A_334 = arith.constant 0.000000e+00 : f32
      %max3A_335 = vector.broadcast %max3A_334 : f32 to vector<16xf32>
      %max3A_336 = arith.maximumf %mul3A_333, %max3A_335 : vector<16xf32>
      %min3A_337 = arith.constant 1.023000e+03 : f32
      %min3A_338 = vector.broadcast %min3A_337 : f32 to vector<16xf32>
      %min3A_339 = arith.minimumf %max3A_336, %min3A_338 : vector<16xf32>
      %convert_element_type3A_340 = arith.fptosi %min3A_339 : vector<16xf32> to vector<16xi32>
      %convert_element_type3A_341 = arith.sitofp %convert_element_type3A_340 : vector<16xi32> to vector<16xf32>
      %mul3A_342 = arith.constant 9.765625E-4 : f32
      %mul3A_343 = vector.broadcast %mul3A_342 : f32 to vector<16xf32>
      %mul3A_344 = arith.mulf %convert_element_type3A_341, %mul3A_343 : vector<16xf32>
      %swap3A_345 = arith.index_cast %add3A_327 : i32 to index
      %swap3A_346 = tpu.vector_load %arg6[%swap3A_345] {strides = array<i32>} : memref<16384xf32, #tpu.memory_space<vmem>>, vector<16xf32>,
      %swap3A_347 = vector.shape_cast %swap3A_346 : vector<16xf32> to vector<16xf32>
      %swap3A_348 = vector.shape_cast %mul3A_344 : vector<16xf32> to vector<16xf32>
      tpu.vector_store %arg6[%swap3A_345], %swap3A_348 {strides = array<i32>} : memref<16384xf32, #tpu.memory_space<vmem>>, vector<16xf32>,
      %add3A_349 = arith.constant 144 : i32
      %add3A_350 = arith.addi %mul3A_146, %add3A_349 : i32
      %get3A_351 = arith.index_cast %add3A_350 : i32 to index
      %get3A_352 = tpu.vector_load %arg6[%get3A_351] {strides = array<i32>} : memref<16384xf32, #tpu.memory_space<vmem>>, vector<16xf32>,
      %get3A_353 = vector.shape_cast %get3A_352 : vector<16xf32> to vector<16xf32>
      %mul3A_354 = arith.constant 1.024000e+03 : f32
      %mul3A_355 = vector.broadcast %mul3A_354 : f32 to vector<16xf32>
      %mul3A_356 = arith.mulf %get3A_353, %mul3A_355 : vector<16xf32>
      %max3A_357 = arith.constant 0.000000e+00 : f32
      %max3A_358 = vector.broadcast %max3A_357 : f32 to vector<16xf32>
      %max3A_359 = arith.maximumf %mul3A_356, %max3A_358 : vector<16xf32>
      %min3A_360 = arith.constant 1.023000e+03 : f32
      %min3A_361 = vector.broadcast %min3A_360 : f32 to vector<16xf32>
      %min3A_362 = arith.minimumf %max3A_359, %min3A_361 : vector<16xf32>
      %convert_element_type3A_363 = arith.fptosi %min3A_362 : vector<16xf32> to vector<16xi32>
      %convert_element_type3A_364 = arith.sitofp %convert_element_type3A_363 : vector<16xi32> to vector<16xf32>
      %mul3A_365 = arith.constant 9.765625E-4 : f32
      %mul3A_366 = vector.broadcast %mul3A_365 : f32 to vector<16xf32>
      %mul3A_367 = arith.mulf %convert_element_type3A_364, %mul3A_366 : vector<16xf32>
      %swap3A_368 = arith.index_cast %add3A_350 : i32 to index
      %swap3A_369 = tpu.vector_load %arg6[%swap3A_368] {strides = array<i32>} : memref<16384xf32, #tpu.memory_space<vmem>>, vector<16xf32>,
      %swap3A_370 = vector.shape_cast %swap3A_369 : vector<16xf32> to vector<16xf32>
      %swap3A_371 = vector.shape_cast %mul3A_367 : vector<16xf32> to vector<16xf32>
      tpu.vector_store %arg6[%swap3A_368], %swap3A_371 {strides = array<i32>} : memref<16384xf32, #tpu.memory_space<vmem>>, vector<16xf32>,
      %add3A_372 = arith.constant 160 : i32
      %add3A_373 = arith.addi %mul3A_146, %add3A_372 : i32
      %get3A_374 = arith.index_cast %add3A_373 : i32 to index
      %get3A_375 = tpu.vector_load %arg6[%get3A_374] {strides = array<i32>} : memref<16384xf32, #tpu.memory_space<vmem>>, vector<16xf32>,
      %get3A_376 = vector.shape_cast %get3A_375 : vector<16xf32> to vector<16xf32>
      %mul3A_377 = arith.constant 1.024000e+03 : f32
      %mul3A_378 = vector.broadcast %mul3A_377 : f32 to vector<16xf32>
      %mul3A_379 = arith.mulf %get3A_376, %mul3A_378 : vector<16xf32>
      %max3A_380 = arith.constant 0.000000e+00 : f32
      %max3A_381 = vector.broadcast %max3A_380 : f32 to vector<16xf32>
      %max3A_382 = arith.maximumf %mul3A_379, %max3A_381 : vector<16xf32>
      %min3A_383 = arith.constant 1.023000e+03 : f32
      %min3A_384 = vector.broadcast %min3A_383 : f32 to vector<16xf32>
      %min3A_385 = arith.minimumf %max3A_382, %min3A_384 : vector<16xf32>
      %convert_element_type3A_386 = arith.fptosi %min3A_385 : vector<16xf32> to vector<16xi32>
      %convert_element_type3A_387 = arith.sitofp %convert_element_type3A_386 : vector<16xi32> to vector<16xf32>
      %mul3A_388 = arith.constant 9.765625E-4 : f32
      %mul3A_389 = vector.broadcast %mul3A_388 : f32 to vector<16xf32>
      %mul3A_390 = arith.mulf %convert_element_type3A_387, %mul3A_389 : vector<16xf32>
      %swap3A_391 = arith.index_cast %add3A_373 : i32 to index
      %swap3A_392 = tpu.vector_load %arg6[%swap3A_391] {strides = array<i32>} : memref<16384xf32, #tpu.memory_space<vmem>>, vector<16xf32>,
      %swap3A_393 = vector.shape_cast %swap3A_392 : vector<16xf32> to vector<16xf32>
      %swap3A_394 = vector.shape_cast %mul3A_390 : vector<16xf32> to vector<16xf32>
      tpu.vector_store %arg6[%swap3A_391], %swap3A_394 {strides = array<i32>} : memref<16384xf32, #tpu.memory_space<vmem>>, vector<16xf32>,
      %add3A_395 = arith.constant 176 : i32
      %add3A_396 = arith.addi %mul3A_146, %add3A_395 : i32
      %get3A_397 = arith.index_cast %add3A_396 : i32 to index
      %get3A_398 = tpu.vector_load %arg6[%get3A_397] {strides = array<i32>} : memref<16384xf32, #tpu.memory_space<vmem>>, vector<16xf32>,
      %get3A_399 = vector.shape_cast %get3A_398 : vector<16xf32> to vector<16xf32>
      %mul3A_400 = arith.constant 1.024000e+03 : f32
      %mul3A_401 = vector.broadcast %mul3A_400 : f32 to vector<16xf32>
      %mul3A_402 = arith.mulf %get3A_399, %mul3A_401 : vector<16xf32>
      %max3A_403 = arith.constant 0.000000e+00 : f32
      %max3A_404 = vector.broadcast %max3A_403 : f32 to vector<16xf32>
      %max3A_405 = arith.maximumf %mul3A_402, %max3A_404 : vector<16xf32>
      %min3A_406 = arith.constant 1.023000e+03 : f32
      %min3A_407 = vector.broadcast %min3A_406 : f32 to vector<16xf32>
      %min3A_408 = arith.minimumf %max3A_405, %min3A_407 : vector<16xf32>
      %convert_element_type3A_409 = arith.fptosi %min3A_408 : vector<16xf32> to vector<16xi32>
      %convert_element_type3A_410 = arith.sitofp %convert_element_type3A_409 : vector<16xi32> to vector<16xf32>
      %mul3A_411 = arith.constant 9.765625E-4 : f32
      %mul3A_412 = vector.broadcast %mul3A_411 : f32 to vector<16xf32>
      %mul3A_413 = arith.mulf %convert_element_type3A_410, %mul3A_412 : vector<16xf32>
      %swap3A_414 = arith.index_cast %add3A_396 : i32 to index
      %swap3A_415 = tpu.vector_load %arg6[%swap3A_414] {strides = array<i32>} : memref<16384xf32, #tpu.memory_space<vmem>>, vector<16xf32>,
      %swap3A_416 = vector.shape_cast %swap3A_415 : vector<16xf32> to vector<16xf32>
      %swap3A_417 = vector.shape_cast %mul3A_413 : vector<16xf32> to vector<16xf32>
      tpu.vector_store %arg6[%swap3A_414], %swap3A_417 {strides = array<i32>} : memref<16384xf32, #tpu.memory_space<vmem>>, vector<16xf32>,
      %add3A_418 = arith.constant 192 : i32
      %add3A_419 = arith.addi %mul3A_146, %add3A_418 : i32
      %get3A_420 = arith.index_cast %add3A_419 : i32 to index
      %get3A_421 = tpu.vector_load %arg6[%get3A_420] {strides = array<i32>} : memref<16384xf32, #tpu.memory_space<vmem>>, vector<16xf32>,
      %get3A_422 = vector.shape_cast %get3A_421 : vector<16xf32> to vector<16xf32>
      %mul3A_423 = arith.constant 1.024000e+03 : f32
      %mul3A_424 = vector.broadcast %mul3A_423 : f32 to vector<16xf32>
      %mul3A_425 = arith.mulf %get3A_422, %mul3A_424 : vector<16xf32>
      %max3A_426 = arith.constant 0.000000e+00 : f32
      %max3A_427 = vector.broadcast %max3A_426 : f32 to vector<16xf32>
      %max3A_428 = arith.maximumf %mul3A_425, %max3A_427 : vector<16xf32>
      %min3A_429 = arith.constant 1.023000e+03 : f32
      %min3A_430 = vector.broadcast %min3A_429 : f32 to vector<16xf32>
      %min3A_431 = arith.minimumf %max3A_428, %min3A_430 : vector<16xf32>
      %convert_element_type3A_432 = arith.fptosi %min3A_431 : vector<16xf32> to vector<16xi32>
      %convert_element_type3A_433 = arith.sitofp %convert_element_type3A_432 : vector<16xi32> to vector<16xf32>
      %mul3A_434 = arith.constant 9.765625E-4 : f32
      %mul3A_435 = vector.broadcast %mul3A_434 : f32 to vector<16xf32>
      %mul3A_436 = arith.mulf %convert_element_type3A_433, %mul3A_435 : vector<16xf32>
      %swap3A_437 = arith.index_cast %add3A_419 : i32 to index
      %swap3A_438 = tpu.vector_load %arg6[%swap3A_437] {strides = array<i32>} : memref<16384xf32, #tpu.memory_space<vmem>>, vector<16xf32>,
      %swap3A_439 = vector.shape_cast %swap3A_438 : vector<16xf32> to vector<16xf32>
      %swap3A_440 = vector.shape_cast %mul3A_436 : vector<16xf32> to vector<16xf32>
      tpu.vector_store %arg6[%swap3A_437], %swap3A_440 {strides = array<i32>} : memref<16384xf32, #tpu.memory_space<vmem>>, vector<16xf32>,
      %add3A_441 = arith.constant 208 : i32
      %add3A_442 = arith.addi %mul3A_146, %add3A_441 : i32
      %get3A_443 = arith.index_cast %add3A_442 : i32 to index
      %get3A_444 = tpu.vector_load %arg6[%get3A_443] {strides = array<i32>} : memref<16384xf32, #tpu.memory_space<vmem>>, vector<16xf32>,
      %get3A_445 = vector.shape_cast %get3A_444 : vector<16xf32> to vector<16xf32>
      %mul3A_446 = arith.constant 1.024000e+03 : f32
      %mul3A_447 = vector.broadcast %mul3A_446 : f32 to vector<16xf32>
      %mul3A_448 = arith.mulf %get3A_445, %mul3A_447 : vector<16xf32>
      %max3A_449 = arith.constant 0.000000e+00 : f32
      %max3A_450 = vector.broadcast %max3A_449 : f32 to vector<16xf32>
      %max3A_451 = arith.maximumf %mul3A_448, %max3A_450 : vector<16xf32>
      %min3A_452 = arith.constant 1.023000e+03 : f32
      %min3A_453 = vector.broadcast %min3A_452 : f32 to vector<16xf32>
      %min3A_454 = arith.minimumf %max3A_451, %min3A_453 : vector<16xf32>
      %convert_element_type3A_455 = arith.fptosi %min3A_454 : vector<16xf32> to vector<16xi32>
      %convert_element_type3A_456 = arith.sitofp %convert_element_type3A_455 : vector<16xi32> to vector<16xf32>
      %mul3A_457 = arith.constant 9.765625E-4 : f32
      %mul3A_458 = vector.broadcast %mul3A_457 : f32 to vector<16xf32>
      %mul3A_459 = arith.mulf %convert_element_type3A_456, %mul3A_458 : vector<16xf32>
      %swap3A_460 = arith.index_cast %add3A_442 : i32 to index
      %swap3A_461 = tpu.vector_load %arg6[%swap3A_460] {strides = array<i32>} : memref<16384xf32, #tpu.memory_space<vmem>>, vector<16xf32>,
      %swap3A_462 = vector.shape_cast %swap3A_461 : vector<16xf32> to vector<16xf32>
      %swap3A_463 = vector.shape_cast %mul3A_459 : vector<16xf32> to vector<16xf32>
      tpu.vector_store %arg6[%swap3A_460], %swap3A_463 {strides = array<i32>} : memref<16384xf32, #tpu.memory_space<vmem>>, vector<16xf32>,
      %add3A_464 = arith.constant 224 : i32
      %add3A_465 = arith.addi %mul3A_146, %add3A_464 : i32
      %get3A_466 = arith.index_cast %add3A_465 : i32 to index
      %get3A_467 = tpu.vector_load %arg6[%get3A_466] {strides = array<i32>} : memref<16384xf32, #tpu.memory_space<vmem>>, vector<16xf32>,
      %get3A_468 = vector.shape_cast %get3A_467 : vector<16xf32> to vector<16xf32>
      %mul3A_469 = arith.constant 1.024000e+03 : f32
      %mul3A_470 = vector.broadcast %mul3A_469 : f32 to vector<16xf32>
      %mul3A_471 = arith.mulf %get3A_468, %mul3A_470 : vector<16xf32>
      %max3A_472 = arith.constant 0.000000e+00 : f32
      %max3A_473 = vector.broadcast %max3A_472 : f32 to vector<16xf32>
      %max3A_474 = arith.maximumf %mul3A_471, %max3A_473 : vector<16xf32>
      %min3A_475 = arith.constant 1.023000e+03 : f32
      %min3A_476 = vector.broadcast %min3A_475 : f32 to vector<16xf32>
      %min3A_477 = arith.minimumf %max3A_474, %min3A_476 : vector<16xf32>
      %convert_element_type3A_478 = arith.fptosi %min3A_477 : vector<16xf32> to vector<16xi32>
      %convert_element_type3A_479 = arith.sitofp %convert_element_type3A_478 : vector<16xi32> to vector<16xf32>
      %mul3A_480 = arith.constant 9.765625E-4 : f32
      %mul3A_481 = vector.broadcast %mul3A_480 : f32 to vector<16xf32>
      %mul3A_482 = arith.mulf %convert_element_type3A_479, %mul3A_481 : vector<16xf32>
      %swap3A_483 = arith.index_cast %add3A_465 : i32 to index
      %swap3A_484 = tpu.vector_load %arg6[%swap3A_483] {strides = array<i32>} : memref<16384xf32, #tpu.memory_space<vmem>>, vector<16xf32>,
      %swap3A_485 = vector.shape_cast %swap3A_484 : vector<16xf32> to vector<16xf32>
      %swap3A_486 = vector.shape_cast %mul3A_482 : vector<16xf32> to vector<16xf32>
      tpu.vector_store %arg6[%swap3A_483], %swap3A_486 {strides = array<i32>} : memref<16384xf32, #tpu.memory_space<vmem>>, vector<16xf32>,
      %add3A_487 = arith.constant 240 : i32
      %add3A_488 = arith.addi %mul3A_146, %add3A_487 : i32
      %get3A_489 = arith.index_cast %add3A_488 : i32 to index
      %get3A_490 = tpu.vector_load %arg6[%get3A_489] {strides = array<i32>} : memref<16384xf32, #tpu.memory_space<vmem>>, vector<16xf32>,
      %get3A_491 = vector.shape_cast %get3A_490 : vector<16xf32> to vector<16xf32>
      %mul3A_492 = arith.constant 1.024000e+03 : f32
      %mul3A_493 = vector.broadcast %mul3A_492 : f32 to vector<16xf32>
      %mul3A_494 = arith.mulf %get3A_491, %mul3A_493 : vector<16xf32>
      %max3A_495 = arith.constant 0.000000e+00 : f32
      %max3A_496 = vector.broadcast %max3A_495 : f32 to vector<16xf32>
      %max3A_497 = arith.maximumf %mul3A_494, %max3A_496 : vector<16xf32>
      %min3A_498 = arith.constant 1.023000e+03 : f32
      %min3A_499 = vector.broadcast %min3A_498 : f32 to vector<16xf32>
      %min3A_500 = arith.minimumf %max3A_497, %min3A_499 : vector<16xf32>
      %convert_element_type3A_501 = arith.fptosi %min3A_500 : vector<16xf32> to vector<16xi32>
      %convert_element_type3A_502 = arith.sitofp %convert_element_type3A_501 : vector<16xi32> to vector<16xf32>
      %mul3A_503 = arith.constant 9.765625E-4 : f32
      %mul3A_504 = vector.broadcast %mul3A_503 : f32 to vector<16xf32>
      %mul3A_505 = arith.mulf %convert_element_type3A_502, %mul3A_504 : vector<16xf32>
      %swap3A_506 = arith.index_cast %add3A_488 : i32 to index
      %swap3A_507 = tpu.vector_load %arg6[%swap3A_506] {strides = array<i32>} : memref<16384xf32, #tpu.memory_space<vmem>>, vector<16xf32>,
      %swap3A_508 = vector.shape_cast %swap3A_507 : vector<16xf32> to vector<16xf32>
      %swap3A_509 = vector.shape_cast %mul3A_505 : vector<16xf32> to vector<16xf32>
      tpu.vector_store %arg6[%swap3A_506], %swap3A_509 {strides = array<i32>} : memref<16384xf32, #tpu.memory_space<vmem>>, vector<16xf32>,
    }
    %scan3A_53 = arith.constant 64 : i32
    %add3A_54 = arith.constant 32768 : i32
    %add3A_55 = arith.addi %mul3A_2, %add3A_54 : i32
    %dma_start3A_56 = tpu.memref_slice %arg3[%add3A_55] : memref<4194304xf32, #tpu.memory_space<hbm>> -> memref<16384xf32, #tpu.memory_space<hbm>>
    %dma_start3A_57 = tpu.memref_slice %arg3[%add3A_55] : memref<4194304xf32, #tpu.memory_space<hbm>> -> memref<16384xf32, #tpu.memory_space<hbm>>
    tpu.enqueue_dma source(%arg6 : memref<16384xf32, #tpu.memory_space<vmem>>) target(%dma_start3A_57 : memref<16384xf32, #tpu.memory_space<hbm>>) target_semaphore(%arg14 : memref<!tpu.dma_semaphore, #tpu.memory_space<semaphore_mem>>)
    %dma_wait3A_58 = tpu.memref_slice %arg3[%add3A_37] : memref<4194304xf32, #tpu.memory_space<hbm>> -> memref<16384xf32, #tpu.memory_space<hbm>>
    %dma_wait3A_59 = tpu.memref_slice %arg3[%add3A_37] : memref<4194304xf32, #tpu.memory_space<hbm>> -> memref<16384xf32, #tpu.memory_space<hbm>>
    tpu.wait_dma2 semaphore(%arg13 : memref<!tpu.dma_semaphore, #tpu.memory_space<semaphore_mem>>) src(%arg5 : memref<16384xf32, #tpu.memory_space<vmem>>) dst(%dma_wait3A_59 : memref<16384xf32, #tpu.memory_space<hbm>>)
    %add3A_60 = arith.constant 81920 : i32
    %add3A_61 = arith.addi %mul3A_2, %add3A_60 : i32
    %dma_start3A_62 = tpu.memref_slice %arg2[%add3A_61] : memref<4194304xf32, #tpu.memory_space<hbm>> -> memref<16384xf32, #tpu.memory_space<hbm>>
    %dma_start3A_63 = tpu.memref_slice %arg2[%add3A_61] : memref<4194304xf32, #tpu.memory_space<hbm>> -> memref<16384xf32, #tpu.memory_space<hbm>>
    tpu.enqueue_dma source(%dma_start3A_63 : memref<16384xf32, #tpu.memory_space<hbm>>) target(%arg5 : memref<16384xf32, #tpu.memory_space<vmem>>) target_semaphore(%arg9 : memref<!tpu.dma_semaphore, #tpu.memory_space<semaphore_mem>>)
    %dma_wait3A_64 = tpu.memref_slice %arg2[%add3A_25] : memref<4194304xf32, #tpu.memory_space<hbm>> -> memref<16384xf32, #tpu.memory_space<hbm>>
    %dma_wait3A_65 = tpu.memref_slice %arg2[%add3A_25] : memref<4194304xf32, #tpu.memory_space<hbm>> -> memref<16384xf32, #tpu.memory_space<hbm>>
    tpu.wait_dma2 semaphore(%arg11 : memref<!tpu.dma_semaphore, #tpu.memory_space<semaphore_mem>>) src(%dma_wait3A_65 : memref<16384xf32, #tpu.memory_space<hbm>>) dst(%arg7 : memref<16384xf32, #tpu.memory_space<vmem>>)
    %scan3A_66 = arith.constant 0 : i32
    %scan3A_67 = arith.constant 0 : i32
    %scan3A_68 = arith.constant 64 : i32
    %scan3A_69 = arith.addi %scan3A_67, %scan3A_68 : i32
    %scan3A_70 = arith.constant 1 : i32
    scf.for %scan3A_144 = %scan3A_67 to %scan3A_69 step %scan3A_70  : i32 {
      %mul3A_145 = arith.constant 256 : i32
      %mul3A_146 = arith.muli %scan3A_144, %mul3A_145 : i32
      %add3A_147 = arith.constant 0 : i32
      %add3A_148 = arith.addi %mul3A_146, %add3A_147 : i32
      %get3A = arith.index_cast %add3A_148 : i32 to index
      %get3A_149 = tpu.vector_load %arg7[%get3A] {strides = array<i32>} : memref<16384xf32, #tpu.memory_space<vmem>>, vector<16xf32>,
      %get3A_150 = vector.shape_cast %get3A_149 : vector<16xf32> to vector<16xf32>
      %mul3A_151 = arith.constant 1.024000e+03 : f32
      %mul3A_152 = vector.broadcast %mul3A_151 : f32 to vector<16xf32>
      %mul3A_153 = arith.mulf %get3A_150, %mul3A_152 : vector<16xf32>
      %max3A = arith.constant 0.000000e+00 : f32
      %max3A_154 = vector.broadcast %max3A : f32 to vector<16xf32>
      %max3A_155 = arith.maximumf %mul3A_153, %max3A_154 : vector<16xf32>
      %min3A = arith.constant 1.023000e+03 : f32
      %min3A_156 = vector.broadcast %min3A : f32 to vector<16xf32>
      %min3A_157 = arith.minimumf %max3A_155, %min3A_156 : vector<16xf32>
      %convert_element_type3A = arith.fptosi %min3A_157 : vector<16xf32> to vector<16xi32>
      %convert_element_type3A_158 = arith.sitofp %convert_element_type3A : vector<16xi32> to vector<16xf32>
      %mul3A_159 = arith.constant 9.765625E-4 : f32
      %mul3A_160 = vector.broadcast %mul3A_159 : f32 to vector<16xf32>
      %mul3A_161 = arith.mulf %convert_element_type3A_158, %mul3A_160 : vector<16xf32>
      %swap3A = arith.index_cast %add3A_148 : i32 to index
      %swap3A_162 = tpu.vector_load %arg7[%swap3A] {strides = array<i32>} : memref<16384xf32, #tpu.memory_space<vmem>>, vector<16xf32>,
      %swap3A_163 = vector.shape_cast %swap3A_162 : vector<16xf32> to vector<16xf32>
      %swap3A_164 = vector.shape_cast %mul3A_161 : vector<16xf32> to vector<16xf32>
      tpu.vector_store %arg7[%swap3A], %swap3A_164 {strides = array<i32>} : memref<16384xf32, #tpu.memory_space<vmem>>, vector<16xf32>,
      %add3A_165 = arith.constant 16 : i32
      %add3A_166 = arith.addi %mul3A_146, %add3A_165 : i32
      %get3A_167 = arith.index_cast %add3A_166 : i32 to index
      %get3A_168 = tpu.vector_load %arg7[%get3A_167] {strides = array<i32>} : memref<16384xf32, #tpu.memory_space<vmem>>, vector<16xf32>,
      %get3A_169 = vector.shape_cast %get3A_168 : vector<16xf32> to vector<16xf32>
      %mul3A_170 = arith.constant 1.024000e+03 : f32
      %mul3A_171 = vector.broadcast %mul3A_170 : f32 to vector<16xf32>
      %mul3A_172 = arith.mulf %get3A_169, %mul3A_171 : vector<16xf32>
      %max3A_173 = arith.constant 0.000000e+00 : f32
      %max3A_174 = vector.broadcast %max3A_173 : f32 to vector<16xf32>
      %max3A_175 = arith.maximumf %mul3A_172, %max3A_174 : vector<16xf32>
      %min3A_176 = arith.constant 1.023000e+03 : f32
      %min3A_177 = vector.broadcast %min3A_176 : f32 to vector<16xf32>
      %min3A_178 = arith.minimumf %max3A_175, %min3A_177 : vector<16xf32>
      %convert_element_type3A_179 = arith.fptosi %min3A_178 : vector<16xf32> to vector<16xi32>
      %convert_element_type3A_180 = arith.sitofp %convert_element_type3A_179 : vector<16xi32> to vector<16xf32>
      %mul3A_181 = arith.constant 9.765625E-4 : f32
      %mul3A_182 = vector.broadcast %mul3A_181 : f32 to vector<16xf32>
      %mul3A_183 = arith.mulf %convert_element_type3A_180, %mul3A_182 : vector<16xf32>
      %swap3A_184 = arith.index_cast %add3A_166 : i32 to index
      %swap3A_185 = tpu.vector_load %arg7[%swap3A_184] {strides = array<i32>} : memref<16384xf32, #tpu.memory_space<vmem>>, vector<16xf32>,
      %swap3A_186 = vector.shape_cast %swap3A_185 : vector<16xf32> to vector<16xf32>
      %swap3A_187 = vector.shape_cast %mul3A_183 : vector<16xf32> to vector<16xf32>
      tpu.vector_store %arg7[%swap3A_184], %swap3A_187 {strides = array<i32>} : memref<16384xf32, #tpu.memory_space<vmem>>, vector<16xf32>,
      %add3A_188 = arith.constant 32 : i32
      %add3A_189 = arith.addi %mul3A_146, %add3A_188 : i32
      %get3A_190 = arith.index_cast %add3A_189 : i32 to index
      %get3A_191 = tpu.vector_load %arg7[%get3A_190] {strides = array<i32>} : memref<16384xf32, #tpu.memory_space<vmem>>, vector<16xf32>,
      %get3A_192 = vector.shape_cast %get3A_191 : vector<16xf32> to vector<16xf32>
      %mul3A_193 = arith.constant 1.024000e+03 : f32
      %mul3A_194 = vector.broadcast %mul3A_193 : f32 to vector<16xf32>
      %mul3A_195 = arith.mulf %get3A_192, %mul3A_194 : vector<16xf32>
      %max3A_196 = arith.constant 0.000000e+00 : f32
      %max3A_197 = vector.broadcast %max3A_196 : f32 to vector<16xf32>
      %max3A_198 = arith.maximumf %mul3A_195, %max3A_197 : vector<16xf32>
      %min3A_199 = arith.constant 1.023000e+03 : f32
      %min3A_200 = vector.broadcast %min3A_199 : f32 to vector<16xf32>
      %min3A_201 = arith.minimumf %max3A_198, %min3A_200 : vector<16xf32>
      %convert_element_type3A_202 = arith.fptosi %min3A_201 : vector<16xf32> to vector<16xi32>
      %convert_element_type3A_203 = arith.sitofp %convert_element_type3A_202 : vector<16xi32> to vector<16xf32>
      %mul3A_204 = arith.constant 9.765625E-4 : f32
      %mul3A_205 = vector.broadcast %mul3A_204 : f32 to vector<16xf32>
      %mul3A_206 = arith.mulf %convert_element_type3A_203, %mul3A_205 : vector<16xf32>
      %swap3A_207 = arith.index_cast %add3A_189 : i32 to index
      %swap3A_208 = tpu.vector_load %arg7[%swap3A_207] {strides = array<i32>} : memref<16384xf32, #tpu.memory_space<vmem>>, vector<16xf32>,
      %swap3A_209 = vector.shape_cast %swap3A_208 : vector<16xf32> to vector<16xf32>
      %swap3A_210 = vector.shape_cast %mul3A_206 : vector<16xf32> to vector<16xf32>
      tpu.vector_store %arg7[%swap3A_207], %swap3A_210 {strides = array<i32>} : memref<16384xf32, #tpu.memory_space<vmem>>, vector<16xf32>,
      %add3A_211 = arith.constant 48 : i32
      %add3A_212 = arith.addi %mul3A_146, %add3A_211 : i32
      %get3A_213 = arith.index_cast %add3A_212 : i32 to index
      %get3A_214 = tpu.vector_load %arg7[%get3A_213] {strides = array<i32>} : memref<16384xf32, #tpu.memory_space<vmem>>, vector<16xf32>,
      %get3A_215 = vector.shape_cast %get3A_214 : vector<16xf32> to vector<16xf32>
      %mul3A_216 = arith.constant 1.024000e+03 : f32
      %mul3A_217 = vector.broadcast %mul3A_216 : f32 to vector<16xf32>
      %mul3A_218 = arith.mulf %get3A_215, %mul3A_217 : vector<16xf32>
      %max3A_219 = arith.constant 0.000000e+00 : f32
      %max3A_220 = vector.broadcast %max3A_219 : f32 to vector<16xf32>
      %max3A_221 = arith.maximumf %mul3A_218, %max3A_220 : vector<16xf32>
      %min3A_222 = arith.constant 1.023000e+03 : f32
      %min3A_223 = vector.broadcast %min3A_222 : f32 to vector<16xf32>
      %min3A_224 = arith.minimumf %max3A_221, %min3A_223 : vector<16xf32>
      %convert_element_type3A_225 = arith.fptosi %min3A_224 : vector<16xf32> to vector<16xi32>
      %convert_element_type3A_226 = arith.sitofp %convert_element_type3A_225 : vector<16xi32> to vector<16xf32>
      %mul3A_227 = arith.constant 9.765625E-4 : f32
      %mul3A_228 = vector.broadcast %mul3A_227 : f32 to vector<16xf32>
      %mul3A_229 = arith.mulf %convert_element_type3A_226, %mul3A_228 : vector<16xf32>
      %swap3A_230 = arith.index_cast %add3A_212 : i32 to index
      %swap3A_231 = tpu.vector_load %arg7[%swap3A_230] {strides = array<i32>} : memref<16384xf32, #tpu.memory_space<vmem>>, vector<16xf32>,
      %swap3A_232 = vector.shape_cast %swap3A_231 : vector<16xf32> to vector<16xf32>
      %swap3A_233 = vector.shape_cast %mul3A_229 : vector<16xf32> to vector<16xf32>
      tpu.vector_store %arg7[%swap3A_230], %swap3A_233 {strides = array<i32>} : memref<16384xf32, #tpu.memory_space<vmem>>, vector<16xf32>,
      %add3A_234 = arith.constant 64 : i32
      %add3A_235 = arith.addi %mul3A_146, %add3A_234 : i32
      %get3A_236 = arith.index_cast %add3A_235 : i32 to index
      %get3A_237 = tpu.vector_load %arg7[%get3A_236] {strides = array<i32>} : memref<16384xf32, #tpu.memory_space<vmem>>, vector<16xf32>,
      %get3A_238 = vector.shape_cast %get3A_237 : vector<16xf32> to vector<16xf32>
      %mul3A_239 = arith.constant 1.024000e+03 : f32
      %mul3A_240 = vector.broadcast %mul3A_239 : f32 to vector<16xf32>
      %mul3A_241 = arith.mulf %get3A_238, %mul3A_240 : vector<16xf32>
      %max3A_242 = arith.constant 0.000000e+00 : f32
      %max3A_243 = vector.broadcast %max3A_242 : f32 to vector<16xf32>
      %max3A_244 = arith.maximumf %mul3A_241, %max3A_243 : vector<16xf32>
      %min3A_245 = arith.constant 1.023000e+03 : f32
      %min3A_246 = vector.broadcast %min3A_245 : f32 to vector<16xf32>
      %min3A_247 = arith.minimumf %max3A_244, %min3A_246 : vector<16xf32>
      %convert_element_type3A_248 = arith.fptosi %min3A_247 : vector<16xf32> to vector<16xi32>
      %convert_element_type3A_249 = arith.sitofp %convert_element_type3A_248 : vector<16xi32> to vector<16xf32>
      %mul3A_250 = arith.constant 9.765625E-4 : f32
      %mul3A_251 = vector.broadcast %mul3A_250 : f32 to vector<16xf32>
      %mul3A_252 = arith.mulf %convert_element_type3A_249, %mul3A_251 : vector<16xf32>
      %swap3A_253 = arith.index_cast %add3A_235 : i32 to index
      %swap3A_254 = tpu.vector_load %arg7[%swap3A_253] {strides = array<i32>} : memref<16384xf32, #tpu.memory_space<vmem>>, vector<16xf32>,
      %swap3A_255 = vector.shape_cast %swap3A_254 : vector<16xf32> to vector<16xf32>
      %swap3A_256 = vector.shape_cast %mul3A_252 : vector<16xf32> to vector<16xf32>
      tpu.vector_store %arg7[%swap3A_253], %swap3A_256 {strides = array<i32>} : memref<16384xf32, #tpu.memory_space<vmem>>, vector<16xf32>,
      %add3A_257 = arith.constant 80 : i32
      %add3A_258 = arith.addi %mul3A_146, %add3A_257 : i32
      %get3A_259 = arith.index_cast %add3A_258 : i32 to index
      %get3A_260 = tpu.vector_load %arg7[%get3A_259] {strides = array<i32>} : memref<16384xf32, #tpu.memory_space<vmem>>, vector<16xf32>,
      %get3A_261 = vector.shape_cast %get3A_260 : vector<16xf32> to vector<16xf32>
      %mul3A_262 = arith.constant 1.024000e+03 : f32
      %mul3A_263 = vector.broadcast %mul3A_262 : f32 to vector<16xf32>
      %mul3A_264 = arith.mulf %get3A_261, %mul3A_263 : vector<16xf32>
      %max3A_265 = arith.constant 0.000000e+00 : f32
      %max3A_266 = vector.broadcast %max3A_265 : f32 to vector<16xf32>
      %max3A_267 = arith.maximumf %mul3A_264, %max3A_266 : vector<16xf32>
      %min3A_268 = arith.constant 1.023000e+03 : f32
      %min3A_269 = vector.broadcast %min3A_268 : f32 to vector<16xf32>
      %min3A_270 = arith.minimumf %max3A_267, %min3A_269 : vector<16xf32>
      %convert_element_type3A_271 = arith.fptosi %min3A_270 : vector<16xf32> to vector<16xi32>
      %convert_element_type3A_272 = arith.sitofp %convert_element_type3A_271 : vector<16xi32> to vector<16xf32>
      %mul3A_273 = arith.constant 9.765625E-4 : f32
      %mul3A_274 = vector.broadcast %mul3A_273 : f32 to vector<16xf32>
      %mul3A_275 = arith.mulf %convert_element_type3A_272, %mul3A_274 : vector<16xf32>
      %swap3A_276 = arith.index_cast %add3A_258 : i32 to index
      %swap3A_277 = tpu.vector_load %arg7[%swap3A_276] {strides = array<i32>} : memref<16384xf32, #tpu.memory_space<vmem>>, vector<16xf32>,
      %swap3A_278 = vector.shape_cast %swap3A_277 : vector<16xf32> to vector<16xf32>
      %swap3A_279 = vector.shape_cast %mul3A_275 : vector<16xf32> to vector<16xf32>
      tpu.vector_store %arg7[%swap3A_276], %swap3A_279 {strides = array<i32>} : memref<16384xf32, #tpu.memory_space<vmem>>, vector<16xf32>,
      %add3A_280 = arith.constant 96 : i32
      %add3A_281 = arith.addi %mul3A_146, %add3A_280 : i32
      %get3A_282 = arith.index_cast %add3A_281 : i32 to index
      %get3A_283 = tpu.vector_load %arg7[%get3A_282] {strides = array<i32>} : memref<16384xf32, #tpu.memory_space<vmem>>, vector<16xf32>,
      %get3A_284 = vector.shape_cast %get3A_283 : vector<16xf32> to vector<16xf32>
      %mul3A_285 = arith.constant 1.024000e+03 : f32
      %mul3A_286 = vector.broadcast %mul3A_285 : f32 to vector<16xf32>
      %mul3A_287 = arith.mulf %get3A_284, %mul3A_286 : vector<16xf32>
      %max3A_288 = arith.constant 0.000000e+00 : f32
      %max3A_289 = vector.broadcast %max3A_288 : f32 to vector<16xf32>
      %max3A_290 = arith.maximumf %mul3A_287, %max3A_289 : vector<16xf32>
      %min3A_291 = arith.constant 1.023000e+03 : f32
      %min3A_292 = vector.broadcast %min3A_291 : f32 to vector<16xf32>
      %min3A_293 = arith.minimumf %max3A_290, %min3A_292 : vector<16xf32>
      %convert_element_type3A_294 = arith.fptosi %min3A_293 : vector<16xf32> to vector<16xi32>
      %convert_element_type3A_295 = arith.sitofp %convert_element_type3A_294 : vector<16xi32> to vector<16xf32>
      %mul3A_296 = arith.constant 9.765625E-4 : f32
      %mul3A_297 = vector.broadcast %mul3A_296 : f32 to vector<16xf32>
      %mul3A_298 = arith.mulf %convert_element_type3A_295, %mul3A_297 : vector<16xf32>
      %swap3A_299 = arith.index_cast %add3A_281 : i32 to index
      %swap3A_300 = tpu.vector_load %arg7[%swap3A_299] {strides = array<i32>} : memref<16384xf32, #tpu.memory_space<vmem>>, vector<16xf32>,
      %swap3A_301 = vector.shape_cast %swap3A_300 : vector<16xf32> to vector<16xf32>
      %swap3A_302 = vector.shape_cast %mul3A_298 : vector<16xf32> to vector<16xf32>
      tpu.vector_store %arg7[%swap3A_299], %swap3A_302 {strides = array<i32>} : memref<16384xf32, #tpu.memory_space<vmem>>, vector<16xf32>,
      %add3A_303 = arith.constant 112 : i32
      %add3A_304 = arith.addi %mul3A_146, %add3A_303 : i32
      %get3A_305 = arith.index_cast %add3A_304 : i32 to index
      %get3A_306 = tpu.vector_load %arg7[%get3A_305] {strides = array<i32>} : memref<16384xf32, #tpu.memory_space<vmem>>, vector<16xf32>,
      %get3A_307 = vector.shape_cast %get3A_306 : vector<16xf32> to vector<16xf32>
      %mul3A_308 = arith.constant 1.024000e+03 : f32
      %mul3A_309 = vector.broadcast %mul3A_308 : f32 to vector<16xf32>
      %mul3A_310 = arith.mulf %get3A_307, %mul3A_309 : vector<16xf32>
      %max3A_311 = arith.constant 0.000000e+00 : f32
      %max3A_312 = vector.broadcast %max3A_311 : f32 to vector<16xf32>
      %max3A_313 = arith.maximumf %mul3A_310, %max3A_312 : vector<16xf32>
      %min3A_314 = arith.constant 1.023000e+03 : f32
      %min3A_315 = vector.broadcast %min3A_314 : f32 to vector<16xf32>
      %min3A_316 = arith.minimumf %max3A_313, %min3A_315 : vector<16xf32>
      %convert_element_type3A_317 = arith.fptosi %min3A_316 : vector<16xf32> to vector<16xi32>
      %convert_element_type3A_318 = arith.sitofp %convert_element_type3A_317 : vector<16xi32> to vector<16xf32>
      %mul3A_319 = arith.constant 9.765625E-4 : f32
      %mul3A_320 = vector.broadcast %mul3A_319 : f32 to vector<16xf32>
      %mul3A_321 = arith.mulf %convert_element_type3A_318, %mul3A_320 : vector<16xf32>
      %swap3A_322 = arith.index_cast %add3A_304 : i32 to index
      %swap3A_323 = tpu.vector_load %arg7[%swap3A_322] {strides = array<i32>} : memref<16384xf32, #tpu.memory_space<vmem>>, vector<16xf32>,
      %swap3A_324 = vector.shape_cast %swap3A_323 : vector<16xf32> to vector<16xf32>
      %swap3A_325 = vector.shape_cast %mul3A_321 : vector<16xf32> to vector<16xf32>
      tpu.vector_store %arg7[%swap3A_322], %swap3A_325 {strides = array<i32>} : memref<16384xf32, #tpu.memory_space<vmem>>, vector<16xf32>,
      %add3A_326 = arith.constant 128 : i32
      %add3A_327 = arith.addi %mul3A_146, %add3A_326 : i32
      %get3A_328 = arith.index_cast %add3A_327 : i32 to index
      %get3A_329 = tpu.vector_load %arg7[%get3A_328] {strides = array<i32>} : memref<16384xf32, #tpu.memory_space<vmem>>, vector<16xf32>,
      %get3A_330 = vector.shape_cast %get3A_329 : vector<16xf32> to vector<16xf32>
      %mul3A_331 = arith.constant 1.024000e+03 : f32
      %mul3A_332 = vector.broadcast %mul3A_331 : f32 to vector<16xf32>
      %mul3A_333 = arith.mulf %get3A_330, %mul3A_332 : vector<16xf32>
      %max3A_334 = arith.constant 0.000000e+00 : f32
      %max3A_335 = vector.broadcast %max3A_334 : f32 to vector<16xf32>
      %max3A_336 = arith.maximumf %mul3A_333, %max3A_335 : vector<16xf32>
      %min3A_337 = arith.constant 1.023000e+03 : f32
      %min3A_338 = vector.broadcast %min3A_337 : f32 to vector<16xf32>
      %min3A_339 = arith.minimumf %max3A_336, %min3A_338 : vector<16xf32>
      %convert_element_type3A_340 = arith.fptosi %min3A_339 : vector<16xf32> to vector<16xi32>
      %convert_element_type3A_341 = arith.sitofp %convert_element_type3A_340 : vector<16xi32> to vector<16xf32>
      %mul3A_342 = arith.constant 9.765625E-4 : f32
      %mul3A_343 = vector.broadcast %mul3A_342 : f32 to vector<16xf32>
      %mul3A_344 = arith.mulf %convert_element_type3A_341, %mul3A_343 : vector<16xf32>
      %swap3A_345 = arith.index_cast %add3A_327 : i32 to index
      %swap3A_346 = tpu.vector_load %arg7[%swap3A_345] {strides = array<i32>} : memref<16384xf32, #tpu.memory_space<vmem>>, vector<16xf32>,
      %swap3A_347 = vector.shape_cast %swap3A_346 : vector<16xf32> to vector<16xf32>
      %swap3A_348 = vector.shape_cast %mul3A_344 : vector<16xf32> to vector<16xf32>
      tpu.vector_store %arg7[%swap3A_345], %swap3A_348 {strides = array<i32>} : memref<16384xf32, #tpu.memory_space<vmem>>, vector<16xf32>,
      %add3A_349 = arith.constant 144 : i32
      %add3A_350 = arith.addi %mul3A_146, %add3A_349 : i32
      %get3A_351 = arith.index_cast %add3A_350 : i32 to index
      %get3A_352 = tpu.vector_load %arg7[%get3A_351] {strides = array<i32>} : memref<16384xf32, #tpu.memory_space<vmem>>, vector<16xf32>,
      %get3A_353 = vector.shape_cast %get3A_352 : vector<16xf32> to vector<16xf32>
      %mul3A_354 = arith.constant 1.024000e+03 : f32
      %mul3A_355 = vector.broadcast %mul3A_354 : f32 to vector<16xf32>
      %mul3A_356 = arith.mulf %get3A_353, %mul3A_355 : vector<16xf32>
      %max3A_357 = arith.constant 0.000000e+00 : f32
      %max3A_358 = vector.broadcast %max3A_357 : f32 to vector<16xf32>
      %max3A_359 = arith.maximumf %mul3A_356, %max3A_358 : vector<16xf32>
      %min3A_360 = arith.constant 1.023000e+03 : f32
      %min3A_361 = vector.broadcast %min3A_360 : f32 to vector<16xf32>
      %min3A_362 = arith.minimumf %max3A_359, %min3A_361 : vector<16xf32>
      %convert_element_type3A_363 = arith.fptosi %min3A_362 : vector<16xf32> to vector<16xi32>
      %convert_element_type3A_364 = arith.sitofp %convert_element_type3A_363 : vector<16xi32> to vector<16xf32>
      %mul3A_365 = arith.constant 9.765625E-4 : f32
      %mul3A_366 = vector.broadcast %mul3A_365 : f32 to vector<16xf32>
      %mul3A_367 = arith.mulf %convert_element_type3A_364, %mul3A_366 : vector<16xf32>
      %swap3A_368 = arith.index_cast %add3A_350 : i32 to index
      %swap3A_369 = tpu.vector_load %arg7[%swap3A_368] {strides = array<i32>} : memref<16384xf32, #tpu.memory_space<vmem>>, vector<16xf32>,
      %swap3A_370 = vector.shape_cast %swap3A_369 : vector<16xf32> to vector<16xf32>
      %swap3A_371 = vector.shape_cast %mul3A_367 : vector<16xf32> to vector<16xf32>
      tpu.vector_store %arg7[%swap3A_368], %swap3A_371 {strides = array<i32>} : memref<16384xf32, #tpu.memory_space<vmem>>, vector<16xf32>,
      %add3A_372 = arith.constant 160 : i32
      %add3A_373 = arith.addi %mul3A_146, %add3A_372 : i32
      %get3A_374 = arith.index_cast %add3A_373 : i32 to index
      %get3A_375 = tpu.vector_load %arg7[%get3A_374] {strides = array<i32>} : memref<16384xf32, #tpu.memory_space<vmem>>, vector<16xf32>,
      %get3A_376 = vector.shape_cast %get3A_375 : vector<16xf32> to vector<16xf32>
      %mul3A_377 = arith.constant 1.024000e+03 : f32
      %mul3A_378 = vector.broadcast %mul3A_377 : f32 to vector<16xf32>
      %mul3A_379 = arith.mulf %get3A_376, %mul3A_378 : vector<16xf32>
      %max3A_380 = arith.constant 0.000000e+00 : f32
      %max3A_381 = vector.broadcast %max3A_380 : f32 to vector<16xf32>
      %max3A_382 = arith.maximumf %mul3A_379, %max3A_381 : vector<16xf32>
      %min3A_383 = arith.constant 1.023000e+03 : f32
      %min3A_384 = vector.broadcast %min3A_383 : f32 to vector<16xf32>
      %min3A_385 = arith.minimumf %max3A_382, %min3A_384 : vector<16xf32>
      %convert_element_type3A_386 = arith.fptosi %min3A_385 : vector<16xf32> to vector<16xi32>
      %convert_element_type3A_387 = arith.sitofp %convert_element_type3A_386 : vector<16xi32> to vector<16xf32>
      %mul3A_388 = arith.constant 9.765625E-4 : f32
      %mul3A_389 = vector.broadcast %mul3A_388 : f32 to vector<16xf32>
      %mul3A_390 = arith.mulf %convert_element_type3A_387, %mul3A_389 : vector<16xf32>
      %swap3A_391 = arith.index_cast %add3A_373 : i32 to index
      %swap3A_392 = tpu.vector_load %arg7[%swap3A_391] {strides = array<i32>} : memref<16384xf32, #tpu.memory_space<vmem>>, vector<16xf32>,
      %swap3A_393 = vector.shape_cast %swap3A_392 : vector<16xf32> to vector<16xf32>
      %swap3A_394 = vector.shape_cast %mul3A_390 : vector<16xf32> to vector<16xf32>
      tpu.vector_store %arg7[%swap3A_391], %swap3A_394 {strides = array<i32>} : memref<16384xf32, #tpu.memory_space<vmem>>, vector<16xf32>,
      %add3A_395 = arith.constant 176 : i32
      %add3A_396 = arith.addi %mul3A_146, %add3A_395 : i32
      %get3A_397 = arith.index_cast %add3A_396 : i32 to index
      %get3A_398 = tpu.vector_load %arg7[%get3A_397] {strides = array<i32>} : memref<16384xf32, #tpu.memory_space<vmem>>, vector<16xf32>,
      %get3A_399 = vector.shape_cast %get3A_398 : vector<16xf32> to vector<16xf32>
      %mul3A_400 = arith.constant 1.024000e+03 : f32
      %mul3A_401 = vector.broadcast %mul3A_400 : f32 to vector<16xf32>
      %mul3A_402 = arith.mulf %get3A_399, %mul3A_401 : vector<16xf32>
      %max3A_403 = arith.constant 0.000000e+00 : f32
      %max3A_404 = vector.broadcast %max3A_403 : f32 to vector<16xf32>
      %max3A_405 = arith.maximumf %mul3A_402, %max3A_404 : vector<16xf32>
      %min3A_406 = arith.constant 1.023000e+03 : f32
      %min3A_407 = vector.broadcast %min3A_406 : f32 to vector<16xf32>
      %min3A_408 = arith.minimumf %max3A_405, %min3A_407 : vector<16xf32>
      %convert_element_type3A_409 = arith.fptosi %min3A_408 : vector<16xf32> to vector<16xi32>
      %convert_element_type3A_410 = arith.sitofp %convert_element_type3A_409 : vector<16xi32> to vector<16xf32>
      %mul3A_411 = arith.constant 9.765625E-4 : f32
      %mul3A_412 = vector.broadcast %mul3A_411 : f32 to vector<16xf32>
      %mul3A_413 = arith.mulf %convert_element_type3A_410, %mul3A_412 : vector<16xf32>
      %swap3A_414 = arith.index_cast %add3A_396 : i32 to index
      %swap3A_415 = tpu.vector_load %arg7[%swap3A_414] {strides = array<i32>} : memref<16384xf32, #tpu.memory_space<vmem>>, vector<16xf32>,
      %swap3A_416 = vector.shape_cast %swap3A_415 : vector<16xf32> to vector<16xf32>
      %swap3A_417 = vector.shape_cast %mul3A_413 : vector<16xf32> to vector<16xf32>
      tpu.vector_store %arg7[%swap3A_414], %swap3A_417 {strides = array<i32>} : memref<16384xf32, #tpu.memory_space<vmem>>, vector<16xf32>,
      %add3A_418 = arith.constant 192 : i32
      %add3A_419 = arith.addi %mul3A_146, %add3A_418 : i32
      %get3A_420 = arith.index_cast %add3A_419 : i32 to index
      %get3A_421 = tpu.vector_load %arg7[%get3A_420] {strides = array<i32>} : memref<16384xf32, #tpu.memory_space<vmem>>, vector<16xf32>,
      %get3A_422 = vector.shape_cast %get3A_421 : vector<16xf32> to vector<16xf32>
      %mul3A_423 = arith.constant 1.024000e+03 : f32
      %mul3A_424 = vector.broadcast %mul3A_423 : f32 to vector<16xf32>
      %mul3A_425 = arith.mulf %get3A_422, %mul3A_424 : vector<16xf32>
      %max3A_426 = arith.constant 0.000000e+00 : f32
      %max3A_427 = vector.broadcast %max3A_426 : f32 to vector<16xf32>
      %max3A_428 = arith.maximumf %mul3A_425, %max3A_427 : vector<16xf32>
      %min3A_429 = arith.constant 1.023000e+03 : f32
      %min3A_430 = vector.broadcast %min3A_429 : f32 to vector<16xf32>
      %min3A_431 = arith.minimumf %max3A_428, %min3A_430 : vector<16xf32>
      %convert_element_type3A_432 = arith.fptosi %min3A_431 : vector<16xf32> to vector<16xi32>
      %convert_element_type3A_433 = arith.sitofp %convert_element_type3A_432 : vector<16xi32> to vector<16xf32>
      %mul3A_434 = arith.constant 9.765625E-4 : f32
      %mul3A_435 = vector.broadcast %mul3A_434 : f32 to vector<16xf32>
      %mul3A_436 = arith.mulf %convert_element_type3A_433, %mul3A_435 : vector<16xf32>
      %swap3A_437 = arith.index_cast %add3A_419 : i32 to index
      %swap3A_438 = tpu.vector_load %arg7[%swap3A_437] {strides = array<i32>} : memref<16384xf32, #tpu.memory_space<vmem>>, vector<16xf32>,
      %swap3A_439 = vector.shape_cast %swap3A_438 : vector<16xf32> to vector<16xf32>
      %swap3A_440 = vector.shape_cast %mul3A_436 : vector<16xf32> to vector<16xf32>
      tpu.vector_store %arg7[%swap3A_437], %swap3A_440 {strides = array<i32>} : memref<16384xf32, #tpu.memory_space<vmem>>, vector<16xf32>,
      %add3A_441 = arith.constant 208 : i32
      %add3A_442 = arith.addi %mul3A_146, %add3A_441 : i32
      %get3A_443 = arith.index_cast %add3A_442 : i32 to index
      %get3A_444 = tpu.vector_load %arg7[%get3A_443] {strides = array<i32>} : memref<16384xf32, #tpu.memory_space<vmem>>, vector<16xf32>,
      %get3A_445 = vector.shape_cast %get3A_444 : vector<16xf32> to vector<16xf32>
      %mul3A_446 = arith.constant 1.024000e+03 : f32
      %mul3A_447 = vector.broadcast %mul3A_446 : f32 to vector<16xf32>
      %mul3A_448 = arith.mulf %get3A_445, %mul3A_447 : vector<16xf32>
      %max3A_449 = arith.constant 0.000000e+00 : f32
      %max3A_450 = vector.broadcast %max3A_449 : f32 to vector<16xf32>
      %max3A_451 = arith.maximumf %mul3A_448, %max3A_450 : vector<16xf32>
      %min3A_452 = arith.constant 1.023000e+03 : f32
      %min3A_453 = vector.broadcast %min3A_452 : f32 to vector<16xf32>
      %min3A_454 = arith.minimumf %max3A_451, %min3A_453 : vector<16xf32>
      %convert_element_type3A_455 = arith.fptosi %min3A_454 : vector<16xf32> to vector<16xi32>
      %convert_element_type3A_456 = arith.sitofp %convert_element_type3A_455 : vector<16xi32> to vector<16xf32>
      %mul3A_457 = arith.constant 9.765625E-4 : f32
      %mul3A_458 = vector.broadcast %mul3A_457 : f32 to vector<16xf32>
      %mul3A_459 = arith.mulf %convert_element_type3A_456, %mul3A_458 : vector<16xf32>
      %swap3A_460 = arith.index_cast %add3A_442 : i32 to index
      %swap3A_461 = tpu.vector_load %arg7[%swap3A_460] {strides = array<i32>} : memref<16384xf32, #tpu.memory_space<vmem>>, vector<16xf32>,
      %swap3A_462 = vector.shape_cast %swap3A_461 : vector<16xf32> to vector<16xf32>
      %swap3A_463 = vector.shape_cast %mul3A_459 : vector<16xf32> to vector<16xf32>
      tpu.vector_store %arg7[%swap3A_460], %swap3A_463 {strides = array<i32>} : memref<16384xf32, #tpu.memory_space<vmem>>, vector<16xf32>,
      %add3A_464 = arith.constant 224 : i32
      %add3A_465 = arith.addi %mul3A_146, %add3A_464 : i32
      %get3A_466 = arith.index_cast %add3A_465 : i32 to index
      %get3A_467 = tpu.vector_load %arg7[%get3A_466] {strides = array<i32>} : memref<16384xf32, #tpu.memory_space<vmem>>, vector<16xf32>,
      %get3A_468 = vector.shape_cast %get3A_467 : vector<16xf32> to vector<16xf32>
      %mul3A_469 = arith.constant 1.024000e+03 : f32
      %mul3A_470 = vector.broadcast %mul3A_469 : f32 to vector<16xf32>
      %mul3A_471 = arith.mulf %get3A_468, %mul3A_470 : vector<16xf32>
      %max3A_472 = arith.constant 0.000000e+00 : f32
      %max3A_473 = vector.broadcast %max3A_472 : f32 to vector<16xf32>
      %max3A_474 = arith.maximumf %mul3A_471, %max3A_473 : vector<16xf32>
      %min3A_475 = arith.constant 1.023000e+03 : f32
      %min3A_476 = vector.broadcast %min3A_475 : f32 to vector<16xf32>
      %min3A_477 = arith.minimumf %max3A_474, %min3A_476 : vector<16xf32>
      %convert_element_type3A_478 = arith.fptosi %min3A_477 : vector<16xf32> to vector<16xi32>
      %convert_element_type3A_479 = arith.sitofp %convert_element_type3A_478 : vector<16xi32> to vector<16xf32>
      %mul3A_480 = arith.constant 9.765625E-4 : f32
      %mul3A_481 = vector.broadcast %mul3A_480 : f32 to vector<16xf32>
      %mul3A_482 = arith.mulf %convert_element_type3A_479, %mul3A_481 : vector<16xf32>
      %swap3A_483 = arith.index_cast %add3A_465 : i32 to index
      %swap3A_484 = tpu.vector_load %arg7[%swap3A_483] {strides = array<i32>} : memref<16384xf32, #tpu.memory_space<vmem>>, vector<16xf32>,
      %swap3A_485 = vector.shape_cast %swap3A_484 : vector<16xf32> to vector<16xf32>
      %swap3A_486 = vector.shape_cast %mul3A_482 : vector<16xf32> to vector<16xf32>
      tpu.vector_store %arg7[%swap3A_483], %swap3A_486 {strides = array<i32>} : memref<16384xf32, #tpu.memory_space<vmem>>, vector<16xf32>,
      %add3A_487 = arith.constant 240 : i32
      %add3A_488 = arith.addi %mul3A_146, %add3A_487 : i32
      %get3A_489 = arith.index_cast %add3A_488 : i32 to index
      %get3A_490 = tpu.vector_load %arg7[%get3A_489] {strides = array<i32>} : memref<16384xf32, #tpu.memory_space<vmem>>, vector<16xf32>,
      %get3A_491 = vector.shape_cast %get3A_490 : vector<16xf32> to vector<16xf32>
      %mul3A_492 = arith.constant 1.024000e+03 : f32
      %mul3A_493 = vector.broadcast %mul3A_492 : f32 to vector<16xf32>
      %mul3A_494 = arith.mulf %get3A_491, %mul3A_493 : vector<16xf32>
      %max3A_495 = arith.constant 0.000000e+00 : f32
      %max3A_496 = vector.broadcast %max3A_495 : f32 to vector<16xf32>
      %max3A_497 = arith.maximumf %mul3A_494, %max3A_496 : vector<16xf32>
      %min3A_498 = arith.constant 1.023000e+03 : f32
      %min3A_499 = vector.broadcast %min3A_498 : f32 to vector<16xf32>
      %min3A_500 = arith.minimumf %max3A_497, %min3A_499 : vector<16xf32>
      %convert_element_type3A_501 = arith.fptosi %min3A_500 : vector<16xf32> to vector<16xi32>
      %convert_element_type3A_502 = arith.sitofp %convert_element_type3A_501 : vector<16xi32> to vector<16xf32>
      %mul3A_503 = arith.constant 9.765625E-4 : f32
      %mul3A_504 = vector.broadcast %mul3A_503 : f32 to vector<16xf32>
      %mul3A_505 = arith.mulf %convert_element_type3A_502, %mul3A_504 : vector<16xf32>
      %swap3A_506 = arith.index_cast %add3A_488 : i32 to index
      %swap3A_507 = tpu.vector_load %arg7[%swap3A_506] {strides = array<i32>} : memref<16384xf32, #tpu.memory_space<vmem>>, vector<16xf32>,
      %swap3A_508 = vector.shape_cast %swap3A_507 : vector<16xf32> to vector<16xf32>
      %swap3A_509 = vector.shape_cast %mul3A_505 : vector<16xf32> to vector<16xf32>
      tpu.vector_store %arg7[%swap3A_506], %swap3A_509 {strides = array<i32>} : memref<16384xf32, #tpu.memory_space<vmem>>, vector<16xf32>,
    }
    %scan3A_71 = arith.constant 64 : i32
    %add3A_72 = arith.constant 49152 : i32
    %add3A_73 = arith.addi %mul3A_2, %add3A_72 : i32
    %dma_start3A_74 = tpu.memref_slice %arg3[%add3A_73] : memref<4194304xf32, #tpu.memory_space<hbm>> -> memref<16384xf32, #tpu.memory_space<hbm>>
    %dma_start3A_75 = tpu.memref_slice %arg3[%add3A_73] : memref<4194304xf32, #tpu.memory_space<hbm>> -> memref<16384xf32, #tpu.memory_space<hbm>>
    tpu.enqueue_dma source(%arg7 : memref<16384xf32, #tpu.memory_space<vmem>>) target(%dma_start3A_75 : memref<16384xf32, #tpu.memory_space<hbm>>) target_semaphore(%arg15 : memref<!tpu.dma_semaphore, #tpu.memory_space<semaphore_mem>>)
    %dma_wait3A_76 = tpu.memref_slice %arg3[%add3A_55] : memref<4194304xf32, #tpu.memory_space<hbm>> -> memref<16384xf32, #tpu.memory_space<hbm>>
    %dma_wait3A_77 = tpu.memref_slice %arg3[%add3A_55] : memref<4194304xf32, #tpu.memory_space<hbm>> -> memref<16384xf32, #tpu.memory_space<hbm>>
    tpu.wait_dma2 semaphore(%arg14 : memref<!tpu.dma_semaphore, #tpu.memory_space<semaphore_mem>>) src(%arg6 : memref<16384xf32, #tpu.memory_space<vmem>>) dst(%dma_wait3A_77 : memref<16384xf32, #tpu.memory_space<hbm>>)
    %add3A_78 = arith.constant 98304 : i32
    %add3A_79 = arith.addi %mul3A_2, %add3A_78 : i32
    %dma_start3A_80 = tpu.memref_slice %arg2[%add3A_79] : memref<4194304xf32, #tpu.memory_space<hbm>> -> memref<16384xf32, #tpu.memory_space<hbm>>
    %dma_start3A_81 = tpu.memref_slice %arg2[%add3A_79] : memref<4194304xf32, #tpu.memory_space<hbm>> -> memref<16384xf32, #tpu.memory_space<hbm>>
    tpu.enqueue_dma source(%dma_start3A_81 : memref<16384xf32, #tpu.memory_space<hbm>>) target(%arg6 : memref<16384xf32, #tpu.memory_space<vmem>>) target_semaphore(%arg10 : memref<!tpu.dma_semaphore, #tpu.memory_space<semaphore_mem>>)
    %dma_wait3A_82 = tpu.memref_slice %arg2[%add3A_43] : memref<4194304xf32, #tpu.memory_space<hbm>> -> memref<16384xf32, #tpu.memory_space<hbm>>
    %dma_wait3A_83 = tpu.memref_slice %arg2[%add3A_43] : memref<4194304xf32, #tpu.memory_space<hbm>> -> memref<16384xf32, #tpu.memory_space<hbm>>
    tpu.wait_dma2 semaphore(%arg8 : memref<!tpu.dma_semaphore, #tpu.memory_space<semaphore_mem>>) src(%dma_wait3A_83 : memref<16384xf32, #tpu.memory_space<hbm>>) dst(%arg4 : memref<16384xf32, #tpu.memory_space<vmem>>)
    %scan3A_84 = arith.constant 0 : i32
    %scan3A_85 = arith.constant 0 : i32
    %scan3A_86 = arith.constant 64 : i32
    %scan3A_87 = arith.addi %scan3A_85, %scan3A_86 : i32
    %scan3A_88 = arith.constant 1 : i32
    scf.for %scan3A_144 = %scan3A_85 to %scan3A_87 step %scan3A_88  : i32 {
      %mul3A_145 = arith.constant 256 : i32
      %mul3A_146 = arith.muli %scan3A_144, %mul3A_145 : i32
      %add3A_147 = arith.constant 0 : i32
      %add3A_148 = arith.addi %mul3A_146, %add3A_147 : i32
      %get3A = arith.index_cast %add3A_148 : i32 to index
      %get3A_149 = tpu.vector_load %arg4[%get3A] {strides = array<i32>} : memref<16384xf32, #tpu.memory_space<vmem>>, vector<16xf32>,
      %get3A_150 = vector.shape_cast %get3A_149 : vector<16xf32> to vector<16xf32>
      %mul3A_151 = arith.constant 1.024000e+03 : f32
      %mul3A_152 = vector.broadcast %mul3A_151 : f32 to vector<16xf32>
      %mul3A_153 = arith.mulf %get3A_150, %mul3A_152 : vector<16xf32>
      %max3A = arith.constant 0.000000e+00 : f32
      %max3A_154 = vector.broadcast %max3A : f32 to vector<16xf32>
      %max3A_155 = arith.maximumf %mul3A_153, %max3A_154 : vector<16xf32>
      %min3A = arith.constant 1.023000e+03 : f32
      %min3A_156 = vector.broadcast %min3A : f32 to vector<16xf32>
      %min3A_157 = arith.minimumf %max3A_155, %min3A_156 : vector<16xf32>
      %convert_element_type3A = arith.fptosi %min3A_157 : vector<16xf32> to vector<16xi32>
      %convert_element_type3A_158 = arith.sitofp %convert_element_type3A : vector<16xi32> to vector<16xf32>
      %mul3A_159 = arith.constant 9.765625E-4 : f32
      %mul3A_160 = vector.broadcast %mul3A_159 : f32 to vector<16xf32>
      %mul3A_161 = arith.mulf %convert_element_type3A_158, %mul3A_160 : vector<16xf32>
      %swap3A = arith.index_cast %add3A_148 : i32 to index
      %swap3A_162 = tpu.vector_load %arg4[%swap3A] {strides = array<i32>} : memref<16384xf32, #tpu.memory_space<vmem>>, vector<16xf32>,
      %swap3A_163 = vector.shape_cast %swap3A_162 : vector<16xf32> to vector<16xf32>
      %swap3A_164 = vector.shape_cast %mul3A_161 : vector<16xf32> to vector<16xf32>
      tpu.vector_store %arg4[%swap3A], %swap3A_164 {strides = array<i32>} : memref<16384xf32, #tpu.memory_space<vmem>>, vector<16xf32>,
      %add3A_165 = arith.constant 16 : i32
      %add3A_166 = arith.addi %mul3A_146, %add3A_165 : i32
      %get3A_167 = arith.index_cast %add3A_166 : i32 to index
      %get3A_168 = tpu.vector_load %arg4[%get3A_167] {strides = array<i32>} : memref<16384xf32, #tpu.memory_space<vmem>>, vector<16xf32>,
      %get3A_169 = vector.shape_cast %get3A_168 : vector<16xf32> to vector<16xf32>
      %mul3A_170 = arith.constant 1.024000e+03 : f32
      %mul3A_171 = vector.broadcast %mul3A_170 : f32 to vector<16xf32>
      %mul3A_172 = arith.mulf %get3A_169, %mul3A_171 : vector<16xf32>
      %max3A_173 = arith.constant 0.000000e+00 : f32
      %max3A_174 = vector.broadcast %max3A_173 : f32 to vector<16xf32>
      %max3A_175 = arith.maximumf %mul3A_172, %max3A_174 : vector<16xf32>
      %min3A_176 = arith.constant 1.023000e+03 : f32
      %min3A_177 = vector.broadcast %min3A_176 : f32 to vector<16xf32>
      %min3A_178 = arith.minimumf %max3A_175, %min3A_177 : vector<16xf32>
      %convert_element_type3A_179 = arith.fptosi %min3A_178 : vector<16xf32> to vector<16xi32>
      %convert_element_type3A_180 = arith.sitofp %convert_element_type3A_179 : vector<16xi32> to vector<16xf32>
      %mul3A_181 = arith.constant 9.765625E-4 : f32
      %mul3A_182 = vector.broadcast %mul3A_181 : f32 to vector<16xf32>
      %mul3A_183 = arith.mulf %convert_element_type3A_180, %mul3A_182 : vector<16xf32>
      %swap3A_184 = arith.index_cast %add3A_166 : i32 to index
      %swap3A_185 = tpu.vector_load %arg4[%swap3A_184] {strides = array<i32>} : memref<16384xf32, #tpu.memory_space<vmem>>, vector<16xf32>,
      %swap3A_186 = vector.shape_cast %swap3A_185 : vector<16xf32> to vector<16xf32>
      %swap3A_187 = vector.shape_cast %mul3A_183 : vector<16xf32> to vector<16xf32>
      tpu.vector_store %arg4[%swap3A_184], %swap3A_187 {strides = array<i32>} : memref<16384xf32, #tpu.memory_space<vmem>>, vector<16xf32>,
      %add3A_188 = arith.constant 32 : i32
      %add3A_189 = arith.addi %mul3A_146, %add3A_188 : i32
      %get3A_190 = arith.index_cast %add3A_189 : i32 to index
      %get3A_191 = tpu.vector_load %arg4[%get3A_190] {strides = array<i32>} : memref<16384xf32, #tpu.memory_space<vmem>>, vector<16xf32>,
      %get3A_192 = vector.shape_cast %get3A_191 : vector<16xf32> to vector<16xf32>
      %mul3A_193 = arith.constant 1.024000e+03 : f32
      %mul3A_194 = vector.broadcast %mul3A_193 : f32 to vector<16xf32>
      %mul3A_195 = arith.mulf %get3A_192, %mul3A_194 : vector<16xf32>
      %max3A_196 = arith.constant 0.000000e+00 : f32
      %max3A_197 = vector.broadcast %max3A_196 : f32 to vector<16xf32>
      %max3A_198 = arith.maximumf %mul3A_195, %max3A_197 : vector<16xf32>
      %min3A_199 = arith.constant 1.023000e+03 : f32
      %min3A_200 = vector.broadcast %min3A_199 : f32 to vector<16xf32>
      %min3A_201 = arith.minimumf %max3A_198, %min3A_200 : vector<16xf32>
      %convert_element_type3A_202 = arith.fptosi %min3A_201 : vector<16xf32> to vector<16xi32>
      %convert_element_type3A_203 = arith.sitofp %convert_element_type3A_202 : vector<16xi32> to vector<16xf32>
      %mul3A_204 = arith.constant 9.765625E-4 : f32
      %mul3A_205 = vector.broadcast %mul3A_204 : f32 to vector<16xf32>
      %mul3A_206 = arith.mulf %convert_element_type3A_203, %mul3A_205 : vector<16xf32>
      %swap3A_207 = arith.index_cast %add3A_189 : i32 to index
      %swap3A_208 = tpu.vector_load %arg4[%swap3A_207] {strides = array<i32>} : memref<16384xf32, #tpu.memory_space<vmem>>, vector<16xf32>,
      %swap3A_209 = vector.shape_cast %swap3A_208 : vector<16xf32> to vector<16xf32>
      %swap3A_210 = vector.shape_cast %mul3A_206 : vector<16xf32> to vector<16xf32>
      tpu.vector_store %arg4[%swap3A_207], %swap3A_210 {strides = array<i32>} : memref<16384xf32, #tpu.memory_space<vmem>>, vector<16xf32>,
      %add3A_211 = arith.constant 48 : i32
      %add3A_212 = arith.addi %mul3A_146, %add3A_211 : i32
      %get3A_213 = arith.index_cast %add3A_212 : i32 to index
      %get3A_214 = tpu.vector_load %arg4[%get3A_213] {strides = array<i32>} : memref<16384xf32, #tpu.memory_space<vmem>>, vector<16xf32>,
      %get3A_215 = vector.shape_cast %get3A_214 : vector<16xf32> to vector<16xf32>
      %mul3A_216 = arith.constant 1.024000e+03 : f32
      %mul3A_217 = vector.broadcast %mul3A_216 : f32 to vector<16xf32>
      %mul3A_218 = arith.mulf %get3A_215, %mul3A_217 : vector<16xf32>
      %max3A_219 = arith.constant 0.000000e+00 : f32
      %max3A_220 = vector.broadcast %max3A_219 : f32 to vector<16xf32>
      %max3A_221 = arith.maximumf %mul3A_218, %max3A_220 : vector<16xf32>
      %min3A_222 = arith.constant 1.023000e+03 : f32
      %min3A_223 = vector.broadcast %min3A_222 : f32 to vector<16xf32>
      %min3A_224 = arith.minimumf %max3A_221, %min3A_223 : vector<16xf32>
      %convert_element_type3A_225 = arith.fptosi %min3A_224 : vector<16xf32> to vector<16xi32>
      %convert_element_type3A_226 = arith.sitofp %convert_element_type3A_225 : vector<16xi32> to vector<16xf32>
      %mul3A_227 = arith.constant 9.765625E-4 : f32
      %mul3A_228 = vector.broadcast %mul3A_227 : f32 to vector<16xf32>
      %mul3A_229 = arith.mulf %convert_element_type3A_226, %mul3A_228 : vector<16xf32>
      %swap3A_230 = arith.index_cast %add3A_212 : i32 to index
      %swap3A_231 = tpu.vector_load %arg4[%swap3A_230] {strides = array<i32>} : memref<16384xf32, #tpu.memory_space<vmem>>, vector<16xf32>,
      %swap3A_232 = vector.shape_cast %swap3A_231 : vector<16xf32> to vector<16xf32>
      %swap3A_233 = vector.shape_cast %mul3A_229 : vector<16xf32> to vector<16xf32>
      tpu.vector_store %arg4[%swap3A_230], %swap3A_233 {strides = array<i32>} : memref<16384xf32, #tpu.memory_space<vmem>>, vector<16xf32>,
      %add3A_234 = arith.constant 64 : i32
      %add3A_235 = arith.addi %mul3A_146, %add3A_234 : i32
      %get3A_236 = arith.index_cast %add3A_235 : i32 to index
      %get3A_237 = tpu.vector_load %arg4[%get3A_236] {strides = array<i32>} : memref<16384xf32, #tpu.memory_space<vmem>>, vector<16xf32>,
      %get3A_238 = vector.shape_cast %get3A_237 : vector<16xf32> to vector<16xf32>
      %mul3A_239 = arith.constant 1.024000e+03 : f32
      %mul3A_240 = vector.broadcast %mul3A_239 : f32 to vector<16xf32>
      %mul3A_241 = arith.mulf %get3A_238, %mul3A_240 : vector<16xf32>
      %max3A_242 = arith.constant 0.000000e+00 : f32
      %max3A_243 = vector.broadcast %max3A_242 : f32 to vector<16xf32>
      %max3A_244 = arith.maximumf %mul3A_241, %max3A_243 : vector<16xf32>
      %min3A_245 = arith.constant 1.023000e+03 : f32
      %min3A_246 = vector.broadcast %min3A_245 : f32 to vector<16xf32>
      %min3A_247 = arith.minimumf %max3A_244, %min3A_246 : vector<16xf32>
      %convert_element_type3A_248 = arith.fptosi %min3A_247 : vector<16xf32> to vector<16xi32>
      %convert_element_type3A_249 = arith.sitofp %convert_element_type3A_248 : vector<16xi32> to vector<16xf32>
      %mul3A_250 = arith.constant 9.765625E-4 : f32
      %mul3A_251 = vector.broadcast %mul3A_250 : f32 to vector<16xf32>
      %mul3A_252 = arith.mulf %convert_element_type3A_249, %mul3A_251 : vector<16xf32>
      %swap3A_253 = arith.index_cast %add3A_235 : i32 to index
      %swap3A_254 = tpu.vector_load %arg4[%swap3A_253] {strides = array<i32>} : memref<16384xf32, #tpu.memory_space<vmem>>, vector<16xf32>,
      %swap3A_255 = vector.shape_cast %swap3A_254 : vector<16xf32> to vector<16xf32>
      %swap3A_256 = vector.shape_cast %mul3A_252 : vector<16xf32> to vector<16xf32>
      tpu.vector_store %arg4[%swap3A_253], %swap3A_256 {strides = array<i32>} : memref<16384xf32, #tpu.memory_space<vmem>>, vector<16xf32>,
      %add3A_257 = arith.constant 80 : i32
      %add3A_258 = arith.addi %mul3A_146, %add3A_257 : i32
      %get3A_259 = arith.index_cast %add3A_258 : i32 to index
      %get3A_260 = tpu.vector_load %arg4[%get3A_259] {strides = array<i32>} : memref<16384xf32, #tpu.memory_space<vmem>>, vector<16xf32>,
      %get3A_261 = vector.shape_cast %get3A_260 : vector<16xf32> to vector<16xf32>
      %mul3A_262 = arith.constant 1.024000e+03 : f32
      %mul3A_263 = vector.broadcast %mul3A_262 : f32 to vector<16xf32>
      %mul3A_264 = arith.mulf %get3A_261, %mul3A_263 : vector<16xf32>
      %max3A_265 = arith.constant 0.000000e+00 : f32
      %max3A_266 = vector.broadcast %max3A_265 : f32 to vector<16xf32>
      %max3A_267 = arith.maximumf %mul3A_264, %max3A_266 : vector<16xf32>
      %min3A_268 = arith.constant 1.023000e+03 : f32
      %min3A_269 = vector.broadcast %min3A_268 : f32 to vector<16xf32>
      %min3A_270 = arith.minimumf %max3A_267, %min3A_269 : vector<16xf32>
      %convert_element_type3A_271 = arith.fptosi %min3A_270 : vector<16xf32> to vector<16xi32>
      %convert_element_type3A_272 = arith.sitofp %convert_element_type3A_271 : vector<16xi32> to vector<16xf32>
      %mul3A_273 = arith.constant 9.765625E-4 : f32
      %mul3A_274 = vector.broadcast %mul3A_273 : f32 to vector<16xf32>
      %mul3A_275 = arith.mulf %convert_element_type3A_272, %mul3A_274 : vector<16xf32>
      %swap3A_276 = arith.index_cast %add3A_258 : i32 to index
      %swap3A_277 = tpu.vector_load %arg4[%swap3A_276] {strides = array<i32>} : memref<16384xf32, #tpu.memory_space<vmem>>, vector<16xf32>,
      %swap3A_278 = vector.shape_cast %swap3A_277 : vector<16xf32> to vector<16xf32>
      %swap3A_279 = vector.shape_cast %mul3A_275 : vector<16xf32> to vector<16xf32>
      tpu.vector_store %arg4[%swap3A_276], %swap3A_279 {strides = array<i32>} : memref<16384xf32, #tpu.memory_space<vmem>>, vector<16xf32>,
      %add3A_280 = arith.constant 96 : i32
      %add3A_281 = arith.addi %mul3A_146, %add3A_280 : i32
      %get3A_282 = arith.index_cast %add3A_281 : i32 to index
      %get3A_283 = tpu.vector_load %arg4[%get3A_282] {strides = array<i32>} : memref<16384xf32, #tpu.memory_space<vmem>>, vector<16xf32>,
      %get3A_284 = vector.shape_cast %get3A_283 : vector<16xf32> to vector<16xf32>
      %mul3A_285 = arith.constant 1.024000e+03 : f32
      %mul3A_286 = vector.broadcast %mul3A_285 : f32 to vector<16xf32>
      %mul3A_287 = arith.mulf %get3A_284, %mul3A_286 : vector<16xf32>
      %max3A_288 = arith.constant 0.000000e+00 : f32
      %max3A_289 = vector.broadcast %max3A_288 : f32 to vector<16xf32>
      %max3A_290 = arith.maximumf %mul3A_287, %max3A_289 : vector<16xf32>
      %min3A_291 = arith.constant 1.023000e+03 : f32
      %min3A_292 = vector.broadcast %min3A_291 : f32 to vector<16xf32>
      %min3A_293 = arith.minimumf %max3A_290, %min3A_292 : vector<16xf32>
      %convert_element_type3A_294 = arith.fptosi %min3A_293 : vector<16xf32> to vector<16xi32>
      %convert_element_type3A_295 = arith.sitofp %convert_element_type3A_294 : vector<16xi32> to vector<16xf32>
      %mul3A_296 = arith.constant 9.765625E-4 : f32
      %mul3A_297 = vector.broadcast %mul3A_296 : f32 to vector<16xf32>
      %mul3A_298 = arith.mulf %convert_element_type3A_295, %mul3A_297 : vector<16xf32>
      %swap3A_299 = arith.index_cast %add3A_281 : i32 to index
      %swap3A_300 = tpu.vector_load %arg4[%swap3A_299] {strides = array<i32>} : memref<16384xf32, #tpu.memory_space<vmem>>, vector<16xf32>,
      %swap3A_301 = vector.shape_cast %swap3A_300 : vector<16xf32> to vector<16xf32>
      %swap3A_302 = vector.shape_cast %mul3A_298 : vector<16xf32> to vector<16xf32>
      tpu.vector_store %arg4[%swap3A_299], %swap3A_302 {strides = array<i32>} : memref<16384xf32, #tpu.memory_space<vmem>>, vector<16xf32>,
      %add3A_303 = arith.constant 112 : i32
      %add3A_304 = arith.addi %mul3A_146, %add3A_303 : i32
      %get3A_305 = arith.index_cast %add3A_304 : i32 to index
      %get3A_306 = tpu.vector_load %arg4[%get3A_305] {strides = array<i32>} : memref<16384xf32, #tpu.memory_space<vmem>>, vector<16xf32>,
      %get3A_307 = vector.shape_cast %get3A_306 : vector<16xf32> to vector<16xf32>
      %mul3A_308 = arith.constant 1.024000e+03 : f32
      %mul3A_309 = vector.broadcast %mul3A_308 : f32 to vector<16xf32>
      %mul3A_310 = arith.mulf %get3A_307, %mul3A_309 : vector<16xf32>
      %max3A_311 = arith.constant 0.000000e+00 : f32
      %max3A_312 = vector.broadcast %max3A_311 : f32 to vector<16xf32>
      %max3A_313 = arith.maximumf %mul3A_310, %max3A_312 : vector<16xf32>
      %min3A_314 = arith.constant 1.023000e+03 : f32
      %min3A_315 = vector.broadcast %min3A_314 : f32 to vector<16xf32>
      %min3A_316 = arith.minimumf %max3A_313, %min3A_315 : vector<16xf32>
      %convert_element_type3A_317 = arith.fptosi %min3A_316 : vector<16xf32> to vector<16xi32>
      %convert_element_type3A_318 = arith.sitofp %convert_element_type3A_317 : vector<16xi32> to vector<16xf32>
      %mul3A_319 = arith.constant 9.765625E-4 : f32
      %mul3A_320 = vector.broadcast %mul3A_319 : f32 to vector<16xf32>
      %mul3A_321 = arith.mulf %convert_element_type3A_318, %mul3A_320 : vector<16xf32>
      %swap3A_322 = arith.index_cast %add3A_304 : i32 to index
      %swap3A_323 = tpu.vector_load %arg4[%swap3A_322] {strides = array<i32>} : memref<16384xf32, #tpu.memory_space<vmem>>, vector<16xf32>,
      %swap3A_324 = vector.shape_cast %swap3A_323 : vector<16xf32> to vector<16xf32>
      %swap3A_325 = vector.shape_cast %mul3A_321 : vector<16xf32> to vector<16xf32>
      tpu.vector_store %arg4[%swap3A_322], %swap3A_325 {strides = array<i32>} : memref<16384xf32, #tpu.memory_space<vmem>>, vector<16xf32>,
      %add3A_326 = arith.constant 128 : i32
      %add3A_327 = arith.addi %mul3A_146, %add3A_326 : i32
      %get3A_328 = arith.index_cast %add3A_327 : i32 to index
      %get3A_329 = tpu.vector_load %arg4[%get3A_328] {strides = array<i32>} : memref<16384xf32, #tpu.memory_space<vmem>>, vector<16xf32>,
      %get3A_330 = vector.shape_cast %get3A_329 : vector<16xf32> to vector<16xf32>
      %mul3A_331 = arith.constant 1.024000e+03 : f32
      %mul3A_332 = vector.broadcast %mul3A_331 : f32 to vector<16xf32>
      %mul3A_333 = arith.mulf %get3A_330, %mul3A_332 : vector<16xf32>
      %max3A_334 = arith.constant 0.000000e+00 : f32
      %max3A_335 = vector.broadcast %max3A_334 : f32 to vector<16xf32>
      %max3A_336 = arith.maximumf %mul3A_333, %max3A_335 : vector<16xf32>
      %min3A_337 = arith.constant 1.023000e+03 : f32
      %min3A_338 = vector.broadcast %min3A_337 : f32 to vector<16xf32>
      %min3A_339 = arith.minimumf %max3A_336, %min3A_338 : vector<16xf32>
      %convert_element_type3A_340 = arith.fptosi %min3A_339 : vector<16xf32> to vector<16xi32>
      %convert_element_type3A_341 = arith.sitofp %convert_element_type3A_340 : vector<16xi32> to vector<16xf32>
      %mul3A_342 = arith.constant 9.765625E-4 : f32
      %mul3A_343 = vector.broadcast %mul3A_342 : f32 to vector<16xf32>
      %mul3A_344 = arith.mulf %convert_element_type3A_341, %mul3A_343 : vector<16xf32>
      %swap3A_345 = arith.index_cast %add3A_327 : i32 to index
      %swap3A_346 = tpu.vector_load %arg4[%swap3A_345] {strides = array<i32>} : memref<16384xf32, #tpu.memory_space<vmem>>, vector<16xf32>,
      %swap3A_347 = vector.shape_cast %swap3A_346 : vector<16xf32> to vector<16xf32>
      %swap3A_348 = vector.shape_cast %mul3A_344 : vector<16xf32> to vector<16xf32>
      tpu.vector_store %arg4[%swap3A_345], %swap3A_348 {strides = array<i32>} : memref<16384xf32, #tpu.memory_space<vmem>>, vector<16xf32>,
      %add3A_349 = arith.constant 144 : i32
      %add3A_350 = arith.addi %mul3A_146, %add3A_349 : i32
      %get3A_351 = arith.index_cast %add3A_350 : i32 to index
      %get3A_352 = tpu.vector_load %arg4[%get3A_351] {strides = array<i32>} : memref<16384xf32, #tpu.memory_space<vmem>>, vector<16xf32>,
      %get3A_353 = vector.shape_cast %get3A_352 : vector<16xf32> to vector<16xf32>
      %mul3A_354 = arith.constant 1.024000e+03 : f32
      %mul3A_355 = vector.broadcast %mul3A_354 : f32 to vector<16xf32>
      %mul3A_356 = arith.mulf %get3A_353, %mul3A_355 : vector<16xf32>
      %max3A_357 = arith.constant 0.000000e+00 : f32
      %max3A_358 = vector.broadcast %max3A_357 : f32 to vector<16xf32>
      %max3A_359 = arith.maximumf %mul3A_356, %max3A_358 : vector<16xf32>
      %min3A_360 = arith.constant 1.023000e+03 : f32
      %min3A_361 = vector.broadcast %min3A_360 : f32 to vector<16xf32>
      %min3A_362 = arith.minimumf %max3A_359, %min3A_361 : vector<16xf32>
      %convert_element_type3A_363 = arith.fptosi %min3A_362 : vector<16xf32> to vector<16xi32>
      %convert_element_type3A_364 = arith.sitofp %convert_element_type3A_363 : vector<16xi32> to vector<16xf32>
      %mul3A_365 = arith.constant 9.765625E-4 : f32
      %mul3A_366 = vector.broadcast %mul3A_365 : f32 to vector<16xf32>
      %mul3A_367 = arith.mulf %convert_element_type3A_364, %mul3A_366 : vector<16xf32>
      %swap3A_368 = arith.index_cast %add3A_350 : i32 to index
      %swap3A_369 = tpu.vector_load %arg4[%swap3A_368] {strides = array<i32>} : memref<16384xf32, #tpu.memory_space<vmem>>, vector<16xf32>,
      %swap3A_370 = vector.shape_cast %swap3A_369 : vector<16xf32> to vector<16xf32>
      %swap3A_371 = vector.shape_cast %mul3A_367 : vector<16xf32> to vector<16xf32>
      tpu.vector_store %arg4[%swap3A_368], %swap3A_371 {strides = array<i32>} : memref<16384xf32, #tpu.memory_space<vmem>>, vector<16xf32>,
      %add3A_372 = arith.constant 160 : i32
      %add3A_373 = arith.addi %mul3A_146, %add3A_372 : i32
      %get3A_374 = arith.index_cast %add3A_373 : i32 to index
      %get3A_375 = tpu.vector_load %arg4[%get3A_374] {strides = array<i32>} : memref<16384xf32, #tpu.memory_space<vmem>>, vector<16xf32>,
      %get3A_376 = vector.shape_cast %get3A_375 : vector<16xf32> to vector<16xf32>
      %mul3A_377 = arith.constant 1.024000e+03 : f32
      %mul3A_378 = vector.broadcast %mul3A_377 : f32 to vector<16xf32>
      %mul3A_379 = arith.mulf %get3A_376, %mul3A_378 : vector<16xf32>
      %max3A_380 = arith.constant 0.000000e+00 : f32
      %max3A_381 = vector.broadcast %max3A_380 : f32 to vector<16xf32>
      %max3A_382 = arith.maximumf %mul3A_379, %max3A_381 : vector<16xf32>
      %min3A_383 = arith.constant 1.023000e+03 : f32
      %min3A_384 = vector.broadcast %min3A_383 : f32 to vector<16xf32>
      %min3A_385 = arith.minimumf %max3A_382, %min3A_384 : vector<16xf32>
      %convert_element_type3A_386 = arith.fptosi %min3A_385 : vector<16xf32> to vector<16xi32>
      %convert_element_type3A_387 = arith.sitofp %convert_element_type3A_386 : vector<16xi32> to vector<16xf32>
      %mul3A_388 = arith.constant 9.765625E-4 : f32
      %mul3A_389 = vector.broadcast %mul3A_388 : f32 to vector<16xf32>
      %mul3A_390 = arith.mulf %convert_element_type3A_387, %mul3A_389 : vector<16xf32>
      %swap3A_391 = arith.index_cast %add3A_373 : i32 to index
      %swap3A_392 = tpu.vector_load %arg4[%swap3A_391] {strides = array<i32>} : memref<16384xf32, #tpu.memory_space<vmem>>, vector<16xf32>,
      %swap3A_393 = vector.shape_cast %swap3A_392 : vector<16xf32> to vector<16xf32>
      %swap3A_394 = vector.shape_cast %mul3A_390 : vector<16xf32> to vector<16xf32>
      tpu.vector_store %arg4[%swap3A_391], %swap3A_394 {strides = array<i32>} : memref<16384xf32, #tpu.memory_space<vmem>>, vector<16xf32>,
      %add3A_395 = arith.constant 176 : i32
      %add3A_396 = arith.addi %mul3A_146, %add3A_395 : i32
      %get3A_397 = arith.index_cast %add3A_396 : i32 to index
      %get3A_398 = tpu.vector_load %arg4[%get3A_397] {strides = array<i32>} : memref<16384xf32, #tpu.memory_space<vmem>>, vector<16xf32>,
      %get3A_399 = vector.shape_cast %get3A_398 : vector<16xf32> to vector<16xf32>
      %mul3A_400 = arith.constant 1.024000e+03 : f32
      %mul3A_401 = vector.broadcast %mul3A_400 : f32 to vector<16xf32>
      %mul3A_402 = arith.mulf %get3A_399, %mul3A_401 : vector<16xf32>
      %max3A_403 = arith.constant 0.000000e+00 : f32
      %max3A_404 = vector.broadcast %max3A_403 : f32 to vector<16xf32>
      %max3A_405 = arith.maximumf %mul3A_402, %max3A_404 : vector<16xf32>
      %min3A_406 = arith.constant 1.023000e+03 : f32
      %min3A_407 = vector.broadcast %min3A_406 : f32 to vector<16xf32>
      %min3A_408 = arith.minimumf %max3A_405, %min3A_407 : vector<16xf32>
      %convert_element_type3A_409 = arith.fptosi %min3A_408 : vector<16xf32> to vector<16xi32>
      %convert_element_type3A_410 = arith.sitofp %convert_element_type3A_409 : vector<16xi32> to vector<16xf32>
      %mul3A_411 = arith.constant 9.765625E-4 : f32
      %mul3A_412 = vector.broadcast %mul3A_411 : f32 to vector<16xf32>
      %mul3A_413 = arith.mulf %convert_element_type3A_410, %mul3A_412 : vector<16xf32>
      %swap3A_414 = arith.index_cast %add3A_396 : i32 to index
      %swap3A_415 = tpu.vector_load %arg4[%swap3A_414] {strides = array<i32>} : memref<16384xf32, #tpu.memory_space<vmem>>, vector<16xf32>,
      %swap3A_416 = vector.shape_cast %swap3A_415 : vector<16xf32> to vector<16xf32>
      %swap3A_417 = vector.shape_cast %mul3A_413 : vector<16xf32> to vector<16xf32>
      tpu.vector_store %arg4[%swap3A_414], %swap3A_417 {strides = array<i32>} : memref<16384xf32, #tpu.memory_space<vmem>>, vector<16xf32>,
      %add3A_418 = arith.constant 192 : i32
      %add3A_419 = arith.addi %mul3A_146, %add3A_418 : i32
      %get3A_420 = arith.index_cast %add3A_419 : i32 to index
      %get3A_421 = tpu.vector_load %arg4[%get3A_420] {strides = array<i32>} : memref<16384xf32, #tpu.memory_space<vmem>>, vector<16xf32>,
      %get3A_422 = vector.shape_cast %get3A_421 : vector<16xf32> to vector<16xf32>
      %mul3A_423 = arith.constant 1.024000e+03 : f32
      %mul3A_424 = vector.broadcast %mul3A_423 : f32 to vector<16xf32>
      %mul3A_425 = arith.mulf %get3A_422, %mul3A_424 : vector<16xf32>
      %max3A_426 = arith.constant 0.000000e+00 : f32
      %max3A_427 = vector.broadcast %max3A_426 : f32 to vector<16xf32>
      %max3A_428 = arith.maximumf %mul3A_425, %max3A_427 : vector<16xf32>
      %min3A_429 = arith.constant 1.023000e+03 : f32
      %min3A_430 = vector.broadcast %min3A_429 : f32 to vector<16xf32>
      %min3A_431 = arith.minimumf %max3A_428, %min3A_430 : vector<16xf32>
      %convert_element_type3A_432 = arith.fptosi %min3A_431 : vector<16xf32> to vector<16xi32>
      %convert_element_type3A_433 = arith.sitofp %convert_element_type3A_432 : vector<16xi32> to vector<16xf32>
      %mul3A_434 = arith.constant 9.765625E-4 : f32
      %mul3A_435 = vector.broadcast %mul3A_434 : f32 to vector<16xf32>
      %mul3A_436 = arith.mulf %convert_element_type3A_433, %mul3A_435 : vector<16xf32>
      %swap3A_437 = arith.index_cast %add3A_419 : i32 to index
      %swap3A_438 = tpu.vector_load %arg4[%swap3A_437] {strides = array<i32>} : memref<16384xf32, #tpu.memory_space<vmem>>, vector<16xf32>,
      %swap3A_439 = vector.shape_cast %swap3A_438 : vector<16xf32> to vector<16xf32>
      %swap3A_440 = vector.shape_cast %mul3A_436 : vector<16xf32> to vector<16xf32>
      tpu.vector_store %arg4[%swap3A_437], %swap3A_440 {strides = array<i32>} : memref<16384xf32, #tpu.memory_space<vmem>>, vector<16xf32>,
      %add3A_441 = arith.constant 208 : i32
      %add3A_442 = arith.addi %mul3A_146, %add3A_441 : i32
      %get3A_443 = arith.index_cast %add3A_442 : i32 to index
      %get3A_444 = tpu.vector_load %arg4[%get3A_443] {strides = array<i32>} : memref<16384xf32, #tpu.memory_space<vmem>>, vector<16xf32>,
      %get3A_445 = vector.shape_cast %get3A_444 : vector<16xf32> to vector<16xf32>
      %mul3A_446 = arith.constant 1.024000e+03 : f32
      %mul3A_447 = vector.broadcast %mul3A_446 : f32 to vector<16xf32>
      %mul3A_448 = arith.mulf %get3A_445, %mul3A_447 : vector<16xf32>
      %max3A_449 = arith.constant 0.000000e+00 : f32
      %max3A_450 = vector.broadcast %max3A_449 : f32 to vector<16xf32>
      %max3A_451 = arith.maximumf %mul3A_448, %max3A_450 : vector<16xf32>
      %min3A_452 = arith.constant 1.023000e+03 : f32
      %min3A_453 = vector.broadcast %min3A_452 : f32 to vector<16xf32>
      %min3A_454 = arith.minimumf %max3A_451, %min3A_453 : vector<16xf32>
      %convert_element_type3A_455 = arith.fptosi %min3A_454 : vector<16xf32> to vector<16xi32>
      %convert_element_type3A_456 = arith.sitofp %convert_element_type3A_455 : vector<16xi32> to vector<16xf32>
      %mul3A_457 = arith.constant 9.765625E-4 : f32
      %mul3A_458 = vector.broadcast %mul3A_457 : f32 to vector<16xf32>
      %mul3A_459 = arith.mulf %convert_element_type3A_456, %mul3A_458 : vector<16xf32>
      %swap3A_460 = arith.index_cast %add3A_442 : i32 to index
      %swap3A_461 = tpu.vector_load %arg4[%swap3A_460] {strides = array<i32>} : memref<16384xf32, #tpu.memory_space<vmem>>, vector<16xf32>,
      %swap3A_462 = vector.shape_cast %swap3A_461 : vector<16xf32> to vector<16xf32>
      %swap3A_463 = vector.shape_cast %mul3A_459 : vector<16xf32> to vector<16xf32>
      tpu.vector_store %arg4[%swap3A_460], %swap3A_463 {strides = array<i32>} : memref<16384xf32, #tpu.memory_space<vmem>>, vector<16xf32>,
      %add3A_464 = arith.constant 224 : i32
      %add3A_465 = arith.addi %mul3A_146, %add3A_464 : i32
      %get3A_466 = arith.index_cast %add3A_465 : i32 to index
      %get3A_467 = tpu.vector_load %arg4[%get3A_466] {strides = array<i32>} : memref<16384xf32, #tpu.memory_space<vmem>>, vector<16xf32>,
      %get3A_468 = vector.shape_cast %get3A_467 : vector<16xf32> to vector<16xf32>
      %mul3A_469 = arith.constant 1.024000e+03 : f32
      %mul3A_470 = vector.broadcast %mul3A_469 : f32 to vector<16xf32>
      %mul3A_471 = arith.mulf %get3A_468, %mul3A_470 : vector<16xf32>
      %max3A_472 = arith.constant 0.000000e+00 : f32
      %max3A_473 = vector.broadcast %max3A_472 : f32 to vector<16xf32>
      %max3A_474 = arith.maximumf %mul3A_471, %max3A_473 : vector<16xf32>
      %min3A_475 = arith.constant 1.023000e+03 : f32
      %min3A_476 = vector.broadcast %min3A_475 : f32 to vector<16xf32>
      %min3A_477 = arith.minimumf %max3A_474, %min3A_476 : vector<16xf32>
      %convert_element_type3A_478 = arith.fptosi %min3A_477 : vector<16xf32> to vector<16xi32>
      %convert_element_type3A_479 = arith.sitofp %convert_element_type3A_478 : vector<16xi32> to vector<16xf32>
      %mul3A_480 = arith.constant 9.765625E-4 : f32
      %mul3A_481 = vector.broadcast %mul3A_480 : f32 to vector<16xf32>
      %mul3A_482 = arith.mulf %convert_element_type3A_479, %mul3A_481 : vector<16xf32>
      %swap3A_483 = arith.index_cast %add3A_465 : i32 to index
      %swap3A_484 = tpu.vector_load %arg4[%swap3A_483] {strides = array<i32>} : memref<16384xf32, #tpu.memory_space<vmem>>, vector<16xf32>,
      %swap3A_485 = vector.shape_cast %swap3A_484 : vector<16xf32> to vector<16xf32>
      %swap3A_486 = vector.shape_cast %mul3A_482 : vector<16xf32> to vector<16xf32>
      tpu.vector_store %arg4[%swap3A_483], %swap3A_486 {strides = array<i32>} : memref<16384xf32, #tpu.memory_space<vmem>>, vector<16xf32>,
      %add3A_487 = arith.constant 240 : i32
      %add3A_488 = arith.addi %mul3A_146, %add3A_487 : i32
      %get3A_489 = arith.index_cast %add3A_488 : i32 to index
      %get3A_490 = tpu.vector_load %arg4[%get3A_489] {strides = array<i32>} : memref<16384xf32, #tpu.memory_space<vmem>>, vector<16xf32>,
      %get3A_491 = vector.shape_cast %get3A_490 : vector<16xf32> to vector<16xf32>
      %mul3A_492 = arith.constant 1.024000e+03 : f32
      %mul3A_493 = vector.broadcast %mul3A_492 : f32 to vector<16xf32>
      %mul3A_494 = arith.mulf %get3A_491, %mul3A_493 : vector<16xf32>
      %max3A_495 = arith.constant 0.000000e+00 : f32
      %max3A_496 = vector.broadcast %max3A_495 : f32 to vector<16xf32>
      %max3A_497 = arith.maximumf %mul3A_494, %max3A_496 : vector<16xf32>
      %min3A_498 = arith.constant 1.023000e+03 : f32
      %min3A_499 = vector.broadcast %min3A_498 : f32 to vector<16xf32>
      %min3A_500 = arith.minimumf %max3A_497, %min3A_499 : vector<16xf32>
      %convert_element_type3A_501 = arith.fptosi %min3A_500 : vector<16xf32> to vector<16xi32>
      %convert_element_type3A_502 = arith.sitofp %convert_element_type3A_501 : vector<16xi32> to vector<16xf32>
      %mul3A_503 = arith.constant 9.765625E-4 : f32
      %mul3A_504 = vector.broadcast %mul3A_503 : f32 to vector<16xf32>
      %mul3A_505 = arith.mulf %convert_element_type3A_502, %mul3A_504 : vector<16xf32>
      %swap3A_506 = arith.index_cast %add3A_488 : i32 to index
      %swap3A_507 = tpu.vector_load %arg4[%swap3A_506] {strides = array<i32>} : memref<16384xf32, #tpu.memory_space<vmem>>, vector<16xf32>,
      %swap3A_508 = vector.shape_cast %swap3A_507 : vector<16xf32> to vector<16xf32>
      %swap3A_509 = vector.shape_cast %mul3A_505 : vector<16xf32> to vector<16xf32>
      tpu.vector_store %arg4[%swap3A_506], %swap3A_509 {strides = array<i32>} : memref<16384xf32, #tpu.memory_space<vmem>>, vector<16xf32>,
    }
    %scan3A_89 = arith.constant 64 : i32
    %add3A_90 = arith.constant 65536 : i32
    %add3A_91 = arith.addi %mul3A_2, %add3A_90 : i32
    %dma_start3A_92 = tpu.memref_slice %arg3[%add3A_91] : memref<4194304xf32, #tpu.memory_space<hbm>> -> memref<16384xf32, #tpu.memory_space<hbm>>
    %dma_start3A_93 = tpu.memref_slice %arg3[%add3A_91] : memref<4194304xf32, #tpu.memory_space<hbm>> -> memref<16384xf32, #tpu.memory_space<hbm>>
    tpu.enqueue_dma source(%arg4 : memref<16384xf32, #tpu.memory_space<vmem>>) target(%dma_start3A_93 : memref<16384xf32, #tpu.memory_space<hbm>>) target_semaphore(%arg12 : memref<!tpu.dma_semaphore, #tpu.memory_space<semaphore_mem>>)
    %dma_wait3A_94 = tpu.memref_slice %arg3[%add3A_73] : memref<4194304xf32, #tpu.memory_space<hbm>> -> memref<16384xf32, #tpu.memory_space<hbm>>
    %dma_wait3A_95 = tpu.memref_slice %arg3[%add3A_73] : memref<4194304xf32, #tpu.memory_space<hbm>> -> memref<16384xf32, #tpu.memory_space<hbm>>
    tpu.wait_dma2 semaphore(%arg15 : memref<!tpu.dma_semaphore, #tpu.memory_space<semaphore_mem>>) src(%arg7 : memref<16384xf32, #tpu.memory_space<vmem>>) dst(%dma_wait3A_95 : memref<16384xf32, #tpu.memory_space<hbm>>)
    %add3A_96 = arith.constant 114688 : i32
    %add3A_97 = arith.addi %mul3A_2, %add3A_96 : i32
    %dma_start3A_98 = tpu.memref_slice %arg2[%add3A_97] : memref<4194304xf32, #tpu.memory_space<hbm>> -> memref<16384xf32, #tpu.memory_space<hbm>>
    %dma_start3A_99 = tpu.memref_slice %arg2[%add3A_97] : memref<4194304xf32, #tpu.memory_space<hbm>> -> memref<16384xf32, #tpu.memory_space<hbm>>
    tpu.enqueue_dma source(%dma_start3A_99 : memref<16384xf32, #tpu.memory_space<hbm>>) target(%arg7 : memref<16384xf32, #tpu.memory_space<vmem>>) target_semaphore(%arg11 : memref<!tpu.dma_semaphore, #tpu.memory_space<semaphore_mem>>)
    %dma_wait3A_100 = tpu.memref_slice %arg2[%add3A_61] : memref<4194304xf32, #tpu.memory_space<hbm>> -> memref<16384xf32, #tpu.memory_space<hbm>>
    %dma_wait3A_101 = tpu.memref_slice %arg2[%add3A_61] : memref<4194304xf32, #tpu.memory_space<hbm>> -> memref<16384xf32, #tpu.memory_space<hbm>>
    tpu.wait_dma2 semaphore(%arg9 : memref<!tpu.dma_semaphore, #tpu.memory_space<semaphore_mem>>) src(%dma_wait3A_101 : memref<16384xf32, #tpu.memory_space<hbm>>) dst(%arg5 : memref<16384xf32, #tpu.memory_space<vmem>>)
    %scan3A_102 = arith.constant 0 : i32
    %scan3A_103 = arith.constant 0 : i32
    %scan3A_104 = arith.constant 64 : i32
    %scan3A_105 = arith.addi %scan3A_103, %scan3A_104 : i32
    %scan3A_106 = arith.constant 1 : i32
    scf.for %scan3A_144 = %scan3A_103 to %scan3A_105 step %scan3A_106  : i32 {
      %mul3A_145 = arith.constant 256 : i32
      %mul3A_146 = arith.muli %scan3A_144, %mul3A_145 : i32
      %add3A_147 = arith.constant 0 : i32
      %add3A_148 = arith.addi %mul3A_146, %add3A_147 : i32
      %get3A = arith.index_cast %add3A_148 : i32 to index
      %get3A_149 = tpu.vector_load %arg5[%get3A] {strides = array<i32>} : memref<16384xf32, #tpu.memory_space<vmem>>, vector<16xf32>,
      %get3A_150 = vector.shape_cast %get3A_149 : vector<16xf32> to vector<16xf32>
      %mul3A_151 = arith.constant 1.024000e+03 : f32
      %mul3A_152 = vector.broadcast %mul3A_151 : f32 to vector<16xf32>
      %mul3A_153 = arith.mulf %get3A_150, %mul3A_152 : vector<16xf32>
      %max3A = arith.constant 0.000000e+00 : f32
      %max3A_154 = vector.broadcast %max3A : f32 to vector<16xf32>
      %max3A_155 = arith.maximumf %mul3A_153, %max3A_154 : vector<16xf32>
      %min3A = arith.constant 1.023000e+03 : f32
      %min3A_156 = vector.broadcast %min3A : f32 to vector<16xf32>
      %min3A_157 = arith.minimumf %max3A_155, %min3A_156 : vector<16xf32>
      %convert_element_type3A = arith.fptosi %min3A_157 : vector<16xf32> to vector<16xi32>
      %convert_element_type3A_158 = arith.sitofp %convert_element_type3A : vector<16xi32> to vector<16xf32>
      %mul3A_159 = arith.constant 9.765625E-4 : f32
      %mul3A_160 = vector.broadcast %mul3A_159 : f32 to vector<16xf32>
      %mul3A_161 = arith.mulf %convert_element_type3A_158, %mul3A_160 : vector<16xf32>
      %swap3A = arith.index_cast %add3A_148 : i32 to index
      %swap3A_162 = tpu.vector_load %arg5[%swap3A] {strides = array<i32>} : memref<16384xf32, #tpu.memory_space<vmem>>, vector<16xf32>,
      %swap3A_163 = vector.shape_cast %swap3A_162 : vector<16xf32> to vector<16xf32>
      %swap3A_164 = vector.shape_cast %mul3A_161 : vector<16xf32> to vector<16xf32>
      tpu.vector_store %arg5[%swap3A], %swap3A_164 {strides = array<i32>} : memref<16384xf32, #tpu.memory_space<vmem>>, vector<16xf32>,
      %add3A_165 = arith.constant 16 : i32
      %add3A_166 = arith.addi %mul3A_146, %add3A_165 : i32
      %get3A_167 = arith.index_cast %add3A_166 : i32 to index
      %get3A_168 = tpu.vector_load %arg5[%get3A_167] {strides = array<i32>} : memref<16384xf32, #tpu.memory_space<vmem>>, vector<16xf32>,
      %get3A_169 = vector.shape_cast %get3A_168 : vector<16xf32> to vector<16xf32>
      %mul3A_170 = arith.constant 1.024000e+03 : f32
      %mul3A_171 = vector.broadcast %mul3A_170 : f32 to vector<16xf32>
      %mul3A_172 = arith.mulf %get3A_169, %mul3A_171 : vector<16xf32>
      %max3A_173 = arith.constant 0.000000e+00 : f32
      %max3A_174 = vector.broadcast %max3A_173 : f32 to vector<16xf32>
      %max3A_175 = arith.maximumf %mul3A_172, %max3A_174 : vector<16xf32>
      %min3A_176 = arith.constant 1.023000e+03 : f32
      %min3A_177 = vector.broadcast %min3A_176 : f32 to vector<16xf32>
      %min3A_178 = arith.minimumf %max3A_175, %min3A_177 : vector<16xf32>
      %convert_element_type3A_179 = arith.fptosi %min3A_178 : vector<16xf32> to vector<16xi32>
      %convert_element_type3A_180 = arith.sitofp %convert_element_type3A_179 : vector<16xi32> to vector<16xf32>
      %mul3A_181 = arith.constant 9.765625E-4 : f32
      %mul3A_182 = vector.broadcast %mul3A_181 : f32 to vector<16xf32>
      %mul3A_183 = arith.mulf %convert_element_type3A_180, %mul3A_182 : vector<16xf32>
      %swap3A_184 = arith.index_cast %add3A_166 : i32 to index
      %swap3A_185 = tpu.vector_load %arg5[%swap3A_184] {strides = array<i32>} : memref<16384xf32, #tpu.memory_space<vmem>>, vector<16xf32>,
      %swap3A_186 = vector.shape_cast %swap3A_185 : vector<16xf32> to vector<16xf32>
      %swap3A_187 = vector.shape_cast %mul3A_183 : vector<16xf32> to vector<16xf32>
      tpu.vector_store %arg5[%swap3A_184], %swap3A_187 {strides = array<i32>} : memref<16384xf32, #tpu.memory_space<vmem>>, vector<16xf32>,
      %add3A_188 = arith.constant 32 : i32
      %add3A_189 = arith.addi %mul3A_146, %add3A_188 : i32
      %get3A_190 = arith.index_cast %add3A_189 : i32 to index
      %get3A_191 = tpu.vector_load %arg5[%get3A_190] {strides = array<i32>} : memref<16384xf32, #tpu.memory_space<vmem>>, vector<16xf32>,
      %get3A_192 = vector.shape_cast %get3A_191 : vector<16xf32> to vector<16xf32>
      %mul3A_193 = arith.constant 1.024000e+03 : f32
      %mul3A_194 = vector.broadcast %mul3A_193 : f32 to vector<16xf32>
      %mul3A_195 = arith.mulf %get3A_192, %mul3A_194 : vector<16xf32>
      %max3A_196 = arith.constant 0.000000e+00 : f32
      %max3A_197 = vector.broadcast %max3A_196 : f32 to vector<16xf32>
      %max3A_198 = arith.maximumf %mul3A_195, %max3A_197 : vector<16xf32>
      %min3A_199 = arith.constant 1.023000e+03 : f32
      %min3A_200 = vector.broadcast %min3A_199 : f32 to vector<16xf32>
      %min3A_201 = arith.minimumf %max3A_198, %min3A_200 : vector<16xf32>
      %convert_element_type3A_202 = arith.fptosi %min3A_201 : vector<16xf32> to vector<16xi32>
      %convert_element_type3A_203 = arith.sitofp %convert_element_type3A_202 : vector<16xi32> to vector<16xf32>
      %mul3A_204 = arith.constant 9.765625E-4 : f32
      %mul3A_205 = vector.broadcast %mul3A_204 : f32 to vector<16xf32>
      %mul3A_206 = arith.mulf %convert_element_type3A_203, %mul3A_205 : vector<16xf32>
      %swap3A_207 = arith.index_cast %add3A_189 : i32 to index
      %swap3A_208 = tpu.vector_load %arg5[%swap3A_207] {strides = array<i32>} : memref<16384xf32, #tpu.memory_space<vmem>>, vector<16xf32>,
      %swap3A_209 = vector.shape_cast %swap3A_208 : vector<16xf32> to vector<16xf32>
      %swap3A_210 = vector.shape_cast %mul3A_206 : vector<16xf32> to vector<16xf32>
      tpu.vector_store %arg5[%swap3A_207], %swap3A_210 {strides = array<i32>} : memref<16384xf32, #tpu.memory_space<vmem>>, vector<16xf32>,
      %add3A_211 = arith.constant 48 : i32
      %add3A_212 = arith.addi %mul3A_146, %add3A_211 : i32
      %get3A_213 = arith.index_cast %add3A_212 : i32 to index
      %get3A_214 = tpu.vector_load %arg5[%get3A_213] {strides = array<i32>} : memref<16384xf32, #tpu.memory_space<vmem>>, vector<16xf32>,
      %get3A_215 = vector.shape_cast %get3A_214 : vector<16xf32> to vector<16xf32>
      %mul3A_216 = arith.constant 1.024000e+03 : f32
      %mul3A_217 = vector.broadcast %mul3A_216 : f32 to vector<16xf32>
      %mul3A_218 = arith.mulf %get3A_215, %mul3A_217 : vector<16xf32>
      %max3A_219 = arith.constant 0.000000e+00 : f32
      %max3A_220 = vector.broadcast %max3A_219 : f32 to vector<16xf32>
      %max3A_221 = arith.maximumf %mul3A_218, %max3A_220 : vector<16xf32>
      %min3A_222 = arith.constant 1.023000e+03 : f32
      %min3A_223 = vector.broadcast %min3A_222 : f32 to vector<16xf32>
      %min3A_224 = arith.minimumf %max3A_221, %min3A_223 : vector<16xf32>
      %convert_element_type3A_225 = arith.fptosi %min3A_224 : vector<16xf32> to vector<16xi32>
      %convert_element_type3A_226 = arith.sitofp %convert_element_type3A_225 : vector<16xi32> to vector<16xf32>
      %mul3A_227 = arith.constant 9.765625E-4 : f32
      %mul3A_228 = vector.broadcast %mul3A_227 : f32 to vector<16xf32>
      %mul3A_229 = arith.mulf %convert_element_type3A_226, %mul3A_228 : vector<16xf32>
      %swap3A_230 = arith.index_cast %add3A_212 : i32 to index
      %swap3A_231 = tpu.vector_load %arg5[%swap3A_230] {strides = array<i32>} : memref<16384xf32, #tpu.memory_space<vmem>>, vector<16xf32>,
      %swap3A_232 = vector.shape_cast %swap3A_231 : vector<16xf32> to vector<16xf32>
      %swap3A_233 = vector.shape_cast %mul3A_229 : vector<16xf32> to vector<16xf32>
      tpu.vector_store %arg5[%swap3A_230], %swap3A_233 {strides = array<i32>} : memref<16384xf32, #tpu.memory_space<vmem>>, vector<16xf32>,
      %add3A_234 = arith.constant 64 : i32
      %add3A_235 = arith.addi %mul3A_146, %add3A_234 : i32
      %get3A_236 = arith.index_cast %add3A_235 : i32 to index
      %get3A_237 = tpu.vector_load %arg5[%get3A_236] {strides = array<i32>} : memref<16384xf32, #tpu.memory_space<vmem>>, vector<16xf32>,
      %get3A_238 = vector.shape_cast %get3A_237 : vector<16xf32> to vector<16xf32>
      %mul3A_239 = arith.constant 1.024000e+03 : f32
      %mul3A_240 = vector.broadcast %mul3A_239 : f32 to vector<16xf32>
      %mul3A_241 = arith.mulf %get3A_238, %mul3A_240 : vector<16xf32>
      %max3A_242 = arith.constant 0.000000e+00 : f32
      %max3A_243 = vector.broadcast %max3A_242 : f32 to vector<16xf32>
      %max3A_244 = arith.maximumf %mul3A_241, %max3A_243 : vector<16xf32>
      %min3A_245 = arith.constant 1.023000e+03 : f32
      %min3A_246 = vector.broadcast %min3A_245 : f32 to vector<16xf32>
      %min3A_247 = arith.minimumf %max3A_244, %min3A_246 : vector<16xf32>
      %convert_element_type3A_248 = arith.fptosi %min3A_247 : vector<16xf32> to vector<16xi32>
      %convert_element_type3A_249 = arith.sitofp %convert_element_type3A_248 : vector<16xi32> to vector<16xf32>
      %mul3A_250 = arith.constant 9.765625E-4 : f32
      %mul3A_251 = vector.broadcast %mul3A_250 : f32 to vector<16xf32>
      %mul3A_252 = arith.mulf %convert_element_type3A_249, %mul3A_251 : vector<16xf32>
      %swap3A_253 = arith.index_cast %add3A_235 : i32 to index
      %swap3A_254 = tpu.vector_load %arg5[%swap3A_253] {strides = array<i32>} : memref<16384xf32, #tpu.memory_space<vmem>>, vector<16xf32>,
      %swap3A_255 = vector.shape_cast %swap3A_254 : vector<16xf32> to vector<16xf32>
      %swap3A_256 = vector.shape_cast %mul3A_252 : vector<16xf32> to vector<16xf32>
      tpu.vector_store %arg5[%swap3A_253], %swap3A_256 {strides = array<i32>} : memref<16384xf32, #tpu.memory_space<vmem>>, vector<16xf32>,
      %add3A_257 = arith.constant 80 : i32
      %add3A_258 = arith.addi %mul3A_146, %add3A_257 : i32
      %get3A_259 = arith.index_cast %add3A_258 : i32 to index
      %get3A_260 = tpu.vector_load %arg5[%get3A_259] {strides = array<i32>} : memref<16384xf32, #tpu.memory_space<vmem>>, vector<16xf32>,
      %get3A_261 = vector.shape_cast %get3A_260 : vector<16xf32> to vector<16xf32>
      %mul3A_262 = arith.constant 1.024000e+03 : f32
      %mul3A_263 = vector.broadcast %mul3A_262 : f32 to vector<16xf32>
      %mul3A_264 = arith.mulf %get3A_261, %mul3A_263 : vector<16xf32>
      %max3A_265 = arith.constant 0.000000e+00 : f32
      %max3A_266 = vector.broadcast %max3A_265 : f32 to vector<16xf32>
      %max3A_267 = arith.maximumf %mul3A_264, %max3A_266 : vector<16xf32>
      %min3A_268 = arith.constant 1.023000e+03 : f32
      %min3A_269 = vector.broadcast %min3A_268 : f32 to vector<16xf32>
      %min3A_270 = arith.minimumf %max3A_267, %min3A_269 : vector<16xf32>
      %convert_element_type3A_271 = arith.fptosi %min3A_270 : vector<16xf32> to vector<16xi32>
      %convert_element_type3A_272 = arith.sitofp %convert_element_type3A_271 : vector<16xi32> to vector<16xf32>
      %mul3A_273 = arith.constant 9.765625E-4 : f32
      %mul3A_274 = vector.broadcast %mul3A_273 : f32 to vector<16xf32>
      %mul3A_275 = arith.mulf %convert_element_type3A_272, %mul3A_274 : vector<16xf32>
      %swap3A_276 = arith.index_cast %add3A_258 : i32 to index
      %swap3A_277 = tpu.vector_load %arg5[%swap3A_276] {strides = array<i32>} : memref<16384xf32, #tpu.memory_space<vmem>>, vector<16xf32>,
      %swap3A_278 = vector.shape_cast %swap3A_277 : vector<16xf32> to vector<16xf32>
      %swap3A_279 = vector.shape_cast %mul3A_275 : vector<16xf32> to vector<16xf32>
      tpu.vector_store %arg5[%swap3A_276], %swap3A_279 {strides = array<i32>} : memref<16384xf32, #tpu.memory_space<vmem>>, vector<16xf32>,
      %add3A_280 = arith.constant 96 : i32
      %add3A_281 = arith.addi %mul3A_146, %add3A_280 : i32
      %get3A_282 = arith.index_cast %add3A_281 : i32 to index
      %get3A_283 = tpu.vector_load %arg5[%get3A_282] {strides = array<i32>} : memref<16384xf32, #tpu.memory_space<vmem>>, vector<16xf32>,
      %get3A_284 = vector.shape_cast %get3A_283 : vector<16xf32> to vector<16xf32>
      %mul3A_285 = arith.constant 1.024000e+03 : f32
      %mul3A_286 = vector.broadcast %mul3A_285 : f32 to vector<16xf32>
      %mul3A_287 = arith.mulf %get3A_284, %mul3A_286 : vector<16xf32>
      %max3A_288 = arith.constant 0.000000e+00 : f32
      %max3A_289 = vector.broadcast %max3A_288 : f32 to vector<16xf32>
      %max3A_290 = arith.maximumf %mul3A_287, %max3A_289 : vector<16xf32>
      %min3A_291 = arith.constant 1.023000e+03 : f32
      %min3A_292 = vector.broadcast %min3A_291 : f32 to vector<16xf32>
      %min3A_293 = arith.minimumf %max3A_290, %min3A_292 : vector<16xf32>
      %convert_element_type3A_294 = arith.fptosi %min3A_293 : vector<16xf32> to vector<16xi32>
      %convert_element_type3A_295 = arith.sitofp %convert_element_type3A_294 : vector<16xi32> to vector<16xf32>
      %mul3A_296 = arith.constant 9.765625E-4 : f32
      %mul3A_297 = vector.broadcast %mul3A_296 : f32 to vector<16xf32>
      %mul3A_298 = arith.mulf %convert_element_type3A_295, %mul3A_297 : vector<16xf32>
      %swap3A_299 = arith.index_cast %add3A_281 : i32 to index
      %swap3A_300 = tpu.vector_load %arg5[%swap3A_299] {strides = array<i32>} : memref<16384xf32, #tpu.memory_space<vmem>>, vector<16xf32>,
      %swap3A_301 = vector.shape_cast %swap3A_300 : vector<16xf32> to vector<16xf32>
      %swap3A_302 = vector.shape_cast %mul3A_298 : vector<16xf32> to vector<16xf32>
      tpu.vector_store %arg5[%swap3A_299], %swap3A_302 {strides = array<i32>} : memref<16384xf32, #tpu.memory_space<vmem>>, vector<16xf32>,
      %add3A_303 = arith.constant 112 : i32
      %add3A_304 = arith.addi %mul3A_146, %add3A_303 : i32
      %get3A_305 = arith.index_cast %add3A_304 : i32 to index
      %get3A_306 = tpu.vector_load %arg5[%get3A_305] {strides = array<i32>} : memref<16384xf32, #tpu.memory_space<vmem>>, vector<16xf32>,
      %get3A_307 = vector.shape_cast %get3A_306 : vector<16xf32> to vector<16xf32>
      %mul3A_308 = arith.constant 1.024000e+03 : f32
      %mul3A_309 = vector.broadcast %mul3A_308 : f32 to vector<16xf32>
      %mul3A_310 = arith.mulf %get3A_307, %mul3A_309 : vector<16xf32>
      %max3A_311 = arith.constant 0.000000e+00 : f32
      %max3A_312 = vector.broadcast %max3A_311 : f32 to vector<16xf32>
      %max3A_313 = arith.maximumf %mul3A_310, %max3A_312 : vector<16xf32>
      %min3A_314 = arith.constant 1.023000e+03 : f32
      %min3A_315 = vector.broadcast %min3A_314 : f32 to vector<16xf32>
      %min3A_316 = arith.minimumf %max3A_313, %min3A_315 : vector<16xf32>
      %convert_element_type3A_317 = arith.fptosi %min3A_316 : vector<16xf32> to vector<16xi32>
      %convert_element_type3A_318 = arith.sitofp %convert_element_type3A_317 : vector<16xi32> to vector<16xf32>
      %mul3A_319 = arith.constant 9.765625E-4 : f32
      %mul3A_320 = vector.broadcast %mul3A_319 : f32 to vector<16xf32>
      %mul3A_321 = arith.mulf %convert_element_type3A_318, %mul3A_320 : vector<16xf32>
      %swap3A_322 = arith.index_cast %add3A_304 : i32 to index
      %swap3A_323 = tpu.vector_load %arg5[%swap3A_322] {strides = array<i32>} : memref<16384xf32, #tpu.memory_space<vmem>>, vector<16xf32>,
      %swap3A_324 = vector.shape_cast %swap3A_323 : vector<16xf32> to vector<16xf32>
      %swap3A_325 = vector.shape_cast %mul3A_321 : vector<16xf32> to vector<16xf32>
      tpu.vector_store %arg5[%swap3A_322], %swap3A_325 {strides = array<i32>} : memref<16384xf32, #tpu.memory_space<vmem>>, vector<16xf32>,
      %add3A_326 = arith.constant 128 : i32
      %add3A_327 = arith.addi %mul3A_146, %add3A_326 : i32
      %get3A_328 = arith.index_cast %add3A_327 : i32 to index
      %get3A_329 = tpu.vector_load %arg5[%get3A_328] {strides = array<i32>} : memref<16384xf32, #tpu.memory_space<vmem>>, vector<16xf32>,
      %get3A_330 = vector.shape_cast %get3A_329 : vector<16xf32> to vector<16xf32>
      %mul3A_331 = arith.constant 1.024000e+03 : f32
      %mul3A_332 = vector.broadcast %mul3A_331 : f32 to vector<16xf32>
      %mul3A_333 = arith.mulf %get3A_330, %mul3A_332 : vector<16xf32>
      %max3A_334 = arith.constant 0.000000e+00 : f32
      %max3A_335 = vector.broadcast %max3A_334 : f32 to vector<16xf32>
      %max3A_336 = arith.maximumf %mul3A_333, %max3A_335 : vector<16xf32>
      %min3A_337 = arith.constant 1.023000e+03 : f32
      %min3A_338 = vector.broadcast %min3A_337 : f32 to vector<16xf32>
      %min3A_339 = arith.minimumf %max3A_336, %min3A_338 : vector<16xf32>
      %convert_element_type3A_340 = arith.fptosi %min3A_339 : vector<16xf32> to vector<16xi32>
      %convert_element_type3A_341 = arith.sitofp %convert_element_type3A_340 : vector<16xi32> to vector<16xf32>
      %mul3A_342 = arith.constant 9.765625E-4 : f32
      %mul3A_343 = vector.broadcast %mul3A_342 : f32 to vector<16xf32>
      %mul3A_344 = arith.mulf %convert_element_type3A_341, %mul3A_343 : vector<16xf32>
      %swap3A_345 = arith.index_cast %add3A_327 : i32 to index
      %swap3A_346 = tpu.vector_load %arg5[%swap3A_345] {strides = array<i32>} : memref<16384xf32, #tpu.memory_space<vmem>>, vector<16xf32>,
      %swap3A_347 = vector.shape_cast %swap3A_346 : vector<16xf32> to vector<16xf32>
      %swap3A_348 = vector.shape_cast %mul3A_344 : vector<16xf32> to vector<16xf32>
      tpu.vector_store %arg5[%swap3A_345], %swap3A_348 {strides = array<i32>} : memref<16384xf32, #tpu.memory_space<vmem>>, vector<16xf32>,
      %add3A_349 = arith.constant 144 : i32
      %add3A_350 = arith.addi %mul3A_146, %add3A_349 : i32
      %get3A_351 = arith.index_cast %add3A_350 : i32 to index
      %get3A_352 = tpu.vector_load %arg5[%get3A_351] {strides = array<i32>} : memref<16384xf32, #tpu.memory_space<vmem>>, vector<16xf32>,
      %get3A_353 = vector.shape_cast %get3A_352 : vector<16xf32> to vector<16xf32>
      %mul3A_354 = arith.constant 1.024000e+03 : f32
      %mul3A_355 = vector.broadcast %mul3A_354 : f32 to vector<16xf32>
      %mul3A_356 = arith.mulf %get3A_353, %mul3A_355 : vector<16xf32>
      %max3A_357 = arith.constant 0.000000e+00 : f32
      %max3A_358 = vector.broadcast %max3A_357 : f32 to vector<16xf32>
      %max3A_359 = arith.maximumf %mul3A_356, %max3A_358 : vector<16xf32>
      %min3A_360 = arith.constant 1.023000e+03 : f32
      %min3A_361 = vector.broadcast %min3A_360 : f32 to vector<16xf32>
      %min3A_362 = arith.minimumf %max3A_359, %min3A_361 : vector<16xf32>
      %convert_element_type3A_363 = arith.fptosi %min3A_362 : vector<16xf32> to vector<16xi32>
      %convert_element_type3A_364 = arith.sitofp %convert_element_type3A_363 : vector<16xi32> to vector<16xf32>
      %mul3A_365 = arith.constant 9.765625E-4 : f32
      %mul3A_366 = vector.broadcast %mul3A_365 : f32 to vector<16xf32>
      %mul3A_367 = arith.mulf %convert_element_type3A_364, %mul3A_366 : vector<16xf32>
      %swap3A_368 = arith.index_cast %add3A_350 : i32 to index
      %swap3A_369 = tpu.vector_load %arg5[%swap3A_368] {strides = array<i32>} : memref<16384xf32, #tpu.memory_space<vmem>>, vector<16xf32>,
      %swap3A_370 = vector.shape_cast %swap3A_369 : vector<16xf32> to vector<16xf32>
      %swap3A_371 = vector.shape_cast %mul3A_367 : vector<16xf32> to vector<16xf32>
      tpu.vector_store %arg5[%swap3A_368], %swap3A_371 {strides = array<i32>} : memref<16384xf32, #tpu.memory_space<vmem>>, vector<16xf32>,
      %add3A_372 = arith.constant 160 : i32
      %add3A_373 = arith.addi %mul3A_146, %add3A_372 : i32
      %get3A_374 = arith.index_cast %add3A_373 : i32 to index
      %get3A_375 = tpu.vector_load %arg5[%get3A_374] {strides = array<i32>} : memref<16384xf32, #tpu.memory_space<vmem>>, vector<16xf32>,
      %get3A_376 = vector.shape_cast %get3A_375 : vector<16xf32> to vector<16xf32>
      %mul3A_377 = arith.constant 1.024000e+03 : f32
      %mul3A_378 = vector.broadcast %mul3A_377 : f32 to vector<16xf32>
      %mul3A_379 = arith.mulf %get3A_376, %mul3A_378 : vector<16xf32>
      %max3A_380 = arith.constant 0.000000e+00 : f32
      %max3A_381 = vector.broadcast %max3A_380 : f32 to vector<16xf32>
      %max3A_382 = arith.maximumf %mul3A_379, %max3A_381 : vector<16xf32>
      %min3A_383 = arith.constant 1.023000e+03 : f32
      %min3A_384 = vector.broadcast %min3A_383 : f32 to vector<16xf32>
      %min3A_385 = arith.minimumf %max3A_382, %min3A_384 : vector<16xf32>
      %convert_element_type3A_386 = arith.fptosi %min3A_385 : vector<16xf32> to vector<16xi32>
      %convert_element_type3A_387 = arith.sitofp %convert_element_type3A_386 : vector<16xi32> to vector<16xf32>
      %mul3A_388 = arith.constant 9.765625E-4 : f32
      %mul3A_389 = vector.broadcast %mul3A_388 : f32 to vector<16xf32>
      %mul3A_390 = arith.mulf %convert_element_type3A_387, %mul3A_389 : vector<16xf32>
      %swap3A_391 = arith.index_cast %add3A_373 : i32 to index
      %swap3A_392 = tpu.vector_load %arg5[%swap3A_391] {strides = array<i32>} : memref<16384xf32, #tpu.memory_space<vmem>>, vector<16xf32>,
      %swap3A_393 = vector.shape_cast %swap3A_392 : vector<16xf32> to vector<16xf32>
      %swap3A_394 = vector.shape_cast %mul3A_390 : vector<16xf32> to vector<16xf32>
      tpu.vector_store %arg5[%swap3A_391], %swap3A_394 {strides = array<i32>} : memref<16384xf32, #tpu.memory_space<vmem>>, vector<16xf32>,
      %add3A_395 = arith.constant 176 : i32
      %add3A_396 = arith.addi %mul3A_146, %add3A_395 : i32
      %get3A_397 = arith.index_cast %add3A_396 : i32 to index
      %get3A_398 = tpu.vector_load %arg5[%get3A_397] {strides = array<i32>} : memref<16384xf32, #tpu.memory_space<vmem>>, vector<16xf32>,
      %get3A_399 = vector.shape_cast %get3A_398 : vector<16xf32> to vector<16xf32>
      %mul3A_400 = arith.constant 1.024000e+03 : f32
      %mul3A_401 = vector.broadcast %mul3A_400 : f32 to vector<16xf32>
      %mul3A_402 = arith.mulf %get3A_399, %mul3A_401 : vector<16xf32>
      %max3A_403 = arith.constant 0.000000e+00 : f32
      %max3A_404 = vector.broadcast %max3A_403 : f32 to vector<16xf32>
      %max3A_405 = arith.maximumf %mul3A_402, %max3A_404 : vector<16xf32>
      %min3A_406 = arith.constant 1.023000e+03 : f32
      %min3A_407 = vector.broadcast %min3A_406 : f32 to vector<16xf32>
      %min3A_408 = arith.minimumf %max3A_405, %min3A_407 : vector<16xf32>
      %convert_element_type3A_409 = arith.fptosi %min3A_408 : vector<16xf32> to vector<16xi32>
      %convert_element_type3A_410 = arith.sitofp %convert_element_type3A_409 : vector<16xi32> to vector<16xf32>
      %mul3A_411 = arith.constant 9.765625E-4 : f32
      %mul3A_412 = vector.broadcast %mul3A_411 : f32 to vector<16xf32>
      %mul3A_413 = arith.mulf %convert_element_type3A_410, %mul3A_412 : vector<16xf32>
      %swap3A_414 = arith.index_cast %add3A_396 : i32 to index
      %swap3A_415 = tpu.vector_load %arg5[%swap3A_414] {strides = array<i32>} : memref<16384xf32, #tpu.memory_space<vmem>>, vector<16xf32>,
      %swap3A_416 = vector.shape_cast %swap3A_415 : vector<16xf32> to vector<16xf32>
      %swap3A_417 = vector.shape_cast %mul3A_413 : vector<16xf32> to vector<16xf32>
      tpu.vector_store %arg5[%swap3A_414], %swap3A_417 {strides = array<i32>} : memref<16384xf32, #tpu.memory_space<vmem>>, vector<16xf32>,
      %add3A_418 = arith.constant 192 : i32
      %add3A_419 = arith.addi %mul3A_146, %add3A_418 : i32
      %get3A_420 = arith.index_cast %add3A_419 : i32 to index
      %get3A_421 = tpu.vector_load %arg5[%get3A_420] {strides = array<i32>} : memref<16384xf32, #tpu.memory_space<vmem>>, vector<16xf32>,
      %get3A_422 = vector.shape_cast %get3A_421 : vector<16xf32> to vector<16xf32>
      %mul3A_423 = arith.constant 1.024000e+03 : f32
      %mul3A_424 = vector.broadcast %mul3A_423 : f32 to vector<16xf32>
      %mul3A_425 = arith.mulf %get3A_422, %mul3A_424 : vector<16xf32>
      %max3A_426 = arith.constant 0.000000e+00 : f32
      %max3A_427 = vector.broadcast %max3A_426 : f32 to vector<16xf32>
      %max3A_428 = arith.maximumf %mul3A_425, %max3A_427 : vector<16xf32>
      %min3A_429 = arith.constant 1.023000e+03 : f32
      %min3A_430 = vector.broadcast %min3A_429 : f32 to vector<16xf32>
      %min3A_431 = arith.minimumf %max3A_428, %min3A_430 : vector<16xf32>
      %convert_element_type3A_432 = arith.fptosi %min3A_431 : vector<16xf32> to vector<16xi32>
      %convert_element_type3A_433 = arith.sitofp %convert_element_type3A_432 : vector<16xi32> to vector<16xf32>
      %mul3A_434 = arith.constant 9.765625E-4 : f32
      %mul3A_435 = vector.broadcast %mul3A_434 : f32 to vector<16xf32>
      %mul3A_436 = arith.mulf %convert_element_type3A_433, %mul3A_435 : vector<16xf32>
      %swap3A_437 = arith.index_cast %add3A_419 : i32 to index
      %swap3A_438 = tpu.vector_load %arg5[%swap3A_437] {strides = array<i32>} : memref<16384xf32, #tpu.memory_space<vmem>>, vector<16xf32>,
      %swap3A_439 = vector.shape_cast %swap3A_438 : vector<16xf32> to vector<16xf32>
      %swap3A_440 = vector.shape_cast %mul3A_436 : vector<16xf32> to vector<16xf32>
      tpu.vector_store %arg5[%swap3A_437], %swap3A_440 {strides = array<i32>} : memref<16384xf32, #tpu.memory_space<vmem>>, vector<16xf32>,
      %add3A_441 = arith.constant 208 : i32
      %add3A_442 = arith.addi %mul3A_146, %add3A_441 : i32
      %get3A_443 = arith.index_cast %add3A_442 : i32 to index
      %get3A_444 = tpu.vector_load %arg5[%get3A_443] {strides = array<i32>} : memref<16384xf32, #tpu.memory_space<vmem>>, vector<16xf32>,
      %get3A_445 = vector.shape_cast %get3A_444 : vector<16xf32> to vector<16xf32>
      %mul3A_446 = arith.constant 1.024000e+03 : f32
      %mul3A_447 = vector.broadcast %mul3A_446 : f32 to vector<16xf32>
      %mul3A_448 = arith.mulf %get3A_445, %mul3A_447 : vector<16xf32>
      %max3A_449 = arith.constant 0.000000e+00 : f32
      %max3A_450 = vector.broadcast %max3A_449 : f32 to vector<16xf32>
      %max3A_451 = arith.maximumf %mul3A_448, %max3A_450 : vector<16xf32>
      %min3A_452 = arith.constant 1.023000e+03 : f32
      %min3A_453 = vector.broadcast %min3A_452 : f32 to vector<16xf32>
      %min3A_454 = arith.minimumf %max3A_451, %min3A_453 : vector<16xf32>
      %convert_element_type3A_455 = arith.fptosi %min3A_454 : vector<16xf32> to vector<16xi32>
      %convert_element_type3A_456 = arith.sitofp %convert_element_type3A_455 : vector<16xi32> to vector<16xf32>
      %mul3A_457 = arith.constant 9.765625E-4 : f32
      %mul3A_458 = vector.broadcast %mul3A_457 : f32 to vector<16xf32>
      %mul3A_459 = arith.mulf %convert_element_type3A_456, %mul3A_458 : vector<16xf32>
      %swap3A_460 = arith.index_cast %add3A_442 : i32 to index
      %swap3A_461 = tpu.vector_load %arg5[%swap3A_460] {strides = array<i32>} : memref<16384xf32, #tpu.memory_space<vmem>>, vector<16xf32>,
      %swap3A_462 = vector.shape_cast %swap3A_461 : vector<16xf32> to vector<16xf32>
      %swap3A_463 = vector.shape_cast %mul3A_459 : vector<16xf32> to vector<16xf32>
      tpu.vector_store %arg5[%swap3A_460], %swap3A_463 {strides = array<i32>} : memref<16384xf32, #tpu.memory_space<vmem>>, vector<16xf32>,
      %add3A_464 = arith.constant 224 : i32
      %add3A_465 = arith.addi %mul3A_146, %add3A_464 : i32
      %get3A_466 = arith.index_cast %add3A_465 : i32 to index
      %get3A_467 = tpu.vector_load %arg5[%get3A_466] {strides = array<i32>} : memref<16384xf32, #tpu.memory_space<vmem>>, vector<16xf32>,
      %get3A_468 = vector.shape_cast %get3A_467 : vector<16xf32> to vector<16xf32>
      %mul3A_469 = arith.constant 1.024000e+03 : f32
      %mul3A_470 = vector.broadcast %mul3A_469 : f32 to vector<16xf32>
      %mul3A_471 = arith.mulf %get3A_468, %mul3A_470 : vector<16xf32>
      %max3A_472 = arith.constant 0.000000e+00 : f32
      %max3A_473 = vector.broadcast %max3A_472 : f32 to vector<16xf32>
      %max3A_474 = arith.maximumf %mul3A_471, %max3A_473 : vector<16xf32>
      %min3A_475 = arith.constant 1.023000e+03 : f32
      %min3A_476 = vector.broadcast %min3A_475 : f32 to vector<16xf32>
      %min3A_477 = arith.minimumf %max3A_474, %min3A_476 : vector<16xf32>
      %convert_element_type3A_478 = arith.fptosi %min3A_477 : vector<16xf32> to vector<16xi32>
      %convert_element_type3A_479 = arith.sitofp %convert_element_type3A_478 : vector<16xi32> to vector<16xf32>
      %mul3A_480 = arith.constant 9.765625E-4 : f32
      %mul3A_481 = vector.broadcast %mul3A_480 : f32 to vector<16xf32>
      %mul3A_482 = arith.mulf %convert_element_type3A_479, %mul3A_481 : vector<16xf32>
      %swap3A_483 = arith.index_cast %add3A_465 : i32 to index
      %swap3A_484 = tpu.vector_load %arg5[%swap3A_483] {strides = array<i32>} : memref<16384xf32, #tpu.memory_space<vmem>>, vector<16xf32>,
      %swap3A_485 = vector.shape_cast %swap3A_484 : vector<16xf32> to vector<16xf32>
      %swap3A_486 = vector.shape_cast %mul3A_482 : vector<16xf32> to vector<16xf32>
      tpu.vector_store %arg5[%swap3A_483], %swap3A_486 {strides = array<i32>} : memref<16384xf32, #tpu.memory_space<vmem>>, vector<16xf32>,
      %add3A_487 = arith.constant 240 : i32
      %add3A_488 = arith.addi %mul3A_146, %add3A_487 : i32
      %get3A_489 = arith.index_cast %add3A_488 : i32 to index
      %get3A_490 = tpu.vector_load %arg5[%get3A_489] {strides = array<i32>} : memref<16384xf32, #tpu.memory_space<vmem>>, vector<16xf32>,
      %get3A_491 = vector.shape_cast %get3A_490 : vector<16xf32> to vector<16xf32>
      %mul3A_492 = arith.constant 1.024000e+03 : f32
      %mul3A_493 = vector.broadcast %mul3A_492 : f32 to vector<16xf32>
      %mul3A_494 = arith.mulf %get3A_491, %mul3A_493 : vector<16xf32>
      %max3A_495 = arith.constant 0.000000e+00 : f32
      %max3A_496 = vector.broadcast %max3A_495 : f32 to vector<16xf32>
      %max3A_497 = arith.maximumf %mul3A_494, %max3A_496 : vector<16xf32>
      %min3A_498 = arith.constant 1.023000e+03 : f32
      %min3A_499 = vector.broadcast %min3A_498 : f32 to vector<16xf32>
      %min3A_500 = arith.minimumf %max3A_497, %min3A_499 : vector<16xf32>
      %convert_element_type3A_501 = arith.fptosi %min3A_500 : vector<16xf32> to vector<16xi32>
      %convert_element_type3A_502 = arith.sitofp %convert_element_type3A_501 : vector<16xi32> to vector<16xf32>
      %mul3A_503 = arith.constant 9.765625E-4 : f32
      %mul3A_504 = vector.broadcast %mul3A_503 : f32 to vector<16xf32>
      %mul3A_505 = arith.mulf %convert_element_type3A_502, %mul3A_504 : vector<16xf32>
      %swap3A_506 = arith.index_cast %add3A_488 : i32 to index
      %swap3A_507 = tpu.vector_load %arg5[%swap3A_506] {strides = array<i32>} : memref<16384xf32, #tpu.memory_space<vmem>>, vector<16xf32>,
      %swap3A_508 = vector.shape_cast %swap3A_507 : vector<16xf32> to vector<16xf32>
      %swap3A_509 = vector.shape_cast %mul3A_505 : vector<16xf32> to vector<16xf32>
      tpu.vector_store %arg5[%swap3A_506], %swap3A_509 {strides = array<i32>} : memref<16384xf32, #tpu.memory_space<vmem>>, vector<16xf32>,
    }
    %scan3A_107 = arith.constant 64 : i32
    %add3A_108 = arith.constant 81920 : i32
    %add3A_109 = arith.addi %mul3A_2, %add3A_108 : i32
    %dma_start3A_110 = tpu.memref_slice %arg3[%add3A_109] : memref<4194304xf32, #tpu.memory_space<hbm>> -> memref<16384xf32, #tpu.memory_space<hbm>>
    %dma_start3A_111 = tpu.memref_slice %arg3[%add3A_109] : memref<4194304xf32, #tpu.memory_space<hbm>> -> memref<16384xf32, #tpu.memory_space<hbm>>
    tpu.enqueue_dma source(%arg5 : memref<16384xf32, #tpu.memory_space<vmem>>) target(%dma_start3A_111 : memref<16384xf32, #tpu.memory_space<hbm>>) target_semaphore(%arg13 : memref<!tpu.dma_semaphore, #tpu.memory_space<semaphore_mem>>)
    %dma_wait3A_112 = tpu.memref_slice %arg2[%add3A_79] : memref<4194304xf32, #tpu.memory_space<hbm>> -> memref<16384xf32, #tpu.memory_space<hbm>>
    %dma_wait3A_113 = tpu.memref_slice %arg2[%add3A_79] : memref<4194304xf32, #tpu.memory_space<hbm>> -> memref<16384xf32, #tpu.memory_space<hbm>>
    tpu.wait_dma2 semaphore(%arg10 : memref<!tpu.dma_semaphore, #tpu.memory_space<semaphore_mem>>) src(%dma_wait3A_113 : memref<16384xf32, #tpu.memory_space<hbm>>) dst(%arg6 : memref<16384xf32, #tpu.memory_space<vmem>>)
    %scan3A_114 = arith.constant 0 : i32
    %scan3A_115 = arith.constant 0 : i32
    %scan3A_116 = arith.constant 64 : i32
    %scan3A_117 = arith.addi %scan3A_115, %scan3A_116 : i32
    %scan3A_118 = arith.constant 1 : i32
    scf.for %scan3A_144 = %scan3A_115 to %scan3A_117 step %scan3A_118  : i32 {
      %mul3A_145 = arith.constant 256 : i32
      %mul3A_146 = arith.muli %scan3A_144, %mul3A_145 : i32
      %add3A_147 = arith.constant 0 : i32
      %add3A_148 = arith.addi %mul3A_146, %add3A_147 : i32
      %get3A = arith.index_cast %add3A_148 : i32 to index
      %get3A_149 = tpu.vector_load %arg6[%get3A] {strides = array<i32>} : memref<16384xf32, #tpu.memory_space<vmem>>, vector<16xf32>,
      %get3A_150 = vector.shape_cast %get3A_149 : vector<16xf32> to vector<16xf32>
      %mul3A_151 = arith.constant 1.024000e+03 : f32
      %mul3A_152 = vector.broadcast %mul3A_151 : f32 to vector<16xf32>
      %mul3A_153 = arith.mulf %get3A_150, %mul3A_152 : vector<16xf32>
      %max3A = arith.constant 0.000000e+00 : f32
      %max3A_154 = vector.broadcast %max3A : f32 to vector<16xf32>
      %max3A_155 = arith.maximumf %mul3A_153, %max3A_154 : vector<16xf32>
      %min3A = arith.constant 1.023000e+03 : f32
      %min3A_156 = vector.broadcast %min3A : f32 to vector<16xf32>
      %min3A_157 = arith.minimumf %max3A_155, %min3A_156 : vector<16xf32>
      %convert_element_type3A = arith.fptosi %min3A_157 : vector<16xf32> to vector<16xi32>
      %convert_element_type3A_158 = arith.sitofp %convert_element_type3A : vector<16xi32> to vector<16xf32>
      %mul3A_159 = arith.constant 9.765625E-4 : f32
      %mul3A_160 = vector.broadcast %mul3A_159 : f32 to vector<16xf32>
      %mul3A_161 = arith.mulf %convert_element_type3A_158, %mul3A_160 : vector<16xf32>
      %swap3A = arith.index_cast %add3A_148 : i32 to index
      %swap3A_162 = tpu.vector_load %arg6[%swap3A] {strides = array<i32>} : memref<16384xf32, #tpu.memory_space<vmem>>, vector<16xf32>,
      %swap3A_163 = vector.shape_cast %swap3A_162 : vector<16xf32> to vector<16xf32>
      %swap3A_164 = vector.shape_cast %mul3A_161 : vector<16xf32> to vector<16xf32>
      tpu.vector_store %arg6[%swap3A], %swap3A_164 {strides = array<i32>} : memref<16384xf32, #tpu.memory_space<vmem>>, vector<16xf32>,
      %add3A_165 = arith.constant 16 : i32
      %add3A_166 = arith.addi %mul3A_146, %add3A_165 : i32
      %get3A_167 = arith.index_cast %add3A_166 : i32 to index
      %get3A_168 = tpu.vector_load %arg6[%get3A_167] {strides = array<i32>} : memref<16384xf32, #tpu.memory_space<vmem>>, vector<16xf32>,
      %get3A_169 = vector.shape_cast %get3A_168 : vector<16xf32> to vector<16xf32>
      %mul3A_170 = arith.constant 1.024000e+03 : f32
      %mul3A_171 = vector.broadcast %mul3A_170 : f32 to vector<16xf32>
      %mul3A_172 = arith.mulf %get3A_169, %mul3A_171 : vector<16xf32>
      %max3A_173 = arith.constant 0.000000e+00 : f32
      %max3A_174 = vector.broadcast %max3A_173 : f32 to vector<16xf32>
      %max3A_175 = arith.maximumf %mul3A_172, %max3A_174 : vector<16xf32>
      %min3A_176 = arith.constant 1.023000e+03 : f32
      %min3A_177 = vector.broadcast %min3A_176 : f32 to vector<16xf32>
      %min3A_178 = arith.minimumf %max3A_175, %min3A_177 : vector<16xf32>
      %convert_element_type3A_179 = arith.fptosi %min3A_178 : vector<16xf32> to vector<16xi32>
      %convert_element_type3A_180 = arith.sitofp %convert_element_type3A_179 : vector<16xi32> to vector<16xf32>
      %mul3A_181 = arith.constant 9.765625E-4 : f32
      %mul3A_182 = vector.broadcast %mul3A_181 : f32 to vector<16xf32>
      %mul3A_183 = arith.mulf %convert_element_type3A_180, %mul3A_182 : vector<16xf32>
      %swap3A_184 = arith.index_cast %add3A_166 : i32 to index
      %swap3A_185 = tpu.vector_load %arg6[%swap3A_184] {strides = array<i32>} : memref<16384xf32, #tpu.memory_space<vmem>>, vector<16xf32>,
      %swap3A_186 = vector.shape_cast %swap3A_185 : vector<16xf32> to vector<16xf32>
      %swap3A_187 = vector.shape_cast %mul3A_183 : vector<16xf32> to vector<16xf32>
      tpu.vector_store %arg6[%swap3A_184], %swap3A_187 {strides = array<i32>} : memref<16384xf32, #tpu.memory_space<vmem>>, vector<16xf32>,
      %add3A_188 = arith.constant 32 : i32
      %add3A_189 = arith.addi %mul3A_146, %add3A_188 : i32
      %get3A_190 = arith.index_cast %add3A_189 : i32 to index
      %get3A_191 = tpu.vector_load %arg6[%get3A_190] {strides = array<i32>} : memref<16384xf32, #tpu.memory_space<vmem>>, vector<16xf32>,
      %get3A_192 = vector.shape_cast %get3A_191 : vector<16xf32> to vector<16xf32>
      %mul3A_193 = arith.constant 1.024000e+03 : f32
      %mul3A_194 = vector.broadcast %mul3A_193 : f32 to vector<16xf32>
      %mul3A_195 = arith.mulf %get3A_192, %mul3A_194 : vector<16xf32>
      %max3A_196 = arith.constant 0.000000e+00 : f32
      %max3A_197 = vector.broadcast %max3A_196 : f32 to vector<16xf32>
      %max3A_198 = arith.maximumf %mul3A_195, %max3A_197 : vector<16xf32>
      %min3A_199 = arith.constant 1.023000e+03 : f32
      %min3A_200 = vector.broadcast %min3A_199 : f32 to vector<16xf32>
      %min3A_201 = arith.minimumf %max3A_198, %min3A_200 : vector<16xf32>
      %convert_element_type3A_202 = arith.fptosi %min3A_201 : vector<16xf32> to vector<16xi32>
      %convert_element_type3A_203 = arith.sitofp %convert_element_type3A_202 : vector<16xi32> to vector<16xf32>
      %mul3A_204 = arith.constant 9.765625E-4 : f32
      %mul3A_205 = vector.broadcast %mul3A_204 : f32 to vector<16xf32>
      %mul3A_206 = arith.mulf %convert_element_type3A_203, %mul3A_205 : vector<16xf32>
      %swap3A_207 = arith.index_cast %add3A_189 : i32 to index
      %swap3A_208 = tpu.vector_load %arg6[%swap3A_207] {strides = array<i32>} : memref<16384xf32, #tpu.memory_space<vmem>>, vector<16xf32>,
      %swap3A_209 = vector.shape_cast %swap3A_208 : vector<16xf32> to vector<16xf32>
      %swap3A_210 = vector.shape_cast %mul3A_206 : vector<16xf32> to vector<16xf32>
      tpu.vector_store %arg6[%swap3A_207], %swap3A_210 {strides = array<i32>} : memref<16384xf32, #tpu.memory_space<vmem>>, vector<16xf32>,
      %add3A_211 = arith.constant 48 : i32
      %add3A_212 = arith.addi %mul3A_146, %add3A_211 : i32
      %get3A_213 = arith.index_cast %add3A_212 : i32 to index
      %get3A_214 = tpu.vector_load %arg6[%get3A_213] {strides = array<i32>} : memref<16384xf32, #tpu.memory_space<vmem>>, vector<16xf32>,
      %get3A_215 = vector.shape_cast %get3A_214 : vector<16xf32> to vector<16xf32>
      %mul3A_216 = arith.constant 1.024000e+03 : f32
      %mul3A_217 = vector.broadcast %mul3A_216 : f32 to vector<16xf32>
      %mul3A_218 = arith.mulf %get3A_215, %mul3A_217 : vector<16xf32>
      %max3A_219 = arith.constant 0.000000e+00 : f32
      %max3A_220 = vector.broadcast %max3A_219 : f32 to vector<16xf32>
      %max3A_221 = arith.maximumf %mul3A_218, %max3A_220 : vector<16xf32>
      %min3A_222 = arith.constant 1.023000e+03 : f32
      %min3A_223 = vector.broadcast %min3A_222 : f32 to vector<16xf32>
      %min3A_224 = arith.minimumf %max3A_221, %min3A_223 : vector<16xf32>
      %convert_element_type3A_225 = arith.fptosi %min3A_224 : vector<16xf32> to vector<16xi32>
      %convert_element_type3A_226 = arith.sitofp %convert_element_type3A_225 : vector<16xi32> to vector<16xf32>
      %mul3A_227 = arith.constant 9.765625E-4 : f32
      %mul3A_228 = vector.broadcast %mul3A_227 : f32 to vector<16xf32>
      %mul3A_229 = arith.mulf %convert_element_type3A_226, %mul3A_228 : vector<16xf32>
      %swap3A_230 = arith.index_cast %add3A_212 : i32 to index
      %swap3A_231 = tpu.vector_load %arg6[%swap3A_230] {strides = array<i32>} : memref<16384xf32, #tpu.memory_space<vmem>>, vector<16xf32>,
      %swap3A_232 = vector.shape_cast %swap3A_231 : vector<16xf32> to vector<16xf32>
      %swap3A_233 = vector.shape_cast %mul3A_229 : vector<16xf32> to vector<16xf32>
      tpu.vector_store %arg6[%swap3A_230], %swap3A_233 {strides = array<i32>} : memref<16384xf32, #tpu.memory_space<vmem>>, vector<16xf32>,
      %add3A_234 = arith.constant 64 : i32
      %add3A_235 = arith.addi %mul3A_146, %add3A_234 : i32
      %get3A_236 = arith.index_cast %add3A_235 : i32 to index
      %get3A_237 = tpu.vector_load %arg6[%get3A_236] {strides = array<i32>} : memref<16384xf32, #tpu.memory_space<vmem>>, vector<16xf32>,
      %get3A_238 = vector.shape_cast %get3A_237 : vector<16xf32> to vector<16xf32>
      %mul3A_239 = arith.constant 1.024000e+03 : f32
      %mul3A_240 = vector.broadcast %mul3A_239 : f32 to vector<16xf32>
      %mul3A_241 = arith.mulf %get3A_238, %mul3A_240 : vector<16xf32>
      %max3A_242 = arith.constant 0.000000e+00 : f32
      %max3A_243 = vector.broadcast %max3A_242 : f32 to vector<16xf32>
      %max3A_244 = arith.maximumf %mul3A_241, %max3A_243 : vector<16xf32>
      %min3A_245 = arith.constant 1.023000e+03 : f32
      %min3A_246 = vector.broadcast %min3A_245 : f32 to vector<16xf32>
      %min3A_247 = arith.minimumf %max3A_244, %min3A_246 : vector<16xf32>
      %convert_element_type3A_248 = arith.fptosi %min3A_247 : vector<16xf32> to vector<16xi32>
      %convert_element_type3A_249 = arith.sitofp %convert_element_type3A_248 : vector<16xi32> to vector<16xf32>
      %mul3A_250 = arith.constant 9.765625E-4 : f32
      %mul3A_251 = vector.broadcast %mul3A_250 : f32 to vector<16xf32>
      %mul3A_252 = arith.mulf %convert_element_type3A_249, %mul3A_251 : vector<16xf32>
      %swap3A_253 = arith.index_cast %add3A_235 : i32 to index
      %swap3A_254 = tpu.vector_load %arg6[%swap3A_253] {strides = array<i32>} : memref<16384xf32, #tpu.memory_space<vmem>>, vector<16xf32>,
      %swap3A_255 = vector.shape_cast %swap3A_254 : vector<16xf32> to vector<16xf32>
      %swap3A_256 = vector.shape_cast %mul3A_252 : vector<16xf32> to vector<16xf32>
      tpu.vector_store %arg6[%swap3A_253], %swap3A_256 {strides = array<i32>} : memref<16384xf32, #tpu.memory_space<vmem>>, vector<16xf32>,
      %add3A_257 = arith.constant 80 : i32
      %add3A_258 = arith.addi %mul3A_146, %add3A_257 : i32
      %get3A_259 = arith.index_cast %add3A_258 : i32 to index
      %get3A_260 = tpu.vector_load %arg6[%get3A_259] {strides = array<i32>} : memref<16384xf32, #tpu.memory_space<vmem>>, vector<16xf32>,
      %get3A_261 = vector.shape_cast %get3A_260 : vector<16xf32> to vector<16xf32>
      %mul3A_262 = arith.constant 1.024000e+03 : f32
      %mul3A_263 = vector.broadcast %mul3A_262 : f32 to vector<16xf32>
      %mul3A_264 = arith.mulf %get3A_261, %mul3A_263 : vector<16xf32>
      %max3A_265 = arith.constant 0.000000e+00 : f32
      %max3A_266 = vector.broadcast %max3A_265 : f32 to vector<16xf32>
      %max3A_267 = arith.maximumf %mul3A_264, %max3A_266 : vector<16xf32>
      %min3A_268 = arith.constant 1.023000e+03 : f32
      %min3A_269 = vector.broadcast %min3A_268 : f32 to vector<16xf32>
      %min3A_270 = arith.minimumf %max3A_267, %min3A_269 : vector<16xf32>
      %convert_element_type3A_271 = arith.fptosi %min3A_270 : vector<16xf32> to vector<16xi32>
      %convert_element_type3A_272 = arith.sitofp %convert_element_type3A_271 : vector<16xi32> to vector<16xf32>
      %mul3A_273 = arith.constant 9.765625E-4 : f32
      %mul3A_274 = vector.broadcast %mul3A_273 : f32 to vector<16xf32>
      %mul3A_275 = arith.mulf %convert_element_type3A_272, %mul3A_274 : vector<16xf32>
      %swap3A_276 = arith.index_cast %add3A_258 : i32 to index
      %swap3A_277 = tpu.vector_load %arg6[%swap3A_276] {strides = array<i32>} : memref<16384xf32, #tpu.memory_space<vmem>>, vector<16xf32>,
      %swap3A_278 = vector.shape_cast %swap3A_277 : vector<16xf32> to vector<16xf32>
      %swap3A_279 = vector.shape_cast %mul3A_275 : vector<16xf32> to vector<16xf32>
      tpu.vector_store %arg6[%swap3A_276], %swap3A_279 {strides = array<i32>} : memref<16384xf32, #tpu.memory_space<vmem>>, vector<16xf32>,
      %add3A_280 = arith.constant 96 : i32
      %add3A_281 = arith.addi %mul3A_146, %add3A_280 : i32
      %get3A_282 = arith.index_cast %add3A_281 : i32 to index
      %get3A_283 = tpu.vector_load %arg6[%get3A_282] {strides = array<i32>} : memref<16384xf32, #tpu.memory_space<vmem>>, vector<16xf32>,
      %get3A_284 = vector.shape_cast %get3A_283 : vector<16xf32> to vector<16xf32>
      %mul3A_285 = arith.constant 1.024000e+03 : f32
      %mul3A_286 = vector.broadcast %mul3A_285 : f32 to vector<16xf32>
      %mul3A_287 = arith.mulf %get3A_284, %mul3A_286 : vector<16xf32>
      %max3A_288 = arith.constant 0.000000e+00 : f32
      %max3A_289 = vector.broadcast %max3A_288 : f32 to vector<16xf32>
      %max3A_290 = arith.maximumf %mul3A_287, %max3A_289 : vector<16xf32>
      %min3A_291 = arith.constant 1.023000e+03 : f32
      %min3A_292 = vector.broadcast %min3A_291 : f32 to vector<16xf32>
      %min3A_293 = arith.minimumf %max3A_290, %min3A_292 : vector<16xf32>
      %convert_element_type3A_294 = arith.fptosi %min3A_293 : vector<16xf32> to vector<16xi32>
      %convert_element_type3A_295 = arith.sitofp %convert_element_type3A_294 : vector<16xi32> to vector<16xf32>
      %mul3A_296 = arith.constant 9.765625E-4 : f32
      %mul3A_297 = vector.broadcast %mul3A_296 : f32 to vector<16xf32>
      %mul3A_298 = arith.mulf %convert_element_type3A_295, %mul3A_297 : vector<16xf32>
      %swap3A_299 = arith.index_cast %add3A_281 : i32 to index
      %swap3A_300 = tpu.vector_load %arg6[%swap3A_299] {strides = array<i32>} : memref<16384xf32, #tpu.memory_space<vmem>>, vector<16xf32>,
      %swap3A_301 = vector.shape_cast %swap3A_300 : vector<16xf32> to vector<16xf32>
      %swap3A_302 = vector.shape_cast %mul3A_298 : vector<16xf32> to vector<16xf32>
      tpu.vector_store %arg6[%swap3A_299], %swap3A_302 {strides = array<i32>} : memref<16384xf32, #tpu.memory_space<vmem>>, vector<16xf32>,
      %add3A_303 = arith.constant 112 : i32
      %add3A_304 = arith.addi %mul3A_146, %add3A_303 : i32
      %get3A_305 = arith.index_cast %add3A_304 : i32 to index
      %get3A_306 = tpu.vector_load %arg6[%get3A_305] {strides = array<i32>} : memref<16384xf32, #tpu.memory_space<vmem>>, vector<16xf32>,
      %get3A_307 = vector.shape_cast %get3A_306 : vector<16xf32> to vector<16xf32>
      %mul3A_308 = arith.constant 1.024000e+03 : f32
      %mul3A_309 = vector.broadcast %mul3A_308 : f32 to vector<16xf32>
      %mul3A_310 = arith.mulf %get3A_307, %mul3A_309 : vector<16xf32>
      %max3A_311 = arith.constant 0.000000e+00 : f32
      %max3A_312 = vector.broadcast %max3A_311 : f32 to vector<16xf32>
      %max3A_313 = arith.maximumf %mul3A_310, %max3A_312 : vector<16xf32>
      %min3A_314 = arith.constant 1.023000e+03 : f32
      %min3A_315 = vector.broadcast %min3A_314 : f32 to vector<16xf32>
      %min3A_316 = arith.minimumf %max3A_313, %min3A_315 : vector<16xf32>
      %convert_element_type3A_317 = arith.fptosi %min3A_316 : vector<16xf32> to vector<16xi32>
      %convert_element_type3A_318 = arith.sitofp %convert_element_type3A_317 : vector<16xi32> to vector<16xf32>
      %mul3A_319 = arith.constant 9.765625E-4 : f32
      %mul3A_320 = vector.broadcast %mul3A_319 : f32 to vector<16xf32>
      %mul3A_321 = arith.mulf %convert_element_type3A_318, %mul3A_320 : vector<16xf32>
      %swap3A_322 = arith.index_cast %add3A_304 : i32 to index
      %swap3A_323 = tpu.vector_load %arg6[%swap3A_322] {strides = array<i32>} : memref<16384xf32, #tpu.memory_space<vmem>>, vector<16xf32>,
      %swap3A_324 = vector.shape_cast %swap3A_323 : vector<16xf32> to vector<16xf32>
      %swap3A_325 = vector.shape_cast %mul3A_321 : vector<16xf32> to vector<16xf32>
      tpu.vector_store %arg6[%swap3A_322], %swap3A_325 {strides = array<i32>} : memref<16384xf32, #tpu.memory_space<vmem>>, vector<16xf32>,
      %add3A_326 = arith.constant 128 : i32
      %add3A_327 = arith.addi %mul3A_146, %add3A_326 : i32
      %get3A_328 = arith.index_cast %add3A_327 : i32 to index
      %get3A_329 = tpu.vector_load %arg6[%get3A_328] {strides = array<i32>} : memref<16384xf32, #tpu.memory_space<vmem>>, vector<16xf32>,
      %get3A_330 = vector.shape_cast %get3A_329 : vector<16xf32> to vector<16xf32>
      %mul3A_331 = arith.constant 1.024000e+03 : f32
      %mul3A_332 = vector.broadcast %mul3A_331 : f32 to vector<16xf32>
      %mul3A_333 = arith.mulf %get3A_330, %mul3A_332 : vector<16xf32>
      %max3A_334 = arith.constant 0.000000e+00 : f32
      %max3A_335 = vector.broadcast %max3A_334 : f32 to vector<16xf32>
      %max3A_336 = arith.maximumf %mul3A_333, %max3A_335 : vector<16xf32>
      %min3A_337 = arith.constant 1.023000e+03 : f32
      %min3A_338 = vector.broadcast %min3A_337 : f32 to vector<16xf32>
      %min3A_339 = arith.minimumf %max3A_336, %min3A_338 : vector<16xf32>
      %convert_element_type3A_340 = arith.fptosi %min3A_339 : vector<16xf32> to vector<16xi32>
      %convert_element_type3A_341 = arith.sitofp %convert_element_type3A_340 : vector<16xi32> to vector<16xf32>
      %mul3A_342 = arith.constant 9.765625E-4 : f32
      %mul3A_343 = vector.broadcast %mul3A_342 : f32 to vector<16xf32>
      %mul3A_344 = arith.mulf %convert_element_type3A_341, %mul3A_343 : vector<16xf32>
      %swap3A_345 = arith.index_cast %add3A_327 : i32 to index
      %swap3A_346 = tpu.vector_load %arg6[%swap3A_345] {strides = array<i32>} : memref<16384xf32, #tpu.memory_space<vmem>>, vector<16xf32>,
      %swap3A_347 = vector.shape_cast %swap3A_346 : vector<16xf32> to vector<16xf32>
      %swap3A_348 = vector.shape_cast %mul3A_344 : vector<16xf32> to vector<16xf32>
      tpu.vector_store %arg6[%swap3A_345], %swap3A_348 {strides = array<i32>} : memref<16384xf32, #tpu.memory_space<vmem>>, vector<16xf32>,
      %add3A_349 = arith.constant 144 : i32
      %add3A_350 = arith.addi %mul3A_146, %add3A_349 : i32
      %get3A_351 = arith.index_cast %add3A_350 : i32 to index
      %get3A_352 = tpu.vector_load %arg6[%get3A_351] {strides = array<i32>} : memref<16384xf32, #tpu.memory_space<vmem>>, vector<16xf32>,
      %get3A_353 = vector.shape_cast %get3A_352 : vector<16xf32> to vector<16xf32>
      %mul3A_354 = arith.constant 1.024000e+03 : f32
      %mul3A_355 = vector.broadcast %mul3A_354 : f32 to vector<16xf32>
      %mul3A_356 = arith.mulf %get3A_353, %mul3A_355 : vector<16xf32>
      %max3A_357 = arith.constant 0.000000e+00 : f32
      %max3A_358 = vector.broadcast %max3A_357 : f32 to vector<16xf32>
      %max3A_359 = arith.maximumf %mul3A_356, %max3A_358 : vector<16xf32>
      %min3A_360 = arith.constant 1.023000e+03 : f32
      %min3A_361 = vector.broadcast %min3A_360 : f32 to vector<16xf32>
      %min3A_362 = arith.minimumf %max3A_359, %min3A_361 : vector<16xf32>
      %convert_element_type3A_363 = arith.fptosi %min3A_362 : vector<16xf32> to vector<16xi32>
      %convert_element_type3A_364 = arith.sitofp %convert_element_type3A_363 : vector<16xi32> to vector<16xf32>
      %mul3A_365 = arith.constant 9.765625E-4 : f32
      %mul3A_366 = vector.broadcast %mul3A_365 : f32 to vector<16xf32>
      %mul3A_367 = arith.mulf %convert_element_type3A_364, %mul3A_366 : vector<16xf32>
      %swap3A_368 = arith.index_cast %add3A_350 : i32 to index
      %swap3A_369 = tpu.vector_load %arg6[%swap3A_368] {strides = array<i32>} : memref<16384xf32, #tpu.memory_space<vmem>>, vector<16xf32>,
      %swap3A_370 = vector.shape_cast %swap3A_369 : vector<16xf32> to vector<16xf32>
      %swap3A_371 = vector.shape_cast %mul3A_367 : vector<16xf32> to vector<16xf32>
      tpu.vector_store %arg6[%swap3A_368], %swap3A_371 {strides = array<i32>} : memref<16384xf32, #tpu.memory_space<vmem>>, vector<16xf32>,
      %add3A_372 = arith.constant 160 : i32
      %add3A_373 = arith.addi %mul3A_146, %add3A_372 : i32
      %get3A_374 = arith.index_cast %add3A_373 : i32 to index
      %get3A_375 = tpu.vector_load %arg6[%get3A_374] {strides = array<i32>} : memref<16384xf32, #tpu.memory_space<vmem>>, vector<16xf32>,
      %get3A_376 = vector.shape_cast %get3A_375 : vector<16xf32> to vector<16xf32>
      %mul3A_377 = arith.constant 1.024000e+03 : f32
      %mul3A_378 = vector.broadcast %mul3A_377 : f32 to vector<16xf32>
      %mul3A_379 = arith.mulf %get3A_376, %mul3A_378 : vector<16xf32>
      %max3A_380 = arith.constant 0.000000e+00 : f32
      %max3A_381 = vector.broadcast %max3A_380 : f32 to vector<16xf32>
      %max3A_382 = arith.maximumf %mul3A_379, %max3A_381 : vector<16xf32>
      %min3A_383 = arith.constant 1.023000e+03 : f32
      %min3A_384 = vector.broadcast %min3A_383 : f32 to vector<16xf32>
      %min3A_385 = arith.minimumf %max3A_382, %min3A_384 : vector<16xf32>
      %convert_element_type3A_386 = arith.fptosi %min3A_385 : vector<16xf32> to vector<16xi32>
      %convert_element_type3A_387 = arith.sitofp %convert_element_type3A_386 : vector<16xi32> to vector<16xf32>
      %mul3A_388 = arith.constant 9.765625E-4 : f32
      %mul3A_389 = vector.broadcast %mul3A_388 : f32 to vector<16xf32>
      %mul3A_390 = arith.mulf %convert_element_type3A_387, %mul3A_389 : vector<16xf32>
      %swap3A_391 = arith.index_cast %add3A_373 : i32 to index
      %swap3A_392 = tpu.vector_load %arg6[%swap3A_391] {strides = array<i32>} : memref<16384xf32, #tpu.memory_space<vmem>>, vector<16xf32>,
      %swap3A_393 = vector.shape_cast %swap3A_392 : vector<16xf32> to vector<16xf32>
      %swap3A_394 = vector.shape_cast %mul3A_390 : vector<16xf32> to vector<16xf32>
      tpu.vector_store %arg6[%swap3A_391], %swap3A_394 {strides = array<i32>} : memref<16384xf32, #tpu.memory_space<vmem>>, vector<16xf32>,
      %add3A_395 = arith.constant 176 : i32
      %add3A_396 = arith.addi %mul3A_146, %add3A_395 : i32
      %get3A_397 = arith.index_cast %add3A_396 : i32 to index
      %get3A_398 = tpu.vector_load %arg6[%get3A_397] {strides = array<i32>} : memref<16384xf32, #tpu.memory_space<vmem>>, vector<16xf32>,
      %get3A_399 = vector.shape_cast %get3A_398 : vector<16xf32> to vector<16xf32>
      %mul3A_400 = arith.constant 1.024000e+03 : f32
      %mul3A_401 = vector.broadcast %mul3A_400 : f32 to vector<16xf32>
      %mul3A_402 = arith.mulf %get3A_399, %mul3A_401 : vector<16xf32>
      %max3A_403 = arith.constant 0.000000e+00 : f32
      %max3A_404 = vector.broadcast %max3A_403 : f32 to vector<16xf32>
      %max3A_405 = arith.maximumf %mul3A_402, %max3A_404 : vector<16xf32>
      %min3A_406 = arith.constant 1.023000e+03 : f32
      %min3A_407 = vector.broadcast %min3A_406 : f32 to vector<16xf32>
      %min3A_408 = arith.minimumf %max3A_405, %min3A_407 : vector<16xf32>
      %convert_element_type3A_409 = arith.fptosi %min3A_408 : vector<16xf32> to vector<16xi32>
      %convert_element_type3A_410 = arith.sitofp %convert_element_type3A_409 : vector<16xi32> to vector<16xf32>
      %mul3A_411 = arith.constant 9.765625E-4 : f32
      %mul3A_412 = vector.broadcast %mul3A_411 : f32 to vector<16xf32>
      %mul3A_413 = arith.mulf %convert_element_type3A_410, %mul3A_412 : vector<16xf32>
      %swap3A_414 = arith.index_cast %add3A_396 : i32 to index
      %swap3A_415 = tpu.vector_load %arg6[%swap3A_414] {strides = array<i32>} : memref<16384xf32, #tpu.memory_space<vmem>>, vector<16xf32>,
      %swap3A_416 = vector.shape_cast %swap3A_415 : vector<16xf32> to vector<16xf32>
      %swap3A_417 = vector.shape_cast %mul3A_413 : vector<16xf32> to vector<16xf32>
      tpu.vector_store %arg6[%swap3A_414], %swap3A_417 {strides = array<i32>} : memref<16384xf32, #tpu.memory_space<vmem>>, vector<16xf32>,
      %add3A_418 = arith.constant 192 : i32
      %add3A_419 = arith.addi %mul3A_146, %add3A_418 : i32
      %get3A_420 = arith.index_cast %add3A_419 : i32 to index
      %get3A_421 = tpu.vector_load %arg6[%get3A_420] {strides = array<i32>} : memref<16384xf32, #tpu.memory_space<vmem>>, vector<16xf32>,
      %get3A_422 = vector.shape_cast %get3A_421 : vector<16xf32> to vector<16xf32>
      %mul3A_423 = arith.constant 1.024000e+03 : f32
      %mul3A_424 = vector.broadcast %mul3A_423 : f32 to vector<16xf32>
      %mul3A_425 = arith.mulf %get3A_422, %mul3A_424 : vector<16xf32>
      %max3A_426 = arith.constant 0.000000e+00 : f32
      %max3A_427 = vector.broadcast %max3A_426 : f32 to vector<16xf32>
      %max3A_428 = arith.maximumf %mul3A_425, %max3A_427 : vector<16xf32>
      %min3A_429 = arith.constant 1.023000e+03 : f32
      %min3A_430 = vector.broadcast %min3A_429 : f32 to vector<16xf32>
      %min3A_431 = arith.minimumf %max3A_428, %min3A_430 : vector<16xf32>
      %convert_element_type3A_432 = arith.fptosi %min3A_431 : vector<16xf32> to vector<16xi32>
      %convert_element_type3A_433 = arith.sitofp %convert_element_type3A_432 : vector<16xi32> to vector<16xf32>
      %mul3A_434 = arith.constant 9.765625E-4 : f32
      %mul3A_435 = vector.broadcast %mul3A_434 : f32 to vector<16xf32>
      %mul3A_436 = arith.mulf %convert_element_type3A_433, %mul3A_435 : vector<16xf32>
      %swap3A_437 = arith.index_cast %add3A_419 : i32 to index
      %swap3A_438 = tpu.vector_load %arg6[%swap3A_437] {strides = array<i32>} : memref<16384xf32, #tpu.memory_space<vmem>>, vector<16xf32>,
      %swap3A_439 = vector.shape_cast %swap3A_438 : vector<16xf32> to vector<16xf32>
      %swap3A_440 = vector.shape_cast %mul3A_436 : vector<16xf32> to vector<16xf32>
      tpu.vector_store %arg6[%swap3A_437], %swap3A_440 {strides = array<i32>} : memref<16384xf32, #tpu.memory_space<vmem>>, vector<16xf32>,
      %add3A_441 = arith.constant 208 : i32
      %add3A_442 = arith.addi %mul3A_146, %add3A_441 : i32
      %get3A_443 = arith.index_cast %add3A_442 : i32 to index
      %get3A_444 = tpu.vector_load %arg6[%get3A_443] {strides = array<i32>} : memref<16384xf32, #tpu.memory_space<vmem>>, vector<16xf32>,
      %get3A_445 = vector.shape_cast %get3A_444 : vector<16xf32> to vector<16xf32>
      %mul3A_446 = arith.constant 1.024000e+03 : f32
      %mul3A_447 = vector.broadcast %mul3A_446 : f32 to vector<16xf32>
      %mul3A_448 = arith.mulf %get3A_445, %mul3A_447 : vector<16xf32>
      %max3A_449 = arith.constant 0.000000e+00 : f32
      %max3A_450 = vector.broadcast %max3A_449 : f32 to vector<16xf32>
      %max3A_451 = arith.maximumf %mul3A_448, %max3A_450 : vector<16xf32>
      %min3A_452 = arith.constant 1.023000e+03 : f32
      %min3A_453 = vector.broadcast %min3A_452 : f32 to vector<16xf32>
      %min3A_454 = arith.minimumf %max3A_451, %min3A_453 : vector<16xf32>
      %convert_element_type3A_455 = arith.fptosi %min3A_454 : vector<16xf32> to vector<16xi32>
      %convert_element_type3A_456 = arith.sitofp %convert_element_type3A_455 : vector<16xi32> to vector<16xf32>
      %mul3A_457 = arith.constant 9.765625E-4 : f32
      %mul3A_458 = vector.broadcast %mul3A_457 : f32 to vector<16xf32>
      %mul3A_459 = arith.mulf %convert_element_type3A_456, %mul3A_458 : vector<16xf32>
      %swap3A_460 = arith.index_cast %add3A_442 : i32 to index
      %swap3A_461 = tpu.vector_load %arg6[%swap3A_460] {strides = array<i32>} : memref<16384xf32, #tpu.memory_space<vmem>>, vector<16xf32>,
      %swap3A_462 = vector.shape_cast %swap3A_461 : vector<16xf32> to vector<16xf32>
      %swap3A_463 = vector.shape_cast %mul3A_459 : vector<16xf32> to vector<16xf32>
      tpu.vector_store %arg6[%swap3A_460], %swap3A_463 {strides = array<i32>} : memref<16384xf32, #tpu.memory_space<vmem>>, vector<16xf32>,
      %add3A_464 = arith.constant 224 : i32
      %add3A_465 = arith.addi %mul3A_146, %add3A_464 : i32
      %get3A_466 = arith.index_cast %add3A_465 : i32 to index
      %get3A_467 = tpu.vector_load %arg6[%get3A_466] {strides = array<i32>} : memref<16384xf32, #tpu.memory_space<vmem>>, vector<16xf32>,
      %get3A_468 = vector.shape_cast %get3A_467 : vector<16xf32> to vector<16xf32>
      %mul3A_469 = arith.constant 1.024000e+03 : f32
      %mul3A_470 = vector.broadcast %mul3A_469 : f32 to vector<16xf32>
      %mul3A_471 = arith.mulf %get3A_468, %mul3A_470 : vector<16xf32>
      %max3A_472 = arith.constant 0.000000e+00 : f32
      %max3A_473 = vector.broadcast %max3A_472 : f32 to vector<16xf32>
      %max3A_474 = arith.maximumf %mul3A_471, %max3A_473 : vector<16xf32>
      %min3A_475 = arith.constant 1.023000e+03 : f32
      %min3A_476 = vector.broadcast %min3A_475 : f32 to vector<16xf32>
      %min3A_477 = arith.minimumf %max3A_474, %min3A_476 : vector<16xf32>
      %convert_element_type3A_478 = arith.fptosi %min3A_477 : vector<16xf32> to vector<16xi32>
      %convert_element_type3A_479 = arith.sitofp %convert_element_type3A_478 : vector<16xi32> to vector<16xf32>
      %mul3A_480 = arith.constant 9.765625E-4 : f32
      %mul3A_481 = vector.broadcast %mul3A_480 : f32 to vector<16xf32>
      %mul3A_482 = arith.mulf %convert_element_type3A_479, %mul3A_481 : vector<16xf32>
      %swap3A_483 = arith.index_cast %add3A_465 : i32 to index
      %swap3A_484 = tpu.vector_load %arg6[%swap3A_483] {strides = array<i32>} : memref<16384xf32, #tpu.memory_space<vmem>>, vector<16xf32>,
      %swap3A_485 = vector.shape_cast %swap3A_484 : vector<16xf32> to vector<16xf32>
      %swap3A_486 = vector.shape_cast %mul3A_482 : vector<16xf32> to vector<16xf32>
      tpu.vector_store %arg6[%swap3A_483], %swap3A_486 {strides = array<i32>} : memref<16384xf32, #tpu.memory_space<vmem>>, vector<16xf32>,
      %add3A_487 = arith.constant 240 : i32
      %add3A_488 = arith.addi %mul3A_146, %add3A_487 : i32
      %get3A_489 = arith.index_cast %add3A_488 : i32 to index
      %get3A_490 = tpu.vector_load %arg6[%get3A_489] {strides = array<i32>} : memref<16384xf32, #tpu.memory_space<vmem>>, vector<16xf32>,
      %get3A_491 = vector.shape_cast %get3A_490 : vector<16xf32> to vector<16xf32>
      %mul3A_492 = arith.constant 1.024000e+03 : f32
      %mul3A_493 = vector.broadcast %mul3A_492 : f32 to vector<16xf32>
      %mul3A_494 = arith.mulf %get3A_491, %mul3A_493 : vector<16xf32>
      %max3A_495 = arith.constant 0.000000e+00 : f32
      %max3A_496 = vector.broadcast %max3A_495 : f32 to vector<16xf32>
      %max3A_497 = arith.maximumf %mul3A_494, %max3A_496 : vector<16xf32>
      %min3A_498 = arith.constant 1.023000e+03 : f32
      %min3A_499 = vector.broadcast %min3A_498 : f32 to vector<16xf32>
      %min3A_500 = arith.minimumf %max3A_497, %min3A_499 : vector<16xf32>
      %convert_element_type3A_501 = arith.fptosi %min3A_500 : vector<16xf32> to vector<16xi32>
      %convert_element_type3A_502 = arith.sitofp %convert_element_type3A_501 : vector<16xi32> to vector<16xf32>
      %mul3A_503 = arith.constant 9.765625E-4 : f32
      %mul3A_504 = vector.broadcast %mul3A_503 : f32 to vector<16xf32>
      %mul3A_505 = arith.mulf %convert_element_type3A_502, %mul3A_504 : vector<16xf32>
      %swap3A_506 = arith.index_cast %add3A_488 : i32 to index
      %swap3A_507 = tpu.vector_load %arg6[%swap3A_506] {strides = array<i32>} : memref<16384xf32, #tpu.memory_space<vmem>>, vector<16xf32>,
      %swap3A_508 = vector.shape_cast %swap3A_507 : vector<16xf32> to vector<16xf32>
      %swap3A_509 = vector.shape_cast %mul3A_505 : vector<16xf32> to vector<16xf32>
      tpu.vector_store %arg6[%swap3A_506], %swap3A_509 {strides = array<i32>} : memref<16384xf32, #tpu.memory_space<vmem>>, vector<16xf32>,
    }
    %scan3A_119 = arith.constant 64 : i32
    %add3A_120 = arith.constant 98304 : i32
    %add3A_121 = arith.addi %mul3A_2, %add3A_120 : i32
    %dma_start3A_122 = tpu.memref_slice %arg3[%add3A_121] : memref<4194304xf32, #tpu.memory_space<hbm>> -> memref<16384xf32, #tpu.memory_space<hbm>>
    %dma_start3A_123 = tpu.memref_slice %arg3[%add3A_121] : memref<4194304xf32, #tpu.memory_space<hbm>> -> memref<16384xf32, #tpu.memory_space<hbm>>
    tpu.enqueue_dma source(%arg6 : memref<16384xf32, #tpu.memory_space<vmem>>) target(%dma_start3A_123 : memref<16384xf32, #tpu.memory_space<hbm>>) target_semaphore(%arg14 : memref<!tpu.dma_semaphore, #tpu.memory_space<semaphore_mem>>)
    %dma_wait3A_124 = tpu.memref_slice %arg2[%add3A_97] : memref<4194304xf32, #tpu.memory_space<hbm>> -> memref<16384xf32, #tpu.memory_space<hbm>>
    %dma_wait3A_125 = tpu.memref_slice %arg2[%add3A_97] : memref<4194304xf32, #tpu.memory_space<hbm>> -> memref<16384xf32, #tpu.memory_space<hbm>>
    tpu.wait_dma2 semaphore(%arg11 : memref<!tpu.dma_semaphore, #tpu.memory_space<semaphore_mem>>) src(%dma_wait3A_125 : memref<16384xf32, #tpu.memory_space<hbm>>) dst(%arg7 : memref<16384xf32, #tpu.memory_space<vmem>>)
    %scan3A_126 = arith.constant 0 : i32
    %scan3A_127 = arith.constant 0 : i32
    %scan3A_128 = arith.constant 64 : i32
    %scan3A_129 = arith.addi %scan3A_127, %scan3A_128 : i32
    %scan3A_130 = arith.constant 1 : i32
    scf.for %scan3A_144 = %scan3A_127 to %scan3A_129 step %scan3A_130  : i32 {
      %mul3A_145 = arith.constant 256 : i32
      %mul3A_146 = arith.muli %scan3A_144, %mul3A_145 : i32
      %add3A_147 = arith.constant 0 : i32
      %add3A_148 = arith.addi %mul3A_146, %add3A_147 : i32
      %get3A = arith.index_cast %add3A_148 : i32 to index
      %get3A_149 = tpu.vector_load %arg7[%get3A] {strides = array<i32>} : memref<16384xf32, #tpu.memory_space<vmem>>, vector<16xf32>,
      %get3A_150 = vector.shape_cast %get3A_149 : vector<16xf32> to vector<16xf32>
      %mul3A_151 = arith.constant 1.024000e+03 : f32
      %mul3A_152 = vector.broadcast %mul3A_151 : f32 to vector<16xf32>
      %mul3A_153 = arith.mulf %get3A_150, %mul3A_152 : vector<16xf32>
      %max3A = arith.constant 0.000000e+00 : f32
      %max3A_154 = vector.broadcast %max3A : f32 to vector<16xf32>
      %max3A_155 = arith.maximumf %mul3A_153, %max3A_154 : vector<16xf32>
      %min3A = arith.constant 1.023000e+03 : f32
      %min3A_156 = vector.broadcast %min3A : f32 to vector<16xf32>
      %min3A_157 = arith.minimumf %max3A_155, %min3A_156 : vector<16xf32>
      %convert_element_type3A = arith.fptosi %min3A_157 : vector<16xf32> to vector<16xi32>
      %convert_element_type3A_158 = arith.sitofp %convert_element_type3A : vector<16xi32> to vector<16xf32>
      %mul3A_159 = arith.constant 9.765625E-4 : f32
      %mul3A_160 = vector.broadcast %mul3A_159 : f32 to vector<16xf32>
      %mul3A_161 = arith.mulf %convert_element_type3A_158, %mul3A_160 : vector<16xf32>
      %swap3A = arith.index_cast %add3A_148 : i32 to index
      %swap3A_162 = tpu.vector_load %arg7[%swap3A] {strides = array<i32>} : memref<16384xf32, #tpu.memory_space<vmem>>, vector<16xf32>,
      %swap3A_163 = vector.shape_cast %swap3A_162 : vector<16xf32> to vector<16xf32>
      %swap3A_164 = vector.shape_cast %mul3A_161 : vector<16xf32> to vector<16xf32>
      tpu.vector_store %arg7[%swap3A], %swap3A_164 {strides = array<i32>} : memref<16384xf32, #tpu.memory_space<vmem>>, vector<16xf32>,
      %add3A_165 = arith.constant 16 : i32
      %add3A_166 = arith.addi %mul3A_146, %add3A_165 : i32
      %get3A_167 = arith.index_cast %add3A_166 : i32 to index
      %get3A_168 = tpu.vector_load %arg7[%get3A_167] {strides = array<i32>} : memref<16384xf32, #tpu.memory_space<vmem>>, vector<16xf32>,
      %get3A_169 = vector.shape_cast %get3A_168 : vector<16xf32> to vector<16xf32>
      %mul3A_170 = arith.constant 1.024000e+03 : f32
      %mul3A_171 = vector.broadcast %mul3A_170 : f32 to vector<16xf32>
      %mul3A_172 = arith.mulf %get3A_169, %mul3A_171 : vector<16xf32>
      %max3A_173 = arith.constant 0.000000e+00 : f32
      %max3A_174 = vector.broadcast %max3A_173 : f32 to vector<16xf32>
      %max3A_175 = arith.maximumf %mul3A_172, %max3A_174 : vector<16xf32>
      %min3A_176 = arith.constant 1.023000e+03 : f32
      %min3A_177 = vector.broadcast %min3A_176 : f32 to vector<16xf32>
      %min3A_178 = arith.minimumf %max3A_175, %min3A_177 : vector<16xf32>
      %convert_element_type3A_179 = arith.fptosi %min3A_178 : vector<16xf32> to vector<16xi32>
      %convert_element_type3A_180 = arith.sitofp %convert_element_type3A_179 : vector<16xi32> to vector<16xf32>
      %mul3A_181 = arith.constant 9.765625E-4 : f32
      %mul3A_182 = vector.broadcast %mul3A_181 : f32 to vector<16xf32>
      %mul3A_183 = arith.mulf %convert_element_type3A_180, %mul3A_182 : vector<16xf32>
      %swap3A_184 = arith.index_cast %add3A_166 : i32 to index
      %swap3A_185 = tpu.vector_load %arg7[%swap3A_184] {strides = array<i32>} : memref<16384xf32, #tpu.memory_space<vmem>>, vector<16xf32>,
      %swap3A_186 = vector.shape_cast %swap3A_185 : vector<16xf32> to vector<16xf32>
      %swap3A_187 = vector.shape_cast %mul3A_183 : vector<16xf32> to vector<16xf32>
      tpu.vector_store %arg7[%swap3A_184], %swap3A_187 {strides = array<i32>} : memref<16384xf32, #tpu.memory_space<vmem>>, vector<16xf32>,
      %add3A_188 = arith.constant 32 : i32
      %add3A_189 = arith.addi %mul3A_146, %add3A_188 : i32
      %get3A_190 = arith.index_cast %add3A_189 : i32 to index
      %get3A_191 = tpu.vector_load %arg7[%get3A_190] {strides = array<i32>} : memref<16384xf32, #tpu.memory_space<vmem>>, vector<16xf32>,
      %get3A_192 = vector.shape_cast %get3A_191 : vector<16xf32> to vector<16xf32>
      %mul3A_193 = arith.constant 1.024000e+03 : f32
      %mul3A_194 = vector.broadcast %mul3A_193 : f32 to vector<16xf32>
      %mul3A_195 = arith.mulf %get3A_192, %mul3A_194 : vector<16xf32>
      %max3A_196 = arith.constant 0.000000e+00 : f32
      %max3A_197 = vector.broadcast %max3A_196 : f32 to vector<16xf32>
      %max3A_198 = arith.maximumf %mul3A_195, %max3A_197 : vector<16xf32>
      %min3A_199 = arith.constant 1.023000e+03 : f32
      %min3A_200 = vector.broadcast %min3A_199 : f32 to vector<16xf32>
      %min3A_201 = arith.minimumf %max3A_198, %min3A_200 : vector<16xf32>
      %convert_element_type3A_202 = arith.fptosi %min3A_201 : vector<16xf32> to vector<16xi32>
      %convert_element_type3A_203 = arith.sitofp %convert_element_type3A_202 : vector<16xi32> to vector<16xf32>
      %mul3A_204 = arith.constant 9.765625E-4 : f32
      %mul3A_205 = vector.broadcast %mul3A_204 : f32 to vector<16xf32>
      %mul3A_206 = arith.mulf %convert_element_type3A_203, %mul3A_205 : vector<16xf32>
      %swap3A_207 = arith.index_cast %add3A_189 : i32 to index
      %swap3A_208 = tpu.vector_load %arg7[%swap3A_207] {strides = array<i32>} : memref<16384xf32, #tpu.memory_space<vmem>>, vector<16xf32>,
      %swap3A_209 = vector.shape_cast %swap3A_208 : vector<16xf32> to vector<16xf32>
      %swap3A_210 = vector.shape_cast %mul3A_206 : vector<16xf32> to vector<16xf32>
      tpu.vector_store %arg7[%swap3A_207], %swap3A_210 {strides = array<i32>} : memref<16384xf32, #tpu.memory_space<vmem>>, vector<16xf32>,
      %add3A_211 = arith.constant 48 : i32
      %add3A_212 = arith.addi %mul3A_146, %add3A_211 : i32
      %get3A_213 = arith.index_cast %add3A_212 : i32 to index
      %get3A_214 = tpu.vector_load %arg7[%get3A_213] {strides = array<i32>} : memref<16384xf32, #tpu.memory_space<vmem>>, vector<16xf32>,
      %get3A_215 = vector.shape_cast %get3A_214 : vector<16xf32> to vector<16xf32>
      %mul3A_216 = arith.constant 1.024000e+03 : f32
      %mul3A_217 = vector.broadcast %mul3A_216 : f32 to vector<16xf32>
      %mul3A_218 = arith.mulf %get3A_215, %mul3A_217 : vector<16xf32>
      %max3A_219 = arith.constant 0.000000e+00 : f32
      %max3A_220 = vector.broadcast %max3A_219 : f32 to vector<16xf32>
      %max3A_221 = arith.maximumf %mul3A_218, %max3A_220 : vector<16xf32>
      %min3A_222 = arith.constant 1.023000e+03 : f32
      %min3A_223 = vector.broadcast %min3A_222 : f32 to vector<16xf32>
      %min3A_224 = arith.minimumf %max3A_221, %min3A_223 : vector<16xf32>
      %convert_element_type3A_225 = arith.fptosi %min3A_224 : vector<16xf32> to vector<16xi32>
      %convert_element_type3A_226 = arith.sitofp %convert_element_type3A_225 : vector<16xi32> to vector<16xf32>
      %mul3A_227 = arith.constant 9.765625E-4 : f32
      %mul3A_228 = vector.broadcast %mul3A_227 : f32 to vector<16xf32>
      %mul3A_229 = arith.mulf %convert_element_type3A_226, %mul3A_228 : vector<16xf32>
      %swap3A_230 = arith.index_cast %add3A_212 : i32 to index
      %swap3A_231 = tpu.vector_load %arg7[%swap3A_230] {strides = array<i32>} : memref<16384xf32, #tpu.memory_space<vmem>>, vector<16xf32>,
      %swap3A_232 = vector.shape_cast %swap3A_231 : vector<16xf32> to vector<16xf32>
      %swap3A_233 = vector.shape_cast %mul3A_229 : vector<16xf32> to vector<16xf32>
      tpu.vector_store %arg7[%swap3A_230], %swap3A_233 {strides = array<i32>} : memref<16384xf32, #tpu.memory_space<vmem>>, vector<16xf32>,
      %add3A_234 = arith.constant 64 : i32
      %add3A_235 = arith.addi %mul3A_146, %add3A_234 : i32
      %get3A_236 = arith.index_cast %add3A_235 : i32 to index
      %get3A_237 = tpu.vector_load %arg7[%get3A_236] {strides = array<i32>} : memref<16384xf32, #tpu.memory_space<vmem>>, vector<16xf32>,
      %get3A_238 = vector.shape_cast %get3A_237 : vector<16xf32> to vector<16xf32>
      %mul3A_239 = arith.constant 1.024000e+03 : f32
      %mul3A_240 = vector.broadcast %mul3A_239 : f32 to vector<16xf32>
      %mul3A_241 = arith.mulf %get3A_238, %mul3A_240 : vector<16xf32>
      %max3A_242 = arith.constant 0.000000e+00 : f32
      %max3A_243 = vector.broadcast %max3A_242 : f32 to vector<16xf32>
      %max3A_244 = arith.maximumf %mul3A_241, %max3A_243 : vector<16xf32>
      %min3A_245 = arith.constant 1.023000e+03 : f32
      %min3A_246 = vector.broadcast %min3A_245 : f32 to vector<16xf32>
      %min3A_247 = arith.minimumf %max3A_244, %min3A_246 : vector<16xf32>
      %convert_element_type3A_248 = arith.fptosi %min3A_247 : vector<16xf32> to vector<16xi32>
      %convert_element_type3A_249 = arith.sitofp %convert_element_type3A_248 : vector<16xi32> to vector<16xf32>
      %mul3A_250 = arith.constant 9.765625E-4 : f32
      %mul3A_251 = vector.broadcast %mul3A_250 : f32 to vector<16xf32>
      %mul3A_252 = arith.mulf %convert_element_type3A_249, %mul3A_251 : vector<16xf32>
      %swap3A_253 = arith.index_cast %add3A_235 : i32 to index
      %swap3A_254 = tpu.vector_load %arg7[%swap3A_253] {strides = array<i32>} : memref<16384xf32, #tpu.memory_space<vmem>>, vector<16xf32>,
      %swap3A_255 = vector.shape_cast %swap3A_254 : vector<16xf32> to vector<16xf32>
      %swap3A_256 = vector.shape_cast %mul3A_252 : vector<16xf32> to vector<16xf32>
      tpu.vector_store %arg7[%swap3A_253], %swap3A_256 {strides = array<i32>} : memref<16384xf32, #tpu.memory_space<vmem>>, vector<16xf32>,
      %add3A_257 = arith.constant 80 : i32
      %add3A_258 = arith.addi %mul3A_146, %add3A_257 : i32
      %get3A_259 = arith.index_cast %add3A_258 : i32 to index
      %get3A_260 = tpu.vector_load %arg7[%get3A_259] {strides = array<i32>} : memref<16384xf32, #tpu.memory_space<vmem>>, vector<16xf32>,
      %get3A_261 = vector.shape_cast %get3A_260 : vector<16xf32> to vector<16xf32>
      %mul3A_262 = arith.constant 1.024000e+03 : f32
      %mul3A_263 = vector.broadcast %mul3A_262 : f32 to vector<16xf32>
      %mul3A_264 = arith.mulf %get3A_261, %mul3A_263 : vector<16xf32>
      %max3A_265 = arith.constant 0.000000e+00 : f32
      %max3A_266 = vector.broadcast %max3A_265 : f32 to vector<16xf32>
      %max3A_267 = arith.maximumf %mul3A_264, %max3A_266 : vector<16xf32>
      %min3A_268 = arith.constant 1.023000e+03 : f32
      %min3A_269 = vector.broadcast %min3A_268 : f32 to vector<16xf32>
      %min3A_270 = arith.minimumf %max3A_267, %min3A_269 : vector<16xf32>
      %convert_element_type3A_271 = arith.fptosi %min3A_270 : vector<16xf32> to vector<16xi32>
      %convert_element_type3A_272 = arith.sitofp %convert_element_type3A_271 : vector<16xi32> to vector<16xf32>
      %mul3A_273 = arith.constant 9.765625E-4 : f32
      %mul3A_274 = vector.broadcast %mul3A_273 : f32 to vector<16xf32>
      %mul3A_275 = arith.mulf %convert_element_type3A_272, %mul3A_274 : vector<16xf32>
      %swap3A_276 = arith.index_cast %add3A_258 : i32 to index
      %swap3A_277 = tpu.vector_load %arg7[%swap3A_276] {strides = array<i32>} : memref<16384xf32, #tpu.memory_space<vmem>>, vector<16xf32>,
      %swap3A_278 = vector.shape_cast %swap3A_277 : vector<16xf32> to vector<16xf32>
      %swap3A_279 = vector.shape_cast %mul3A_275 : vector<16xf32> to vector<16xf32>
      tpu.vector_store %arg7[%swap3A_276], %swap3A_279 {strides = array<i32>} : memref<16384xf32, #tpu.memory_space<vmem>>, vector<16xf32>,
      %add3A_280 = arith.constant 96 : i32
      %add3A_281 = arith.addi %mul3A_146, %add3A_280 : i32
      %get3A_282 = arith.index_cast %add3A_281 : i32 to index
      %get3A_283 = tpu.vector_load %arg7[%get3A_282] {strides = array<i32>} : memref<16384xf32, #tpu.memory_space<vmem>>, vector<16xf32>,
      %get3A_284 = vector.shape_cast %get3A_283 : vector<16xf32> to vector<16xf32>
      %mul3A_285 = arith.constant 1.024000e+03 : f32
      %mul3A_286 = vector.broadcast %mul3A_285 : f32 to vector<16xf32>
      %mul3A_287 = arith.mulf %get3A_284, %mul3A_286 : vector<16xf32>
      %max3A_288 = arith.constant 0.000000e+00 : f32
      %max3A_289 = vector.broadcast %max3A_288 : f32 to vector<16xf32>
      %max3A_290 = arith.maximumf %mul3A_287, %max3A_289 : vector<16xf32>
      %min3A_291 = arith.constant 1.023000e+03 : f32
      %min3A_292 = vector.broadcast %min3A_291 : f32 to vector<16xf32>
      %min3A_293 = arith.minimumf %max3A_290, %min3A_292 : vector<16xf32>
      %convert_element_type3A_294 = arith.fptosi %min3A_293 : vector<16xf32> to vector<16xi32>
      %convert_element_type3A_295 = arith.sitofp %convert_element_type3A_294 : vector<16xi32> to vector<16xf32>
      %mul3A_296 = arith.constant 9.765625E-4 : f32
      %mul3A_297 = vector.broadcast %mul3A_296 : f32 to vector<16xf32>
      %mul3A_298 = arith.mulf %convert_element_type3A_295, %mul3A_297 : vector<16xf32>
      %swap3A_299 = arith.index_cast %add3A_281 : i32 to index
      %swap3A_300 = tpu.vector_load %arg7[%swap3A_299] {strides = array<i32>} : memref<16384xf32, #tpu.memory_space<vmem>>, vector<16xf32>,
      %swap3A_301 = vector.shape_cast %swap3A_300 : vector<16xf32> to vector<16xf32>
      %swap3A_302 = vector.shape_cast %mul3A_298 : vector<16xf32> to vector<16xf32>
      tpu.vector_store %arg7[%swap3A_299], %swap3A_302 {strides = array<i32>} : memref<16384xf32, #tpu.memory_space<vmem>>, vector<16xf32>,
      %add3A_303 = arith.constant 112 : i32
      %add3A_304 = arith.addi %mul3A_146, %add3A_303 : i32
      %get3A_305 = arith.index_cast %add3A_304 : i32 to index
      %get3A_306 = tpu.vector_load %arg7[%get3A_305] {strides = array<i32>} : memref<16384xf32, #tpu.memory_space<vmem>>, vector<16xf32>,
      %get3A_307 = vector.shape_cast %get3A_306 : vector<16xf32> to vector<16xf32>
      %mul3A_308 = arith.constant 1.024000e+03 : f32
      %mul3A_309 = vector.broadcast %mul3A_308 : f32 to vector<16xf32>
      %mul3A_310 = arith.mulf %get3A_307, %mul3A_309 : vector<16xf32>
      %max3A_311 = arith.constant 0.000000e+00 : f32
      %max3A_312 = vector.broadcast %max3A_311 : f32 to vector<16xf32>
      %max3A_313 = arith.maximumf %mul3A_310, %max3A_312 : vector<16xf32>
      %min3A_314 = arith.constant 1.023000e+03 : f32
      %min3A_315 = vector.broadcast %min3A_314 : f32 to vector<16xf32>
      %min3A_316 = arith.minimumf %max3A_313, %min3A_315 : vector<16xf32>
      %convert_element_type3A_317 = arith.fptosi %min3A_316 : vector<16xf32> to vector<16xi32>
      %convert_element_type3A_318 = arith.sitofp %convert_element_type3A_317 : vector<16xi32> to vector<16xf32>
      %mul3A_319 = arith.constant 9.765625E-4 : f32
      %mul3A_320 = vector.broadcast %mul3A_319 : f32 to vector<16xf32>
      %mul3A_321 = arith.mulf %convert_element_type3A_318, %mul3A_320 : vector<16xf32>
      %swap3A_322 = arith.index_cast %add3A_304 : i32 to index
      %swap3A_323 = tpu.vector_load %arg7[%swap3A_322] {strides = array<i32>} : memref<16384xf32, #tpu.memory_space<vmem>>, vector<16xf32>,
      %swap3A_324 = vector.shape_cast %swap3A_323 : vector<16xf32> to vector<16xf32>
      %swap3A_325 = vector.shape_cast %mul3A_321 : vector<16xf32> to vector<16xf32>
      tpu.vector_store %arg7[%swap3A_322], %swap3A_325 {strides = array<i32>} : memref<16384xf32, #tpu.memory_space<vmem>>, vector<16xf32>,
      %add3A_326 = arith.constant 128 : i32
      %add3A_327 = arith.addi %mul3A_146, %add3A_326 : i32
      %get3A_328 = arith.index_cast %add3A_327 : i32 to index
      %get3A_329 = tpu.vector_load %arg7[%get3A_328] {strides = array<i32>} : memref<16384xf32, #tpu.memory_space<vmem>>, vector<16xf32>,
      %get3A_330 = vector.shape_cast %get3A_329 : vector<16xf32> to vector<16xf32>
      %mul3A_331 = arith.constant 1.024000e+03 : f32
      %mul3A_332 = vector.broadcast %mul3A_331 : f32 to vector<16xf32>
      %mul3A_333 = arith.mulf %get3A_330, %mul3A_332 : vector<16xf32>
      %max3A_334 = arith.constant 0.000000e+00 : f32
      %max3A_335 = vector.broadcast %max3A_334 : f32 to vector<16xf32>
      %max3A_336 = arith.maximumf %mul3A_333, %max3A_335 : vector<16xf32>
      %min3A_337 = arith.constant 1.023000e+03 : f32
      %min3A_338 = vector.broadcast %min3A_337 : f32 to vector<16xf32>
      %min3A_339 = arith.minimumf %max3A_336, %min3A_338 : vector<16xf32>
      %convert_element_type3A_340 = arith.fptosi %min3A_339 : vector<16xf32> to vector<16xi32>
      %convert_element_type3A_341 = arith.sitofp %convert_element_type3A_340 : vector<16xi32> to vector<16xf32>
      %mul3A_342 = arith.constant 9.765625E-4 : f32
      %mul3A_343 = vector.broadcast %mul3A_342 : f32 to vector<16xf32>
      %mul3A_344 = arith.mulf %convert_element_type3A_341, %mul3A_343 : vector<16xf32>
      %swap3A_345 = arith.index_cast %add3A_327 : i32 to index
      %swap3A_346 = tpu.vector_load %arg7[%swap3A_345] {strides = array<i32>} : memref<16384xf32, #tpu.memory_space<vmem>>, vector<16xf32>,
      %swap3A_347 = vector.shape_cast %swap3A_346 : vector<16xf32> to vector<16xf32>
      %swap3A_348 = vector.shape_cast %mul3A_344 : vector<16xf32> to vector<16xf32>
      tpu.vector_store %arg7[%swap3A_345], %swap3A_348 {strides = array<i32>} : memref<16384xf32, #tpu.memory_space<vmem>>, vector<16xf32>,
      %add3A_349 = arith.constant 144 : i32
      %add3A_350 = arith.addi %mul3A_146, %add3A_349 : i32
      %get3A_351 = arith.index_cast %add3A_350 : i32 to index
      %get3A_352 = tpu.vector_load %arg7[%get3A_351] {strides = array<i32>} : memref<16384xf32, #tpu.memory_space<vmem>>, vector<16xf32>,
      %get3A_353 = vector.shape_cast %get3A_352 : vector<16xf32> to vector<16xf32>
      %mul3A_354 = arith.constant 1.024000e+03 : f32
      %mul3A_355 = vector.broadcast %mul3A_354 : f32 to vector<16xf32>
      %mul3A_356 = arith.mulf %get3A_353, %mul3A_355 : vector<16xf32>
      %max3A_357 = arith.constant 0.000000e+00 : f32
      %max3A_358 = vector.broadcast %max3A_357 : f32 to vector<16xf32>
      %max3A_359 = arith.maximumf %mul3A_356, %max3A_358 : vector<16xf32>
      %min3A_360 = arith.constant 1.023000e+03 : f32
      %min3A_361 = vector.broadcast %min3A_360 : f32 to vector<16xf32>
      %min3A_362 = arith.minimumf %max3A_359, %min3A_361 : vector<16xf32>
      %convert_element_type3A_363 = arith.fptosi %min3A_362 : vector<16xf32> to vector<16xi32>
      %convert_element_type3A_364 = arith.sitofp %convert_element_type3A_363 : vector<16xi32> to vector<16xf32>
      %mul3A_365 = arith.constant 9.765625E-4 : f32
      %mul3A_366 = vector.broadcast %mul3A_365 : f32 to vector<16xf32>
      %mul3A_367 = arith.mulf %convert_element_type3A_364, %mul3A_366 : vector<16xf32>
      %swap3A_368 = arith.index_cast %add3A_350 : i32 to index
      %swap3A_369 = tpu.vector_load %arg7[%swap3A_368] {strides = array<i32>} : memref<16384xf32, #tpu.memory_space<vmem>>, vector<16xf32>,
      %swap3A_370 = vector.shape_cast %swap3A_369 : vector<16xf32> to vector<16xf32>
      %swap3A_371 = vector.shape_cast %mul3A_367 : vector<16xf32> to vector<16xf32>
      tpu.vector_store %arg7[%swap3A_368], %swap3A_371 {strides = array<i32>} : memref<16384xf32, #tpu.memory_space<vmem>>, vector<16xf32>,
      %add3A_372 = arith.constant 160 : i32
      %add3A_373 = arith.addi %mul3A_146, %add3A_372 : i32
      %get3A_374 = arith.index_cast %add3A_373 : i32 to index
      %get3A_375 = tpu.vector_load %arg7[%get3A_374] {strides = array<i32>} : memref<16384xf32, #tpu.memory_space<vmem>>, vector<16xf32>,
      %get3A_376 = vector.shape_cast %get3A_375 : vector<16xf32> to vector<16xf32>
      %mul3A_377 = arith.constant 1.024000e+03 : f32
      %mul3A_378 = vector.broadcast %mul3A_377 : f32 to vector<16xf32>
      %mul3A_379 = arith.mulf %get3A_376, %mul3A_378 : vector<16xf32>
      %max3A_380 = arith.constant 0.000000e+00 : f32
      %max3A_381 = vector.broadcast %max3A_380 : f32 to vector<16xf32>
      %max3A_382 = arith.maximumf %mul3A_379, %max3A_381 : vector<16xf32>
      %min3A_383 = arith.constant 1.023000e+03 : f32
      %min3A_384 = vector.broadcast %min3A_383 : f32 to vector<16xf32>
      %min3A_385 = arith.minimumf %max3A_382, %min3A_384 : vector<16xf32>
      %convert_element_type3A_386 = arith.fptosi %min3A_385 : vector<16xf32> to vector<16xi32>
      %convert_element_type3A_387 = arith.sitofp %convert_element_type3A_386 : vector<16xi32> to vector<16xf32>
      %mul3A_388 = arith.constant 9.765625E-4 : f32
      %mul3A_389 = vector.broadcast %mul3A_388 : f32 to vector<16xf32>
      %mul3A_390 = arith.mulf %convert_element_type3A_387, %mul3A_389 : vector<16xf32>
      %swap3A_391 = arith.index_cast %add3A_373 : i32 to index
      %swap3A_392 = tpu.vector_load %arg7[%swap3A_391] {strides = array<i32>} : memref<16384xf32, #tpu.memory_space<vmem>>, vector<16xf32>,
      %swap3A_393 = vector.shape_cast %swap3A_392 : vector<16xf32> to vector<16xf32>
      %swap3A_394 = vector.shape_cast %mul3A_390 : vector<16xf32> to vector<16xf32>
      tpu.vector_store %arg7[%swap3A_391], %swap3A_394 {strides = array<i32>} : memref<16384xf32, #tpu.memory_space<vmem>>, vector<16xf32>,
      %add3A_395 = arith.constant 176 : i32
      %add3A_396 = arith.addi %mul3A_146, %add3A_395 : i32
      %get3A_397 = arith.index_cast %add3A_396 : i32 to index
      %get3A_398 = tpu.vector_load %arg7[%get3A_397] {strides = array<i32>} : memref<16384xf32, #tpu.memory_space<vmem>>, vector<16xf32>,
      %get3A_399 = vector.shape_cast %get3A_398 : vector<16xf32> to vector<16xf32>
      %mul3A_400 = arith.constant 1.024000e+03 : f32
      %mul3A_401 = vector.broadcast %mul3A_400 : f32 to vector<16xf32>
      %mul3A_402 = arith.mulf %get3A_399, %mul3A_401 : vector<16xf32>
      %max3A_403 = arith.constant 0.000000e+00 : f32
      %max3A_404 = vector.broadcast %max3A_403 : f32 to vector<16xf32>
      %max3A_405 = arith.maximumf %mul3A_402, %max3A_404 : vector<16xf32>
      %min3A_406 = arith.constant 1.023000e+03 : f32
      %min3A_407 = vector.broadcast %min3A_406 : f32 to vector<16xf32>
      %min3A_408 = arith.minimumf %max3A_405, %min3A_407 : vector<16xf32>
      %convert_element_type3A_409 = arith.fptosi %min3A_408 : vector<16xf32> to vector<16xi32>
      %convert_element_type3A_410 = arith.sitofp %convert_element_type3A_409 : vector<16xi32> to vector<16xf32>
      %mul3A_411 = arith.constant 9.765625E-4 : f32
      %mul3A_412 = vector.broadcast %mul3A_411 : f32 to vector<16xf32>
      %mul3A_413 = arith.mulf %convert_element_type3A_410, %mul3A_412 : vector<16xf32>
      %swap3A_414 = arith.index_cast %add3A_396 : i32 to index
      %swap3A_415 = tpu.vector_load %arg7[%swap3A_414] {strides = array<i32>} : memref<16384xf32, #tpu.memory_space<vmem>>, vector<16xf32>,
      %swap3A_416 = vector.shape_cast %swap3A_415 : vector<16xf32> to vector<16xf32>
      %swap3A_417 = vector.shape_cast %mul3A_413 : vector<16xf32> to vector<16xf32>
      tpu.vector_store %arg7[%swap3A_414], %swap3A_417 {strides = array<i32>} : memref<16384xf32, #tpu.memory_space<vmem>>, vector<16xf32>,
      %add3A_418 = arith.constant 192 : i32
      %add3A_419 = arith.addi %mul3A_146, %add3A_418 : i32
      %get3A_420 = arith.index_cast %add3A_419 : i32 to index
      %get3A_421 = tpu.vector_load %arg7[%get3A_420] {strides = array<i32>} : memref<16384xf32, #tpu.memory_space<vmem>>, vector<16xf32>,
      %get3A_422 = vector.shape_cast %get3A_421 : vector<16xf32> to vector<16xf32>
      %mul3A_423 = arith.constant 1.024000e+03 : f32
      %mul3A_424 = vector.broadcast %mul3A_423 : f32 to vector<16xf32>
      %mul3A_425 = arith.mulf %get3A_422, %mul3A_424 : vector<16xf32>
      %max3A_426 = arith.constant 0.000000e+00 : f32
      %max3A_427 = vector.broadcast %max3A_426 : f32 to vector<16xf32>
      %max3A_428 = arith.maximumf %mul3A_425, %max3A_427 : vector<16xf32>
      %min3A_429 = arith.constant 1.023000e+03 : f32
      %min3A_430 = vector.broadcast %min3A_429 : f32 to vector<16xf32>
      %min3A_431 = arith.minimumf %max3A_428, %min3A_430 : vector<16xf32>
      %convert_element_type3A_432 = arith.fptosi %min3A_431 : vector<16xf32> to vector<16xi32>
      %convert_element_type3A_433 = arith.sitofp %convert_element_type3A_432 : vector<16xi32> to vector<16xf32>
      %mul3A_434 = arith.constant 9.765625E-4 : f32
      %mul3A_435 = vector.broadcast %mul3A_434 : f32 to vector<16xf32>
      %mul3A_436 = arith.mulf %convert_element_type3A_433, %mul3A_435 : vector<16xf32>
      %swap3A_437 = arith.index_cast %add3A_419 : i32 to index
      %swap3A_438 = tpu.vector_load %arg7[%swap3A_437] {strides = array<i32>} : memref<16384xf32, #tpu.memory_space<vmem>>, vector<16xf32>,
      %swap3A_439 = vector.shape_cast %swap3A_438 : vector<16xf32> to vector<16xf32>
      %swap3A_440 = vector.shape_cast %mul3A_436 : vector<16xf32> to vector<16xf32>
      tpu.vector_store %arg7[%swap3A_437], %swap3A_440 {strides = array<i32>} : memref<16384xf32, #tpu.memory_space<vmem>>, vector<16xf32>,
      %add3A_441 = arith.constant 208 : i32
      %add3A_442 = arith.addi %mul3A_146, %add3A_441 : i32
      %get3A_443 = arith.index_cast %add3A_442 : i32 to index
      %get3A_444 = tpu.vector_load %arg7[%get3A_443] {strides = array<i32>} : memref<16384xf32, #tpu.memory_space<vmem>>, vector<16xf32>,
      %get3A_445 = vector.shape_cast %get3A_444 : vector<16xf32> to vector<16xf32>
      %mul3A_446 = arith.constant 1.024000e+03 : f32
      %mul3A_447 = vector.broadcast %mul3A_446 : f32 to vector<16xf32>
      %mul3A_448 = arith.mulf %get3A_445, %mul3A_447 : vector<16xf32>
      %max3A_449 = arith.constant 0.000000e+00 : f32
      %max3A_450 = vector.broadcast %max3A_449 : f32 to vector<16xf32>
      %max3A_451 = arith.maximumf %mul3A_448, %max3A_450 : vector<16xf32>
      %min3A_452 = arith.constant 1.023000e+03 : f32
      %min3A_453 = vector.broadcast %min3A_452 : f32 to vector<16xf32>
      %min3A_454 = arith.minimumf %max3A_451, %min3A_453 : vector<16xf32>
      %convert_element_type3A_455 = arith.fptosi %min3A_454 : vector<16xf32> to vector<16xi32>
      %convert_element_type3A_456 = arith.sitofp %convert_element_type3A_455 : vector<16xi32> to vector<16xf32>
      %mul3A_457 = arith.constant 9.765625E-4 : f32
      %mul3A_458 = vector.broadcast %mul3A_457 : f32 to vector<16xf32>
      %mul3A_459 = arith.mulf %convert_element_type3A_456, %mul3A_458 : vector<16xf32>
      %swap3A_460 = arith.index_cast %add3A_442 : i32 to index
      %swap3A_461 = tpu.vector_load %arg7[%swap3A_460] {strides = array<i32>} : memref<16384xf32, #tpu.memory_space<vmem>>, vector<16xf32>,
      %swap3A_462 = vector.shape_cast %swap3A_461 : vector<16xf32> to vector<16xf32>
      %swap3A_463 = vector.shape_cast %mul3A_459 : vector<16xf32> to vector<16xf32>
      tpu.vector_store %arg7[%swap3A_460], %swap3A_463 {strides = array<i32>} : memref<16384xf32, #tpu.memory_space<vmem>>, vector<16xf32>,
      %add3A_464 = arith.constant 224 : i32
      %add3A_465 = arith.addi %mul3A_146, %add3A_464 : i32
      %get3A_466 = arith.index_cast %add3A_465 : i32 to index
      %get3A_467 = tpu.vector_load %arg7[%get3A_466] {strides = array<i32>} : memref<16384xf32, #tpu.memory_space<vmem>>, vector<16xf32>,
      %get3A_468 = vector.shape_cast %get3A_467 : vector<16xf32> to vector<16xf32>
      %mul3A_469 = arith.constant 1.024000e+03 : f32
      %mul3A_470 = vector.broadcast %mul3A_469 : f32 to vector<16xf32>
      %mul3A_471 = arith.mulf %get3A_468, %mul3A_470 : vector<16xf32>
      %max3A_472 = arith.constant 0.000000e+00 : f32
      %max3A_473 = vector.broadcast %max3A_472 : f32 to vector<16xf32>
      %max3A_474 = arith.maximumf %mul3A_471, %max3A_473 : vector<16xf32>
      %min3A_475 = arith.constant 1.023000e+03 : f32
      %min3A_476 = vector.broadcast %min3A_475 : f32 to vector<16xf32>
      %min3A_477 = arith.minimumf %max3A_474, %min3A_476 : vector<16xf32>
      %convert_element_type3A_478 = arith.fptosi %min3A_477 : vector<16xf32> to vector<16xi32>
      %convert_element_type3A_479 = arith.sitofp %convert_element_type3A_478 : vector<16xi32> to vector<16xf32>
      %mul3A_480 = arith.constant 9.765625E-4 : f32
      %mul3A_481 = vector.broadcast %mul3A_480 : f32 to vector<16xf32>
      %mul3A_482 = arith.mulf %convert_element_type3A_479, %mul3A_481 : vector<16xf32>
      %swap3A_483 = arith.index_cast %add3A_465 : i32 to index
      %swap3A_484 = tpu.vector_load %arg7[%swap3A_483] {strides = array<i32>} : memref<16384xf32, #tpu.memory_space<vmem>>, vector<16xf32>,
      %swap3A_485 = vector.shape_cast %swap3A_484 : vector<16xf32> to vector<16xf32>
      %swap3A_486 = vector.shape_cast %mul3A_482 : vector<16xf32> to vector<16xf32>
      tpu.vector_store %arg7[%swap3A_483], %swap3A_486 {strides = array<i32>} : memref<16384xf32, #tpu.memory_space<vmem>>, vector<16xf32>,
      %add3A_487 = arith.constant 240 : i32
      %add3A_488 = arith.addi %mul3A_146, %add3A_487 : i32
      %get3A_489 = arith.index_cast %add3A_488 : i32 to index
      %get3A_490 = tpu.vector_load %arg7[%get3A_489] {strides = array<i32>} : memref<16384xf32, #tpu.memory_space<vmem>>, vector<16xf32>,
      %get3A_491 = vector.shape_cast %get3A_490 : vector<16xf32> to vector<16xf32>
      %mul3A_492 = arith.constant 1.024000e+03 : f32
      %mul3A_493 = vector.broadcast %mul3A_492 : f32 to vector<16xf32>
      %mul3A_494 = arith.mulf %get3A_491, %mul3A_493 : vector<16xf32>
      %max3A_495 = arith.constant 0.000000e+00 : f32
      %max3A_496 = vector.broadcast %max3A_495 : f32 to vector<16xf32>
      %max3A_497 = arith.maximumf %mul3A_494, %max3A_496 : vector<16xf32>
      %min3A_498 = arith.constant 1.023000e+03 : f32
      %min3A_499 = vector.broadcast %min3A_498 : f32 to vector<16xf32>
      %min3A_500 = arith.minimumf %max3A_497, %min3A_499 : vector<16xf32>
      %convert_element_type3A_501 = arith.fptosi %min3A_500 : vector<16xf32> to vector<16xi32>
      %convert_element_type3A_502 = arith.sitofp %convert_element_type3A_501 : vector<16xi32> to vector<16xf32>
      %mul3A_503 = arith.constant 9.765625E-4 : f32
      %mul3A_504 = vector.broadcast %mul3A_503 : f32 to vector<16xf32>
      %mul3A_505 = arith.mulf %convert_element_type3A_502, %mul3A_504 : vector<16xf32>
      %swap3A_506 = arith.index_cast %add3A_488 : i32 to index
      %swap3A_507 = tpu.vector_load %arg7[%swap3A_506] {strides = array<i32>} : memref<16384xf32, #tpu.memory_space<vmem>>, vector<16xf32>,
      %swap3A_508 = vector.shape_cast %swap3A_507 : vector<16xf32> to vector<16xf32>
      %swap3A_509 = vector.shape_cast %mul3A_505 : vector<16xf32> to vector<16xf32>
      tpu.vector_store %arg7[%swap3A_506], %swap3A_509 {strides = array<i32>} : memref<16384xf32, #tpu.memory_space<vmem>>, vector<16xf32>,
    }
    %scan3A_131 = arith.constant 64 : i32
    %add3A_132 = arith.constant 114688 : i32
    %add3A_133 = arith.addi %mul3A_2, %add3A_132 : i32
    %dma_start3A_134 = tpu.memref_slice %arg3[%add3A_133] : memref<4194304xf32, #tpu.memory_space<hbm>> -> memref<16384xf32, #tpu.memory_space<hbm>>
    %dma_start3A_135 = tpu.memref_slice %arg3[%add3A_133] : memref<4194304xf32, #tpu.memory_space<hbm>> -> memref<16384xf32, #tpu.memory_space<hbm>>
    tpu.enqueue_dma source(%arg7 : memref<16384xf32, #tpu.memory_space<vmem>>) target(%dma_start3A_135 : memref<16384xf32, #tpu.memory_space<hbm>>) target_semaphore(%arg15 : memref<!tpu.dma_semaphore, #tpu.memory_space<semaphore_mem>>)
    %dma_wait3A_136 = tpu.memref_slice %arg3[%add3A_91] : memref<4194304xf32, #tpu.memory_space<hbm>> -> memref<16384xf32, #tpu.memory_space<hbm>>
    %dma_wait3A_137 = tpu.memref_slice %arg3[%add3A_91] : memref<4194304xf32, #tpu.memory_space<hbm>> -> memref<16384xf32, #tpu.memory_space<hbm>>
    tpu.wait_dma2 semaphore(%arg12 : memref<!tpu.dma_semaphore, #tpu.memory_space<semaphore_mem>>) src(%arg4 : memref<16384xf32, #tpu.memory_space<vmem>>) dst(%dma_wait3A_137 : memref<16384xf32, #tpu.memory_space<hbm>>)
    %dma_wait3A_138 = tpu.memref_slice %arg3[%add3A_109] : memref<4194304xf32, #tpu.memory_space<hbm>> -> memref<16384xf32, #tpu.memory_space<hbm>>
    %dma_wait3A_139 = tpu.memref_slice %arg3[%add3A_109] : memref<4194304xf32, #tpu.memory_space<hbm>> -> memref<16384xf32, #tpu.memory_space<hbm>>
    tpu.wait_dma2 semaphore(%arg13 : memref<!tpu.dma_semaphore, #tpu.memory_space<semaphore_mem>>) src(%arg5 : memref<16384xf32, #tpu.memory_space<vmem>>) dst(%dma_wait3A_139 : memref<16384xf32, #tpu.memory_space<hbm>>)
    %dma_wait3A_140 = tpu.memref_slice %arg3[%add3A_121] : memref<4194304xf32, #tpu.memory_space<hbm>> -> memref<16384xf32, #tpu.memory_space<hbm>>
    %dma_wait3A_141 = tpu.memref_slice %arg3[%add3A_121] : memref<4194304xf32, #tpu.memory_space<hbm>> -> memref<16384xf32, #tpu.memory_space<hbm>>
    tpu.wait_dma2 semaphore(%arg14 : memref<!tpu.dma_semaphore, #tpu.memory_space<semaphore_mem>>) src(%arg6 : memref<16384xf32, #tpu.memory_space<vmem>>) dst(%dma_wait3A_141 : memref<16384xf32, #tpu.memory_space<hbm>>)
    %dma_wait3A_142 = tpu.memref_slice %arg3[%add3A_133] : memref<4194304xf32, #tpu.memory_space<hbm>> -> memref<16384xf32, #tpu.memory_space<hbm>>
    %dma_wait3A_143 = tpu.memref_slice %arg3[%add3A_133] : memref<4194304xf32, #tpu.memory_space<hbm>> -> memref<16384xf32, #tpu.memory_space<hbm>>
    tpu.wait_dma2 semaphore(%arg15 : memref<!tpu.dma_semaphore, #tpu.memory_space<semaphore_mem>>) src(%arg7 : memref<16384xf32, #tpu.memory_space<vmem>>) dst(%dma_wait3A_143 : memref<16384xf32, #tpu.memory_space<hbm>>)
    return
  }
}

</mosaic_0001>

<sc_bundles>
// kernel: kernel.3.cloned.1.call-start
scs
__scs_entry_jumppad:
0x0: {  	(pc) =	sbr.rel $0x88, $3  }
0x1: {  	(tag) =	ssettag $0x0;
	lr =	simm.s32 $0x1  }
0x2: {  	[smem:$0x3FA0] =	sst lr;
	_ =	strace $0xD0000000  }
0x3: {  	_ = 	snop  }
0x4: {  	_ = 	snop  }
0x5: {  	_ = 	snop  }
0x6: {  	_ = 	snop  }
0x7: {  	_ = 	snop  }
__scs_overlays_trampoline_lowered:
0x8: {  	[smem:$0x3FAF] =	sst s0  }
0x9: {  	[smem:$0x3FB0] =	sst s1  }
0xa: {  	[smem:$0x3FB1] =	sst s2  }
0xb: {  	[smem:$0x3FB2] =	sst s3  }
0xc: {  	[smem:$0x3FB3] =	sst s4  }
0xd: {  	[smem:$0x3FB4] =	sst s5  }
0xe: {  	[smem:$0x3FB5] =	sst s6  }
0xf: {  	[smem:$0x3FB6] =	sst s7  }
0x10: {  	[smem:$0x3FB7] =	sst s8  }
0x11: {  	[smem:$0x3FB8] =	sst s9;
	s0 =	simm.s32 @!p0 $0x0  }
0x12: {  	s1 =	sld [smem:$0x3F9E];
	s0 =	simm.s32 @p0 $0x1  }
0x13: {  	[smem:$0x3FB9] =	sst s0;
	s0 =	simm.s32 @!p1 $0x0  }
0x14: {  	s2 =	sld [smem:$0x3F9D];
	s0 =	simm.s32 @p1 $0x1  }
0x15: {  	[smem:$0x3FBA] =	sst s0;
	s0 =	simm.s32 @!p2 $0x0  }
0x16: {  	s3 =	sld [smem:$0x3FDB];
	s0 =	simm.s32 @p2 $0x1  }
0x17: {  	s4 =	simm.s32 $0x1BF5;
	[smem:$0x3FBC] =	sst s0  }
0x18: {  	s0 =	sld [smem:$0x3F9F];
	_ =	swait.ge [sflag:s4], $0x0  }
0x19: {  	s7 =	sld [smem:$0x3FA0]  }
0x1a: {  	s8 =	sadd.s32 $0xFFFFE003, lr  }
0x1b: {  	s9 =	sadd.s32 $0xFFFFFEF7, lr;
	s5 =	simm.s32 $0xFFFFFFFF;
	p2 =	slt.u32 s8, $0xFFFFF086  }
0x1c: {  	p1 =	slt.u32 s9, $0xF7A;
	s5 =	simm.s32 @!p2 $0x0  }
0x1d: {  	s5 =	simm.s32 @p1 $0x1;
	p0 =	seq.s32 s7, s2  }
0x1e: {  	s7 =	smul.u32 @!p0 $0xF7A, s2;
	p2 =	seq.s32 @!p0 s5, $0x0  }
0x1f: {  	s9 =	smul.u32 $0xF7A, s1;
	s8 =	simm.s32 @!p0 $0x1BF5;
	p2 =	por !p2, p0  }
0x20: {  	[sflag:s8] =	ssyncset.s32 @!p0 $0xFFFFF086;
	s6 =	sadd.s32 @!p0 s3, s7;
	s7 =	simm.s32 @!p0 $0x108  }
0x21: {  	s3 =	sadd.s32 s3, s9;
	s6 =	sadd.s32 @!p0 $0x88, s6;
	s7 =	simm.s32 @p2 $0x1082  }
0x22: {  	[simem:s7], [sflag:s8] =	dma.local @!p0 [hbm:s6], $0xF7A  }
0x23: {  	s9 =	sor.u32 $0xD0000000, s2;
	s6 =	simm.s32 $0x108;
	_ =	swait.ge @!p0 [sflag:s8], $0x0  }
0x24: {  	s3 =	sadd.s32 $0x88, s3;
	s6 =	simm.s32 @!p1 $0x1082;
	[sflag:s4] =	ssyncset.s32 $0xFFFFF086  }
0x25: {  	[simem:s6], [sflag:s4] =	dma.local [hbm:s3], $0xF7A  }
0x26: {  	[smem:$0x3FA0] =	sst s1;
	(tag) =	ssettag s2;
	_ =	strace s9  }
0x27: {  	s1 =	sld [smem:$0x3FB0]  }
0x28: {  	s2 =	sld [smem:$0x3FB1]  }
0x29: {  	s4 =	sld [smem:$0x3FB3]  }
0x2a: {  	p0 =	seq.s32 s5, $0x0;
	s5 =	sld [smem:$0x3FB4]  }
0x2b: {  	s6 =	sld [smem:$0x3FB5]  }
0x2c: {  	s7 =	sld [smem:$0x3FB6]  }
0x2d: {  	s3 =	simm.s32 $0x108;
	s8 =	sld [smem:$0x3FB7]  }
0x2e: {  	s3 =	simm.s32 @!p0 $0x1082;
	s9 =	sld [smem:$0x3FB8]  }
0x2f: {  	lr =	sadd.s32 s0, s3;
	s0 =	sld [smem:$0x3FAF]  }
0x30: {  	s3 =	sld [smem:$0x3FB2]  }
0x31: {  	[smem:$0x3FBB] =	sst s10  }
0x32: {  	s10 =	sld [smem:$0x3FB9];
	_ =	sdelay $0x3  }
0x33: {  	p0 =	seq.s32 s10, $0x1;
	s10 =	sld [smem:$0x3FBB];
	_ =	sdelay $0x3  }
0x34: {  	[smem:$0x3FBB] =	sst s10  }
0x35: {  	s10 =	sld [smem:$0x3FBA];
	_ =	sdelay $0x3  }
0x36: {  	p1 =	seq.s32 s10, $0x1;
	s10 =	sld [smem:$0x3FBB];
	_ =	sdelay $0x3  }
0x37: {  	[smem:$0x3FBB] =	sst s10  }
0x38: {  	s10 =	sld [smem:$0x3FBC]  }
0x39: {  	_ = 	snop;
	(pc) =	sbr.ind lr, $3  }
0x3a: {  	_ = 	snop  }
0x3b: {  	_ = 	snop  }
0x3c: {  	p2 =	seq.s32 s10, $0x1;
	s10 =	sld [smem:$0x3FBB]  }
0x3d: {  	_ =	shalt  }
0x3e: {  	_ =	shalt  }
0x3f: {  	_ =	shalt  }
0x40: {  	_ =	shalt  }
0x41: {  	_ =	shalt  }
0x42: {  	_ =	shalt  }
0x43: {  	_ =	shalt  }
0x44: {  	_ =	shalt  }
0x45: {  	_ =	shalt  }
0x46: {  	_ =	shalt  }
0x47: {  	_ =	shalt  }
0x48: {  	_ =	shalt  }
0x49: {  	_ =	shalt  }
0x4a: {  	_ =	shalt  }
0x4b: {  	_ =	shalt  }
0x4c: {  	_ =	shalt  }
0x4d: {  	_ =	shalt  }
0x4e: {  	_ =	shalt  }
0x4f: {  	_ =	shalt  }
0x50: {  	_ =	shalt  }
0x51: {  	_ =	shalt  }
0x52: {  	_ =	shalt  }
0x53: {  	_ =	shalt  }
0x54: {  	_ =	shalt  }
0x55: {  	_ =	shalt  }
0x56: {  	_ =	shalt  }
0x57: {  	_ =	shalt  }
0x58: {  	_ =	shalt  }
0x59: {  	_ =	shalt  }
0x5a: {  	_ =	shalt  }
0x5b: {  	_ =	shalt  }
0x5c: {  	_ =	shalt  }
0x5d: {  	_ =	shalt  }
0x5e: {  	_ =	shalt  }
0x5f: {  	_ =	shalt  }
0x60: {  	_ =	shalt  }
0x61: {  	_ =	shalt  }
0x62: {  	_ =	shalt  }
0x63: {  	_ =	shalt  }
0x64: {  	_ =	shalt  }
0x65: {  	_ =	shalt  }
0x66: {  	_ =	shalt  }
0x67: {  	_ =	shalt  }
0x68: {  	_ =	shalt  }
0x69: {  	_ =	shalt  }
0x6a: {  	_ =	shalt  }
0x6b: {  	_ =	shalt  }
0x6c: {  	_ =	shalt  }
0x6d: {  	_ =	shalt  }
0x6e: {  	_ =	shalt  }
0x6f: {  	_ =	shalt  }
0x70: {  	_ =	shalt  }
0x71: {  	_ =	shalt  }
0x72: {  	_ =	shalt  }
0x73: {  	_ =	shalt  }
0x74: {  	_ =	shalt  }
0x75: {  	_ =	shalt  }
0x76: {  	_ =	shalt  }
0x77: {  	_ =	shalt  }
0x78: {  	_ =	shalt  }
0x79: {  	_ =	shalt  }
0x7a: {  	_ =	shalt  }
0x7b: {  	_ =	shalt  }
0x7c: {  	_ =	shalt  }
0x7d: {  	_ =	shalt  }
0x7e: {  	_ =	shalt  }
0x7f: {  	_ =	shalt  }
0x80: {  	_ =	shalt  }
0x81: {  	_ =	shalt  }
0x82: {  	_ =	shalt  }
0x83: {  	_ =	shalt  }
0x84: {  	_ =	shalt  }
0x85: {  	_ =	shalt  }
0x86: {  	_ =	shalt  }
0x87: {  	_ =	shalt  }
.Lfunc_end0:
.L_simem_size_0:
called_computation_lowered:
.L_overlay_start_0:
0x88: {  	s2 =	sld [smem:$0x3FD9]  }
0x89: {  	s3 =	sld [smem:$0x3FFE];
	_ =	sdelay $0x1  }
0x8a: {  	s1 =	srdreg.scid  }
0x8b: {  	s0 =	sand.u32 $0x1, s1  }
0x8c: {  	s18 =	sshll.u32 s0, $0xA;
	s2 =	sadd.s32 s3, s2  }
0x8d: {  	s2 =	sadd.s32 s2, s18  }
0x8e: {  	[smem:$0x3FC7] =	sst s2  }
0x8f: {  	_ = 	snop  }
0x90: {  	s2 =	sld [smem:$0x3FC9]  }
0x91: {  	s19 =	sld [smem:$0x3FD0];
	(tm) =	ssettm $0x1  }
0x92: {  	s4 =	sld [smem:$0x3FFB];
	_ =	sdelay $0x3  }
0x93: {  	_ =	strace s4  }
0x94: {  	s4 =	sld [smem:$0x3FFC];
	_ =	sdelay $0x3  }
0x95: {  	_ =	strace s4  }
0x96: {  	s4 =	sld [smem:$0x3FFD];
	_ =	sdelay $0x3  }
0x97: {  	_ =	strace s4  }
0x98: {  	_ =	strace $0x8FFFFFFF  }
0x99: {  	s20 =	sld [smem:$0x3FDB];
	_ =	sdelay $0x1  }
0x9a: {  	s5 =	simm.s32 $_scs_section_size  }
0x9b: {  	s6 =	simm.s32 $_size__tile_overlayer_lowered;
	s7 =	simm.s32 $_tile_overlayer_lowered  }
0x9c: {  	s23 =	simm.s32 $0x1BFF;
	s22 =	sshll.u32 s7, $0x1;
	s4 =	sadd.s32 s5, s20  }
0x9d: {  	s8 =	simm.s32 $0x0;
	s21 =	sshll.u32 s6, $0x1;
	s6 =	sadd.s32 s22, s4  }
0x9e: {  	[timem:s8], [sflag:s23] =	dma.local [hbm:s6], s21  }
0x9f: {  	_ =	swait.ge [sflag:s23], s21  }
0xa0: {  	s5 =	ssub.s32 $0x0, s21;
	[sflag:s23] =	ssyncset.done $0x0  }
0xa1: {  	[sflag:s23] =	ssyncadd.s32 s5;
	_ =	sdelay $0x1  }
0xa2: {  	s24 =	simm.s32 $0x1B8B  }
0xa3: {  	_ =	swait.ge [sflag:s24], $0x1  }
0xa4: {  	[sflag:s24] =	ssyncset.done $0x0  }
0xa5: {  	s25 =	simm.s32 $0x1B8E;
	[sflag:s24] =	ssyncadd.s32 $0xFFFFFFFF  }
0xa6: {  	s26 =	simm.s32 $execute0_lowered;
	[smem:$0x3FD2] =	sst s25  }
0xa7: {  	s5 =	sshll.u32 s26, $0x1;
	_ =	strace $0x80000046;
	[dreg:$0x1] =	wrdreg $0xFFFFFFFF  }
0xa8: {  	s28 =	simm.s32 $_size_execute0_lowered;
	s4 =	sadd.s32 s4, s5;
	[dreg:$0x0] =	wrdreg $0x0  }
0xa9: {  	s5 =	sshll.u32 s28, $0x1;
	[dreg:$0x2] =	wrdreg s4  }
0xaa: {  	[dreg:$0x3] =	wrdreg s5  }
0xab: {  	[dreg:$0x4] =	wrdreg $0xC0  }
0xac: {  	_ =	task [dreg:s8], $0x5FFFF  }
0xad: {  	[dreg:$0x1] =	wrdreg $0xFFFFFFFF  }
0xae: {  	[dreg:$0x0] =	wrdreg $0x60  }
0xaf: {  	[dreg:$0x2] =	wrdreg s2  }
0xb0: {  	[dreg:$0x3] =	wrdreg s19  }
0xb1: {  	[dreg:$0x4] =	wrdreg $0x9  }
0xb2: {  	_ =	task.clear_ibuf [dreg:s8], $0x5FFFF;
	_ =	strace $0x90000046  }
0xb3: {  	s29 =	simm.s32 $0x9;
	_ =	strace $0x80000048  }
0xb4: {  	_ =	swait.ge [sflag:s29], $0x1  }
0xb5: {  	[sflag:s29] =	ssyncadd.s32 $0xFFFFFFFF  }
0xb6: {  	_ =	strace $0x90000048  }
0xb7: {  	_ =	sfence  }
0xb8: {  	s30 =	sld [smem:$0x0];
	_ =	sdelay $0x2  }
0xb9: {  	s31 =	sshll.u32 s1, $0xD;
	s1 =	sshrl.u32 s1, $0x2  }
0xba: {  	s3 =	sand.u32 $0x4000, s31;
	s1 =	sadd.s32 s1, s30  }
0xbb: {  	s0 =	sor.u32 s3, s0;
	s1 =	sshll.u32 s1, $0x11  }
0xbc: {  	s0 =	sor.u32 s1, s0  }
0xbd: {  	s0 =	sadd.s32 $0x8F2B, s0  }
0xbe: {  	[sflag:s0] =	ssyncadd.remote.s32 $0x1  }
0xbf: {  	_ =	sfence.sel $0xFFFF  }
0xc0: {  	[dreg:$0x0] =	wrdreg $0xFFFFFFFF;
	(pc) =	sbr.abs _section_cstart, $3  }
0xc1: {  	[dreg:$0x1] =	wrdreg $0xFFFFFFFF  }
0xc2: {  	_ =	task.clear_ibuf [dreg:s8], $0x2FFFF;
	_ =	strace $0x9FFFFFFF  }
0xc3: {  	(tm) =	ssettm $0x7FFFFFFF  }
tec
execute0_lowered:
.L_overlay_start_1:
0x0: {  	(tag) =	ssettag $0x1  }
0x1: {  	s0 =	rddreg [dreg:$0x0]  }
0x2: {  	s1 =	rddreg [dreg:$0x1];
	s3 =	srdreg.scid;
	s2 =	simm.s32 $0x0  }
0x3: {  	s6 =	stileid.u32;
	s20 =	simm.s32 $0x4000;
	s21 =	simm.s32 $0x8000  }
0x4: {  	s22 =	simm.s32 $0x1;
	s23 =	simm.s32 $0xC000;
	s24 =	simm.s32 $0x2  }
0x5: {  	s28 =	simm.s32 $0x6;
	s29 =	simm.s32 $0x4;
	s30 =	simm.s32 $0x7  }
0x6: {  	s31 =	simm.s32 $0x8;
	s3 =	sand.u32 $0x1, s3;
	[smem:$0x7FF] =	sst s2  }
0x7: {  	s6 =	sshll.u32 s6, $0xF;
	s4 =	ssub.s32 $0x2, s3;
	s3 =	sshll.u32 s3, $0xE  }
0x8: {  	_ =	strace $0x80000047;
	s5 =	sshrl.u32 s4, $0x1;
	s3 =	sor.u32 s3, s6  }
0x9: {  	s4 =	ssub.s32 s4, s5;
	s25 =	sadd.s32 s0, s3;
	s8 =	sor.u32 $0x800, s3  }
0xa: {  	s10 =	sor.u32 $0x1000, s3;
	s12 =	sor.u32 $0x1800, s3;
	s6 =	sadd.s32 s1, s3  }
0xb: {  	s14 =	sor.u32 $0x2000, s3;
	s16 =	sor.u32 $0x2800, s3;
	s17 =	sor.u32 $0x3000, s3  }
0xc: {  	s3 =	sor.u32 $0x3800, s3;
	[dreg:$0x3] =	wrdreg s25;
	s26 =	sadd.s32 s0, s8  }
0xd: {  	s5 =	sadd.s32 s0, s10;
	s7 =	sadd.s32 s0, s12;
	s8 =	sadd.s32 s1, s8  }
0xe: {  	s9 =	sadd.s32 s0, s14;
	s10 =	sadd.s32 s1, s10;
	s11 =	sadd.s32 s0, s16  }
0xf: {  	s12 =	sadd.s32 s1, s12;
	s13 =	sadd.s32 s0, s17;
	s14 =	sadd.s32 s1, s14  }
0x10: {  	s15 =	sadd.s32 s0, s3;
	s16 =	sadd.s32 s1, s16;
	s17 =	sadd.s32 s1, s17  }
0x11: {  	s18 =	sadd.s32 s1, s3;
	s19 =	smax.u32 s4, $0x1;
	s25 =	simm.s32 $0x5  }
0x12: {  	s0 =	simm.s32 $0x0;
	[dreg:$0x4] =	wrdreg s26;
	s26 =	simm.s32 $0x3  }
.LBB2_1:
0x13: {  	s1 =	rddreg [dreg:$0x3]  }
0x14: {  	[tilespmem:s2], [sflag:$0x1] =	stream.linear.gather [hbm4b:s1+s2], $0x4000, $0x38;
	[tilespmem:$0x10000] =	vst v63  }
0x15: {  	s4 =	rddreg [dreg:$0x4]  }
0x16: {  	[tilespmem:s20], [sflag:$0x2] =	stream.linear.gather [hbm4b:s4+s2], $0x4000, $0x38;
	[tilespmem:$0x10000] =	vst v63  }
0x17: {  	_ = 	snop  }
0x18: {  	[tilespmem:s21], [sflag:$0x3] =	stream.linear.gather [hbm4b:s5+s2], $0x4000, $0x38;
	[tilespmem:$0x10000] =	vst v63  }
0x19: {  	_ =	swait.ge [sflag:s22], $0x4000  }
0x1a: {  	[sflag:s22] =	ssyncset.done $0x0  }
0x1b: {  	s1 =	simm.s32 $0x0;
	[sflag:s22] =	ssyncadd.s32 $0xFFFFC000  }
0x1c: {  	v0 =	vld [tilespmem:s1+$0x80];
	_ =	sdelay $0x4  }
0x1d: {  	v0 =	vmul.f32 $1.024000000e+03, v0  }
0x1e: {  	v1 =	vld [tilespmem:s1+$0xA0]  }
0x1f: {  	v2 =	vld [tilespmem:s1+$0xE0];
	v0 =	vmax.f32 v0, $0.0e+00  }
0x20: {  	v3 =	vld [tilespmem:s1+$0xF0];
	v0 =	vmin.f32 v0, $1.023000000e+03  }
0x21: {  	v6 =	vld [tilespmem:s1+$0xC0];
	v0 =	vtrunc.f32 v0  }
0x22: {  	v9 =	vld [tilespmem:s1+$0x90];
	v0 =	vcvt.f32.s32 v0  }
0x23: {  	v4 =	vld [tilespmem:s1+$0xB0]  }
0x24: {  	v5 =	vld [tilespmem:s1+$0x10];
	v1 =	vmul.f32 $1.024000000e+03, v1;
	v0 =	vcvt.s32.f32 v0  }
0x25: {  	v2 =	vmul.f32 $1.024000000e+03, v2  }
0x26: {  	v3 =	vmul.f32 $1.024000000e+03, v3;
	v1 =	vmax.f32 v1, $0.0e+00;
	v0 =	vmul.f32 $9.765625000e-04, v0  }
0x27: {  	v6 =	vmul.f32 $1.024000000e+03, v6;
	v9 =	vmul.f32 $1.024000000e+03, v9;
	v1 =	vmin.f32 v1, $1.023000000e+03  }
0x28: {  	v7 =	vld [tilespmem:s1+$0x50];
	v2 =	vmax.f32 v2, $0.0e+00;
	v1 =	vtrunc.f32 v1;
	[tilespmem:s1+$0x80] =	vst v0;
	v0 =	vmul.f32 $1.024000000e+03, v4  }
0x29: {  	v3 =	vmax.f32 v3, $0.0e+00;
	v1 =	vcvt.f32.s32 v1;
	v4 =	vmul.f32 $1.024000000e+03, v5;
	v5 =	vld [tilespmem:s1+$0x0]  }
0x2a: {  	v8 =	vld [tilespmem:s1+$0x40];
	v6 =	vmax.f32 v6, $0.0e+00;
	v2 =	vmin.f32 v2, $1.023000000e+03;
	v0 =	vmax.f32 v0, $0.0e+00  }
0x2b: {  	v11 =	vld [tilespmem:s1+$0xD0];
	v2 =	vtrunc.f32 v2;
	v1 =	vcvt.s32.f32 v1;
	v0 =	vmin.f32 v0, $1.023000000e+03  }
0x2c: {  	v3 =	vmin.f32 v3, $1.023000000e+03;
	v2 =	vcvt.f32.s32 v2;
	v0 =	vtrunc.f32 v0  }
0x2d: {  	v13 =	vld [tilespmem:s1+$0x30];
	v12 =	vmul.f32 $9.765625000e-04, v1;
	v10 =	vmax.f32 v4, $0.0e+00;
	v0 =	vcvt.f32.s32 v0  }
0x2e: {  	v4 =	vmul.f32 $1.024000000e+03, v7;
	v10 =	vmin.f32 v10, $1.023000000e+03;
	v5 =	vmul.f32 $1.024000000e+03, v5  }
0x2f: {  	v10 =	vtrunc.f32 v10;
	v1 =	vcvt.s32.f32 v0;
	v0 =	vmin.f32 v6, $1.023000000e+03;
	v6 =	vld [tilespmem:s1+$0x60]  }
0x30: {  	v14 =	vmax.f32 v5, $0.0e+00;
	v5 =	vmul.f32 $1.024000000e+03, v8;
	v8 =	vmul.f32 $1.024000000e+03, v11  }
0x31: {  	v4 =	vmax.f32 v4, $0.0e+00;
	v11 =	vcvt.s32.f32 v2;
	v7 =	vtrunc.f32 v0  }
0x32: {  	v4 =	vmin.f32 v4, $1.023000000e+03;
	v0 =	vtrunc.f32 v3;
	v3 =	vmul.f32 $1.024000000e+03, v13  }
0x33: {  	v15 =	vcvt.f32.s32 v0;
	v62 =	vmax.f32 v8, $0.0e+00;
	v63 =	vmul.f32 $9.765625000e-04, v11  }
0x34: {  	[tilespmem:s1+$0xA0] =	vst v12;
	v2 =	vld [tilespmem:s1+$0x70];
	v0 =	vmin.f32 v14, $1.023000000e+03;
	v8 =	vmul.f32 $1.024000000e+03, v6;
	v6 =	vmin.f32 v62, $1.023000000e+03  }
0x35: {  	s3 =	simm.s32 $0x400;
	v11 =	vmax.f32 v9, $0.0e+00;
	[tilespmem:s1+$0xE0] =	vst v63;
	v9 =	vcvt.s32.f32 v15;
	v6 =	vtrunc.f32 v6  }
.LBB2_2:
0x36: {  	s4 =	sshra.s32 s3, $0x2;
	p0 =	sne.s32 s3, $0xFC00;
	s3 =	sadd.s32 $0x400, s3;
	v10 =	vcvt.f32.s32 v10;
	v12 =	vld [tilespmem:s1+$0x20];
	v11 =	vmin.f32 v11, $1.023000000e+03;
	v7 =	vcvt.f32.s32 v7  }
0x37: {  	v3 =	vmax.f32 v3, $0.0e+00;
	v1 =	vmul.f32 $9.765625000e-04, v1;
	v13 =	vld [tilespmem:s4+$0xE0];
	v11 =	vtrunc.f32 v11  }
0x38: {  	v5 =	vmax.f32 v5, $0.0e+00;
	v9 =	vmul.f32 $9.765625000e-04, v9;
	v14 =	vld [tilespmem:s4+$0xA0];
	v11 =	vcvt.f32.s32 v11  }
0x39: {  	v4 =	vtrunc.f32 v4;
	v2 =	vmul.f32 $1.024000000e+03, v2;
	v5 =	vmin.f32 v5, $1.023000000e+03;
	v15 =	vld [tilespmem:s4+$0x80];
	[tilespmem:s1+$0xB0] =	vst v1  }
0x3a: {  	v4 =	vcvt.f32.s32 v4;
	v1 =	vtrunc.f32 v5;
	v5 =	vmax.f32 v8, $0.0e+00;
	[tilespmem:s1+$0xF0] =	vst v9  }
0x3b: {  	v7 =	vcvt.s32.f32 v7;
	v8 =	vcvt.s32.f32 v10;
	v5 =	vmin.f32 v5, $1.023000000e+03  }
0x3c: {  	v2 =	vmax.f32 v2, $0.0e+00;
	v11 =	vcvt.s32.f32 v11;
	v9 =	vmul.f32 $1.024000000e+03, v13;
	v10 =	vld [tilespmem:s4+$0xF0]  }
0x3d: {  	v6 =	vcvt.f32.s32 v6;
	v2 =	vmin.f32 v2, $1.023000000e+03;
	v12 =	vmul.f32 $1.024000000e+03, v12  }
0x3e: {  	v0 =	vtrunc.f32 v0;
	v13 =	vmul.f32 $1.024000000e+03, v14  }
0x3f: {  	v0 =	vcvt.f32.s32 v0;
	v5 =	vtrunc.f32 v5  }
0x40: {  	v8 =	vmul.f32 $9.765625000e-04, v8;
	v14 =	vmul.f32 $1.024000000e+03, v15  }
0x41: {  	v4 =	vcvt.s32.f32 v4;
	v10 =	vmul.f32 $1.024000000e+03, v10  }
0x42: {  	v2 =	vtrunc.f32 v2;
	v5 =	vcvt.f32.s32 v5;
	v14 =	vmax.f32 v14, $0.0e+00;
	[tilespmem:s1+$0x10] =	vst v8  }
0x43: {  	v1 =	vcvt.f32.s32 v1;
	v4 =	vmul.f32 $9.765625000e-04, v4;
	v14 =	vmin.f32 v14, $1.023000000e+03;
	v8 =	vld [tilespmem:s4+$0x10]  }
0x44: {  	v7 =	vmul.f32 $9.765625000e-04, v7;
	v5 =	vcvt.s32.f32 v5  }
0x45: {  	v3 =	vmin.f32 v3, $1.023000000e+03;
	v0 =	vcvt.s32.f32 v0;
	v14 =	vtrunc.f32 v14  }
0x46: {  	v3 =	vtrunc.f32 v3;
	v1 =	vcvt.s32.f32 v1;
	v12 =	vmax.f32 v12, $0.0e+00;
	v15 =	vld [tilespmem:s4+$0xB0];
	[tilespmem:s1+$0x50] =	vst v4  }
0x47: {  	v3 =	vcvt.f32.s32 v3;
	v12 =	vmin.f32 v12, $1.023000000e+03;
	v14 =	vcvt.f32.s32 v14;
	v4 =	vld [tilespmem:s4+$0x50];
	[tilespmem:s1+$0xC0] =	vst v7  }
0x48: {  	v0 =	vmul.f32 $9.765625000e-04, v0;
	v9 =	vmax.f32 v9, $0.0e+00;
	v7 =	vmul.f32 $1.024000000e+03, v8;
	v8 =	vld [tilespmem:s4+$0xC0]  }
0x49: {  	v9 =	vmin.f32 v9, $1.023000000e+03;
	v12 =	vtrunc.f32 v12;
	v14 =	vcvt.s32.f32 v14  }
0x4a: {  	v9 =	vtrunc.f32 v9;
	v10 =	vmax.f32 v10, $0.0e+00;
	[tilespmem:s1+$0x0] =	vst v0;
	v0 =	vcvt.f32.s32 v2  }
0x4b: {  	v6 =	vcvt.s32.f32 v6;
	v10 =	vmin.f32 v10, $1.023000000e+03;
	v2 =	vmul.f32 $9.765625000e-04, v14  }
0x4c: {  	v5 =	vmul.f32 $9.765625000e-04, v5;
	v14 =	vmax.f32 v7, $0.0e+00;
	v4 =	vmul.f32 $1.024000000e+03, v4  }
0x4d: {  	v1 =	vmul.f32 $9.765625000e-04, v1;
	[tilespmem:s4+$0x80] =	vst v2;
	v2 =	vmul.f32 $1.024000000e+03, v15  }
0x4e: {  	v3 =	vcvt.s32.f32 v3;
	v13 =	vmax.f32 v13, $0.0e+00;
	v8 =	vmul.f32 $1.024000000e+03, v8;
	v7 =	vld [tilespmem:s4+$0x0];
	[tilespmem:s1+$0x60] =	vst v5  }
0x4f: {  	v5 =	vmin.f32 v13, $1.023000000e+03;
	v2 =	vmax.f32 v2, $0.0e+00;
	[tilespmem:s1+$0x40] =	vst v1;
	v1 =	vmul.f32 $9.765625000e-04, v11  }
0x50: {  	v0 =	vcvt.s32.f32 v0;
	v5 =	vtrunc.f32 v5;
	v2 =	vmin.f32 v2, $1.023000000e+03  }
0x51: {  	v12 =	vcvt.f32.s32 v12;
	v8 =	vmax.f32 v8, $0.0e+00;
	v5 =	vcvt.f32.s32 v5;
	v11 =	vld [tilespmem:s4+$0x40];
	[tilespmem:s1+$0x90] =	vst v1  }
0x52: {  	v1 =	vtrunc.f32 v2;
	v2 =	vmul.f32 $9.765625000e-04, v6  }
0x53: {  	v3 =	vmul.f32 $9.765625000e-04, v3;
	v5 =	vcvt.s32.f32 v5;
	v6 =	vld [tilespmem:s4+$0x90]  }
0x54: {  	v0 =	vmul.f32 $9.765625000e-04, v0;
	v1 =	vcvt.f32.s32 v1;
	[tilespmem:s1+$0xD0] =	vst v2  }
0x55: {  	v4 =	vmax.f32 v4, $0.0e+00;
	v13 =	vmul.f32 $9.765625000e-04, v5;
	v5 =	vcvt.s32.f32 v12;
	v15 =	vld [tilespmem:s4+$0xD0];
	[tilespmem:s1+$0x30] =	vst v3  }
0x56: {  	v1 =	vcvt.s32.f32 v1;
	v3 =	vmul.f32 $1.024000000e+03, v7;
	v7 =	vmin.f32 v8, $1.023000000e+03;
	v12 =	vld [tilespmem:s4+$0x30];
	[tilespmem:s1+$0x70] =	vst v0  }
0x57: {  	v0 =	vcvt.f32.s32 v9;
	v8 =	vmul.f32 $9.765625000e-04, v5;
	v2 =	vld [tilespmem:s4+$0x70]  }
0x58: {  	v7 =	vtrunc.f32 v7;
	v9 =	vmax.f32 v3, $0.0e+00;
	v3 =	vtrunc.f32 v10;
	v16 =	vld [tilespmem:s4+$0x60]  }
0x59: {  	v5 =	vmul.f32 $1.024000000e+03, v11;
	v17 =	vcvt.f32.s32 v3;
	[tilespmem:s1+$0x20] =	vst v8;
	s1 =	smov.u32 s4  }
.Ltmp0:
0x5a: {  	v4 =	vmin.f32 v4, $1.023000000e+03;
	v10 =	vcvt.s32.f32 v0;
	v8 =	vmul.f32 $1.024000000e+03, v15;
	(pc) =	sbr.rel @p0 .LBB2_2-.Ltmp0, $4  }
0x5b: {  	v11 =	vmin.f32 v14, $1.023000000e+03;
	v6 =	vmul.f32 $1.024000000e+03, v6;
	v3 =	vmul.f32 $1.024000000e+03, v12;
	[tilespmem:s1+$0xA0] =	vst v13  }
0x5c: {  	v0 =	vmin.f32 v9, $1.023000000e+03;
	v12 =	vmul.f32 $9.765625000e-04, v10;
	v9 =	vmax.f32 v8, $0.0e+00  }
0x5d: {  	v10 =	vtrunc.f32 v11;
	v8 =	vmul.f32 $1.024000000e+03, v16;
	v9 =	vmin.f32 v9, $1.023000000e+03  }
0x5e: {  	v11 =	vmax.f32 v6, $0.0e+00;
	v6 =	vtrunc.f32 v9;
	[tilespmem:s1+$0xE0] =	vst v12;
	v9 =	vcvt.s32.f32 v17  }
0x5f: {  	v10 =	vcvt.f32.s32 v10  }
0x60: {  	v11 =	vmin.f32 v11, $1.023000000e+03;
	v7 =	vcvt.f32.s32 v7;
	v1 =	vmul.f32 $9.765625000e-04, v1  }
0x61: {  	v5 =	vmax.f32 v5, $0.0e+00;
	v4 =	vtrunc.f32 v4;
	v2 =	vmul.f32 $1.024000000e+03, v2  }
0x62: {  	v8 =	vmax.f32 v8, $0.0e+00;
	v0 =	vtrunc.f32 v0;
	v6 =	vcvt.f32.s32 v6  }
0x63: {  	v3 =	vmax.f32 v3, $0.0e+00;
	v11 =	vtrunc.f32 v11;
	v9 =	vmul.f32 $9.765625000e-04, v9  }
0x64: {  	v5 =	vmin.f32 v5, $1.023000000e+03;
	v4 =	vcvt.f32.s32 v4;
	v0 =	vcvt.f32.s32 v0  }
0x65: {  	v8 =	vmin.f32 v8, $1.023000000e+03;
	v11 =	vcvt.f32.s32 v11;
	v5 =	vtrunc.f32 v5  }
0x66: {  	v3 =	vmin.f32 v3, $1.023000000e+03;
	v10 =	vcvt.s32.f32 v10;
	v7 =	vcvt.s32.f32 v7  }
0x67: {  	v12 =	vld [tilespmem:s1+$0x20];
	v8 =	vtrunc.f32 v8;
	v3 =	vtrunc.f32 v3  }
0x68: {  	v4 =	vcvt.s32.f32 v4;
	v8 =	vcvt.f32.s32 v8  }
0x69: {  	v2 =	vmax.f32 v2, $0.0e+00;
	v5 =	vcvt.f32.s32 v5;
	v0 =	vcvt.s32.f32 v0  }
0x6a: {  	v2 =	vmin.f32 v2, $1.023000000e+03;
	v3 =	vcvt.f32.s32 v3;
	v11 =	vcvt.s32.f32 v11  }
0x6b: {  	v10 =	vmul.f32 $9.765625000e-04, v10;
	v2 =	vtrunc.f32 v2  }
0x6c: {  	[tilespmem:s1+$0xB0] =	vst v1;
	v1 =	vmul.f32 $9.765625000e-04, v7;
	v12 =	vmul.f32 $1.024000000e+03, v12  }
0x6d: {  	[tilespmem:s1+$0xF0] =	vst v9;
	v4 =	vmul.f32 $9.765625000e-04, v4;
	v8 =	vcvt.s32.f32 v8  }
0x6e: {  	v5 =	vcvt.s32.f32 v5;
	v0 =	vmul.f32 $9.765625000e-04, v0;
	[tilespmem:s1+$0x10] =	vst v10  }
0x6f: {  	v2 =	vcvt.f32.s32 v2;
	v3 =	vcvt.s32.f32 v3;
	[tilespmem:s1+$0xC0] =	vst v1;
	v7 =	vmax.f32 v12, $0.0e+00  }
0x70: {  	v1 =	vcvt.s32.f32 v6;
	[tilespmem:s1+$0x50] =	vst v4;
	v6 =	vmul.f32 $9.765625000e-04, v8;
	v7 =	vmin.f32 v7, $1.023000000e+03  }
0x71: {  	[tilespmem:s1+$0x0] =	vst v0;
	v0 =	vmul.f32 $9.765625000e-04, v5;
	v4 =	vtrunc.f32 v7  }
0x72: {  	v5 =	vmul.f32 $9.765625000e-04, v11;
	[tilespmem:s1+$0x60] =	vst v6;
	v4 =	vcvt.f32.s32 v4  }
0x73: {  	v1 =	vmul.f32 $9.765625000e-04, v1;
	[tilespmem:s1+$0x40] =	vst v0;
	v0 =	vcvt.s32.f32 v2  }
0x74: {  	[tilespmem:s1+$0x90] =	vst v5;
	v2 =	vmul.f32 $9.765625000e-04, v3;
	v3 =	vcvt.s32.f32 v4  }
0x75: {  	[tilespmem:s1+$0xD0] =	vst v1;
	v0 =	vmul.f32 $9.765625000e-04, v0  }
0x76: {  	[tilespmem:s1+$0x30] =	vst v2;
	v1 =	vmul.f32 $9.765625000e-04, v3  }
0x77: {  	[tilespmem:s1+$0x70] =	vst v0  }
0x78: {  	s4 =	simm.s32 $0x0;
	[tilespmem:s1+$0x20] =	vst v1  }
0x79: {  	[hbm4b:s6+s4] =	stream.linear.scatter [tilespmem:s4], [sflag:$0x5], $0x4000, $0x38;
	[tilespmem:$0x10000] =	vst v63  }
0x7a: {  	_ = 	snop  }
0x7b: {  	[tilespmem:s23], [sflag:$0x4] =	stream.linear.gather [hbm4b:s7+s4], $0x4000, $0x38;
	[tilespmem:$0x10000] =	vst v63  }
0x7c: {  	_ =	swait.ge [sflag:s24], $0x4000  }
0x7d: {  	[sflag:s24] =	ssyncset.done $0x0  }
0x7e: {  	s1 =	simm.s32 $0x0;
	[sflag:s24] =	ssyncadd.s32 $0xFFFFC000  }
0x7f: {  	v0 =	vld [tilespmem:s1+$0x4080];
	_ =	sdelay $0x4  }
0x80: {  	v0 =	vmul.f32 $1.024000000e+03, v0  }
0x81: {  	v1 =	vld [tilespmem:s1+$0x40A0]  }
0x82: {  	v2 =	vld [tilespmem:s1+$0x40E0];
	v0 =	vmax.f32 v0, $0.0e+00  }
0x83: {  	v3 =	vld [tilespmem:s1+$0x40F0];
	v0 =	vmin.f32 v0, $1.023000000e+03  }
0x84: {  	v6 =	vld [tilespmem:s1+$0x40C0];
	v0 =	vtrunc.f32 v0  }
0x85: {  	v9 =	vld [tilespmem:s1+$0x4090];
	v0 =	vcvt.f32.s32 v0  }
0x86: {  	v4 =	vld [tilespmem:s1+$0x40B0]  }
0x87: {  	v5 =	vld [tilespmem:s1+$0x4010];
	v1 =	vmul.f32 $1.024000000e+03, v1;
	v0 =	vcvt.s32.f32 v0  }
0x88: {  	v2 =	vmul.f32 $1.024000000e+03, v2  }
0x89: {  	v3 =	vmul.f32 $1.024000000e+03, v3;
	v1 =	vmax.f32 v1, $0.0e+00;
	v0 =	vmul.f32 $9.765625000e-04, v0  }
0x8a: {  	v6 =	vmul.f32 $1.024000000e+03, v6;
	v9 =	vmul.f32 $1.024000000e+03, v9;
	v1 =	vmin.f32 v1, $1.023000000e+03  }
0x8b: {  	v7 =	vld [tilespmem:s1+$0x4050];
	v2 =	vmax.f32 v2, $0.0e+00;
	v1 =	vtrunc.f32 v1;
	[tilespmem:s1+$0x4080] =	vst v0;
	v0 =	vmul.f32 $1.024000000e+03, v4  }
0x8c: {  	v3 =	vmax.f32 v3, $0.0e+00;
	v1 =	vcvt.f32.s32 v1;
	v4 =	vmul.f32 $1.024000000e+03, v5;
	v5 =	vld [tilespmem:s1+$0x4000]  }
0x8d: {  	v8 =	vld [tilespmem:s1+$0x4040];
	v6 =	vmax.f32 v6, $0.0e+00;
	v2 =	vmin.f32 v2, $1.023000000e+03;
	v0 =	vmax.f32 v0, $0.0e+00  }
0x8e: {  	v11 =	vld [tilespmem:s1+$0x40D0];
	v2 =	vtrunc.f32 v2;
	v1 =	vcvt.s32.f32 v1;
	v0 =	vmin.f32 v0, $1.023000000e+03  }
0x8f: {  	v3 =	vmin.f32 v3, $1.023000000e+03;
	v2 =	vcvt.f32.s32 v2;
	v0 =	vtrunc.f32 v0  }
0x90: {  	v13 =	vld [tilespmem:s1+$0x4030];
	v61 =	vmul.f32 $9.765625000e-04, v1;
	v10 =	vmax.f32 v4, $0.0e+00;
	v0 =	vcvt.f32.s32 v0  }
0x91: {  	v4 =	vmul.f32 $1.024000000e+03, v7;
	v10 =	vmin.f32 v10, $1.023000000e+03;
	v5 =	vmul.f32 $1.024000000e+03, v5  }
0x92: {  	v10 =	vtrunc.f32 v10;
	v1 =	vcvt.s32.f32 v0;
	v0 =	vmin.f32 v6, $1.023000000e+03;
	v6 =	vld [tilespmem:s1+$0x4060]  }
0x93: {  	v14 =	vmax.f32 v5, $0.0e+00;
	v5 =	vmul.f32 $1.024000000e+03, v8;
	v8 =	vmul.f32 $1.024000000e+03, v11  }
0x94: {  	v4 =	vmax.f32 v4, $0.0e+00;
	v11 =	vcvt.s32.f32 v2;
	v7 =	vtrunc.f32 v0  }
0x95: {  	v4 =	vmin.f32 v4, $1.023000000e+03;
	v0 =	vtrunc.f32 v3;
	v3 =	vmul.f32 $1.024000000e+03, v13  }
0x96: {  	v15 =	vcvt.f32.s32 v0;
	v62 =	vmax.f32 v8, $0.0e+00;
	v63 =	vmul.f32 $9.765625000e-04, v11  }
0x97: {  	[tilespmem:s1+$0x40A0] =	vst v61;
	v2 =	vld [tilespmem:s1+$0x4070];
	v0 =	vmin.f32 v14, $1.023000000e+03;
	v8 =	vmul.f32 $1.024000000e+03, v6;
	v6 =	vmin.f32 v62, $1.023000000e+03  }
0x98: {  	s3 =	simm.s32 $0x400;
	v11 =	vmax.f32 v9, $0.0e+00;
	[tilespmem:s1+$0x40E0] =	vst v63;
	v9 =	vcvt.s32.f32 v15;
	v6 =	vtrunc.f32 v6  }
.LBB2_4:
0x99: {  	s4 =	sshra.s32 s3, $0x2;
	p0 =	sne.s32 s3, $0xFC00;
	s3 =	sadd.s32 $0x400, s3;
	v10 =	vcvt.f32.s32 v10;
	v12 =	vld [tilespmem:s1+$0x4020];
	v11 =	vmin.f32 v11, $1.023000000e+03;
	v7 =	vcvt.f32.s32 v7  }
0x9a: {  	v3 =	vmax.f32 v3, $0.0e+00;
	v1 =	vmul.f32 $9.765625000e-04, v1;
	v13 =	vld [tilespmem:s4+$0x40E0];
	v11 =	vtrunc.f32 v11  }
0x9b: {  	v5 =	vmax.f32 v5, $0.0e+00;
	v9 =	vmul.f32 $9.765625000e-04, v9;
	v14 =	vld [tilespmem:s4+$0x40A0];
	v11 =	vcvt.f32.s32 v11  }
0x9c: {  	v4 =	vtrunc.f32 v4;
	v2 =	vmul.f32 $1.024000000e+03, v2;
	v5 =	vmin.f32 v5, $1.023000000e+03;
	v15 =	vld [tilespmem:s4+$0x4080];
	[tilespmem:s1+$0x40B0] =	vst v1  }
0x9d: {  	v4 =	vcvt.f32.s32 v4;
	v1 =	vtrunc.f32 v5;
	v5 =	vmax.f32 v8, $0.0e+00;
	[tilespmem:s1+$0x40F0] =	vst v9  }
0x9e: {  	v7 =	vcvt.s32.f32 v7;
	v8 =	vcvt.s32.f32 v10;
	v5 =	vmin.f32 v5, $1.023000000e+03  }
0x9f: {  	v2 =	vmax.f32 v2, $0.0e+00;
	v11 =	vcvt.s32.f32 v11;
	v9 =	vmul.f32 $1.024000000e+03, v13;
	v10 =	vld [tilespmem:s4+$0x40F0]  }
0xa0: {  	v6 =	vcvt.f32.s32 v6;
	v2 =	vmin.f32 v2, $1.023000000e+03;
	v12 =	vmul.f32 $1.024000000e+03, v12  }
0xa1: {  	v0 =	vtrunc.f32 v0;
	v13 =	vmul.f32 $1.024000000e+03, v14  }
0xa2: {  	v0 =	vcvt.f32.s32 v0;
	v5 =	vtrunc.f32 v5  }
0xa3: {  	v8 =	vmul.f32 $9.765625000e-04, v8;
	v14 =	vmul.f32 $1.024000000e+03, v15  }
0xa4: {  	v4 =	vcvt.s32.f32 v4;
	v10 =	vmul.f32 $1.024000000e+03, v10  }
0xa5: {  	v2 =	vtrunc.f32 v2;
	v5 =	vcvt.f32.s32 v5;
	v14 =	vmax.f32 v14, $0.0e+00;
	[tilespmem:s1+$0x4010] =	vst v8  }
0xa6: {  	v1 =	vcvt.f32.s32 v1;
	v4 =	vmul.f32 $9.765625000e-04, v4;
	v14 =	vmin.f32 v14, $1.023000000e+03;
	v8 =	vld [tilespmem:s4+$0x4010]  }
0xa7: {  	v7 =	vmul.f32 $9.765625000e-04, v7;
	v5 =	vcvt.s32.f32 v5  }
0xa8: {  	v3 =	vmin.f32 v3, $1.023000000e+03;
	v0 =	vcvt.s32.f32 v0;
	v14 =	vtrunc.f32 v14  }
0xa9: {  	v3 =	vtrunc.f32 v3;
	v1 =	vcvt.s32.f32 v1;
	v12 =	vmax.f32 v12, $0.0e+00;
	v15 =	vld [tilespmem:s4+$0x40B0];
	[tilespmem:s1+$0x4050] =	vst v4  }
0xaa: {  	v3 =	vcvt.f32.s32 v3;
	v12 =	vmin.f32 v12, $1.023000000e+03;
	v14 =	vcvt.f32.s32 v14;
	v4 =	vld [tilespmem:s4+$0x4050];
	[tilespmem:s1+$0x40C0] =	vst v7  }
0xab: {  	v0 =	vmul.f32 $9.765625000e-04, v0;
	v9 =	vmax.f32 v9, $0.0e+00;
	v7 =	vmul.f32 $1.024000000e+03, v8;
	v8 =	vld [tilespmem:s4+$0x40C0]  }
0xac: {  	v9 =	vmin.f32 v9, $1.023000000e+03;
	v12 =	vtrunc.f32 v12;
	v14 =	vcvt.s32.f32 v14  }
0xad: {  	v9 =	vtrunc.f32 v9;
	v10 =	vmax.f32 v10, $0.0e+00;
	[tilespmem:s1+$0x4000] =	vst v0;
	v0 =	vcvt.f32.s32 v2  }
0xae: {  	v6 =	vcvt.s32.f32 v6;
	v10 =	vmin.f32 v10, $1.023000000e+03;
	v2 =	vmul.f32 $9.765625000e-04, v14  }
0xaf: {  	v5 =	vmul.f32 $9.765625000e-04, v5;
	v14 =	vmax.f32 v7, $0.0e+00;
	v4 =	vmul.f32 $1.024000000e+03, v4  }
0xb0: {  	v1 =	vmul.f32 $9.765625000e-04, v1;
	[tilespmem:s4+$0x4080] =	vst v2;
	v2 =	vmul.f32 $1.024000000e+03, v15  }
0xb1: {  	v3 =	vcvt.s32.f32 v3;
	v13 =	vmax.f32 v13, $0.0e+00;
	v8 =	vmul.f32 $1.024000000e+03, v8;
	v7 =	vld [tilespmem:s4+$0x4000];
	[tilespmem:s1+$0x4060] =	vst v5  }
0xb2: {  	v5 =	vmin.f32 v13, $1.023000000e+03;
	v2 =	vmax.f32 v2, $0.0e+00;
	[tilespmem:s1+$0x4040] =	vst v1;
	v1 =	vmul.f32 $9.765625000e-04, v11  }
0xb3: {  	v0 =	vcvt.s32.f32 v0;
	v5 =	vtrunc.f32 v5;
	v2 =	vmin.f32 v2, $1.023000000e+03  }
0xb4: {  	v12 =	vcvt.f32.s32 v12;
	v8 =	vmax.f32 v8, $0.0e+00;
	v5 =	vcvt.f32.s32 v5;
	v11 =	vld [tilespmem:s4+$0x4040];
	[tilespmem:s1+$0x4090] =	vst v1  }
0xb5: {  	v1 =	vtrunc.f32 v2;
	v2 =	vmul.f32 $9.765625000e-04, v6  }
0xb6: {  	v3 =	vmul.f32 $9.765625000e-04, v3;
	v5 =	vcvt.s32.f32 v5;
	v6 =	vld [tilespmem:s4+$0x4090]  }
0xb7: {  	v0 =	vmul.f32 $9.765625000e-04, v0;
	v1 =	vcvt.f32.s32 v1;
	[tilespmem:s1+$0x40D0] =	vst v2  }
0xb8: {  	v4 =	vmax.f32 v4, $0.0e+00;
	v13 =	vmul.f32 $9.765625000e-04, v5;
	v5 =	vcvt.s32.f32 v12;
	v15 =	vld [tilespmem:s4+$0x40D0];
	[tilespmem:s1+$0x4030] =	vst v3  }
0xb9: {  	v1 =	vcvt.s32.f32 v1;
	v3 =	vmul.f32 $1.024000000e+03, v7;
	v7 =	vmin.f32 v8, $1.023000000e+03;
	v12 =	vld [tilespmem:s4+$0x4030];
	[tilespmem:s1+$0x4070] =	vst v0  }
0xba: {  	v0 =	vcvt.f32.s32 v9;
	v8 =	vmul.f32 $9.765625000e-04, v5;
	v2 =	vld [tilespmem:s4+$0x4070]  }
0xbb: {  	v7 =	vtrunc.f32 v7;
	v9 =	vmax.f32 v3, $0.0e+00;
	v3 =	vtrunc.f32 v10;
	v16 =	vld [tilespmem:s4+$0x4060]  }
0xbc: {  	v5 =	vmul.f32 $1.024000000e+03, v11;
	v17 =	vcvt.f32.s32 v3;
	[tilespmem:s1+$0x4020] =	vst v8;
	s1 =	smov.u32 s4  }
.Ltmp1:
0xbd: {  	v4 =	vmin.f32 v4, $1.023000000e+03;
	v10 =	vcvt.s32.f32 v0;
	v8 =	vmul.f32 $1.024000000e+03, v15;
	(pc) =	sbr.rel @p0 .LBB2_4-.Ltmp1, $4  }
0xbe: {  	v11 =	vmin.f32 v14, $1.023000000e+03;
	v6 =	vmul.f32 $1.024000000e+03, v6;
	v3 =	vmul.f32 $1.024000000e+03, v12;
	[tilespmem:s1+$0x40A0] =	vst v13  }
0xbf: {  	v0 =	vmin.f32 v9, $1.023000000e+03;
	v12 =	vmul.f32 $9.765625000e-04, v10;
	v9 =	vmax.f32 v8, $0.0e+00  }
0xc0: {  	v10 =	vtrunc.f32 v11;
	v8 =	vmul.f32 $1.024000000e+03, v16;
	v9 =	vmin.f32 v9, $1.023000000e+03  }
0xc1: {  	v11 =	vmax.f32 v6, $0.0e+00;
	v6 =	vtrunc.f32 v9;
	[tilespmem:s1+$0x40E0] =	vst v12;
	v9 =	vcvt.s32.f32 v17  }
0xc2: {  	v10 =	vcvt.f32.s32 v10  }
0xc3: {  	v11 =	vmin.f32 v11, $1.023000000e+03;
	v7 =	vcvt.f32.s32 v7;
	v1 =	vmul.f32 $9.765625000e-04, v1  }
0xc4: {  	v5 =	vmax.f32 v5, $0.0e+00;
	v4 =	vtrunc.f32 v4;
	v2 =	vmul.f32 $1.024000000e+03, v2  }
0xc5: {  	v8 =	vmax.f32 v8, $0.0e+00;
	v0 =	vtrunc.f32 v0;
	v6 =	vcvt.f32.s32 v6  }
0xc6: {  	v3 =	vmax.f32 v3, $0.0e+00;
	v11 =	vtrunc.f32 v11;
	v9 =	vmul.f32 $9.765625000e-04, v9  }
0xc7: {  	v5 =	vmin.f32 v5, $1.023000000e+03;
	v4 =	vcvt.f32.s32 v4;
	v0 =	vcvt.f32.s32 v0  }
0xc8: {  	v8 =	vmin.f32 v8, $1.023000000e+03;
	v11 =	vcvt.f32.s32 v11;
	v5 =	vtrunc.f32 v5  }
0xc9: {  	v3 =	vmin.f32 v3, $1.023000000e+03;
	v10 =	vcvt.s32.f32 v10;
	v7 =	vcvt.s32.f32 v7  }
0xca: {  	v12 =	vld [tilespmem:s1+$0x4020];
	v8 =	vtrunc.f32 v8;
	v3 =	vtrunc.f32 v3  }
0xcb: {  	v4 =	vcvt.s32.f32 v4;
	v8 =	vcvt.f32.s32 v8  }
0xcc: {  	v2 =	vmax.f32 v2, $0.0e+00;
	v5 =	vcvt.f32.s32 v5;
	v0 =	vcvt.s32.f32 v0  }
0xcd: {  	v2 =	vmin.f32 v2, $1.023000000e+03;
	v3 =	vcvt.f32.s32 v3;
	v11 =	vcvt.s32.f32 v11  }
0xce: {  	v10 =	vmul.f32 $9.765625000e-04, v10;
	v2 =	vtrunc.f32 v2  }
0xcf: {  	[tilespmem:s1+$0x40B0] =	vst v1;
	v1 =	vmul.f32 $9.765625000e-04, v7;
	v12 =	vmul.f32 $1.024000000e+03, v12  }
0xd0: {  	[tilespmem:s1+$0x40F0] =	vst v9;
	v4 =	vmul.f32 $9.765625000e-04, v4;
	v8 =	vcvt.s32.f32 v8  }
0xd1: {  	v5 =	vcvt.s32.f32 v5;
	v0 =	vmul.f32 $9.765625000e-04, v0;
	[tilespmem:s1+$0x4010] =	vst v10  }
0xd2: {  	v2 =	vcvt.f32.s32 v2;
	v3 =	vcvt.s32.f32 v3;
	[tilespmem:s1+$0x40C0] =	vst v1;
	v7 =	vmax.f32 v12, $0.0e+00  }
0xd3: {  	v1 =	vcvt.s32.f32 v6;
	[tilespmem:s1+$0x4050] =	vst v4;
	v6 =	vmul.f32 $9.765625000e-04, v8;
	v7 =	vmin.f32 v7, $1.023000000e+03  }
0xd4: {  	[tilespmem:s1+$0x4000] =	vst v0;
	v0 =	vmul.f32 $9.765625000e-04, v5;
	v4 =	vtrunc.f32 v7  }
0xd5: {  	v5 =	vmul.f32 $9.765625000e-04, v11;
	[tilespmem:s1+$0x4060] =	vst v6;
	v4 =	vcvt.f32.s32 v4  }
0xd6: {  	v1 =	vmul.f32 $9.765625000e-04, v1;
	[tilespmem:s1+$0x4040] =	vst v0;
	v0 =	vcvt.s32.f32 v2  }
0xd7: {  	[tilespmem:s1+$0x4090] =	vst v5;
	v2 =	vmul.f32 $9.765625000e-04, v3;
	v3 =	vcvt.s32.f32 v4  }
0xd8: {  	[tilespmem:s1+$0x40D0] =	vst v1;
	v0 =	vmul.f32 $9.765625000e-04, v0  }
0xd9: {  	[tilespmem:s1+$0x4030] =	vst v2;
	v1 =	vmul.f32 $9.765625000e-04, v3  }
0xda: {  	[tilespmem:s1+$0x4070] =	vst v0  }
0xdb: {  	s4 =	simm.s32 $0x0;
	[tilespmem:s1+$0x4020] =	vst v1  }
0xdc: {  	[hbm4b:s8+s4] =	stream.linear.scatter [tilespmem:s20], [sflag:$0x6], $0x4000, $0x38;
	[tilespmem:$0x10000] =	vst v63  }
0xdd: {  	_ =	swait.ge [sflag:s25], $0x4000  }
0xde: {  	[sflag:s25] =	ssyncset.done $0x0  }
0xdf: {  	[sflag:s25] =	ssyncadd.s32 $0xFFFFC000  }
0xe0: {  	[tilespmem:s4], [sflag:$0x1] =	stream.linear.gather [hbm4b:s9+s4], $0x4000, $0x38;
	[tilespmem:$0x10000] =	vst v63  }
0xe1: {  	_ =	swait.ge [sflag:s26], $0x4000  }
0xe2: {  	[sflag:s26] =	ssyncset.done $0x0  }
0xe3: {  	s1 =	simm.s32 $0x0;
	[sflag:s26] =	ssyncadd.s32 $0xFFFFC000  }
0xe4: {  	v0 =	vld [tilespmem:s1+$0x8080];
	_ =	sdelay $0x4  }
0xe5: {  	v0 =	vmul.f32 $1.024000000e+03, v0  }
0xe6: {  	v1 =	vld [tilespmem:s1+$0x80A0]  }
0xe7: {  	v2 =	vld [tilespmem:s1+$0x80E0];
	v0 =	vmax.f32 v0, $0.0e+00  }
0xe8: {  	v3 =	vld [tilespmem:s1+$0x80F0];
	v0 =	vmin.f32 v0, $1.023000000e+03  }
0xe9: {  	v6 =	vld [tilespmem:s1+$0x80C0];
	v0 =	vtrunc.f32 v0  }
0xea: {  	v9 =	vld [tilespmem:s1+$0x8090];
	v0 =	vcvt.f32.s32 v0  }
0xeb: {  	v4 =	vld [tilespmem:s1+$0x80B0]  }
0xec: {  	v5 =	vld [tilespmem:s1+$0x8010];
	v1 =	vmul.f32 $1.024000000e+03, v1;
	v0 =	vcvt.s32.f32 v0  }
0xed: {  	v2 =	vmul.f32 $1.024000000e+03, v2  }
0xee: {  	v3 =	vmul.f32 $1.024000000e+03, v3;
	v1 =	vmax.f32 v1, $0.0e+00;
	v0 =	vmul.f32 $9.765625000e-04, v0  }
0xef: {  	v6 =	vmul.f32 $1.024000000e+03, v6;
	v9 =	vmul.f32 $1.024000000e+03, v9;
	v1 =	vmin.f32 v1, $1.023000000e+03  }
0xf0: {  	v7 =	vld [tilespmem:s1+$0x8050];
	v2 =	vmax.f32 v2, $0.0e+00;
	v1 =	vtrunc.f32 v1;
	[tilespmem:s1+$0x8080] =	vst v0;
	v0 =	vmul.f32 $1.024000000e+03, v4  }
0xf1: {  	v3 =	vmax.f32 v3, $0.0e+00;
	v1 =	vcvt.f32.s32 v1;
	v4 =	vmul.f32 $1.024000000e+03, v5;
	v5 =	vld [tilespmem:s1+$0x8000]  }
0xf2: {  	v8 =	vld [tilespmem:s1+$0x8040];
	v6 =	vmax.f32 v6, $0.0e+00;
	v2 =	vmin.f32 v2, $1.023000000e+03;
	v0 =	vmax.f32 v0, $0.0e+00  }
0xf3: {  	v11 =	vld [tilespmem:s1+$0x80D0];
	v2 =	vtrunc.f32 v2;
	v1 =	vcvt.s32.f32 v1;
	v0 =	vmin.f32 v0, $1.023000000e+03  }
0xf4: {  	v3 =	vmin.f32 v3, $1.023000000e+03;
	v2 =	vcvt.f32.s32 v2;
	v0 =	vtrunc.f32 v0  }
0xf5: {  	v13 =	vld [tilespmem:s1+$0x8030];
	v61 =	vmul.f32 $9.765625000e-04, v1;
	v10 =	vmax.f32 v4, $0.0e+00;
	v0 =	vcvt.f32.s32 v0  }
0xf6: {  	v4 =	vmul.f32 $1.024000000e+03, v7;
	v10 =	vmin.f32 v10, $1.023000000e+03;
	v5 =	vmul.f32 $1.024000000e+03, v5  }
0xf7: {  	v10 =	vtrunc.f32 v10;
	v1 =	vcvt.s32.f32 v0;
	v0 =	vmin.f32 v6, $1.023000000e+03;
	v6 =	vld [tilespmem:s1+$0x8060]  }
0xf8: {  	v14 =	vmax.f32 v5, $0.0e+00;
	v5 =	vmul.f32 $1.024000000e+03, v8;
	v8 =	vmul.f32 $1.024000000e+03, v11  }
0xf9: {  	v4 =	vmax.f32 v4, $0.0e+00;
	v11 =	vcvt.s32.f32 v2;
	v7 =	vtrunc.f32 v0  }
0xfa: {  	v4 =	vmin.f32 v4, $1.023000000e+03;
	v0 =	vtrunc.f32 v3;
	v3 =	vmul.f32 $1.024000000e+03, v13  }
0xfb: {  	v15 =	vcvt.f32.s32 v0;
	v62 =	vmax.f32 v8, $0.0e+00;
	v63 =	vmul.f32 $9.765625000e-04, v11  }
0xfc: {  	[tilespmem:s1+$0x80A0] =	vst v61;
	v2 =	vld [tilespmem:s1+$0x8070];
	v0 =	vmin.f32 v14, $1.023000000e+03;
	v8 =	vmul.f32 $1.024000000e+03, v6;
	v6 =	vmin.f32 v62, $1.023000000e+03  }
0xfd: {  	s3 =	simm.s32 $0x400;
	v11 =	vmax.f32 v9, $0.0e+00;
	[tilespmem:s1+$0x80E0] =	vst v63;
	v9 =	vcvt.s32.f32 v15;
	v6 =	vtrunc.f32 v6  }
.LBB2_6:
0xfe: {  	s4 =	sshra.s32 s3, $0x2;
	p0 =	sne.s32 s3, $0xFC00;
	s3 =	sadd.s32 $0x400, s3;
	v10 =	vcvt.f32.s32 v10;
	v12 =	vld [tilespmem:s1+$0x8020];
	v11 =	vmin.f32 v11, $1.023000000e+03;
	v7 =	vcvt.f32.s32 v7  }
0xff: {  	v3 =	vmax.f32 v3, $0.0e+00;
	v1 =	vmul.f32 $9.765625000e-04, v1;
	v13 =	vld [tilespmem:s4+$0x80E0];
	v11 =	vtrunc.f32 v11  }
0x100: {  	v5 =	vmax.f32 v5, $0.0e+00;
	v9 =	vmul.f32 $9.765625000e-04, v9;
	v14 =	vld [tilespmem:s4+$0x80A0];
	v11 =	vcvt.f32.s32 v11  }
0x101: {  	v4 =	vtrunc.f32 v4;
	v2 =	vmul.f32 $1.024000000e+03, v2;
	v5 =	vmin.f32 v5, $1.023000000e+03;
	v15 =	vld [tilespmem:s4+$0x8080];
	[tilespmem:s1+$0x80B0] =	vst v1  }
0x102: {  	v4 =	vcvt.f32.s32 v4;
	v1 =	vtrunc.f32 v5;
	v5 =	vmax.f32 v8, $0.0e+00;
	[tilespmem:s1+$0x80F0] =	vst v9  }
0x103: {  	v7 =	vcvt.s32.f32 v7;
	v8 =	vcvt.s32.f32 v10;
	v5 =	vmin.f32 v5, $1.023000000e+03  }
0x104: {  	v2 =	vmax.f32 v2, $0.0e+00;
	v11 =	vcvt.s32.f32 v11;
	v9 =	vmul.f32 $1.024000000e+03, v13;
	v10 =	vld [tilespmem:s4+$0x80F0]  }
0x105: {  	v6 =	vcvt.f32.s32 v6;
	v2 =	vmin.f32 v2, $1.023000000e+03;
	v12 =	vmul.f32 $1.024000000e+03, v12  }
0x106: {  	v0 =	vtrunc.f32 v0;
	v13 =	vmul.f32 $1.024000000e+03, v14  }
0x107: {  	v0 =	vcvt.f32.s32 v0;
	v5 =	vtrunc.f32 v5  }
0x108: {  	v8 =	vmul.f32 $9.765625000e-04, v8;
	v14 =	vmul.f32 $1.024000000e+03, v15  }
0x109: {  	v4 =	vcvt.s32.f32 v4;
	v10 =	vmul.f32 $1.024000000e+03, v10  }
0x10a: {  	v2 =	vtrunc.f32 v2;
	v5 =	vcvt.f32.s32 v5;
	v14 =	vmax.f32 v14, $0.0e+00;
	[tilespmem:s1+$0x8010] =	vst v8  }
0x10b: {  	v1 =	vcvt.f32.s32 v1;
	v4 =	vmul.f32 $9.765625000e-04, v4;
	v14 =	vmin.f32 v14, $1.023000000e+03;
	v8 =	vld [tilespmem:s4+$0x8010]  }
0x10c: {  	v7 =	vmul.f32 $9.765625000e-04, v7;
	v5 =	vcvt.s32.f32 v5  }
0x10d: {  	v3 =	vmin.f32 v3, $1.023000000e+03;
	v0 =	vcvt.s32.f32 v0;
	v14 =	vtrunc.f32 v14  }
0x10e: {  	v3 =	vtrunc.f32 v3;
	v1 =	vcvt.s32.f32 v1;
	v12 =	vmax.f32 v12, $0.0e+00;
	v15 =	vld [tilespmem:s4+$0x80B0];
	[tilespmem:s1+$0x8050] =	vst v4  }
0x10f: {  	v3 =	vcvt.f32.s32 v3;
	v12 =	vmin.f32 v12, $1.023000000e+03;
	v14 =	vcvt.f32.s32 v14;
	v4 =	vld [tilespmem:s4+$0x8050];
	[tilespmem:s1+$0x80C0] =	vst v7  }
0x110: {  	v0 =	vmul.f32 $9.765625000e-04, v0;
	v9 =	vmax.f32 v9, $0.0e+00;
	v7 =	vmul.f32 $1.024000000e+03, v8;
	v8 =	vld [tilespmem:s4+$0x80C0]  }
0x111: {  	v9 =	vmin.f32 v9, $1.023000000e+03;
	v12 =	vtrunc.f32 v12;
	v14 =	vcvt.s32.f32 v14  }
0x112: {  	v9 =	vtrunc.f32 v9;
	v10 =	vmax.f32 v10, $0.0e+00;
	[tilespmem:s1+$0x8000] =	vst v0;
	v0 =	vcvt.f32.s32 v2  }
0x113: {  	v6 =	vcvt.s32.f32 v6;
	v10 =	vmin.f32 v10, $1.023000000e+03;
	v2 =	vmul.f32 $9.765625000e-04, v14  }
0x114: {  	v5 =	vmul.f32 $9.765625000e-04, v5;
	v14 =	vmax.f32 v7, $0.0e+00;
	v4 =	vmul.f32 $1.024000000e+03, v4  }
0x115: {  	v1 =	vmul.f32 $9.765625000e-04, v1;
	[tilespmem:s4+$0x8080] =	vst v2;
	v2 =	vmul.f32 $1.024000000e+03, v15  }
0x116: {  	v3 =	vcvt.s32.f32 v3;
	v13 =	vmax.f32 v13, $0.0e+00;
	v8 =	vmul.f32 $1.024000000e+03, v8;
	v7 =	vld [tilespmem:s4+$0x8000];
	[tilespmem:s1+$0x8060] =	vst v5  }
0x117: {  	v5 =	vmin.f32 v13, $1.023000000e+03;
	v2 =	vmax.f32 v2, $0.0e+00;
	[tilespmem:s1+$0x8040] =	vst v1;
	v1 =	vmul.f32 $9.765625000e-04, v11  }
0x118: {  	v0 =	vcvt.s32.f32 v0;
	v5 =	vtrunc.f32 v5;
	v2 =	vmin.f32 v2, $1.023000000e+03  }
0x119: {  	v12 =	vcvt.f32.s32 v12;
	v8 =	vmax.f32 v8, $0.0e+00;
	v5 =	vcvt.f32.s32 v5;
	v11 =	vld [tilespmem:s4+$0x8040];
	[tilespmem:s1+$0x8090] =	vst v1  }
0x11a: {  	v1 =	vtrunc.f32 v2;
	v2 =	vmul.f32 $9.765625000e-04, v6  }
0x11b: {  	v3 =	vmul.f32 $9.765625000e-04, v3;
	v5 =	vcvt.s32.f32 v5;
	v6 =	vld [tilespmem:s4+$0x8090]  }
0x11c: {  	v0 =	vmul.f32 $9.765625000e-04, v0;
	v1 =	vcvt.f32.s32 v1;
	[tilespmem:s1+$0x80D0] =	vst v2  }
0x11d: {  	v4 =	vmax.f32 v4, $0.0e+00;
	v13 =	vmul.f32 $9.765625000e-04, v5;
	v5 =	vcvt.s32.f32 v12;
	v15 =	vld [tilespmem:s4+$0x80D0];
	[tilespmem:s1+$0x8030] =	vst v3  }
0x11e: {  	v1 =	vcvt.s32.f32 v1;
	v3 =	vmul.f32 $1.024000000e+03, v7;
	v7 =	vmin.f32 v8, $1.023000000e+03;
	v12 =	vld [tilespmem:s4+$0x8030];
	[tilespmem:s1+$0x8070] =	vst v0  }
0x11f: {  	v0 =	vcvt.f32.s32 v9;
	v8 =	vmul.f32 $9.765625000e-04, v5;
	v2 =	vld [tilespmem:s4+$0x8070]  }
0x120: {  	v7 =	vtrunc.f32 v7;
	v9 =	vmax.f32 v3, $0.0e+00;
	v3 =	vtrunc.f32 v10;
	v16 =	vld [tilespmem:s4+$0x8060]  }
0x121: {  	v5 =	vmul.f32 $1.024000000e+03, v11;
	v17 =	vcvt.f32.s32 v3;
	[tilespmem:s1+$0x8020] =	vst v8;
	s1 =	smov.u32 s4  }
.Ltmp2:
0x122: {  	v4 =	vmin.f32 v4, $1.023000000e+03;
	v10 =	vcvt.s32.f32 v0;
	v8 =	vmul.f32 $1.024000000e+03, v15;
	(pc) =	sbr.rel @p0 .LBB2_6-.Ltmp2, $4  }
0x123: {  	v11 =	vmin.f32 v14, $1.023000000e+03;
	v6 =	vmul.f32 $1.024000000e+03, v6;
	v3 =	vmul.f32 $1.024000000e+03, v12;
	[tilespmem:s1+$0x80A0] =	vst v13  }
0x124: {  	v0 =	vmin.f32 v9, $1.023000000e+03;
	v12 =	vmul.f32 $9.765625000e-04, v10;
	v9 =	vmax.f32 v8, $0.0e+00  }
0x125: {  	v10 =	vtrunc.f32 v11;
	v8 =	vmul.f32 $1.024000000e+03, v16;
	v9 =	vmin.f32 v9, $1.023000000e+03  }
0x126: {  	v11 =	vmax.f32 v6, $0.0e+00;
	v6 =	vtrunc.f32 v9;
	[tilespmem:s1+$0x80E0] =	vst v12;
	v9 =	vcvt.s32.f32 v17  }
0x127: {  	v10 =	vcvt.f32.s32 v10  }
0x128: {  	v11 =	vmin.f32 v11, $1.023000000e+03;
	v7 =	vcvt.f32.s32 v7;
	v1 =	vmul.f32 $9.765625000e-04, v1  }
0x129: {  	v5 =	vmax.f32 v5, $0.0e+00;
	v4 =	vtrunc.f32 v4;
	v2 =	vmul.f32 $1.024000000e+03, v2  }
0x12a: {  	v8 =	vmax.f32 v8, $0.0e+00;
	v0 =	vtrunc.f32 v0;
	v6 =	vcvt.f32.s32 v6  }
0x12b: {  	v3 =	vmax.f32 v3, $0.0e+00;
	v11 =	vtrunc.f32 v11;
	v9 =	vmul.f32 $9.765625000e-04, v9  }
0x12c: {  	v5 =	vmin.f32 v5, $1.023000000e+03;
	v4 =	vcvt.f32.s32 v4;
	v0 =	vcvt.f32.s32 v0  }
0x12d: {  	v8 =	vmin.f32 v8, $1.023000000e+03;
	v11 =	vcvt.f32.s32 v11;
	v5 =	vtrunc.f32 v5  }
0x12e: {  	v3 =	vmin.f32 v3, $1.023000000e+03;
	v10 =	vcvt.s32.f32 v10;
	v7 =	vcvt.s32.f32 v7  }
0x12f: {  	v12 =	vld [tilespmem:s1+$0x8020];
	v8 =	vtrunc.f32 v8;
	v3 =	vtrunc.f32 v3  }
0x130: {  	v4 =	vcvt.s32.f32 v4;
	v8 =	vcvt.f32.s32 v8  }
0x131: {  	v2 =	vmax.f32 v2, $0.0e+00;
	v5 =	vcvt.f32.s32 v5;
	v0 =	vcvt.s32.f32 v0  }
0x132: {  	v2 =	vmin.f32 v2, $1.023000000e+03;
	v3 =	vcvt.f32.s32 v3;
	v11 =	vcvt.s32.f32 v11  }
0x133: {  	v10 =	vmul.f32 $9.765625000e-04, v10;
	v2 =	vtrunc.f32 v2  }
0x134: {  	[tilespmem:s1+$0x80B0] =	vst v1;
	v1 =	vmul.f32 $9.765625000e-04, v7;
	v12 =	vmul.f32 $1.024000000e+03, v12  }
0x135: {  	[tilespmem:s1+$0x80F0] =	vst v9;
	v4 =	vmul.f32 $9.765625000e-04, v4;
	v8 =	vcvt.s32.f32 v8  }
0x136: {  	v5 =	vcvt.s32.f32 v5;
	v0 =	vmul.f32 $9.765625000e-04, v0;
	[tilespmem:s1+$0x8010] =	vst v10  }
0x137: {  	v2 =	vcvt.f32.s32 v2;
	v3 =	vcvt.s32.f32 v3;
	[tilespmem:s1+$0x80C0] =	vst v1;
	v7 =	vmax.f32 v12, $0.0e+00  }
0x138: {  	v1 =	vcvt.s32.f32 v6;
	[tilespmem:s1+$0x8050] =	vst v4;
	v6 =	vmul.f32 $9.765625000e-04, v8;
	v7 =	vmin.f32 v7, $1.023000000e+03  }
0x139: {  	[tilespmem:s1+$0x8000] =	vst v0;
	v0 =	vmul.f32 $9.765625000e-04, v5;
	v4 =	vtrunc.f32 v7  }
0x13a: {  	v5 =	vmul.f32 $9.765625000e-04, v11;
	[tilespmem:s1+$0x8060] =	vst v6;
	v4 =	vcvt.f32.s32 v4  }
0x13b: {  	v1 =	vmul.f32 $9.765625000e-04, v1;
	[tilespmem:s1+$0x8040] =	vst v0;
	v0 =	vcvt.s32.f32 v2  }
0x13c: {  	[tilespmem:s1+$0x8090] =	vst v5;
	v2 =	vmul.f32 $9.765625000e-04, v3;
	v3 =	vcvt.s32.f32 v4  }
0x13d: {  	[tilespmem:s1+$0x80D0] =	vst v1;
	v0 =	vmul.f32 $9.765625000e-04, v0  }
0x13e: {  	[tilespmem:s1+$0x8030] =	vst v2;
	v1 =	vmul.f32 $9.765625000e-04, v3  }
0x13f: {  	[tilespmem:s1+$0x8070] =	vst v0  }
0x140: {  	s4 =	simm.s32 $0x0;
	[tilespmem:s1+$0x8020] =	vst v1  }
0x141: {  	[hbm4b:s10+s4] =	stream.linear.scatter [tilespmem:s21], [sflag:$0x7], $0x4000, $0x38;
	[tilespmem:$0x10000] =	vst v63  }
0x142: {  	_ =	swait.ge [sflag:s28], $0x4000  }
0x143: {  	[sflag:s28] =	ssyncset.done $0x0  }
0x144: {  	[sflag:s28] =	ssyncadd.s32 $0xFFFFC000  }
0x145: {  	[tilespmem:s20], [sflag:$0x2] =	stream.linear.gather [hbm4b:s11+s4], $0x4000, $0x38;
	[tilespmem:$0x10000] =	vst v63  }
0x146: {  	_ =	swait.ge [sflag:s29], $0x4000  }
0x147: {  	[sflag:s29] =	ssyncset.done $0x0  }
0x148: {  	s1 =	simm.s32 $0x0;
	[sflag:s29] =	ssyncadd.s32 $0xFFFFC000  }
0x149: {  	v0 =	vld [tilespmem:s1+$0xC080];
	_ =	sdelay $0x4  }
0x14a: {  	v0 =	vmul.f32 $1.024000000e+03, v0  }
0x14b: {  	v1 =	vld [tilespmem:s1+$0xC0A0]  }
0x14c: {  	v2 =	vld [tilespmem:s1+$0xC0E0];
	v0 =	vmax.f32 v0, $0.0e+00  }
0x14d: {  	v3 =	vld [tilespmem:s1+$0xC0F0];
	v0 =	vmin.f32 v0, $1.023000000e+03  }
0x14e: {  	v6 =	vld [tilespmem:s1+$0xC0C0];
	v0 =	vtrunc.f32 v0  }
0x14f: {  	v9 =	vld [tilespmem:s1+$0xC090];
	v0 =	vcvt.f32.s32 v0  }
0x150: {  	v4 =	vld [tilespmem:s1+$0xC0B0]  }
0x151: {  	v5 =	vld [tilespmem:s1+$0xC010];
	v1 =	vmul.f32 $1.024000000e+03, v1;
	v0 =	vcvt.s32.f32 v0  }
0x152: {  	v2 =	vmul.f32 $1.024000000e+03, v2  }
0x153: {  	v3 =	vmul.f32 $1.024000000e+03, v3;
	v1 =	vmax.f32 v1, $0.0e+00;
	v0 =	vmul.f32 $9.765625000e-04, v0  }
0x154: {  	v6 =	vmul.f32 $1.024000000e+03, v6;
	v9 =	vmul.f32 $1.024000000e+03, v9;
	v1 =	vmin.f32 v1, $1.023000000e+03  }
0x155: {  	v7 =	vld [tilespmem:s1+$0xC050];
	v2 =	vmax.f32 v2, $0.0e+00;
	v1 =	vtrunc.f32 v1;
	[tilespmem:s1+$0xC080] =	vst v0;
	v0 =	vmul.f32 $1.024000000e+03, v4  }
0x156: {  	v3 =	vmax.f32 v3, $0.0e+00;
	v1 =	vcvt.f32.s32 v1;
	v4 =	vmul.f32 $1.024000000e+03, v5;
	v5 =	vld [tilespmem:s1+$0xC000]  }
0x157: {  	v8 =	vld [tilespmem:s1+$0xC040];
	v6 =	vmax.f32 v6, $0.0e+00;
	v2 =	vmin.f32 v2, $1.023000000e+03;
	v0 =	vmax.f32 v0, $0.0e+00  }
0x158: {  	v11 =	vld [tilespmem:s1+$0xC0D0];
	v2 =	vtrunc.f32 v2;
	v1 =	vcvt.s32.f32 v1;
	v0 =	vmin.f32 v0, $1.023000000e+03  }
0x159: {  	v3 =	vmin.f32 v3, $1.023000000e+03;
	v2 =	vcvt.f32.s32 v2;
	v0 =	vtrunc.f32 v0  }
0x15a: {  	v13 =	vld [tilespmem:s1+$0xC030];
	v61 =	vmul.f32 $9.765625000e-04, v1;
	v10 =	vmax.f32 v4, $0.0e+00;
	v0 =	vcvt.f32.s32 v0  }
0x15b: {  	v4 =	vmul.f32 $1.024000000e+03, v7;
	v10 =	vmin.f32 v10, $1.023000000e+03;
	v5 =	vmul.f32 $1.024000000e+03, v5  }
0x15c: {  	v10 =	vtrunc.f32 v10;
	v1 =	vcvt.s32.f32 v0;
	v0 =	vmin.f32 v6, $1.023000000e+03;
	v6 =	vld [tilespmem:s1+$0xC060]  }
0x15d: {  	v14 =	vmax.f32 v5, $0.0e+00;
	v5 =	vmul.f32 $1.024000000e+03, v8;
	v8 =	vmul.f32 $1.024000000e+03, v11  }
0x15e: {  	v4 =	vmax.f32 v4, $0.0e+00;
	v11 =	vcvt.s32.f32 v2;
	v7 =	vtrunc.f32 v0  }
0x15f: {  	v4 =	vmin.f32 v4, $1.023000000e+03;
	v0 =	vtrunc.f32 v3;
	v3 =	vmul.f32 $1.024000000e+03, v13  }
0x160: {  	v15 =	vcvt.f32.s32 v0;
	v62 =	vmax.f32 v8, $0.0e+00;
	v63 =	vmul.f32 $9.765625000e-04, v11  }
0x161: {  	[tilespmem:s1+$0xC0A0] =	vst v61;
	v2 =	vld [tilespmem:s1+$0xC070];
	v0 =	vmin.f32 v14, $1.023000000e+03;
	v8 =	vmul.f32 $1.024000000e+03, v6;
	v6 =	vmin.f32 v62, $1.023000000e+03  }
0x162: {  	s3 =	simm.s32 $0x400;
	v11 =	vmax.f32 v9, $0.0e+00;
	[tilespmem:s1+$0xC0E0] =	vst v63;
	v9 =	vcvt.s32.f32 v15;
	v6 =	vtrunc.f32 v6  }
.LBB2_8:
0x163: {  	s4 =	sshra.s32 s3, $0x2;
	p0 =	sne.s32 s3, $0xFC00;
	s3 =	sadd.s32 $0x400, s3;
	v10 =	vcvt.f32.s32 v10;
	v12 =	vld [tilespmem:s1+$0xC020];
	v11 =	vmin.f32 v11, $1.023000000e+03;
	v7 =	vcvt.f32.s32 v7  }
0x164: {  	v3 =	vmax.f32 v3, $0.0e+00;
	v1 =	vmul.f32 $9.765625000e-04, v1;
	v13 =	vld [tilespmem:s4+$0xC0E0];
	v11 =	vtrunc.f32 v11  }
0x165: {  	v5 =	vmax.f32 v5, $0.0e+00;
	v9 =	vmul.f32 $9.765625000e-04, v9;
	v14 =	vld [tilespmem:s4+$0xC0A0];
	v11 =	vcvt.f32.s32 v11  }
0x166: {  	v4 =	vtrunc.f32 v4;
	v2 =	vmul.f32 $1.024000000e+03, v2;
	v5 =	vmin.f32 v5, $1.023000000e+03;
	v15 =	vld [tilespmem:s4+$0xC080];
	[tilespmem:s1+$0xC0B0] =	vst v1  }
0x167: {  	v4 =	vcvt.f32.s32 v4;
	v1 =	vtrunc.f32 v5;
	v5 =	vmax.f32 v8, $0.0e+00;
	[tilespmem:s1+$0xC0F0] =	vst v9  }
0x168: {  	v7 =	vcvt.s32.f32 v7;
	v8 =	vcvt.s32.f32 v10;
	v5 =	vmin.f32 v5, $1.023000000e+03  }
0x169: {  	v2 =	vmax.f32 v2, $0.0e+00;
	v11 =	vcvt.s32.f32 v11;
	v9 =	vmul.f32 $1.024000000e+03, v13;
	v10 =	vld [tilespmem:s4+$0xC0F0]  }
0x16a: {  	v6 =	vcvt.f32.s32 v6;
	v2 =	vmin.f32 v2, $1.023000000e+03;
	v12 =	vmul.f32 $1.024000000e+03, v12  }
0x16b: {  	v0 =	vtrunc.f32 v0;
	v13 =	vmul.f32 $1.024000000e+03, v14  }
0x16c: {  	v0 =	vcvt.f32.s32 v0;
	v5 =	vtrunc.f32 v5  }
0x16d: {  	v8 =	vmul.f32 $9.765625000e-04, v8;
	v14 =	vmul.f32 $1.024000000e+03, v15  }
0x16e: {  	v4 =	vcvt.s32.f32 v4;
	v10 =	vmul.f32 $1.024000000e+03, v10  }
0x16f: {  	v2 =	vtrunc.f32 v2;
	v5 =	vcvt.f32.s32 v5;
	v14 =	vmax.f32 v14, $0.0e+00;
	[tilespmem:s1+$0xC010] =	vst v8  }
0x170: {  	v1 =	vcvt.f32.s32 v1;
	v4 =	vmul.f32 $9.765625000e-04, v4;
	v14 =	vmin.f32 v14, $1.023000000e+03;
	v8 =	vld [tilespmem:s4+$0xC010]  }
0x171: {  	v7 =	vmul.f32 $9.765625000e-04, v7;
	v5 =	vcvt.s32.f32 v5  }
0x172: {  	v3 =	vmin.f32 v3, $1.023000000e+03;
	v0 =	vcvt.s32.f32 v0;
	v14 =	vtrunc.f32 v14  }
0x173: {  	v3 =	vtrunc.f32 v3;
	v1 =	vcvt.s32.f32 v1;
	v12 =	vmax.f32 v12, $0.0e+00;
	v15 =	vld [tilespmem:s4+$0xC0B0];
	[tilespmem:s1+$0xC050] =	vst v4  }
0x174: {  	v3 =	vcvt.f32.s32 v3;
	v12 =	vmin.f32 v12, $1.023000000e+03;
	v14 =	vcvt.f32.s32 v14;
	v4 =	vld [tilespmem:s4+$0xC050];
	[tilespmem:s1+$0xC0C0] =	vst v7  }
0x175: {  	v0 =	vmul.f32 $9.765625000e-04, v0;
	v9 =	vmax.f32 v9, $0.0e+00;
	v7 =	vmul.f32 $1.024000000e+03, v8;
	v8 =	vld [tilespmem:s4+$0xC0C0]  }
0x176: {  	v9 =	vmin.f32 v9, $1.023000000e+03;
	v12 =	vtrunc.f32 v12;
	v14 =	vcvt.s32.f32 v14  }
0x177: {  	v9 =	vtrunc.f32 v9;
	v10 =	vmax.f32 v10, $0.0e+00;
	[tilespmem:s1+$0xC000] =	vst v0;
	v0 =	vcvt.f32.s32 v2  }
0x178: {  	v6 =	vcvt.s32.f32 v6;
	v10 =	vmin.f32 v10, $1.023000000e+03;
	v2 =	vmul.f32 $9.765625000e-04, v14  }
0x179: {  	v5 =	vmul.f32 $9.765625000e-04, v5;
	v14 =	vmax.f32 v7, $0.0e+00;
	v4 =	vmul.f32 $1.024000000e+03, v4  }
0x17a: {  	v1 =	vmul.f32 $9.765625000e-04, v1;
	[tilespmem:s4+$0xC080] =	vst v2;
	v2 =	vmul.f32 $1.024000000e+03, v15  }
0x17b: {  	v3 =	vcvt.s32.f32 v3;
	v13 =	vmax.f32 v13, $0.0e+00;
	v8 =	vmul.f32 $1.024000000e+03, v8;
	v7 =	vld [tilespmem:s4+$0xC000];
	[tilespmem:s1+$0xC060] =	vst v5  }
0x17c: {  	v5 =	vmin.f32 v13, $1.023000000e+03;
	v2 =	vmax.f32 v2, $0.0e+00;
	[tilespmem:s1+$0xC040] =	vst v1;
	v1 =	vmul.f32 $9.765625000e-04, v11  }
0x17d: {  	v0 =	vcvt.s32.f32 v0;
	v5 =	vtrunc.f32 v5;
	v2 =	vmin.f32 v2, $1.023000000e+03  }
0x17e: {  	v12 =	vcvt.f32.s32 v12;
	v8 =	vmax.f32 v8, $0.0e+00;
	v5 =	vcvt.f32.s32 v5;
	v11 =	vld [tilespmem:s4+$0xC040];
	[tilespmem:s1+$0xC090] =	vst v1  }
0x17f: {  	v1 =	vtrunc.f32 v2;
	v2 =	vmul.f32 $9.765625000e-04, v6  }
0x180: {  	v3 =	vmul.f32 $9.765625000e-04, v3;
	v5 =	vcvt.s32.f32 v5;
	v6 =	vld [tilespmem:s4+$0xC090]  }
0x181: {  	v0 =	vmul.f32 $9.765625000e-04, v0;
	v1 =	vcvt.f32.s32 v1;
	[tilespmem:s1+$0xC0D0] =	vst v2  }
0x182: {  	v4 =	vmax.f32 v4, $0.0e+00;
	v13 =	vmul.f32 $9.765625000e-04, v5;
	v5 =	vcvt.s32.f32 v12;
	v15 =	vld [tilespmem:s4+$0xC0D0];
	[tilespmem:s1+$0xC030] =	vst v3  }
0x183: {  	v1 =	vcvt.s32.f32 v1;
	v3 =	vmul.f32 $1.024000000e+03, v7;
	v7 =	vmin.f32 v8, $1.023000000e+03;
	v12 =	vld [tilespmem:s4+$0xC030];
	[tilespmem:s1+$0xC070] =	vst v0  }
0x184: {  	v0 =	vcvt.f32.s32 v9;
	v8 =	vmul.f32 $9.765625000e-04, v5;
	v2 =	vld [tilespmem:s4+$0xC070]  }
0x185: {  	v7 =	vtrunc.f32 v7;
	v9 =	vmax.f32 v3, $0.0e+00;
	v3 =	vtrunc.f32 v10;
	v16 =	vld [tilespmem:s4+$0xC060]  }
0x186: {  	v5 =	vmul.f32 $1.024000000e+03, v11;
	v17 =	vcvt.f32.s32 v3;
	[tilespmem:s1+$0xC020] =	vst v8;
	s1 =	smov.u32 s4  }
.Ltmp3:
0x187: {  	v4 =	vmin.f32 v4, $1.023000000e+03;
	v10 =	vcvt.s32.f32 v0;
	v8 =	vmul.f32 $1.024000000e+03, v15;
	(pc) =	sbr.rel @p0 .LBB2_8-.Ltmp3, $4  }
0x188: {  	v11 =	vmin.f32 v14, $1.023000000e+03;
	v6 =	vmul.f32 $1.024000000e+03, v6;
	v3 =	vmul.f32 $1.024000000e+03, v12;
	[tilespmem:s1+$0xC0A0] =	vst v13  }
0x189: {  	v0 =	vmin.f32 v9, $1.023000000e+03;
	v12 =	vmul.f32 $9.765625000e-04, v10;
	v9 =	vmax.f32 v8, $0.0e+00  }
0x18a: {  	v10 =	vtrunc.f32 v11;
	v8 =	vmul.f32 $1.024000000e+03, v16;
	v9 =	vmin.f32 v9, $1.023000000e+03  }
0x18b: {  	v11 =	vmax.f32 v6, $0.0e+00;
	v6 =	vtrunc.f32 v9;
	[tilespmem:s1+$0xC0E0] =	vst v12;
	v9 =	vcvt.s32.f32 v17  }
0x18c: {  	v10 =	vcvt.f32.s32 v10  }
0x18d: {  	v11 =	vmin.f32 v11, $1.023000000e+03;
	v7 =	vcvt.f32.s32 v7;
	v1 =	vmul.f32 $9.765625000e-04, v1  }
0x18e: {  	v5 =	vmax.f32 v5, $0.0e+00;
	v4 =	vtrunc.f32 v4;
	v2 =	vmul.f32 $1.024000000e+03, v2  }
0x18f: {  	v8 =	vmax.f32 v8, $0.0e+00;
	v0 =	vtrunc.f32 v0;
	v6 =	vcvt.f32.s32 v6  }
0x190: {  	v3 =	vmax.f32 v3, $0.0e+00;
	v11 =	vtrunc.f32 v11;
	v9 =	vmul.f32 $9.765625000e-04, v9  }
0x191: {  	v5 =	vmin.f32 v5, $1.023000000e+03;
	v4 =	vcvt.f32.s32 v4;
	v0 =	vcvt.f32.s32 v0  }
0x192: {  	v8 =	vmin.f32 v8, $1.023000000e+03;
	v11 =	vcvt.f32.s32 v11;
	v5 =	vtrunc.f32 v5  }
0x193: {  	v3 =	vmin.f32 v3, $1.023000000e+03;
	v10 =	vcvt.s32.f32 v10;
	v7 =	vcvt.s32.f32 v7  }
0x194: {  	v12 =	vld [tilespmem:s1+$0xC020];
	v8 =	vtrunc.f32 v8;
	v3 =	vtrunc.f32 v3  }
0x195: {  	v4 =	vcvt.s32.f32 v4;
	v8 =	vcvt.f32.s32 v8  }
0x196: {  	v2 =	vmax.f32 v2, $0.0e+00;
	v5 =	vcvt.f32.s32 v5;
	v0 =	vcvt.s32.f32 v0  }
0x197: {  	v2 =	vmin.f32 v2, $1.023000000e+03;
	v3 =	vcvt.f32.s32 v3;
	v11 =	vcvt.s32.f32 v11  }
0x198: {  	v10 =	vmul.f32 $9.765625000e-04, v10;
	v2 =	vtrunc.f32 v2  }
0x199: {  	[tilespmem:s1+$0xC0B0] =	vst v1;
	v1 =	vmul.f32 $9.765625000e-04, v7;
	v12 =	vmul.f32 $1.024000000e+03, v12  }
0x19a: {  	[tilespmem:s1+$0xC0F0] =	vst v9;
	v4 =	vmul.f32 $9.765625000e-04, v4;
	v8 =	vcvt.s32.f32 v8  }
0x19b: {  	v5 =	vcvt.s32.f32 v5;
	v0 =	vmul.f32 $9.765625000e-04, v0;
	[tilespmem:s1+$0xC010] =	vst v10  }
0x19c: {  	v2 =	vcvt.f32.s32 v2;
	v3 =	vcvt.s32.f32 v3;
	[tilespmem:s1+$0xC0C0] =	vst v1;
	v7 =	vmax.f32 v12, $0.0e+00  }
0x19d: {  	v1 =	vcvt.s32.f32 v6;
	[tilespmem:s1+$0xC050] =	vst v4;
	v6 =	vmul.f32 $9.765625000e-04, v8;
	v7 =	vmin.f32 v7, $1.023000000e+03  }
0x19e: {  	[tilespmem:s1+$0xC000] =	vst v0;
	v0 =	vmul.f32 $9.765625000e-04, v5;
	v4 =	vtrunc.f32 v7  }
0x19f: {  	v5 =	vmul.f32 $9.765625000e-04, v11;
	[tilespmem:s1+$0xC060] =	vst v6;
	v4 =	vcvt.f32.s32 v4  }
0x1a0: {  	v1 =	vmul.f32 $9.765625000e-04, v1;
	[tilespmem:s1+$0xC040] =	vst v0;
	v0 =	vcvt.s32.f32 v2  }
0x1a1: {  	[tilespmem:s1+$0xC090] =	vst v5;
	v2 =	vmul.f32 $9.765625000e-04, v3;
	v3 =	vcvt.s32.f32 v4  }
0x1a2: {  	[tilespmem:s1+$0xC0D0] =	vst v1;
	v0 =	vmul.f32 $9.765625000e-04, v0  }
0x1a3: {  	[tilespmem:s1+$0xC030] =	vst v2;
	v1 =	vmul.f32 $9.765625000e-04, v3  }
0x1a4: {  	[tilespmem:s1+$0xC070] =	vst v0  }
0x1a5: {  	s4 =	simm.s32 $0x0;
	[tilespmem:s1+$0xC020] =	vst v1  }
0x1a6: {  	[hbm4b:s12+s4] =	stream.linear.scatter [tilespmem:s23], [sflag:$0x8], $0x4000, $0x38;
	[tilespmem:$0x10000] =	vst v63  }
0x1a7: {  	_ =	swait.ge [sflag:s30], $0x4000  }
0x1a8: {  	[sflag:s30] =	ssyncset.done $0x0  }
0x1a9: {  	[sflag:s30] =	ssyncadd.s32 $0xFFFFC000  }
0x1aa: {  	[tilespmem:s21], [sflag:$0x3] =	stream.linear.gather [hbm4b:s13+s4], $0x4000, $0x38;
	[tilespmem:$0x10000] =	vst v63  }
0x1ab: {  	_ =	swait.ge [sflag:s22], $0x4000  }
0x1ac: {  	[sflag:s22] =	ssyncset.done $0x0  }
0x1ad: {  	s1 =	simm.s32 $0x0;
	[sflag:s22] =	ssyncadd.s32 $0xFFFFC000  }
0x1ae: {  	v0 =	vld [tilespmem:s1+$0x80];
	_ =	sdelay $0x4  }
0x1af: {  	v0 =	vmul.f32 $1.024000000e+03, v0  }
0x1b0: {  	v1 =	vld [tilespmem:s1+$0xA0]  }
0x1b1: {  	v2 =	vld [tilespmem:s1+$0xE0];
	v0 =	vmax.f32 v0, $0.0e+00  }
0x1b2: {  	v3 =	vld [tilespmem:s1+$0xF0];
	v0 =	vmin.f32 v0, $1.023000000e+03  }
0x1b3: {  	v6 =	vld [tilespmem:s1+$0xC0];
	v0 =	vtrunc.f32 v0  }
0x1b4: {  	v9 =	vld [tilespmem:s1+$0x90];
	v0 =	vcvt.f32.s32 v0  }
0x1b5: {  	v4 =	vld [tilespmem:s1+$0xB0]  }
0x1b6: {  	v5 =	vld [tilespmem:s1+$0x10];
	v1 =	vmul.f32 $1.024000000e+03, v1;
	v0 =	vcvt.s32.f32 v0  }
0x1b7: {  	v2 =	vmul.f32 $1.024000000e+03, v2  }
0x1b8: {  	v3 =	vmul.f32 $1.024000000e+03, v3;
	v1 =	vmax.f32 v1, $0.0e+00;
	v0 =	vmul.f32 $9.765625000e-04, v0  }
0x1b9: {  	v6 =	vmul.f32 $1.024000000e+03, v6;
	v9 =	vmul.f32 $1.024000000e+03, v9;
	v1 =	vmin.f32 v1, $1.023000000e+03  }
0x1ba: {  	v7 =	vld [tilespmem:s1+$0x50];
	v2 =	vmax.f32 v2, $0.0e+00;
	v1 =	vtrunc.f32 v1;
	[tilespmem:s1+$0x80] =	vst v0;
	v0 =	vmul.f32 $1.024000000e+03, v4  }
0x1bb: {  	v3 =	vmax.f32 v3, $0.0e+00;
	v1 =	vcvt.f32.s32 v1;
	v4 =	vmul.f32 $1.024000000e+03, v5;
	v5 =	vld [tilespmem:s1+$0x0]  }
0x1bc: {  	v8 =	vld [tilespmem:s1+$0x40];
	v6 =	vmax.f32 v6, $0.0e+00;
	v2 =	vmin.f32 v2, $1.023000000e+03;
	v0 =	vmax.f32 v0, $0.0e+00  }
0x1bd: {  	v11 =	vld [tilespmem:s1+$0xD0];
	v2 =	vtrunc.f32 v2;
	v1 =	vcvt.s32.f32 v1;
	v0 =	vmin.f32 v0, $1.023000000e+03  }
0x1be: {  	v3 =	vmin.f32 v3, $1.023000000e+03;
	v2 =	vcvt.f32.s32 v2;
	v0 =	vtrunc.f32 v0  }
0x1bf: {  	v13 =	vld [tilespmem:s1+$0x30];
	v61 =	vmul.f32 $9.765625000e-04, v1;
	v10 =	vmax.f32 v4, $0.0e+00;
	v0 =	vcvt.f32.s32 v0  }
0x1c0: {  	v4 =	vmul.f32 $1.024000000e+03, v7;
	v10 =	vmin.f32 v10, $1.023000000e+03;
	v5 =	vmul.f32 $1.024000000e+03, v5  }
0x1c1: {  	v10 =	vtrunc.f32 v10;
	v1 =	vcvt.s32.f32 v0;
	v0 =	vmin.f32 v6, $1.023000000e+03;
	v6 =	vld [tilespmem:s1+$0x60]  }
0x1c2: {  	v14 =	vmax.f32 v5, $0.0e+00;
	v5 =	vmul.f32 $1.024000000e+03, v8;
	v8 =	vmul.f32 $1.024000000e+03, v11  }
0x1c3: {  	v4 =	vmax.f32 v4, $0.0e+00;
	v11 =	vcvt.s32.f32 v2;
	v7 =	vtrunc.f32 v0  }
0x1c4: {  	v4 =	vmin.f32 v4, $1.023000000e+03;
	v0 =	vtrunc.f32 v3;
	v3 =	vmul.f32 $1.024000000e+03, v13  }
0x1c5: {  	v15 =	vcvt.f32.s32 v0;
	v62 =	vmax.f32 v8, $0.0e+00;
	v63 =	vmul.f32 $9.765625000e-04, v11  }
0x1c6: {  	[tilespmem:s1+$0xA0] =	vst v61;
	v2 =	vld [tilespmem:s1+$0x70];
	v0 =	vmin.f32 v14, $1.023000000e+03;
	v8 =	vmul.f32 $1.024000000e+03, v6;
	v6 =	vmin.f32 v62, $1.023000000e+03  }
0x1c7: {  	s3 =	simm.s32 $0x400;
	v11 =	vmax.f32 v9, $0.0e+00;
	[tilespmem:s1+$0xE0] =	vst v63;
	v9 =	vcvt.s32.f32 v15;
	v6 =	vtrunc.f32 v6  }
.LBB2_10:
0x1c8: {  	s4 =	sshra.s32 s3, $0x2;
	p0 =	sne.s32 s3, $0xFC00;
	s3 =	sadd.s32 $0x400, s3;
	v10 =	vcvt.f32.s32 v10;
	v12 =	vld [tilespmem:s1+$0x20];
	v11 =	vmin.f32 v11, $1.023000000e+03;
	v7 =	vcvt.f32.s32 v7  }
0x1c9: {  	v3 =	vmax.f32 v3, $0.0e+00;
	v1 =	vmul.f32 $9.765625000e-04, v1;
	v13 =	vld [tilespmem:s4+$0xE0];
	v11 =	vtrunc.f32 v11  }
0x1ca: {  	v5 =	vmax.f32 v5, $0.0e+00;
	v9 =	vmul.f32 $9.765625000e-04, v9;
	v14 =	vld [tilespmem:s4+$0xA0];
	v11 =	vcvt.f32.s32 v11  }
0x1cb: {  	v4 =	vtrunc.f32 v4;
	v2 =	vmul.f32 $1.024000000e+03, v2;
	v5 =	vmin.f32 v5, $1.023000000e+03;
	v15 =	vld [tilespmem:s4+$0x80];
	[tilespmem:s1+$0xB0] =	vst v1  }
0x1cc: {  	v4 =	vcvt.f32.s32 v4;
	v1 =	vtrunc.f32 v5;
	v5 =	vmax.f32 v8, $0.0e+00;
	[tilespmem:s1+$0xF0] =	vst v9  }
0x1cd: {  	v7 =	vcvt.s32.f32 v7;
	v8 =	vcvt.s32.f32 v10;
	v5 =	vmin.f32 v5, $1.023000000e+03  }
0x1ce: {  	v2 =	vmax.f32 v2, $0.0e+00;
	v11 =	vcvt.s32.f32 v11;
	v9 =	vmul.f32 $1.024000000e+03, v13;
	v10 =	vld [tilespmem:s4+$0xF0]  }
0x1cf: {  	v6 =	vcvt.f32.s32 v6;
	v2 =	vmin.f32 v2, $1.023000000e+03;
	v12 =	vmul.f32 $1.024000000e+03, v12  }
0x1d0: {  	v0 =	vtrunc.f32 v0;
	v13 =	vmul.f32 $1.024000000e+03, v14  }
0x1d1: {  	v0 =	vcvt.f32.s32 v0;
	v5 =	vtrunc.f32 v5  }
0x1d2: {  	v8 =	vmul.f32 $9.765625000e-04, v8;
	v14 =	vmul.f32 $1.024000000e+03, v15  }
0x1d3: {  	v4 =	vcvt.s32.f32 v4;
	v10 =	vmul.f32 $1.024000000e+03, v10  }
0x1d4: {  	v2 =	vtrunc.f32 v2;
	v5 =	vcvt.f32.s32 v5;
	v14 =	vmax.f32 v14, $0.0e+00;
	[tilespmem:s1+$0x10] =	vst v8  }
0x1d5: {  	v1 =	vcvt.f32.s32 v1;
	v4 =	vmul.f32 $9.765625000e-04, v4;
	v14 =	vmin.f32 v14, $1.023000000e+03;
	v8 =	vld [tilespmem:s4+$0x10]  }
0x1d6: {  	v7 =	vmul.f32 $9.765625000e-04, v7;
	v5 =	vcvt.s32.f32 v5  }
0x1d7: {  	v3 =	vmin.f32 v3, $1.023000000e+03;
	v0 =	vcvt.s32.f32 v0;
	v14 =	vtrunc.f32 v14  }
0x1d8: {  	v3 =	vtrunc.f32 v3;
	v1 =	vcvt.s32.f32 v1;
	v12 =	vmax.f32 v12, $0.0e+00;
	v15 =	vld [tilespmem:s4+$0xB0];
	[tilespmem:s1+$0x50] =	vst v4  }
0x1d9: {  	v3 =	vcvt.f32.s32 v3;
	v12 =	vmin.f32 v12, $1.023000000e+03;
	v14 =	vcvt.f32.s32 v14;
	v4 =	vld [tilespmem:s4+$0x50];
	[tilespmem:s1+$0xC0] =	vst v7  }
0x1da: {  	v0 =	vmul.f32 $9.765625000e-04, v0;
	v9 =	vmax.f32 v9, $0.0e+00;
	v7 =	vmul.f32 $1.024000000e+03, v8;
	v8 =	vld [tilespmem:s4+$0xC0]  }
0x1db: {  	v9 =	vmin.f32 v9, $1.023000000e+03;
	v12 =	vtrunc.f32 v12;
	v14 =	vcvt.s32.f32 v14  }
0x1dc: {  	v9 =	vtrunc.f32 v9;
	v10 =	vmax.f32 v10, $0.0e+00;
	[tilespmem:s1+$0x0] =	vst v0;
	v0 =	vcvt.f32.s32 v2  }
0x1dd: {  	v6 =	vcvt.s32.f32 v6;
	v10 =	vmin.f32 v10, $1.023000000e+03;
	v2 =	vmul.f32 $9.765625000e-04, v14  }
0x1de: {  	v5 =	vmul.f32 $9.765625000e-04, v5;
	v14 =	vmax.f32 v7, $0.0e+00;
	v4 =	vmul.f32 $1.024000000e+03, v4  }
0x1df: {  	v1 =	vmul.f32 $9.765625000e-04, v1;
	[tilespmem:s4+$0x80] =	vst v2;
	v2 =	vmul.f32 $1.024000000e+03, v15  }
0x1e0: {  	v3 =	vcvt.s32.f32 v3;
	v13 =	vmax.f32 v13, $0.0e+00;
	v8 =	vmul.f32 $1.024000000e+03, v8;
	v7 =	vld [tilespmem:s4+$0x0];
	[tilespmem:s1+$0x60] =	vst v5  }
0x1e1: {  	v5 =	vmin.f32 v13, $1.023000000e+03;
	v2 =	vmax.f32 v2, $0.0e+00;
	[tilespmem:s1+$0x40] =	vst v1;
	v1 =	vmul.f32 $9.765625000e-04, v11  }
0x1e2: {  	v0 =	vcvt.s32.f32 v0;
	v5 =	vtrunc.f32 v5;
	v2 =	vmin.f32 v2, $1.023000000e+03  }
0x1e3: {  	v12 =	vcvt.f32.s32 v12;
	v8 =	vmax.f32 v8, $0.0e+00;
	v5 =	vcvt.f32.s32 v5;
	v11 =	vld [tilespmem:s4+$0x40];
	[tilespmem:s1+$0x90] =	vst v1  }
0x1e4: {  	v1 =	vtrunc.f32 v2;
	v2 =	vmul.f32 $9.765625000e-04, v6  }
0x1e5: {  	v3 =	vmul.f32 $9.765625000e-04, v3;
	v5 =	vcvt.s32.f32 v5;
	v6 =	vld [tilespmem:s4+$0x90]  }
0x1e6: {  	v0 =	vmul.f32 $9.765625000e-04, v0;
	v1 =	vcvt.f32.s32 v1;
	[tilespmem:s1+$0xD0] =	vst v2  }
0x1e7: {  	v4 =	vmax.f32 v4, $0.0e+00;
	v13 =	vmul.f32 $9.765625000e-04, v5;
	v5 =	vcvt.s32.f32 v12;
	v15 =	vld [tilespmem:s4+$0xD0];
	[tilespmem:s1+$0x30] =	vst v3  }
0x1e8: {  	v1 =	vcvt.s32.f32 v1;
	v3 =	vmul.f32 $1.024000000e+03, v7;
	v7 =	vmin.f32 v8, $1.023000000e+03;
	v12 =	vld [tilespmem:s4+$0x30];
	[tilespmem:s1+$0x70] =	vst v0  }
0x1e9: {  	v0 =	vcvt.f32.s32 v9;
	v8 =	vmul.f32 $9.765625000e-04, v5;
	v2 =	vld [tilespmem:s4+$0x70]  }
0x1ea: {  	v7 =	vtrunc.f32 v7;
	v9 =	vmax.f32 v3, $0.0e+00;
	v3 =	vtrunc.f32 v10;
	v16 =	vld [tilespmem:s4+$0x60]  }
0x1eb: {  	v5 =	vmul.f32 $1.024000000e+03, v11;
	v17 =	vcvt.f32.s32 v3;
	[tilespmem:s1+$0x20] =	vst v8;
	s1 =	smov.u32 s4  }
.Ltmp4:
0x1ec: {  	v4 =	vmin.f32 v4, $1.023000000e+03;
	v10 =	vcvt.s32.f32 v0;
	v8 =	vmul.f32 $1.024000000e+03, v15;
	(pc) =	sbr.rel @p0 .LBB2_10-.Ltmp4, $4  }
0x1ed: {  	v11 =	vmin.f32 v14, $1.023000000e+03;
	v6 =	vmul.f32 $1.024000000e+03, v6;
	v3 =	vmul.f32 $1.024000000e+03, v12;
	[tilespmem:s1+$0xA0] =	vst v13  }
0x1ee: {  	v0 =	vmin.f32 v9, $1.023000000e+03;
	v12 =	vmul.f32 $9.765625000e-04, v10;
	v9 =	vmax.f32 v8, $0.0e+00  }
0x1ef: {  	v10 =	vtrunc.f32 v11;
	v8 =	vmul.f32 $1.024000000e+03, v16;
	v9 =	vmin.f32 v9, $1.023000000e+03  }
0x1f0: {  	v11 =	vmax.f32 v6, $0.0e+00;
	v6 =	vtrunc.f32 v9;
	[tilespmem:s1+$0xE0] =	vst v12;
	v9 =	vcvt.s32.f32 v17  }
0x1f1: {  	v10 =	vcvt.f32.s32 v10  }
0x1f2: {  	v11 =	vmin.f32 v11, $1.023000000e+03;
	v7 =	vcvt.f32.s32 v7;
	v1 =	vmul.f32 $9.765625000e-04, v1  }
0x1f3: {  	v5 =	vmax.f32 v5, $0.0e+00;
	v4 =	vtrunc.f32 v4;
	v2 =	vmul.f32 $1.024000000e+03, v2  }
0x1f4: {  	v8 =	vmax.f32 v8, $0.0e+00;
	v0 =	vtrunc.f32 v0;
	v6 =	vcvt.f32.s32 v6  }
0x1f5: {  	v3 =	vmax.f32 v3, $0.0e+00;
	v11 =	vtrunc.f32 v11;
	v9 =	vmul.f32 $9.765625000e-04, v9  }
0x1f6: {  	v5 =	vmin.f32 v5, $1.023000000e+03;
	v4 =	vcvt.f32.s32 v4;
	v0 =	vcvt.f32.s32 v0  }
0x1f7: {  	v8 =	vmin.f32 v8, $1.023000000e+03;
	v11 =	vcvt.f32.s32 v11;
	v5 =	vtrunc.f32 v5  }
0x1f8: {  	v3 =	vmin.f32 v3, $1.023000000e+03;
	v10 =	vcvt.s32.f32 v10;
	v7 =	vcvt.s32.f32 v7  }
0x1f9: {  	v12 =	vld [tilespmem:s1+$0x20];
	v8 =	vtrunc.f32 v8;
	v3 =	vtrunc.f32 v3  }
0x1fa: {  	v4 =	vcvt.s32.f32 v4;
	v8 =	vcvt.f32.s32 v8  }
0x1fb: {  	v2 =	vmax.f32 v2, $0.0e+00;
	v5 =	vcvt.f32.s32 v5;
	v0 =	vcvt.s32.f32 v0  }
0x1fc: {  	v2 =	vmin.f32 v2, $1.023000000e+03;
	v3 =	vcvt.f32.s32 v3;
	v11 =	vcvt.s32.f32 v11  }
0x1fd: {  	v10 =	vmul.f32 $9.765625000e-04, v10;
	v2 =	vtrunc.f32 v2  }
0x1fe: {  	[tilespmem:s1+$0xB0] =	vst v1;
	v1 =	vmul.f32 $9.765625000e-04, v7;
	v12 =	vmul.f32 $1.024000000e+03, v12  }
0x1ff: {  	[tilespmem:s1+$0xF0] =	vst v9;
	v4 =	vmul.f32 $9.765625000e-04, v4;
	v8 =	vcvt.s32.f32 v8  }
0x200: {  	v5 =	vcvt.s32.f32 v5;
	v0 =	vmul.f32 $9.765625000e-04, v0;
	[tilespmem:s1+$0x10] =	vst v10  }
0x201: {  	v2 =	vcvt.f32.s32 v2;
	v3 =	vcvt.s32.f32 v3;
	[tilespmem:s1+$0xC0] =	vst v1;
	v7 =	vmax.f32 v12, $0.0e+00  }
0x202: {  	v1 =	vcvt.s32.f32 v6;
	[tilespmem:s1+$0x50] =	vst v4;
	v6 =	vmul.f32 $9.765625000e-04, v8;
	v7 =	vmin.f32 v7, $1.023000000e+03  }
0x203: {  	[tilespmem:s1+$0x0] =	vst v0;
	v0 =	vmul.f32 $9.765625000e-04, v5;
	v4 =	vtrunc.f32 v7  }
0x204: {  	v5 =	vmul.f32 $9.765625000e-04, v11;
	[tilespmem:s1+$0x60] =	vst v6;
	v4 =	vcvt.f32.s32 v4  }
0x205: {  	v1 =	vmul.f32 $9.765625000e-04, v1;
	[tilespmem:s1+$0x40] =	vst v0;
	v0 =	vcvt.s32.f32 v2  }
0x206: {  	[tilespmem:s1+$0x90] =	vst v5;
	v2 =	vmul.f32 $9.765625000e-04, v3;
	v3 =	vcvt.s32.f32 v4  }
0x207: {  	[tilespmem:s1+$0xD0] =	vst v1;
	v0 =	vmul.f32 $9.765625000e-04, v0  }
0x208: {  	[tilespmem:s1+$0x30] =	vst v2;
	v1 =	vmul.f32 $9.765625000e-04, v3  }
0x209: {  	[tilespmem:s1+$0x70] =	vst v0  }
0x20a: {  	s4 =	simm.s32 $0x0;
	[tilespmem:s1+$0x20] =	vst v1  }
0x20b: {  	[hbm4b:s14+s4] =	stream.linear.scatter [tilespmem:s4], [sflag:$0x5], $0x4000, $0x38;
	[tilespmem:$0x10000] =	vst v63  }
0x20c: {  	_ =	swait.ge [sflag:s31], $0x4000  }
0x20d: {  	[sflag:s31] =	ssyncset.done $0x0  }
0x20e: {  	[sflag:s31] =	ssyncadd.s32 $0xFFFFC000  }
0x20f: {  	[tilespmem:s23], [sflag:$0x4] =	stream.linear.gather [hbm4b:s15+s4], $0x4000, $0x38;
	[tilespmem:$0x10000] =	vst v63  }
0x210: {  	_ =	swait.ge [sflag:s24], $0x4000  }
0x211: {  	[sflag:s24] =	ssyncset.done $0x0  }
0x212: {  	s1 =	simm.s32 $0x0;
	[sflag:s24] =	ssyncadd.s32 $0xFFFFC000  }
0x213: {  	v0 =	vld [tilespmem:s1+$0x4080];
	_ =	sdelay $0x4  }
0x214: {  	v0 =	vmul.f32 $1.024000000e+03, v0  }
0x215: {  	v1 =	vld [tilespmem:s1+$0x40A0]  }
0x216: {  	v2 =	vld [tilespmem:s1+$0x40E0];
	v0 =	vmax.f32 v0, $0.0e+00  }
0x217: {  	v3 =	vld [tilespmem:s1+$0x40F0];
	v0 =	vmin.f32 v0, $1.023000000e+03  }
0x218: {  	v6 =	vld [tilespmem:s1+$0x40C0];
	v0 =	vtrunc.f32 v0  }
0x219: {  	v9 =	vld [tilespmem:s1+$0x4090];
	v0 =	vcvt.f32.s32 v0  }
0x21a: {  	v4 =	vld [tilespmem:s1+$0x40B0]  }
0x21b: {  	v5 =	vld [tilespmem:s1+$0x4010];
	v1 =	vmul.f32 $1.024000000e+03, v1;
	v0 =	vcvt.s32.f32 v0  }
0x21c: {  	v2 =	vmul.f32 $1.024000000e+03, v2  }
0x21d: {  	v3 =	vmul.f32 $1.024000000e+03, v3;
	v1 =	vmax.f32 v1, $0.0e+00;
	v0 =	vmul.f32 $9.765625000e-04, v0  }
0x21e: {  	v6 =	vmul.f32 $1.024000000e+03, v6;
	v9 =	vmul.f32 $1.024000000e+03, v9;
	v1 =	vmin.f32 v1, $1.023000000e+03  }
0x21f: {  	v7 =	vld [tilespmem:s1+$0x4050];
	v2 =	vmax.f32 v2, $0.0e+00;
	v1 =	vtrunc.f32 v1;
	[tilespmem:s1+$0x4080] =	vst v0;
	v0 =	vmul.f32 $1.024000000e+03, v4  }
0x220: {  	v3 =	vmax.f32 v3, $0.0e+00;
	v1 =	vcvt.f32.s32 v1;
	v4 =	vmul.f32 $1.024000000e+03, v5;
	v5 =	vld [tilespmem:s1+$0x4000]  }
0x221: {  	v8 =	vld [tilespmem:s1+$0x4040];
	v6 =	vmax.f32 v6, $0.0e+00;
	v2 =	vmin.f32 v2, $1.023000000e+03;
	v0 =	vmax.f32 v0, $0.0e+00  }
0x222: {  	v11 =	vld [tilespmem:s1+$0x40D0];
	v2 =	vtrunc.f32 v2;
	v1 =	vcvt.s32.f32 v1;
	v0 =	vmin.f32 v0, $1.023000000e+03  }
0x223: {  	v3 =	vmin.f32 v3, $1.023000000e+03;
	v2 =	vcvt.f32.s32 v2;
	v0 =	vtrunc.f32 v0  }
0x224: {  	v13 =	vld [tilespmem:s1+$0x4030];
	v61 =	vmul.f32 $9.765625000e-04, v1;
	v10 =	vmax.f32 v4, $0.0e+00;
	v0 =	vcvt.f32.s32 v0  }
0x225: {  	v4 =	vmul.f32 $1.024000000e+03, v7;
	v10 =	vmin.f32 v10, $1.023000000e+03;
	v5 =	vmul.f32 $1.024000000e+03, v5  }
0x226: {  	v10 =	vtrunc.f32 v10;
	v1 =	vcvt.s32.f32 v0;
	v0 =	vmin.f32 v6, $1.023000000e+03;
	v6 =	vld [tilespmem:s1+$0x4060]  }
0x227: {  	v14 =	vmax.f32 v5, $0.0e+00;
	v5 =	vmul.f32 $1.024000000e+03, v8;
	v8 =	vmul.f32 $1.024000000e+03, v11  }
0x228: {  	v4 =	vmax.f32 v4, $0.0e+00;
	v11 =	vcvt.s32.f32 v2;
	v7 =	vtrunc.f32 v0  }
0x229: {  	v4 =	vmin.f32 v4, $1.023000000e+03;
	v0 =	vtrunc.f32 v3;
	v3 =	vmul.f32 $1.024000000e+03, v13  }
0x22a: {  	v15 =	vcvt.f32.s32 v0;
	v62 =	vmax.f32 v8, $0.0e+00;
	v63 =	vmul.f32 $9.765625000e-04, v11  }
0x22b: {  	[tilespmem:s1+$0x40A0] =	vst v61;
	v2 =	vld [tilespmem:s1+$0x4070];
	v0 =	vmin.f32 v14, $1.023000000e+03;
	v8 =	vmul.f32 $1.024000000e+03, v6;
	v6 =	vmin.f32 v62, $1.023000000e+03  }
0x22c: {  	s3 =	simm.s32 $0x400;
	v11 =	vmax.f32 v9, $0.0e+00;
	[tilespmem:s1+$0x40E0] =	vst v63;
	v9 =	vcvt.s32.f32 v15;
	v6 =	vtrunc.f32 v6  }
.LBB2_12:
0x22d: {  	s4 =	sshra.s32 s3, $0x2;
	p0 =	sne.s32 s3, $0xFC00;
	s3 =	sadd.s32 $0x400, s3;
	v10 =	vcvt.f32.s32 v10;
	v12 =	vld [tilespmem:s1+$0x4020];
	v11 =	vmin.f32 v11, $1.023000000e+03;
	v7 =	vcvt.f32.s32 v7  }
0x22e: {  	v3 =	vmax.f32 v3, $0.0e+00;
	v1 =	vmul.f32 $9.765625000e-04, v1;
	v13 =	vld [tilespmem:s4+$0x40E0];
	v11 =	vtrunc.f32 v11  }
0x22f: {  	v5 =	vmax.f32 v5, $0.0e+00;
	v9 =	vmul.f32 $9.765625000e-04, v9;
	v14 =	vld [tilespmem:s4+$0x40A0];
	v11 =	vcvt.f32.s32 v11  }
0x230: {  	v4 =	vtrunc.f32 v4;
	v2 =	vmul.f32 $1.024000000e+03, v2;
	v5 =	vmin.f32 v5, $1.023000000e+03;
	v15 =	vld [tilespmem:s4+$0x4080];
	[tilespmem:s1+$0x40B0] =	vst v1  }
0x231: {  	v4 =	vcvt.f32.s32 v4;
	v1 =	vtrunc.f32 v5;
	v5 =	vmax.f32 v8, $0.0e+00;
	[tilespmem:s1+$0x40F0] =	vst v9  }
0x232: {  	v7 =	vcvt.s32.f32 v7;
	v8 =	vcvt.s32.f32 v10;
	v5 =	vmin.f32 v5, $1.023000000e+03  }
0x233: {  	v2 =	vmax.f32 v2, $0.0e+00;
	v11 =	vcvt.s32.f32 v11;
	v9 =	vmul.f32 $1.024000000e+03, v13;
	v10 =	vld [tilespmem:s4+$0x40F0]  }
0x234: {  	v6 =	vcvt.f32.s32 v6;
	v2 =	vmin.f32 v2, $1.023000000e+03;
	v12 =	vmul.f32 $1.024000000e+03, v12  }
0x235: {  	v0 =	vtrunc.f32 v0;
	v13 =	vmul.f32 $1.024000000e+03, v14  }
0x236: {  	v0 =	vcvt.f32.s32 v0;
	v5 =	vtrunc.f32 v5  }
0x237: {  	v8 =	vmul.f32 $9.765625000e-04, v8;
	v14 =	vmul.f32 $1.024000000e+03, v15  }
0x238: {  	v4 =	vcvt.s32.f32 v4;
	v10 =	vmul.f32 $1.024000000e+03, v10  }
0x239: {  	v2 =	vtrunc.f32 v2;
	v5 =	vcvt.f32.s32 v5;
	v14 =	vmax.f32 v14, $0.0e+00;
	[tilespmem:s1+$0x4010] =	vst v8  }
0x23a: {  	v1 =	vcvt.f32.s32 v1;
	v4 =	vmul.f32 $9.765625000e-04, v4;
	v14 =	vmin.f32 v14, $1.023000000e+03;
	v8 =	vld [tilespmem:s4+$0x4010]  }
0x23b: {  	v7 =	vmul.f32 $9.765625000e-04, v7;
	v5 =	vcvt.s32.f32 v5  }
0x23c: {  	v3 =	vmin.f32 v3, $1.023000000e+03;
	v0 =	vcvt.s32.f32 v0;
	v14 =	vtrunc.f32 v14  }
0x23d: {  	v3 =	vtrunc.f32 v3;
	v1 =	vcvt.s32.f32 v1;
	v12 =	vmax.f32 v12, $0.0e+00;
	v15 =	vld [tilespmem:s4+$0x40B0];
	[tilespmem:s1+$0x4050] =	vst v4  }
0x23e: {  	v3 =	vcvt.f32.s32 v3;
	v12 =	vmin.f32 v12, $1.023000000e+03;
	v14 =	vcvt.f32.s32 v14;
	v4 =	vld [tilespmem:s4+$0x4050];
	[tilespmem:s1+$0x40C0] =	vst v7  }
0x23f: {  	v0 =	vmul.f32 $9.765625000e-04, v0;
	v9 =	vmax.f32 v9, $0.0e+00;
	v7 =	vmul.f32 $1.024000000e+03, v8;
	v8 =	vld [tilespmem:s4+$0x40C0]  }
0x240: {  	v9 =	vmin.f32 v9, $1.023000000e+03;
	v12 =	vtrunc.f32 v12;
	v14 =	vcvt.s32.f32 v14  }
0x241: {  	v9 =	vtrunc.f32 v9;
	v10 =	vmax.f32 v10, $0.0e+00;
	[tilespmem:s1+$0x4000] =	vst v0;
	v0 =	vcvt.f32.s32 v2  }
0x242: {  	v6 =	vcvt.s32.f32 v6;
	v10 =	vmin.f32 v10, $1.023000000e+03;
	v2 =	vmul.f32 $9.765625000e-04, v14  }
0x243: {  	v5 =	vmul.f32 $9.765625000e-04, v5;
	v14 =	vmax.f32 v7, $0.0e+00;
	v4 =	vmul.f32 $1.024000000e+03, v4  }
0x244: {  	v1 =	vmul.f32 $9.765625000e-04, v1;
	[tilespmem:s4+$0x4080] =	vst v2;
	v2 =	vmul.f32 $1.024000000e+03, v15  }
0x245: {  	v3 =	vcvt.s32.f32 v3;
	v13 =	vmax.f32 v13, $0.0e+00;
	v8 =	vmul.f32 $1.024000000e+03, v8;
	v7 =	vld [tilespmem:s4+$0x4000];
	[tilespmem:s1+$0x4060] =	vst v5  }
0x246: {  	v5 =	vmin.f32 v13, $1.023000000e+03;
	v2 =	vmax.f32 v2, $0.0e+00;
	[tilespmem:s1+$0x4040] =	vst v1;
	v1 =	vmul.f32 $9.765625000e-04, v11  }
0x247: {  	v0 =	vcvt.s32.f32 v0;
	v5 =	vtrunc.f32 v5;
	v2 =	vmin.f32 v2, $1.023000000e+03  }
0x248: {  	v12 =	vcvt.f32.s32 v12;
	v8 =	vmax.f32 v8, $0.0e+00;
	v5 =	vcvt.f32.s32 v5;
	v11 =	vld [tilespmem:s4+$0x4040];
	[tilespmem:s1+$0x4090] =	vst v1  }
0x249: {  	v1 =	vtrunc.f32 v2;
	v2 =	vmul.f32 $9.765625000e-04, v6  }
0x24a: {  	v3 =	vmul.f32 $9.765625000e-04, v3;
	v5 =	vcvt.s32.f32 v5;
	v6 =	vld [tilespmem:s4+$0x4090]  }
0x24b: {  	v0 =	vmul.f32 $9.765625000e-04, v0;
	v1 =	vcvt.f32.s32 v1;
	[tilespmem:s1+$0x40D0] =	vst v2  }
0x24c: {  	v4 =	vmax.f32 v4, $0.0e+00;
	v13 =	vmul.f32 $9.765625000e-04, v5;
	v5 =	vcvt.s32.f32 v12;
	v15 =	vld [tilespmem:s4+$0x40D0];
	[tilespmem:s1+$0x4030] =	vst v3  }
0x24d: {  	v1 =	vcvt.s32.f32 v1;
	v3 =	vmul.f32 $1.024000000e+03, v7;
	v7 =	vmin.f32 v8, $1.023000000e+03;
	v12 =	vld [tilespmem:s4+$0x4030];
	[tilespmem:s1+$0x4070] =	vst v0  }
0x24e: {  	v0 =	vcvt.f32.s32 v9;
	v8 =	vmul.f32 $9.765625000e-04, v5;
	v2 =	vld [tilespmem:s4+$0x4070]  }
0x24f: {  	v7 =	vtrunc.f32 v7;
	v9 =	vmax.f32 v3, $0.0e+00;
	v3 =	vtrunc.f32 v10;
	v16 =	vld [tilespmem:s4+$0x4060]  }
0x250: {  	v5 =	vmul.f32 $1.024000000e+03, v11;
	v17 =	vcvt.f32.s32 v3;
	[tilespmem:s1+$0x4020] =	vst v8;
	s1 =	smov.u32 s4  }
.Ltmp5:
0x251: {  	v4 =	vmin.f32 v4, $1.023000000e+03;
	v10 =	vcvt.s32.f32 v0;
	v8 =	vmul.f32 $1.024000000e+03, v15;
	(pc) =	sbr.rel @p0 .LBB2_12-.Ltmp5, $4  }
0x252: {  	v11 =	vmin.f32 v14, $1.023000000e+03;
	v6 =	vmul.f32 $1.024000000e+03, v6;
	v3 =	vmul.f32 $1.024000000e+03, v12;
	[tilespmem:s1+$0x40A0] =	vst v13  }
0x253: {  	v0 =	vmin.f32 v9, $1.023000000e+03;
	v12 =	vmul.f32 $9.765625000e-04, v10;
	v9 =	vmax.f32 v8, $0.0e+00  }
0x254: {  	v10 =	vtrunc.f32 v11;
	v8 =	vmul.f32 $1.024000000e+03, v16;
	v9 =	vmin.f32 v9, $1.023000000e+03  }
0x255: {  	v11 =	vmax.f32 v6, $0.0e+00;
	v6 =	vtrunc.f32 v9;
	[tilespmem:s1+$0x40E0] =	vst v12;
	v9 =	vcvt.s32.f32 v17  }
0x256: {  	v10 =	vcvt.f32.s32 v10  }
0x257: {  	v11 =	vmin.f32 v11, $1.023000000e+03;
	v7 =	vcvt.f32.s32 v7;
	v1 =	vmul.f32 $9.765625000e-04, v1  }
0x258: {  	v5 =	vmax.f32 v5, $0.0e+00;
	v4 =	vtrunc.f32 v4;
	v2 =	vmul.f32 $1.024000000e+03, v2  }
0x259: {  	v8 =	vmax.f32 v8, $0.0e+00;
	v0 =	vtrunc.f32 v0;
	v6 =	vcvt.f32.s32 v6  }
0x25a: {  	v3 =	vmax.f32 v3, $0.0e+00;
	v11 =	vtrunc.f32 v11;
	v9 =	vmul.f32 $9.765625000e-04, v9  }
0x25b: {  	v5 =	vmin.f32 v5, $1.023000000e+03;
	v4 =	vcvt.f32.s32 v4;
	v0 =	vcvt.f32.s32 v0  }
0x25c: {  	v8 =	vmin.f32 v8, $1.023000000e+03;
	v11 =	vcvt.f32.s32 v11;
	v5 =	vtrunc.f32 v5  }
0x25d: {  	v3 =	vmin.f32 v3, $1.023000000e+03;
	v10 =	vcvt.s32.f32 v10;
	v7 =	vcvt.s32.f32 v7  }
0x25e: {  	v12 =	vld [tilespmem:s1+$0x4020];
	v8 =	vtrunc.f32 v8;
	v3 =	vtrunc.f32 v3  }
0x25f: {  	v4 =	vcvt.s32.f32 v4;
	v8 =	vcvt.f32.s32 v8  }
0x260: {  	v2 =	vmax.f32 v2, $0.0e+00;
	v5 =	vcvt.f32.s32 v5;
	v0 =	vcvt.s32.f32 v0  }
0x261: {  	v2 =	vmin.f32 v2, $1.023000000e+03;
	v3 =	vcvt.f32.s32 v3;
	v11 =	vcvt.s32.f32 v11  }
0x262: {  	v10 =	vmul.f32 $9.765625000e-04, v10;
	v2 =	vtrunc.f32 v2  }
0x263: {  	[tilespmem:s1+$0x40B0] =	vst v1;
	v1 =	vmul.f32 $9.765625000e-04, v7;
	v12 =	vmul.f32 $1.024000000e+03, v12  }
0x264: {  	[tilespmem:s1+$0x40F0] =	vst v9;
	v4 =	vmul.f32 $9.765625000e-04, v4;
	v8 =	vcvt.s32.f32 v8  }
0x265: {  	v5 =	vcvt.s32.f32 v5;
	v0 =	vmul.f32 $9.765625000e-04, v0;
	[tilespmem:s1+$0x4010] =	vst v10  }
0x266: {  	v2 =	vcvt.f32.s32 v2;
	v3 =	vcvt.s32.f32 v3;
	[tilespmem:s1+$0x40C0] =	vst v1;
	v7 =	vmax.f32 v12, $0.0e+00  }
0x267: {  	v1 =	vcvt.s32.f32 v6;
	[tilespmem:s1+$0x4050] =	vst v4;
	v6 =	vmul.f32 $9.765625000e-04, v8;
	v7 =	vmin.f32 v7, $1.023000000e+03  }
0x268: {  	[tilespmem:s1+$0x4000] =	vst v0;
	v0 =	vmul.f32 $9.765625000e-04, v5;
	v4 =	vtrunc.f32 v7  }
0x269: {  	v5 =	vmul.f32 $9.765625000e-04, v11;
	[tilespmem:s1+$0x4060] =	vst v6;
	v4 =	vcvt.f32.s32 v4  }
0x26a: {  	v1 =	vmul.f32 $9.765625000e-04, v1;
	[tilespmem:s1+$0x4040] =	vst v0;
	v0 =	vcvt.s32.f32 v2  }
0x26b: {  	[tilespmem:s1+$0x4090] =	vst v5;
	v2 =	vmul.f32 $9.765625000e-04, v3;
	v3 =	vcvt.s32.f32 v4  }
0x26c: {  	[tilespmem:s1+$0x40D0] =	vst v1;
	v0 =	vmul.f32 $9.765625000e-04, v0  }
0x26d: {  	[tilespmem:s1+$0x4030] =	vst v2;
	v1 =	vmul.f32 $9.765625000e-04, v3  }
0x26e: {  	[tilespmem:s1+$0x4070] =	vst v0  }
0x26f: {  	s4 =	simm.s32 $0x0;
	[tilespmem:s1+$0x4020] =	vst v1  }
0x270: {  	[hbm4b:s16+s4] =	stream.linear.scatter [tilespmem:s20], [sflag:$0x6], $0x4000, $0x38;
	[tilespmem:$0x10000] =	vst v63  }
0x271: {  	_ =	swait.ge [sflag:s26], $0x4000  }
0x272: {  	[sflag:s26] =	ssyncset.done $0x0  }
0x273: {  	s1 =	simm.s32 $0x0;
	[sflag:s26] =	ssyncadd.s32 $0xFFFFC000  }
0x274: {  	v0 =	vld [tilespmem:s1+$0x8080];
	_ =	sdelay $0x4  }
0x275: {  	v0 =	vmul.f32 $1.024000000e+03, v0  }
0x276: {  	v1 =	vld [tilespmem:s1+$0x80A0]  }
0x277: {  	v2 =	vld [tilespmem:s1+$0x80E0];
	v0 =	vmax.f32 v0, $0.0e+00  }
0x278: {  	v3 =	vld [tilespmem:s1+$0x80F0];
	v0 =	vmin.f32 v0, $1.023000000e+03  }
0x279: {  	v6 =	vld [tilespmem:s1+$0x80C0];
	v0 =	vtrunc.f32 v0  }
0x27a: {  	v9 =	vld [tilespmem:s1+$0x8090];
	v0 =	vcvt.f32.s32 v0  }
0x27b: {  	v4 =	vld [tilespmem:s1+$0x80B0]  }
0x27c: {  	v5 =	vld [tilespmem:s1+$0x8010];
	v1 =	vmul.f32 $1.024000000e+03, v1;
	v0 =	vcvt.s32.f32 v0  }
0x27d: {  	v2 =	vmul.f32 $1.024000000e+03, v2  }
0x27e: {  	v3 =	vmul.f32 $1.024000000e+03, v3;
	v1 =	vmax.f32 v1, $0.0e+00;
	v0 =	vmul.f32 $9.765625000e-04, v0  }
0x27f: {  	v6 =	vmul.f32 $1.024000000e+03, v6;
	v9 =	vmul.f32 $1.024000000e+03, v9;
	v1 =	vmin.f32 v1, $1.023000000e+03  }
0x280: {  	v7 =	vld [tilespmem:s1+$0x8050];
	v2 =	vmax.f32 v2, $0.0e+00;
	v1 =	vtrunc.f32 v1;
	[tilespmem:s1+$0x8080] =	vst v0;
	v0 =	vmul.f32 $1.024000000e+03, v4  }
0x281: {  	v3 =	vmax.f32 v3, $0.0e+00;
	v1 =	vcvt.f32.s32 v1;
	v4 =	vmul.f32 $1.024000000e+03, v5;
	v5 =	vld [tilespmem:s1+$0x8000]  }
0x282: {  	v8 =	vld [tilespmem:s1+$0x8040];
	v6 =	vmax.f32 v6, $0.0e+00;
	v2 =	vmin.f32 v2, $1.023000000e+03;
	v0 =	vmax.f32 v0, $0.0e+00  }
0x283: {  	v11 =	vld [tilespmem:s1+$0x80D0];
	v2 =	vtrunc.f32 v2;
	v1 =	vcvt.s32.f32 v1;
	v0 =	vmin.f32 v0, $1.023000000e+03  }
0x284: {  	v3 =	vmin.f32 v3, $1.023000000e+03;
	v2 =	vcvt.f32.s32 v2;
	v0 =	vtrunc.f32 v0  }
0x285: {  	v13 =	vld [tilespmem:s1+$0x8030];
	v61 =	vmul.f32 $9.765625000e-04, v1;
	v10 =	vmax.f32 v4, $0.0e+00;
	v0 =	vcvt.f32.s32 v0  }
0x286: {  	v4 =	vmul.f32 $1.024000000e+03, v7;
	v10 =	vmin.f32 v10, $1.023000000e+03;
	v5 =	vmul.f32 $1.024000000e+03, v5  }
0x287: {  	v10 =	vtrunc.f32 v10;
	v1 =	vcvt.s32.f32 v0;
	v0 =	vmin.f32 v6, $1.023000000e+03;
	v6 =	vld [tilespmem:s1+$0x8060]  }
0x288: {  	v14 =	vmax.f32 v5, $0.0e+00;
	v5 =	vmul.f32 $1.024000000e+03, v8;
	v8 =	vmul.f32 $1.024000000e+03, v11  }
0x289: {  	v4 =	vmax.f32 v4, $0.0e+00;
	v11 =	vcvt.s32.f32 v2;
	v7 =	vtrunc.f32 v0  }
0x28a: {  	v4 =	vmin.f32 v4, $1.023000000e+03;
	v0 =	vtrunc.f32 v3;
	v3 =	vmul.f32 $1.024000000e+03, v13  }
0x28b: {  	v15 =	vcvt.f32.s32 v0;
	v62 =	vmax.f32 v8, $0.0e+00;
	v63 =	vmul.f32 $9.765625000e-04, v11  }
0x28c: {  	[tilespmem:s1+$0x80A0] =	vst v61;
	v2 =	vld [tilespmem:s1+$0x8070];
	v0 =	vmin.f32 v14, $1.023000000e+03;
	v8 =	vmul.f32 $1.024000000e+03, v6;
	v6 =	vmin.f32 v62, $1.023000000e+03  }
0x28d: {  	s3 =	simm.s32 $0x400;
	v11 =	vmax.f32 v9, $0.0e+00;
	[tilespmem:s1+$0x80E0] =	vst v63;
	v9 =	vcvt.s32.f32 v15;
	v6 =	vtrunc.f32 v6  }
.LBB2_14:
0x28e: {  	s4 =	sshra.s32 s3, $0x2;
	p0 =	sne.s32 s3, $0xFC00;
	s3 =	sadd.s32 $0x400, s3;
	v10 =	vcvt.f32.s32 v10;
	v12 =	vld [tilespmem:s1+$0x8020];
	v11 =	vmin.f32 v11, $1.023000000e+03;
	v7 =	vcvt.f32.s32 v7  }
0x28f: {  	v3 =	vmax.f32 v3, $0.0e+00;
	v1 =	vmul.f32 $9.765625000e-04, v1;
	v13 =	vld [tilespmem:s4+$0x80E0];
	v11 =	vtrunc.f32 v11  }
0x290: {  	v5 =	vmax.f32 v5, $0.0e+00;
	v9 =	vmul.f32 $9.765625000e-04, v9;
	v14 =	vld [tilespmem:s4+$0x80A0];
	v11 =	vcvt.f32.s32 v11  }
0x291: {  	v4 =	vtrunc.f32 v4;
	v2 =	vmul.f32 $1.024000000e+03, v2;
	v5 =	vmin.f32 v5, $1.023000000e+03;
	v15 =	vld [tilespmem:s4+$0x8080];
	[tilespmem:s1+$0x80B0] =	vst v1  }
0x292: {  	v4 =	vcvt.f32.s32 v4;
	v1 =	vtrunc.f32 v5;
	v5 =	vmax.f32 v8, $0.0e+00;
	[tilespmem:s1+$0x80F0] =	vst v9  }
0x293: {  	v7 =	vcvt.s32.f32 v7;
	v8 =	vcvt.s32.f32 v10;
	v5 =	vmin.f32 v5, $1.023000000e+03  }
0x294: {  	v2 =	vmax.f32 v2, $0.0e+00;
	v11 =	vcvt.s32.f32 v11;
	v9 =	vmul.f32 $1.024000000e+03, v13;
	v10 =	vld [tilespmem:s4+$0x80F0]  }
0x295: {  	v6 =	vcvt.f32.s32 v6;
	v2 =	vmin.f32 v2, $1.023000000e+03;
	v12 =	vmul.f32 $1.024000000e+03, v12  }
0x296: {  	v0 =	vtrunc.f32 v0;
	v13 =	vmul.f32 $1.024000000e+03, v14  }
0x297: {  	v0 =	vcvt.f32.s32 v0;
	v5 =	vtrunc.f32 v5  }
0x298: {  	v8 =	vmul.f32 $9.765625000e-04, v8;
	v14 =	vmul.f32 $1.024000000e+03, v15  }
0x299: {  	v4 =	vcvt.s32.f32 v4;
	v10 =	vmul.f32 $1.024000000e+03, v10  }
0x29a: {  	v2 =	vtrunc.f32 v2;
	v5 =	vcvt.f32.s32 v5;
	v14 =	vmax.f32 v14, $0.0e+00;
	[tilespmem:s1+$0x8010] =	vst v8  }
0x29b: {  	v1 =	vcvt.f32.s32 v1;
	v4 =	vmul.f32 $9.765625000e-04, v4;
	v14 =	vmin.f32 v14, $1.023000000e+03;
	v8 =	vld [tilespmem:s4+$0x8010]  }
0x29c: {  	v7 =	vmul.f32 $9.765625000e-04, v7;
	v5 =	vcvt.s32.f32 v5  }
0x29d: {  	v3 =	vmin.f32 v3, $1.023000000e+03;
	v0 =	vcvt.s32.f32 v0;
	v14 =	vtrunc.f32 v14  }
0x29e: {  	v3 =	vtrunc.f32 v3;
	v1 =	vcvt.s32.f32 v1;
	v12 =	vmax.f32 v12, $0.0e+00;
	v15 =	vld [tilespmem:s4+$0x80B0];
	[tilespmem:s1+$0x8050] =	vst v4  }
0x29f: {  	v3 =	vcvt.f32.s32 v3;
	v12 =	vmin.f32 v12, $1.023000000e+03;
	v14 =	vcvt.f32.s32 v14;
	v4 =	vld [tilespmem:s4+$0x8050];
	[tilespmem:s1+$0x80C0] =	vst v7  }
0x2a0: {  	v0 =	vmul.f32 $9.765625000e-04, v0;
	v9 =	vmax.f32 v9, $0.0e+00;
	v7 =	vmul.f32 $1.024000000e+03, v8;
	v8 =	vld [tilespmem:s4+$0x80C0]  }
0x2a1: {  	v9 =	vmin.f32 v9, $1.023000000e+03;
	v12 =	vtrunc.f32 v12;
	v14 =	vcvt.s32.f32 v14  }
0x2a2: {  	v9 =	vtrunc.f32 v9;
	v10 =	vmax.f32 v10, $0.0e+00;
	[tilespmem:s1+$0x8000] =	vst v0;
	v0 =	vcvt.f32.s32 v2  }
0x2a3: {  	v6 =	vcvt.s32.f32 v6;
	v10 =	vmin.f32 v10, $1.023000000e+03;
	v2 =	vmul.f32 $9.765625000e-04, v14  }
0x2a4: {  	v5 =	vmul.f32 $9.765625000e-04, v5;
	v14 =	vmax.f32 v7, $0.0e+00;
	v4 =	vmul.f32 $1.024000000e+03, v4  }
0x2a5: {  	v1 =	vmul.f32 $9.765625000e-04, v1;
	[tilespmem:s4+$0x8080] =	vst v2;
	v2 =	vmul.f32 $1.024000000e+03, v15  }
0x2a6: {  	v3 =	vcvt.s32.f32 v3;
	v13 =	vmax.f32 v13, $0.0e+00;
	v8 =	vmul.f32 $1.024000000e+03, v8;
	v7 =	vld [tilespmem:s4+$0x8000];
	[tilespmem:s1+$0x8060] =	vst v5  }
0x2a7: {  	v5 =	vmin.f32 v13, $1.023000000e+03;
	v2 =	vmax.f32 v2, $0.0e+00;
	[tilespmem:s1+$0x8040] =	vst v1;
	v1 =	vmul.f32 $9.765625000e-04, v11  }
0x2a8: {  	v0 =	vcvt.s32.f32 v0;
	v5 =	vtrunc.f32 v5;
	v2 =	vmin.f32 v2, $1.023000000e+03  }
0x2a9: {  	v12 =	vcvt.f32.s32 v12;
	v8 =	vmax.f32 v8, $0.0e+00;
	v5 =	vcvt.f32.s32 v5;
	v11 =	vld [tilespmem:s4+$0x8040];
	[tilespmem:s1+$0x8090] =	vst v1  }
0x2aa: {  	v1 =	vtrunc.f32 v2;
	v2 =	vmul.f32 $9.765625000e-04, v6  }
0x2ab: {  	v3 =	vmul.f32 $9.765625000e-04, v3;
	v5 =	vcvt.s32.f32 v5;
	v6 =	vld [tilespmem:s4+$0x8090]  }
0x2ac: {  	v0 =	vmul.f32 $9.765625000e-04, v0;
	v1 =	vcvt.f32.s32 v1;
	[tilespmem:s1+$0x80D0] =	vst v2  }
0x2ad: {  	v4 =	vmax.f32 v4, $0.0e+00;
	v13 =	vmul.f32 $9.765625000e-04, v5;
	v5 =	vcvt.s32.f32 v12;
	v15 =	vld [tilespmem:s4+$0x80D0];
	[tilespmem:s1+$0x8030] =	vst v3  }
0x2ae: {  	v1 =	vcvt.s32.f32 v1;
	v3 =	vmul.f32 $1.024000000e+03, v7;
	v7 =	vmin.f32 v8, $1.023000000e+03;
	v12 =	vld [tilespmem:s4+$0x8030];
	[tilespmem:s1+$0x8070] =	vst v0  }
0x2af: {  	v0 =	vcvt.f32.s32 v9;
	v8 =	vmul.f32 $9.765625000e-04, v5;
	v2 =	vld [tilespmem:s4+$0x8070]  }
0x2b0: {  	v7 =	vtrunc.f32 v7;
	v9 =	vmax.f32 v3, $0.0e+00;
	v3 =	vtrunc.f32 v10;
	v16 =	vld [tilespmem:s4+$0x8060]  }
0x2b1: {  	v5 =	vmul.f32 $1.024000000e+03, v11;
	v17 =	vcvt.f32.s32 v3;
	[tilespmem:s1+$0x8020] =	vst v8;
	s1 =	smov.u32 s4  }
.Ltmp6:
0x2b2: {  	v4 =	vmin.f32 v4, $1.023000000e+03;
	v10 =	vcvt.s32.f32 v0;
	v8 =	vmul.f32 $1.024000000e+03, v15;
	(pc) =	sbr.rel @p0 .LBB2_14-.Ltmp6, $4  }
0x2b3: {  	v11 =	vmin.f32 v14, $1.023000000e+03;
	v6 =	vmul.f32 $1.024000000e+03, v6;
	v3 =	vmul.f32 $1.024000000e+03, v12;
	[tilespmem:s1+$0x80A0] =	vst v13  }
0x2b4: {  	v0 =	vmin.f32 v9, $1.023000000e+03;
	v12 =	vmul.f32 $9.765625000e-04, v10;
	v9 =	vmax.f32 v8, $0.0e+00  }
0x2b5: {  	v10 =	vtrunc.f32 v11;
	v8 =	vmul.f32 $1.024000000e+03, v16;
	v9 =	vmin.f32 v9, $1.023000000e+03  }
0x2b6: {  	v11 =	vmax.f32 v6, $0.0e+00;
	v6 =	vtrunc.f32 v9;
	[tilespmem:s1+$0x80E0] =	vst v12;
	v9 =	vcvt.s32.f32 v17  }
0x2b7: {  	v10 =	vcvt.f32.s32 v10  }
0x2b8: {  	v11 =	vmin.f32 v11, $1.023000000e+03;
	v7 =	vcvt.f32.s32 v7;
	v1 =	vmul.f32 $9.765625000e-04, v1  }
0x2b9: {  	v5 =	vmax.f32 v5, $0.0e+00;
	v4 =	vtrunc.f32 v4;
	v2 =	vmul.f32 $1.024000000e+03, v2  }
0x2ba: {  	v8 =	vmax.f32 v8, $0.0e+00;
	v0 =	vtrunc.f32 v0;
	v6 =	vcvt.f32.s32 v6  }
0x2bb: {  	v3 =	vmax.f32 v3, $0.0e+00;
	v11 =	vtrunc.f32 v11;
	v9 =	vmul.f32 $9.765625000e-04, v9  }
0x2bc: {  	v5 =	vmin.f32 v5, $1.023000000e+03;
	v4 =	vcvt.f32.s32 v4;
	v0 =	vcvt.f32.s32 v0  }
0x2bd: {  	v8 =	vmin.f32 v8, $1.023000000e+03;
	v11 =	vcvt.f32.s32 v11;
	v5 =	vtrunc.f32 v5  }
0x2be: {  	v3 =	vmin.f32 v3, $1.023000000e+03;
	v10 =	vcvt.s32.f32 v10;
	v7 =	vcvt.s32.f32 v7  }
0x2bf: {  	v12 =	vld [tilespmem:s1+$0x8020];
	v8 =	vtrunc.f32 v8;
	v3 =	vtrunc.f32 v3  }
0x2c0: {  	v4 =	vcvt.s32.f32 v4;
	v8 =	vcvt.f32.s32 v8  }
0x2c1: {  	v2 =	vmax.f32 v2, $0.0e+00;
	v5 =	vcvt.f32.s32 v5;
	v0 =	vcvt.s32.f32 v0  }
0x2c2: {  	v2 =	vmin.f32 v2, $1.023000000e+03;
	v3 =	vcvt.f32.s32 v3;
	v11 =	vcvt.s32.f32 v11  }
0x2c3: {  	v10 =	vmul.f32 $9.765625000e-04, v10;
	v2 =	vtrunc.f32 v2  }
0x2c4: {  	[tilespmem:s1+$0x80B0] =	vst v1;
	v1 =	vmul.f32 $9.765625000e-04, v7;
	v12 =	vmul.f32 $1.024000000e+03, v12  }
0x2c5: {  	[tilespmem:s1+$0x80F0] =	vst v9;
	v4 =	vmul.f32 $9.765625000e-04, v4;
	v8 =	vcvt.s32.f32 v8  }
0x2c6: {  	v5 =	vcvt.s32.f32 v5;
	v0 =	vmul.f32 $9.765625000e-04, v0;
	[tilespmem:s1+$0x8010] =	vst v10  }
0x2c7: {  	v2 =	vcvt.f32.s32 v2;
	v3 =	vcvt.s32.f32 v3;
	[tilespmem:s1+$0x80C0] =	vst v1;
	v7 =	vmax.f32 v12, $0.0e+00  }
0x2c8: {  	v1 =	vcvt.s32.f32 v6;
	[tilespmem:s1+$0x8050] =	vst v4;
	v6 =	vmul.f32 $9.765625000e-04, v8;
	v7 =	vmin.f32 v7, $1.023000000e+03  }
0x2c9: {  	[tilespmem:s1+$0x8000] =	vst v0;
	v0 =	vmul.f32 $9.765625000e-04, v5;
	v4 =	vtrunc.f32 v7  }
0x2ca: {  	v5 =	vmul.f32 $9.765625000e-04, v11;
	[tilespmem:s1+$0x8060] =	vst v6;
	v4 =	vcvt.f32.s32 v4  }
0x2cb: {  	v1 =	vmul.f32 $9.765625000e-04, v1;
	[tilespmem:s1+$0x8040] =	vst v0;
	v0 =	vcvt.s32.f32 v2  }
0x2cc: {  	[tilespmem:s1+$0x8090] =	vst v5;
	v2 =	vmul.f32 $9.765625000e-04, v3;
	v3 =	vcvt.s32.f32 v4  }
0x2cd: {  	[tilespmem:s1+$0x80D0] =	vst v1;
	v0 =	vmul.f32 $9.765625000e-04, v0  }
0x2ce: {  	[tilespmem:s1+$0x8030] =	vst v2;
	v1 =	vmul.f32 $9.765625000e-04, v3  }
0x2cf: {  	[tilespmem:s1+$0x8070] =	vst v0  }
0x2d0: {  	s4 =	simm.s32 $0x0;
	[tilespmem:s1+$0x8020] =	vst v1  }
0x2d1: {  	[hbm4b:s17+s4] =	stream.linear.scatter [tilespmem:s21], [sflag:$0x7], $0x4000, $0x38;
	[tilespmem:$0x10000] =	vst v63  }
0x2d2: {  	_ =	swait.ge [sflag:s29], $0x4000  }
0x2d3: {  	[sflag:s29] =	ssyncset.done $0x0  }
0x2d4: {  	s1 =	simm.s32 $0x0;
	[sflag:s29] =	ssyncadd.s32 $0xFFFFC000  }
0x2d5: {  	v0 =	vld [tilespmem:s1+$0xC080];
	_ =	sdelay $0x4  }
0x2d6: {  	v0 =	vmul.f32 $1.024000000e+03, v0  }
0x2d7: {  	v1 =	vld [tilespmem:s1+$0xC0A0]  }
0x2d8: {  	v2 =	vld [tilespmem:s1+$0xC0E0];
	v0 =	vmax.f32 v0, $0.0e+00  }
0x2d9: {  	v3 =	vld [tilespmem:s1+$0xC0F0];
	v0 =	vmin.f32 v0, $1.023000000e+03  }
0x2da: {  	v6 =	vld [tilespmem:s1+$0xC0C0];
	v0 =	vtrunc.f32 v0  }
0x2db: {  	v9 =	vld [tilespmem:s1+$0xC090];
	v0 =	vcvt.f32.s32 v0  }
0x2dc: {  	v4 =	vld [tilespmem:s1+$0xC0B0]  }
0x2dd: {  	v5 =	vld [tilespmem:s1+$0xC010];
	v1 =	vmul.f32 $1.024000000e+03, v1;
	v0 =	vcvt.s32.f32 v0  }
0x2de: {  	v2 =	vmul.f32 $1.024000000e+03, v2  }
0x2df: {  	v3 =	vmul.f32 $1.024000000e+03, v3;
	v1 =	vmax.f32 v1, $0.0e+00;
	v0 =	vmul.f32 $9.765625000e-04, v0  }
0x2e0: {  	v6 =	vmul.f32 $1.024000000e+03, v6;
	v9 =	vmul.f32 $1.024000000e+03, v9;
	v1 =	vmin.f32 v1, $1.023000000e+03  }
0x2e1: {  	v7 =	vld [tilespmem:s1+$0xC050];
	v2 =	vmax.f32 v2, $0.0e+00;
	v1 =	vtrunc.f32 v1;
	[tilespmem:s1+$0xC080] =	vst v0;
	v0 =	vmul.f32 $1.024000000e+03, v4  }
0x2e2: {  	v3 =	vmax.f32 v3, $0.0e+00;
	v1 =	vcvt.f32.s32 v1;
	v4 =	vmul.f32 $1.024000000e+03, v5;
	v5 =	vld [tilespmem:s1+$0xC000]  }
0x2e3: {  	v8 =	vld [tilespmem:s1+$0xC040];
	v6 =	vmax.f32 v6, $0.0e+00;
	v2 =	vmin.f32 v2, $1.023000000e+03;
	v0 =	vmax.f32 v0, $0.0e+00  }
0x2e4: {  	v11 =	vld [tilespmem:s1+$0xC0D0];
	v2 =	vtrunc.f32 v2;
	v1 =	vcvt.s32.f32 v1;
	v0 =	vmin.f32 v0, $1.023000000e+03  }
0x2e5: {  	v3 =	vmin.f32 v3, $1.023000000e+03;
	v2 =	vcvt.f32.s32 v2;
	v0 =	vtrunc.f32 v0  }
0x2e6: {  	v13 =	vld [tilespmem:s1+$0xC030];
	v61 =	vmul.f32 $9.765625000e-04, v1;
	v10 =	vmax.f32 v4, $0.0e+00;
	v0 =	vcvt.f32.s32 v0  }
0x2e7: {  	v4 =	vmul.f32 $1.024000000e+03, v7;
	v10 =	vmin.f32 v10, $1.023000000e+03;
	v5 =	vmul.f32 $1.024000000e+03, v5  }
0x2e8: {  	v10 =	vtrunc.f32 v10;
	v1 =	vcvt.s32.f32 v0;
	v0 =	vmin.f32 v6, $1.023000000e+03;
	v6 =	vld [tilespmem:s1+$0xC060]  }
0x2e9: {  	v14 =	vmax.f32 v5, $0.0e+00;
	v5 =	vmul.f32 $1.024000000e+03, v8;
	v8 =	vmul.f32 $1.024000000e+03, v11  }
0x2ea: {  	v4 =	vmax.f32 v4, $0.0e+00;
	v11 =	vcvt.s32.f32 v2;
	v7 =	vtrunc.f32 v0  }
0x2eb: {  	v4 =	vmin.f32 v4, $1.023000000e+03;
	v0 =	vtrunc.f32 v3;
	v3 =	vmul.f32 $1.024000000e+03, v13  }
0x2ec: {  	v15 =	vcvt.f32.s32 v0;
	v62 =	vmax.f32 v8, $0.0e+00;
	v63 =	vmul.f32 $9.765625000e-04, v11  }
0x2ed: {  	[tilespmem:s1+$0xC0A0] =	vst v61;
	v2 =	vld [tilespmem:s1+$0xC070];
	v0 =	vmin.f32 v14, $1.023000000e+03;
	v8 =	vmul.f32 $1.024000000e+03, v6;
	v6 =	vmin.f32 v62, $1.023000000e+03  }
0x2ee: {  	s3 =	simm.s32 $0x400;
	v11 =	vmax.f32 v9, $0.0e+00;
	[tilespmem:s1+$0xC0E0] =	vst v63;
	v9 =	vcvt.s32.f32 v15;
	v6 =	vtrunc.f32 v6  }
.LBB2_16:
0x2ef: {  	s4 =	sshra.s32 s3, $0x2;
	p0 =	sne.s32 s3, $0xFC00;
	s3 =	sadd.s32 $0x400, s3;
	v10 =	vcvt.f32.s32 v10;
	v12 =	vld [tilespmem:s1+$0xC020];
	v11 =	vmin.f32 v11, $1.023000000e+03;
	v7 =	vcvt.f32.s32 v7  }
0x2f0: {  	v3 =	vmax.f32 v3, $0.0e+00;
	v1 =	vmul.f32 $9.765625000e-04, v1;
	v13 =	vld [tilespmem:s4+$0xC0E0];
	v11 =	vtrunc.f32 v11  }
0x2f1: {  	v5 =	vmax.f32 v5, $0.0e+00;
	v9 =	vmul.f32 $9.765625000e-04, v9;
	v14 =	vld [tilespmem:s4+$0xC0A0];
	v11 =	vcvt.f32.s32 v11  }
0x2f2: {  	v4 =	vtrunc.f32 v4;
	v2 =	vmul.f32 $1.024000000e+03, v2;
	v5 =	vmin.f32 v5, $1.023000000e+03;
	v15 =	vld [tilespmem:s4+$0xC080];
	[tilespmem:s1+$0xC0B0] =	vst v1  }
0x2f3: {  	v4 =	vcvt.f32.s32 v4;
	v1 =	vtrunc.f32 v5;
	v5 =	vmax.f32 v8, $0.0e+00;
	[tilespmem:s1+$0xC0F0] =	vst v9  }
0x2f4: {  	v7 =	vcvt.s32.f32 v7;
	v8 =	vcvt.s32.f32 v10;
	v5 =	vmin.f32 v5, $1.023000000e+03  }
0x2f5: {  	v2 =	vmax.f32 v2, $0.0e+00;
	v11 =	vcvt.s32.f32 v11;
	v9 =	vmul.f32 $1.024000000e+03, v13;
	v10 =	vld [tilespmem:s4+$0xC0F0]  }
0x2f6: {  	v6 =	vcvt.f32.s32 v6;
	v2 =	vmin.f32 v2, $1.023000000e+03;
	v12 =	vmul.f32 $1.024000000e+03, v12  }
0x2f7: {  	v0 =	vtrunc.f32 v0;
	v13 =	vmul.f32 $1.024000000e+03, v14  }
0x2f8: {  	v0 =	vcvt.f32.s32 v0;
	v5 =	vtrunc.f32 v5  }
0x2f9: {  	v8 =	vmul.f32 $9.765625000e-04, v8;
	v14 =	vmul.f32 $1.024000000e+03, v15  }
0x2fa: {  	v4 =	vcvt.s32.f32 v4;
	v10 =	vmul.f32 $1.024000000e+03, v10  }
0x2fb: {  	v2 =	vtrunc.f32 v2;
	v5 =	vcvt.f32.s32 v5;
	v14 =	vmax.f32 v14, $0.0e+00;
	[tilespmem:s1+$0xC010] =	vst v8  }
0x2fc: {  	v1 =	vcvt.f32.s32 v1;
	v4 =	vmul.f32 $9.765625000e-04, v4;
	v14 =	vmin.f32 v14, $1.023000000e+03;
	v8 =	vld [tilespmem:s4+$0xC010]  }
0x2fd: {  	v7 =	vmul.f32 $9.765625000e-04, v7;
	v5 =	vcvt.s32.f32 v5  }
0x2fe: {  	v3 =	vmin.f32 v3, $1.023000000e+03;
	v0 =	vcvt.s32.f32 v0;
	v14 =	vtrunc.f32 v14  }
0x2ff: {  	v3 =	vtrunc.f32 v3;
	v1 =	vcvt.s32.f32 v1;
	v12 =	vmax.f32 v12, $0.0e+00;
	v15 =	vld [tilespmem:s4+$0xC0B0];
	[tilespmem:s1+$0xC050] =	vst v4  }
0x300: {  	v3 =	vcvt.f32.s32 v3;
	v12 =	vmin.f32 v12, $1.023000000e+03;
	v14 =	vcvt.f32.s32 v14;
	v4 =	vld [tilespmem:s4+$0xC050];
	[tilespmem:s1+$0xC0C0] =	vst v7  }
0x301: {  	v0 =	vmul.f32 $9.765625000e-04, v0;
	v9 =	vmax.f32 v9, $0.0e+00;
	v7 =	vmul.f32 $1.024000000e+03, v8;
	v8 =	vld [tilespmem:s4+$0xC0C0]  }
0x302: {  	v9 =	vmin.f32 v9, $1.023000000e+03;
	v12 =	vtrunc.f32 v12;
	v14 =	vcvt.s32.f32 v14  }
0x303: {  	v9 =	vtrunc.f32 v9;
	v10 =	vmax.f32 v10, $0.0e+00;
	[tilespmem:s1+$0xC000] =	vst v0;
	v0 =	vcvt.f32.s32 v2  }
0x304: {  	v6 =	vcvt.s32.f32 v6;
	v10 =	vmin.f32 v10, $1.023000000e+03;
	v2 =	vmul.f32 $9.765625000e-04, v14  }
0x305: {  	v5 =	vmul.f32 $9.765625000e-04, v5;
	v14 =	vmax.f32 v7, $0.0e+00;
	v4 =	vmul.f32 $1.024000000e+03, v4  }
0x306: {  	v1 =	vmul.f32 $9.765625000e-04, v1;
	[tilespmem:s4+$0xC080] =	vst v2;
	v2 =	vmul.f32 $1.024000000e+03, v15  }
0x307: {  	v3 =	vcvt.s32.f32 v3;
	v13 =	vmax.f32 v13, $0.0e+00;
	v8 =	vmul.f32 $1.024000000e+03, v8;
	v7 =	vld [tilespmem:s4+$0xC000];
	[tilespmem:s1+$0xC060] =	vst v5  }
0x308: {  	v5 =	vmin.f32 v13, $1.023000000e+03;
	v2 =	vmax.f32 v2, $0.0e+00;
	[tilespmem:s1+$0xC040] =	vst v1;
	v1 =	vmul.f32 $9.765625000e-04, v11  }
0x309: {  	v0 =	vcvt.s32.f32 v0;
	v5 =	vtrunc.f32 v5;
	v2 =	vmin.f32 v2, $1.023000000e+03  }
0x30a: {  	v12 =	vcvt.f32.s32 v12;
	v8 =	vmax.f32 v8, $0.0e+00;
	v5 =	vcvt.f32.s32 v5;
	v11 =	vld [tilespmem:s4+$0xC040];
	[tilespmem:s1+$0xC090] =	vst v1  }
0x30b: {  	v1 =	vtrunc.f32 v2;
	v2 =	vmul.f32 $9.765625000e-04, v6  }
0x30c: {  	v3 =	vmul.f32 $9.765625000e-04, v3;
	v5 =	vcvt.s32.f32 v5;
	v6 =	vld [tilespmem:s4+$0xC090]  }
0x30d: {  	v0 =	vmul.f32 $9.765625000e-04, v0;
	v1 =	vcvt.f32.s32 v1;
	[tilespmem:s1+$0xC0D0] =	vst v2  }
0x30e: {  	v4 =	vmax.f32 v4, $0.0e+00;
	v13 =	vmul.f32 $9.765625000e-04, v5;
	v5 =	vcvt.s32.f32 v12;
	v15 =	vld [tilespmem:s4+$0xC0D0];
	[tilespmem:s1+$0xC030] =	vst v3  }
0x30f: {  	v1 =	vcvt.s32.f32 v1;
	v3 =	vmul.f32 $1.024000000e+03, v7;
	v7 =	vmin.f32 v8, $1.023000000e+03;
	v12 =	vld [tilespmem:s4+$0xC030];
	[tilespmem:s1+$0xC070] =	vst v0  }
0x310: {  	v0 =	vcvt.f32.s32 v9;
	v8 =	vmul.f32 $9.765625000e-04, v5;
	v2 =	vld [tilespmem:s4+$0xC070]  }
0x311: {  	v7 =	vtrunc.f32 v7;
	v9 =	vmax.f32 v3, $0.0e+00;
	v3 =	vtrunc.f32 v10;
	v16 =	vld [tilespmem:s4+$0xC060]  }
0x312: {  	v5 =	vmul.f32 $1.024000000e+03, v11;
	v17 =	vcvt.f32.s32 v3;
	[tilespmem:s1+$0xC020] =	vst v8;
	s1 =	smov.u32 s4  }
.Ltmp7:
0x313: {  	v4 =	vmin.f32 v4, $1.023000000e+03;
	v10 =	vcvt.s32.f32 v0;
	v8 =	vmul.f32 $1.024000000e+03, v15;
	(pc) =	sbr.rel @p0 .LBB2_16-.Ltmp7, $4  }
0x314: {  	v11 =	vmin.f32 v14, $1.023000000e+03;
	v6 =	vmul.f32 $1.024000000e+03, v6;
	v3 =	vmul.f32 $1.024000000e+03, v12;
	[tilespmem:s1+$0xC0A0] =	vst v13  }
0x315: {  	v0 =	vmin.f32 v9, $1.023000000e+03;
	v12 =	vmul.f32 $9.765625000e-04, v10;
	v9 =	vmax.f32 v8, $0.0e+00  }
0x316: {  	v10 =	vtrunc.f32 v11;
	v8 =	vmul.f32 $1.024000000e+03, v16;
	v9 =	vmin.f32 v9, $1.023000000e+03  }
0x317: {  	v11 =	vmax.f32 v6, $0.0e+00;
	v6 =	vtrunc.f32 v9;
	[tilespmem:s1+$0xC0E0] =	vst v12;
	v9 =	vcvt.s32.f32 v17  }
0x318: {  	v10 =	vcvt.f32.s32 v10  }
0x319: {  	v11 =	vmin.f32 v11, $1.023000000e+03;
	v7 =	vcvt.f32.s32 v7;
	v1 =	vmul.f32 $9.765625000e-04, v1  }
0x31a: {  	v5 =	vmax.f32 v5, $0.0e+00;
	v4 =	vtrunc.f32 v4;
	v2 =	vmul.f32 $1.024000000e+03, v2  }
0x31b: {  	v8 =	vmax.f32 v8, $0.0e+00;
	v0 =	vtrunc.f32 v0;
	v6 =	vcvt.f32.s32 v6  }
0x31c: {  	v3 =	vmax.f32 v3, $0.0e+00;
	v11 =	vtrunc.f32 v11;
	v9 =	vmul.f32 $9.765625000e-04, v9  }
0x31d: {  	v5 =	vmin.f32 v5, $1.023000000e+03;
	v4 =	vcvt.f32.s32 v4;
	v0 =	vcvt.f32.s32 v0  }
0x31e: {  	v8 =	vmin.f32 v8, $1.023000000e+03;
	v11 =	vcvt.f32.s32 v11;
	v5 =	vtrunc.f32 v5  }
0x31f: {  	v3 =	vmin.f32 v3, $1.023000000e+03;
	v10 =	vcvt.s32.f32 v10;
	v7 =	vcvt.s32.f32 v7  }
0x320: {  	v8 =	vtrunc.f32 v8;
	v3 =	vtrunc.f32 v3  }
0x321: {  	v12 =	vld [tilespmem:s1+$0xC020];
	v56 =	vcvt.s32.f32 v6;
	v4 =	vcvt.s32.f32 v4  }
0x322: {  	v8 =	vcvt.f32.s32 v8;
	v5 =	vcvt.f32.s32 v5  }
0x323: {  	v2 =	vmax.f32 v2, $0.0e+00;
	v0 =	vcvt.s32.f32 v0;
	v3 =	vcvt.f32.s32 v3  }
0x324: {  	v2 =	vmin.f32 v2, $1.023000000e+03;
	v11 =	vcvt.s32.f32 v11;
	v10 =	vmul.f32 $9.765625000e-04, v10  }
0x325: {  	[tilespmem:s1+$0xC0B0] =	vst v1;
	v2 =	vtrunc.f32 v2;
	v53 =	vmul.f32 $9.765625000e-04, v7  }
0x326: {  	[tilespmem:s1+$0xC0F0] =	vst v9;
	v1 =	vmul.f32 $9.765625000e-04, v56;
	v12 =	vmul.f32 $1.024000000e+03, v12  }
0x327: {  	v4 =	vmul.f32 $9.765625000e-04, v4;
	v8 =	vcvt.s32.f32 v8;
	[tilespmem:s1+$0xC010] =	vst v10  }
0x328: {  	v5 =	vcvt.s32.f32 v5;
	v0 =	vmul.f32 $9.765625000e-04, v0;
	[tilespmem:s1+$0xC0C0] =	vst v53;
	v54 =	vmax.f32 v12, $0.0e+00  }
0x329: {  	v2 =	vcvt.f32.s32 v2;
	v3 =	vcvt.s32.f32 v3;
	[tilespmem:s1+$0xC0D0] =	vst v1;
	v7 =	vmin.f32 v54, $1.023000000e+03  }
0x32a: {  	v59 =	vmul.f32 $9.765625000e-04, v11;
	[tilespmem:s1+$0xC050] =	vst v4;
	v55 =	vtrunc.f32 v7  }
0x32b: {  	v57 =	vmul.f32 $9.765625000e-04, v8;
	[tilespmem:s1+$0xC000] =	vst v0;
	v4 =	vcvt.f32.s32 v55  }
0x32c: {  	v58 =	vmul.f32 $9.765625000e-04, v5;
	v60 =	vcvt.s32.f32 v2;
	[tilespmem:s1+$0xC090] =	vst v59  }
0x32d: {  	v61 =	vmul.f32 $9.765625000e-04, v3;
	[tilespmem:s1+$0xC060] =	vst v57;
	v62 =	vcvt.s32.f32 v4  }
0x32e: {  	[tilespmem:s1+$0xC040] =	vst v58;
	v0 =	vmul.f32 $9.765625000e-04, v60  }
0x32f: {  	[tilespmem:s1+$0xC030] =	vst v61;
	v63 =	vmul.f32 $9.765625000e-04, v62  }
0x330: {  	[tilespmem:s1+$0xC070] =	vst v0  }
0x331: {  	[tilespmem:s1+$0xC020] =	vst v63  }
0x332: {  	[hbm4b:s18+s2] =	stream.linear.scatter [tilespmem:s23], [sflag:$0x8], $0x4000, $0x38;
	[tilespmem:$0x10000] =	vst v63  }
0x333: {  	_ =	swait.ge [sflag:s25], $0x4000  }
0x334: {  	[sflag:s25] =	ssyncset.done $0x0  }
0x335: {  	[sflag:s25] =	ssyncadd.s32 $0xFFFFC000  }
0x336: {  	_ =	swait.ge [sflag:s28], $0x4000  }
0x337: {  	[sflag:s28] =	ssyncset.done $0x0  }
0x338: {  	s0 =	sadd.s32 $0x1, s0;
	[sflag:s28] =	ssyncadd.s32 $0xFFFFC000  }
0x339: {  	p0 =	sne.s32 s0, s19;
	_ =	swait.ge [sflag:s30], $0x4000  }
.Ltmp8:
0x33a: {  	[sflag:s30] =	ssyncset.done $0x0;
	(pc) =	sbr.rel @p0 .LBB2_1-.Ltmp8, $4  }
0x33b: {  	[sflag:s30] =	ssyncadd.s32 $0xFFFFC000  }
0x33c: {  	_ =	swait.ge [sflag:s31], $0x4000  }
0x33d: {  	[sflag:s31] =	ssyncset.done $0x0  }
0x33e: {  	[sflag:s31] =	ssyncadd.s32 $0xFFFFC000  }
0x33f: {  	_ =	sfence.sel $0x180000  }
0x340: {  	[bflag:$0x0] =	sbarrier.arrive $0xFFFF  }
0x341: {  	_ =	strace $0x90000047  }
0x342: {  	s0 =	stileid.u32;
	[bflag:$0x2] =	sbarrier.arrive $0xFFFF  }
0x343: {  	p0 =	sne.s32 s0, $0x0;
	s0 =	rddreg [dreg:$0x2]  }
0x344: {  	s0 =	sadd.s32 @!p0 $0x100000, s0  }
0x345: {  	[sflag:s0] =	ssyncadd.tile.s32 @!p0 $0x1;
	_ =	shalt  }
.Lfunc_end2:
_tile_overlayer_lowered:
.L_overlay_start_2:
0x346: {  	(tag) =	ssettag $0x2  }
0x347: {  	s0 =	rddreg [dreg:$0x0];
	s2 =	stileid.u32  }
0x348: {  	s1 =	rddreg [dreg:$0x1];
	p0 =	sne.s32 s2, $0x0  }
0x349: {  	s3 =	rddreg [dreg:$0x2];
	[bflag:$0x3] =	sbarrier.arrive $0xFFFF;
	s2 =	simm.s32 @!p0 $0x1C09  }
0x34a: {  	[timem:s3], [sflag:s2] =	dma.local @!p0 [hbm:s0], s1  }
0x34b: {  	s0 =	simm.s32 @!p0 $0x9  }
0x34c: {  	_ =	swait.ge @!p0 [sflag:s0], s1  }
0x34d: {  	s1 =	ssub.s32 @!p0 $0x0, s1;
	[sflag:s0] =	ssyncset.done @!p0 $0x0  }
0x34e: {  	[sflag:s0] =	ssyncadd.s32 @!p0 s1  }
0x34f: {  	[bflag:$0x3] =	sbarrier.arrive $0xFFFF  }
0x350: {  	_ =	shalt  }

</sc_bundles>
